<compile_context>
chip_gen: v7x
topology: tpu7x:2x2x1
jax: 0.10.2.dev20260603
libtpu: 0.0.44.dev20260713+nightly
codegen_flags: <defaults>
</compile_context>

<pallas_src>
import functools

import jax
import jax.numpy as jnp
from jax import lax
from jax.experimental import pallas as pl
from jax.experimental.pallas import tpu as pltpu
from jax.experimental.pallas import tpu_sc as plsc

_N = 10000
_E = 320000
_D = 128
_DEPTH = 4

_NC = 2
_NS = 16
_CH = 128
_CHUNKS = 80
_HC = 40
_G = 8
_EPT = _CH * _CHUNKS
_EPAD = _EPT * _NS * _NC
_NPAD = 10240
_ZROWS = _NPAD // _NS
_OROWS = 624

_mesh = plsc.VectorSubcoreMesh(
    core_axis_name="c", subcore_axis_name="s", num_cores=_NC, num_subcores=_NS
)


@functools.partial(
    pl.kernel,
    out_type=jax.ShapeDtypeStruct((_NC, _N, _D), jnp.float32),
    mesh=_mesh,
    scratch_types=[
        pltpu.VMEM((_HC, _CH), jnp.int32),
        pltpu.VMEM((_HC, _CH), jnp.int32),
        pltpu.VMEM((_CH, _D), jnp.float32),
        pltpu.VMEM((_CH, _D), jnp.float32),
        pltpu.VMEM_SHARED((_NPAD, _D), jnp.float32),
        pltpu.SemaphoreType.DMA,
        pltpu.SemaphoreType.DMA,
        pltpu.SemaphoreType.DMA,
        pltpu.SemaphoreType.DMA,
    ],
)
def _segsum_sc(src_hbm, dst_hbm, xx_hbm, zeros_hbm, out_hbm,
               src_v, dst_v, bufa, bufb, agg, sga, sgb, ssa, ssb):
    c = lax.axis_index("c")
    s = lax.axis_index("s")
    zh = pltpu.async_copy(zeros_hbm, agg.at[pl.ds(s * _ZROWS, _ZROWS)], sga)
    pltpu.sync_copy(src_hbm.at[c].at[s].at[pl.ds(0, _HC)], src_v)
    pltpu.sync_copy(dst_hbm.at[c].at[s].at[pl.ds(0, _HC)], dst_v)
    zh.wait()
    plsc.subcore_barrier()

    def group(g, _):
        base = g * _G
        hg = [None] * _G
        hg[0] = pltpu.async_copy(xx_hbm.at[src_v.at[base]], bufa, sga)
        hg[1] = pltpu.async_copy(xx_hbm.at[src_v.at[base + 1]], bufb, sgb)
        for k in range(_G):
            buf, gsem, ssem = (bufa, sga, ssa) if k % 2 == 0 else (bufb, sgb, ssb)
            hg[k].wait()
            hs = pltpu.async_copy(
                buf, agg.at[dst_v.at[base + k]], ssem, add=True
            )
            hs.wait()
            if k + 2 < _G:
                hg[k + 2] = pltpu.async_copy(
                    xx_hbm.at[src_v.at[base + k + 2]], buf, gsem
                )
        return 0

    def half(h, _):
        @pl.when(h > 0)
        def _():
            pltpu.sync_copy(src_hbm.at[c].at[s].at[pl.ds(h * _HC, _HC)], src_v)
            pltpu.sync_copy(dst_hbm.at[c].at[s].at[pl.ds(h * _HC, _HC)], dst_v)

        lax.fori_loop(0, _HC // _G, group, 0)
        return 0

    lax.fori_loop(0, _CHUNKS // _HC, half, 0)
    plsc.subcore_barrier()

    @pl.when(s < _NS - 1)
    def _():
        pltpu.sync_copy(
            agg.at[pl.ds(s * _OROWS, _OROWS)],
            out_hbm.at[c].at[pl.ds(s * _OROWS, _OROWS)],
        )

    @pl.when(s == _NS - 1)
    def _():
        pltpu.sync_copy(
            agg.at[pl.ds((_NS - 1) * _OROWS, _N - (_NS - 1) * _OROWS)],
            out_hbm.at[c].at[pl.ds((_NS - 1) * _OROWS, _N - (_NS - 1) * _OROWS)],
        )


def _gelu(x):
    return 0.5 * x * (1.0 + lax.erf(x * 0.7071067811865476))


def _foot_body(x_ref, w_ref, b_ref, o_ref):
    o_ref[...] = _gelu(
        jnp.dot(x_ref[...], w_ref[...], preferred_element_type=jnp.float32)
        + b_ref[...]
    )


def _mlp_body(xx_ref, pp_ref, w1_ref, b1_ref, w2_ref, b2_ref, o_ref):
    xx = xx_ref[...]
    u = xx + pp_ref[0] + pp_ref[1]
    u = _gelu(
        jnp.dot(u, w1_ref[...], preferred_element_type=jnp.float32) + b1_ref[...]
    )
    o_ref[...] = (
        xx + jnp.dot(u, w2_ref[...], preferred_element_type=jnp.float32) + b2_ref[...]
    )


def _mlp_head_body(xx_ref, pp_ref, w1_ref, b1_ref, w2_ref, b2_ref,
                   wh_ref, bh_ref, o_ref):
    xx = xx_ref[...]
    u = xx + pp_ref[0] + pp_ref[1]
    u = _gelu(
        jnp.dot(u, w1_ref[...], preferred_element_type=jnp.float32) + b1_ref[...]
    )
    h = xx + jnp.dot(u, w2_ref[...], preferred_element_type=jnp.float32) + b2_ref[...]
    o_ref[...] = (
        jnp.dot(_gelu(h), wh_ref[...], preferred_element_type=jnp.float32)
        + bh_ref[...]
    )


_R = 1000

_W_SPEC = pl.BlockSpec((_D, _D), lambda i: (0, 0))
_B_SPEC = pl.BlockSpec((1, _D), lambda i: (0, 0))
_X_SPEC = pl.BlockSpec((_R, _D), lambda i: (i, 0))
_P_SPEC = pl.BlockSpec((_NC, _R, _D), lambda i: (0, i, 0))
_X_SHAPE = jax.ShapeDtypeStruct((_N, _D), jnp.float32)

_foot_tc = pl.pallas_call(
    _foot_body,
    grid=(_N // _R,),
    in_specs=[_X_SPEC, _W_SPEC, _B_SPEC],
    out_specs=_X_SPEC,
    out_shape=_X_SHAPE,
)

_mlp_tc = pl.pallas_call(
    _mlp_body,
    grid=(_N // _R,),
    in_specs=[_X_SPEC, _P_SPEC, _W_SPEC, _B_SPEC, _W_SPEC, _B_SPEC],
    out_specs=_X_SPEC,
    out_shape=_X_SHAPE,
)

_mlp_head_tc = pl.pallas_call(
    _mlp_head_body,
    grid=(_N // _R,),
    in_specs=[_X_SPEC, _P_SPEC, _W_SPEC, _B_SPEC, _W_SPEC, _B_SPEC,
              _W_SPEC, _B_SPEC],
    out_specs=_X_SPEC,
    out_shape=_X_SHAPE,
)


def kernel(x, edge_index, center, ptr, W_foot, b_foot, W1, b1, W2, b2, W_head, b_head):
    pad = _EPAD - _E
    iota = jnp.arange(pad, dtype=jnp.int32)
    src = jnp.concatenate([edge_index[0], iota % _N])
    dst = jnp.concatenate([edge_index[1], _N + iota % (_NPAD - _N)])
    src_r = src.reshape(_NC, _NS, _CHUNKS, _CH)
    dst_r = dst.reshape(_NC, _NS, _CHUNKS, _CH)
    zeros = jnp.zeros((_ZROWS, _D), jnp.float32)

    w_foot_t = W_foot.T
    w1_t = jnp.swapaxes(W1, 1, 2)
    w2_t = jnp.swapaxes(W2, 1, 2)
    w_head_t = jnp.zeros((_D, _D), jnp.float32).at[:, : W_head.shape[0]].set(W_head.T)
    b_head_p = jnp.zeros((1, _D), jnp.float32).at[0, : W_head.shape[0]].set(b_head)

    xx = _foot_tc(x, w_foot_t, b_foot.reshape(1, _D))
    for i in range(_DEPTH):
        partials = _segsum_sc(src_r, dst_r, xx, zeros)
        xx = _mlp_tc(
            xx, partials,
            w1_t[i], b1[i].reshape(1, _D),
            w2_t[i], b2[i].reshape(1, _D),
        )
    partials = _segsum_sc(src_r, dst_r, xx, zeros)
    out_full = _mlp_head_tc(
        xx, partials,
        w1_t[_DEPTH], b1[_DEPTH].reshape(1, _D),
        w2_t[_DEPTH], b2[_DEPTH].reshape(1, _D),
        w_head_t, b_head_p,
    )
    idx = center + ptr[:-1]
    return out_full[idx, :7]

# --- scband reference (transcript-rebuilt; emitter-appended) ---
"""Pipeline reference for scband-gin-60086592471619 (READ-ONLY COPY).

The authoritative reference and input builder live on the scoring server;
editing this copy changes nothing except your own understanding.
"""

import jax, jax.numpy as jnp
import numpy as np

N = 10000
E = 320000
D_IN = 128
WIDTH = 128
DEPTH = 4
B = 100
OUT = 7


def setup_inputs(seed: int = 0) -> dict:
    key = jax.random.key(seed)
    ks = jax.random.split(key, 14)
    x = jax.random.normal(ks[0], (N, D_IN), dtype=jnp.float32)
    edge_index = jax.random.randint(ks[1], (2, E), 0, N, dtype=jnp.int32)
    center = jax.random.randint(ks[2], (B,), 0, 100, dtype=jnp.int32)
    ptr = jnp.sort(jax.random.randint(ks[3], (B + 1,), 0, 9900, dtype=jnp.int32))
    s_in = 1.0 / np.sqrt(D_IN)
    s_w = 1.0 / np.sqrt(WIDTH)
    W_foot = jax.random.uniform(ks[4], (WIDTH, D_IN), jnp.float32, -s_in, s_in)
    b_foot = jax.random.uniform(ks[5], (WIDTH,), jnp.float32, -s_in, s_in)
    W1 = jax.random.uniform(ks[6], (DEPTH + 1, WIDTH, WIDTH), jnp.float32, -s_w, s_w)
    b1 = jax.random.uniform(ks[7], (DEPTH + 1, WIDTH), jnp.float32, -s_w, s_w)
    W2 = jax.random.uniform(ks[8], (DEPTH + 1, WIDTH, WIDTH), jnp.float32, -s_w, s_w)
    b2 = jax.random.uniform(ks[9], (DEPTH + 1, WIDTH), jnp.float32, -s_w, s_w)
    W_head = jax.random.uniform(ks[10], (OUT, WIDTH), jnp.float32, -s_w, s_w)
    b_head = jax.random.uniform(ks[11], (OUT,), jnp.float32, -s_w, s_w)
    return {"x": x, "edge_index": edge_index, "center": center, "ptr": ptr,
            "W_foot": W_foot, "b_foot": b_foot, "W1": W1, "b1": b1,
            "W2": W2, "b2": b2, "W_head": W_head, "b_head": b_head}


def reference(x, edge_index, center, ptr, W_foot, b_foot, W1, b1, W2, b2, W_head, b_head):
    # foot: Dropout (identity in eval) -> Conv1d(kernel=1) == Linear -> GELU (exact, torch default)
    xx = jax.nn.gelu(x @ W_foot.T + b_foot, approximate=False)
    src = edge_index[0]
    dst = edge_index[1]
    for i in range(DEPTH + 1):
        # GINConv: mlp((1 + eps) * x + sum_{j in N(i)} x_j), eps = 0 (PyG default)
        agg = jax.ops.segment_sum(xx[src], dst, num_segments=N)
        h = xx + agg
        # mlp: Dropout (identity) -> Linear -> GELU -> Linear
        h = jax.nn.gelu(h @ W1[i].T + b1[i], approximate=False)
        h = h @ W2[i].T + b2[i]
        xx = xx + h  # residual in GIN.forward
    # head: GELU -> Conv1d(kernel=1) == Linear to 7 classes
    out = jax.nn.gelu(xx, approximate=False) @ W_head.T + b_head
    # per-graph center-node readout
    return out[center + ptr[:-1]]

if __name__ == "__main__":
    import jax
    _d = setup_inputs()
    print(jax.jit(kernel)(*tuple(_d.values())))

</pallas_src>

<mosaic_0001>
#map = affine_map<(d0, d1) -> (0, 0, 0, 0)>
#map1 = affine_map<(d0, d1) -> (0, 0)>
#map2 = affine_map<(d0, d1) -> (0, 0, 0)>
module attributes {stable_mosaic.version = 14 : i64} {
  func.func @_segsum_sc(%arg0: i32, %arg1: i32, %arg2: memref<2x16x80x128xi32, #tpu.memory_space<hbm>>, %arg3: memref<2x16x80x128xi32, #tpu.memory_space<hbm>>, %arg4: memref<10000x128xf32, #tpu.memory_space<hbm>>, %arg5: memref<640x128xf32, #tpu.memory_space<hbm>>, %arg6: memref<2x10000x128xf32, #tpu.memory_space<hbm>>, %arg7: memref<40x128xi32, #tpu.memory_space<vmem>>, %arg8: memref<40x128xi32, #tpu.memory_space<vmem>>, %arg9: memref<128x128xf32, #tpu.memory_space<vmem>>, %arg10: memref<128x128xf32, #tpu.memory_space<vmem>>, %arg11: memref<10240x128xf32, #tpu.memory_space<vmem_shared>>, %arg12: memref<!tpu.dma_semaphore, #tpu.memory_space<semaphore_mem>>, %arg13: memref<!tpu.dma_semaphore, #tpu.memory_space<semaphore_mem>>, %arg14: memref<!tpu.dma_semaphore, #tpu.memory_space<semaphore_mem>>, %arg15: memref<!tpu.dma_semaphore, #tpu.memory_space<semaphore_mem>>) attributes {dimension_semantics = [#tpu.dimension_semantics<core_parallel>, #tpu.dimension_semantics<subcore_parallel>], iteration_bounds = array<i64: 2, 16>, scalar_prefetch = 0 : i64, scratch_operands = 9 : i64, tpu.core_type = #tpu.core_type<sc_vector_subcore>, window_params = [{transform_indices = #map}, {transform_indices = #map}, {transform_indices = #map1}, {transform_indices = #map1}, {transform_indices = #map2}]} {
    %mul3A = arith.constant 640 : i32
    %mul3A_0 = arith.muli %arg1, %mul3A : i32
    %dma_start3A = arith.constant 0 : i32
    %dma_start3A_1 = tpu.memref_slice %arg11[%mul3A_0, %dma_start3A] : memref<10240x128xf32, #tpu.memory_space<vmem_shared>> -> memref<640x128xf32, #tpu.memory_space<vmem_shared>>
    tpu.enqueue_dma source(%arg5 : memref<640x128xf32, #tpu.memory_space<hbm>>) target(%dma_start3A_1 : memref<640x128xf32, #tpu.memory_space<vmem_shared>>) target_semaphore(%arg12 : memref<!tpu.dma_semaphore, #tpu.memory_space<semaphore_mem>>)
    "tpu.region"() ({
      %run_scoped3A = tpu.sem_alloc : memref<!tpu.dma_semaphore, #tpu.memory_space<semaphore_mem>>
      %dma_start3A_16 = arith.constant 0 : i32
      %dma_start3A_17 = arith.constant 0 : i32
      %dma_start3A_18 = arith.constant 0 : i32
      %dma_start3A_19 = tpu.memref_slice %arg2[%arg0, %dma_start3A_16, %dma_start3A_17, %dma_start3A_18] : memref<2x16x80x128xi32, #tpu.memory_space<hbm>> -> memref<1x16x80x128xi32, #tpu.memory_space<hbm>>
      %dma_start3A_20 = tpu.memref_squeeze %dma_start3A_19 : memref<1x16x80x128xi32, #tpu.memory_space<hbm>> -> memref<16x80x128xi32, #tpu.memory_space<hbm>>
      %dma_start3A_21 = arith.constant 0 : i32
      %dma_start3A_22 = arith.constant 0 : i32
      %dma_start3A_23 = tpu.memref_slice %dma_start3A_20[%arg1, %dma_start3A_21, %dma_start3A_22] : memref<16x80x128xi32, #tpu.memory_space<hbm>> -> memref<1x80x128xi32, #tpu.memory_space<hbm>>
      %dma_start3A_24 = tpu.memref_squeeze %dma_start3A_23 : memref<1x80x128xi32, #tpu.memory_space<hbm>> -> memref<80x128xi32, #tpu.memory_space<hbm>>
      %dma_start3A_25 = arith.constant 0 : i32
      %dma_start3A_26 = arith.constant 0 : i32
      %dma_start3A_27 = tpu.memref_slice %dma_start3A_24[%dma_start3A_25, %dma_start3A_26] : memref<80x128xi32, #tpu.memory_space<hbm>> -> memref<40x128xi32, #tpu.memory_space<hbm>>
      %dma_start3A_28 = arith.constant 0 : i32
      %dma_start3A_29 = arith.constant 0 : i32
      %dma_start3A_30 = arith.constant 0 : i32
      %dma_start3A_31 = tpu.memref_slice %arg2[%arg0, %dma_start3A_28, %dma_start3A_29, %dma_start3A_30] : memref<2x16x80x128xi32, #tpu.memory_space<hbm>> -> memref<1x16x80x128xi32, #tpu.memory_space<hbm>>
      %dma_start3A_32 = tpu.memref_squeeze %dma_start3A_31 : memref<1x16x80x128xi32, #tpu.memory_space<hbm>> -> memref<16x80x128xi32, #tpu.memory_space<hbm>>
      %dma_start3A_33 = arith.constant 0 : i32
      %dma_start3A_34 = arith.constant 0 : i32
      %dma_start3A_35 = tpu.memref_slice %dma_start3A_32[%arg1, %dma_start3A_33, %dma_start3A_34] : memref<16x80x128xi32, #tpu.memory_space<hbm>> -> memref<1x80x128xi32, #tpu.memory_space<hbm>>
      %dma_start3A_36 = tpu.memref_squeeze %dma_start3A_35 : memref<1x80x128xi32, #tpu.memory_space<hbm>> -> memref<80x128xi32, #tpu.memory_space<hbm>>
      %dma_start3A_37 = arith.constant 0 : i32
      %dma_start3A_38 = arith.constant 0 : i32
      %dma_start3A_39 = tpu.memref_slice %dma_start3A_36[%dma_start3A_37, %dma_start3A_38] : memref<80x128xi32, #tpu.memory_space<hbm>> -> memref<40x128xi32, #tpu.memory_space<hbm>>
      tpu.enqueue_dma source(%dma_start3A_39 : memref<40x128xi32, #tpu.memory_space<hbm>>) target(%arg7 : memref<40x128xi32, #tpu.memory_space<vmem>>) target_semaphore(%run_scoped3A : memref<!tpu.dma_semaphore, #tpu.memory_space<semaphore_mem>>)
      %dma_wait3A_40 = arith.constant 0 : i32
      %dma_wait3A_41 = arith.constant 0 : i32
      %dma_wait3A_42 = arith.constant 0 : i32
      %dma_wait3A_43 = tpu.memref_slice %arg2[%arg0, %dma_wait3A_40, %dma_wait3A_41, %dma_wait3A_42] : memref<2x16x80x128xi32, #tpu.memory_space<hbm>> -> memref<1x16x80x128xi32, #tpu.memory_space<hbm>>
      %dma_wait3A_44 = tpu.memref_squeeze %dma_wait3A_43 : memref<1x16x80x128xi32, #tpu.memory_space<hbm>> -> memref<16x80x128xi32, #tpu.memory_space<hbm>>
      %dma_wait3A_45 = arith.constant 0 : i32
      %dma_wait3A_46 = arith.constant 0 : i32
      %dma_wait3A_47 = tpu.memref_slice %dma_wait3A_44[%arg1, %dma_wait3A_45, %dma_wait3A_46] : memref<16x80x128xi32, #tpu.memory_space<hbm>> -> memref<1x80x128xi32, #tpu.memory_space<hbm>>
      %dma_wait3A_48 = tpu.memref_squeeze %dma_wait3A_47 : memref<1x80x128xi32, #tpu.memory_space<hbm>> -> memref<80x128xi32, #tpu.memory_space<hbm>>
      %dma_wait3A_49 = arith.constant 0 : i32
      %dma_wait3A_50 = arith.constant 0 : i32
      %dma_wait3A_51 = tpu.memref_slice %dma_wait3A_48[%dma_wait3A_49, %dma_wait3A_50] : memref<80x128xi32, #tpu.memory_space<hbm>> -> memref<40x128xi32, #tpu.memory_space<hbm>>
      %dma_wait3A_52 = arith.constant 0 : i32
      %dma_wait3A_53 = arith.constant 0 : i32
      %dma_wait3A_54 = arith.constant 0 : i32
      %dma_wait3A_55 = tpu.memref_slice %arg2[%arg0, %dma_wait3A_52, %dma_wait3A_53, %dma_wait3A_54] : memref<2x16x80x128xi32, #tpu.memory_space<hbm>> -> memref<1x16x80x128xi32, #tpu.memory_space<hbm>>
      %dma_wait3A_56 = tpu.memref_squeeze %dma_wait3A_55 : memref<1x16x80x128xi32, #tpu.memory_space<hbm>> -> memref<16x80x128xi32, #tpu.memory_space<hbm>>
      %dma_wait3A_57 = arith.constant 0 : i32
      %dma_wait3A_58 = arith.constant 0 : i32
      %dma_wait3A_59 = tpu.memref_slice %dma_wait3A_56[%arg1, %dma_wait3A_57, %dma_wait3A_58] : memref<16x80x128xi32, #tpu.memory_space<hbm>> -> memref<1x80x128xi32, #tpu.memory_space<hbm>>
      %dma_wait3A_60 = tpu.memref_squeeze %dma_wait3A_59 : memref<1x80x128xi32, #tpu.memory_space<hbm>> -> memref<80x128xi32, #tpu.memory_space<hbm>>
      %dma_wait3A_61 = arith.constant 0 : i32
      %dma_wait3A_62 = arith.constant 0 : i32
      %dma_wait3A_63 = tpu.memref_slice %dma_wait3A_60[%dma_wait3A_61, %dma_wait3A_62] : memref<80x128xi32, #tpu.memory_space<hbm>> -> memref<40x128xi32, #tpu.memory_space<hbm>>
      tpu.wait_dma2 semaphore(%run_scoped3A : memref<!tpu.dma_semaphore, #tpu.memory_space<semaphore_mem>>) src(%dma_wait3A_63 : memref<40x128xi32, #tpu.memory_space<hbm>>) dst(%arg7 : memref<40x128xi32, #tpu.memory_space<vmem>>)
      tpu.yield
    }) : () -> ()
    "tpu.region"() ({
      %run_scoped3A = tpu.sem_alloc : memref<!tpu.dma_semaphore, #tpu.memory_space<semaphore_mem>>
      %dma_start3A_16 = arith.constant 0 : i32
      %dma_start3A_17 = arith.constant 0 : i32
      %dma_start3A_18 = arith.constant 0 : i32
      %dma_start3A_19 = tpu.memref_slice %arg3[%arg0, %dma_start3A_16, %dma_start3A_17, %dma_start3A_18] : memref<2x16x80x128xi32, #tpu.memory_space<hbm>> -> memref<1x16x80x128xi32, #tpu.memory_space<hbm>>
      %dma_start3A_20 = tpu.memref_squeeze %dma_start3A_19 : memref<1x16x80x128xi32, #tpu.memory_space<hbm>> -> memref<16x80x128xi32, #tpu.memory_space<hbm>>
      %dma_start3A_21 = arith.constant 0 : i32
      %dma_start3A_22 = arith.constant 0 : i32
      %dma_start3A_23 = tpu.memref_slice %dma_start3A_20[%arg1, %dma_start3A_21, %dma_start3A_22] : memref<16x80x128xi32, #tpu.memory_space<hbm>> -> memref<1x80x128xi32, #tpu.memory_space<hbm>>
      %dma_start3A_24 = tpu.memref_squeeze %dma_start3A_23 : memref<1x80x128xi32, #tpu.memory_space<hbm>> -> memref<80x128xi32, #tpu.memory_space<hbm>>
      %dma_start3A_25 = arith.constant 0 : i32
      %dma_start3A_26 = arith.constant 0 : i32
      %dma_start3A_27 = tpu.memref_slice %dma_start3A_24[%dma_start3A_25, %dma_start3A_26] : memref<80x128xi32, #tpu.memory_space<hbm>> -> memref<40x128xi32, #tpu.memory_space<hbm>>
      %dma_start3A_28 = arith.constant 0 : i32
      %dma_start3A_29 = arith.constant 0 : i32
      %dma_start3A_30 = arith.constant 0 : i32
      %dma_start3A_31 = tpu.memref_slice %arg3[%arg0, %dma_start3A_28, %dma_start3A_29, %dma_start3A_30] : memref<2x16x80x128xi32, #tpu.memory_space<hbm>> -> memref<1x16x80x128xi32, #tpu.memory_space<hbm>>
      %dma_start3A_32 = tpu.memref_squeeze %dma_start3A_31 : memref<1x16x80x128xi32, #tpu.memory_space<hbm>> -> memref<16x80x128xi32, #tpu.memory_space<hbm>>
      %dma_start3A_33 = arith.constant 0 : i32
      %dma_start3A_34 = arith.constant 0 : i32
      %dma_start3A_35 = tpu.memref_slice %dma_start3A_32[%arg1, %dma_start3A_33, %dma_start3A_34] : memref<16x80x128xi32, #tpu.memory_space<hbm>> -> memref<1x80x128xi32, #tpu.memory_space<hbm>>
      %dma_start3A_36 = tpu.memref_squeeze %dma_start3A_35 : memref<1x80x128xi32, #tpu.memory_space<hbm>> -> memref<80x128xi32, #tpu.memory_space<hbm>>
      %dma_start3A_37 = arith.constant 0 : i32
      %dma_start3A_38 = arith.constant 0 : i32
      %dma_start3A_39 = tpu.memref_slice %dma_start3A_36[%dma_start3A_37, %dma_start3A_38] : memref<80x128xi32, #tpu.memory_space<hbm>> -> memref<40x128xi32, #tpu.memory_space<hbm>>
      tpu.enqueue_dma source(%dma_start3A_39 : memref<40x128xi32, #tpu.memory_space<hbm>>) target(%arg8 : memref<40x128xi32, #tpu.memory_space<vmem>>) target_semaphore(%run_scoped3A : memref<!tpu.dma_semaphore, #tpu.memory_space<semaphore_mem>>)
      %dma_wait3A_40 = arith.constant 0 : i32
      %dma_wait3A_41 = arith.constant 0 : i32
      %dma_wait3A_42 = arith.constant 0 : i32
      %dma_wait3A_43 = tpu.memref_slice %arg3[%arg0, %dma_wait3A_40, %dma_wait3A_41, %dma_wait3A_42] : memref<2x16x80x128xi32, #tpu.memory_space<hbm>> -> memref<1x16x80x128xi32, #tpu.memory_space<hbm>>
      %dma_wait3A_44 = tpu.memref_squeeze %dma_wait3A_43 : memref<1x16x80x128xi32, #tpu.memory_space<hbm>> -> memref<16x80x128xi32, #tpu.memory_space<hbm>>
      %dma_wait3A_45 = arith.constant 0 : i32
      %dma_wait3A_46 = arith.constant 0 : i32
      %dma_wait3A_47 = tpu.memref_slice %dma_wait3A_44[%arg1, %dma_wait3A_45, %dma_wait3A_46] : memref<16x80x128xi32, #tpu.memory_space<hbm>> -> memref<1x80x128xi32, #tpu.memory_space<hbm>>
      %dma_wait3A_48 = tpu.memref_squeeze %dma_wait3A_47 : memref<1x80x128xi32, #tpu.memory_space<hbm>> -> memref<80x128xi32, #tpu.memory_space<hbm>>
      %dma_wait3A_49 = arith.constant 0 : i32
      %dma_wait3A_50 = arith.constant 0 : i32
      %dma_wait3A_51 = tpu.memref_slice %dma_wait3A_48[%dma_wait3A_49, %dma_wait3A_50] : memref<80x128xi32, #tpu.memory_space<hbm>> -> memref<40x128xi32, #tpu.memory_space<hbm>>
      %dma_wait3A_52 = arith.constant 0 : i32
      %dma_wait3A_53 = arith.constant 0 : i32
      %dma_wait3A_54 = arith.constant 0 : i32
      %dma_wait3A_55 = tpu.memref_slice %arg3[%arg0, %dma_wait3A_52, %dma_wait3A_53, %dma_wait3A_54] : memref<2x16x80x128xi32, #tpu.memory_space<hbm>> -> memref<1x16x80x128xi32, #tpu.memory_space<hbm>>
      %dma_wait3A_56 = tpu.memref_squeeze %dma_wait3A_55 : memref<1x16x80x128xi32, #tpu.memory_space<hbm>> -> memref<16x80x128xi32, #tpu.memory_space<hbm>>
      %dma_wait3A_57 = arith.constant 0 : i32
      %dma_wait3A_58 = arith.constant 0 : i32
      %dma_wait3A_59 = tpu.memref_slice %dma_wait3A_56[%arg1, %dma_wait3A_57, %dma_wait3A_58] : memref<16x80x128xi32, #tpu.memory_space<hbm>> -> memref<1x80x128xi32, #tpu.memory_space<hbm>>
      %dma_wait3A_60 = tpu.memref_squeeze %dma_wait3A_59 : memref<1x80x128xi32, #tpu.memory_space<hbm>> -> memref<80x128xi32, #tpu.memory_space<hbm>>
      %dma_wait3A_61 = arith.constant 0 : i32
      %dma_wait3A_62 = arith.constant 0 : i32
      %dma_wait3A_63 = tpu.memref_slice %dma_wait3A_60[%dma_wait3A_61, %dma_wait3A_62] : memref<80x128xi32, #tpu.memory_space<hbm>> -> memref<40x128xi32, #tpu.memory_space<hbm>>
      tpu.wait_dma2 semaphore(%run_scoped3A : memref<!tpu.dma_semaphore, #tpu.memory_space<semaphore_mem>>) src(%dma_wait3A_63 : memref<40x128xi32, #tpu.memory_space<hbm>>) dst(%arg8 : memref<40x128xi32, #tpu.memory_space<vmem>>)
      tpu.yield
    }) : () -> ()
    %dma_wait3A = arith.constant 0 : i32
    %dma_wait3A_2 = tpu.memref_slice %arg11[%mul3A_0, %dma_wait3A] : memref<10240x128xf32, #tpu.memory_space<vmem_shared>> -> memref<640x128xf32, #tpu.memory_space<vmem_shared>>
    tpu.wait_dma2 semaphore(%arg12 : memref<!tpu.dma_semaphore, #tpu.memory_space<semaphore_mem>>) src(%arg5 : memref<640x128xf32, #tpu.memory_space<hbm>>) dst(%dma_wait3A_2 : memref<640x128xf32, #tpu.memory_space<vmem_shared>>)
    %barrier3A = arith.constant 0 : index
    tpu.barrier barrier_id(%barrier3A)
    %scan3A = arith.constant 0 : i32
    %scan3A_3 = arith.constant 0 : i32
    %scan3A_4 = arith.constant 2 : i32
    %scan3A_5 = arith.addi %scan3A_3, %scan3A_4 : i32
    %scan3A_6 = arith.constant 1 : i32
    %scan3A_7 = scf.for %scan3A_16 = %scan3A_3 to %scan3A_5 step %scan3A_6 iter_args(%scan3A_17 = %scan3A) -> (i32)  : i32 {
      %gt3A = arith.constant 0 : i32
      %gt3A_18 = arith.cmpi sgt, %scan3A_16, %gt3A : i32
      %convert_element_type3A_19 = arith.extui %gt3A_18 : i1 to i32
      %cond3A_20 = arith.constant 0 : i32
      %cond3A_21 = arith.cmpi ne, %convert_element_type3A_19, %cond3A_20 : i32
      scf.if %cond3A_21 {
        %mul3A_30 = arith.constant 40 : i32
        %mul3A_31 = arith.muli %scan3A_16, %mul3A_30 : i32
        "tpu.region"() ({
          %run_scoped3A = tpu.sem_alloc : memref<!tpu.dma_semaphore, #tpu.memory_space<semaphore_mem>>
          %dma_start3A_34 = arith.constant 0 : i32
          %dma_start3A_35 = arith.constant 0 : i32
          %dma_start3A_36 = arith.constant 0 : i32
          %dma_start3A_37 = tpu.memref_slice %arg2[%arg0, %dma_start3A_34, %dma_start3A_35, %dma_start3A_36] : memref<2x16x80x128xi32, #tpu.memory_space<hbm>> -> memref<1x16x80x128xi32, #tpu.memory_space<hbm>>
          %dma_start3A_38 = tpu.memref_squeeze %dma_start3A_37 : memref<1x16x80x128xi32, #tpu.memory_space<hbm>> -> memref<16x80x128xi32, #tpu.memory_space<hbm>>
          %dma_start3A_39 = arith.constant 0 : i32
          %dma_start3A_40 = arith.constant 0 : i32
          %dma_start3A_41 = tpu.memref_slice %dma_start3A_38[%arg1, %dma_start3A_39, %dma_start3A_40] : memref<16x80x128xi32, #tpu.memory_space<hbm>> -> memref<1x80x128xi32, #tpu.memory_space<hbm>>
          %dma_start3A_42 = tpu.memref_squeeze %dma_start3A_41 : memref<1x80x128xi32, #tpu.memory_space<hbm>> -> memref<80x128xi32, #tpu.memory_space<hbm>>
          %dma_start3A_43 = arith.constant 0 : i32
          %dma_start3A_44 = tpu.memref_slice %dma_start3A_42[%mul3A_31, %dma_start3A_43] : memref<80x128xi32, #tpu.memory_space<hbm>> -> memref<40x128xi32, #tpu.memory_space<hbm>>
          %dma_start3A_45 = arith.constant 0 : i32
          %dma_start3A_46 = arith.constant 0 : i32
          %dma_start3A_47 = arith.constant 0 : i32
          %dma_start3A_48 = tpu.memref_slice %arg2[%arg0, %dma_start3A_45, %dma_start3A_46, %dma_start3A_47] : memref<2x16x80x128xi32, #tpu.memory_space<hbm>> -> memref<1x16x80x128xi32, #tpu.memory_space<hbm>>
          %dma_start3A_49 = tpu.memref_squeeze %dma_start3A_48 : memref<1x16x80x128xi32, #tpu.memory_space<hbm>> -> memref<16x80x128xi32, #tpu.memory_space<hbm>>
          %dma_start3A_50 = arith.constant 0 : i32
          %dma_start3A_51 = arith.constant 0 : i32
          %dma_start3A_52 = tpu.memref_slice %dma_start3A_49[%arg1, %dma_start3A_50, %dma_start3A_51] : memref<16x80x128xi32, #tpu.memory_space<hbm>> -> memref<1x80x128xi32, #tpu.memory_space<hbm>>
          %dma_start3A_53 = tpu.memref_squeeze %dma_start3A_52 : memref<1x80x128xi32, #tpu.memory_space<hbm>> -> memref<80x128xi32, #tpu.memory_space<hbm>>
          %dma_start3A_54 = arith.constant 0 : i32
          %dma_start3A_55 = tpu.memref_slice %dma_start3A_53[%mul3A_31, %dma_start3A_54] : memref<80x128xi32, #tpu.memory_space<hbm>> -> memref<40x128xi32, #tpu.memory_space<hbm>>
          tpu.enqueue_dma source(%dma_start3A_55 : memref<40x128xi32, #tpu.memory_space<hbm>>) target(%arg7 : memref<40x128xi32, #tpu.memory_space<vmem>>) target_semaphore(%run_scoped3A : memref<!tpu.dma_semaphore, #tpu.memory_space<semaphore_mem>>)
          %dma_wait3A_56 = arith.constant 0 : i32
          %dma_wait3A_57 = arith.constant 0 : i32
          %dma_wait3A_58 = arith.constant 0 : i32
          %dma_wait3A_59 = tpu.memref_slice %arg2[%arg0, %dma_wait3A_56, %dma_wait3A_57, %dma_wait3A_58] : memref<2x16x80x128xi32, #tpu.memory_space<hbm>> -> memref<1x16x80x128xi32, #tpu.memory_space<hbm>>
          %dma_wait3A_60 = tpu.memref_squeeze %dma_wait3A_59 : memref<1x16x80x128xi32, #tpu.memory_space<hbm>> -> memref<16x80x128xi32, #tpu.memory_space<hbm>>
          %dma_wait3A_61 = arith.constant 0 : i32
          %dma_wait3A_62 = arith.constant 0 : i32
          %dma_wait3A_63 = tpu.memref_slice %dma_wait3A_60[%arg1, %dma_wait3A_61, %dma_wait3A_62] : memref<16x80x128xi32, #tpu.memory_space<hbm>> -> memref<1x80x128xi32, #tpu.memory_space<hbm>>
          %dma_wait3A_64 = tpu.memref_squeeze %dma_wait3A_63 : memref<1x80x128xi32, #tpu.memory_space<hbm>> -> memref<80x128xi32, #tpu.memory_space<hbm>>
          %dma_wait3A_65 = arith.constant 0 : i32
          %dma_wait3A_66 = tpu.memref_slice %dma_wait3A_64[%mul3A_31, %dma_wait3A_65] : memref<80x128xi32, #tpu.memory_space<hbm>> -> memref<40x128xi32, #tpu.memory_space<hbm>>
          %dma_wait3A_67 = arith.constant 0 : i32
          %dma_wait3A_68 = arith.constant 0 : i32
          %dma_wait3A_69 = arith.constant 0 : i32
          %dma_wait3A_70 = tpu.memref_slice %arg2[%arg0, %dma_wait3A_67, %dma_wait3A_68, %dma_wait3A_69] : memref<2x16x80x128xi32, #tpu.memory_space<hbm>> -> memref<1x16x80x128xi32, #tpu.memory_space<hbm>>
          %dma_wait3A_71 = tpu.memref_squeeze %dma_wait3A_70 : memref<1x16x80x128xi32, #tpu.memory_space<hbm>> -> memref<16x80x128xi32, #tpu.memory_space<hbm>>
          %dma_wait3A_72 = arith.constant 0 : i32
          %dma_wait3A_73 = arith.constant 0 : i32
          %dma_wait3A_74 = tpu.memref_slice %dma_wait3A_71[%arg1, %dma_wait3A_72, %dma_wait3A_73] : memref<16x80x128xi32, #tpu.memory_space<hbm>> -> memref<1x80x128xi32, #tpu.memory_space<hbm>>
          %dma_wait3A_75 = tpu.memref_squeeze %dma_wait3A_74 : memref<1x80x128xi32, #tpu.memory_space<hbm>> -> memref<80x128xi32, #tpu.memory_space<hbm>>
          %dma_wait3A_76 = arith.constant 0 : i32
          %dma_wait3A_77 = tpu.memref_slice %dma_wait3A_75[%mul3A_31, %dma_wait3A_76] : memref<80x128xi32, #tpu.memory_space<hbm>> -> memref<40x128xi32, #tpu.memory_space<hbm>>
          tpu.wait_dma2 semaphore(%run_scoped3A : memref<!tpu.dma_semaphore, #tpu.memory_space<semaphore_mem>>) src(%dma_wait3A_77 : memref<40x128xi32, #tpu.memory_space<hbm>>) dst(%arg7 : memref<40x128xi32, #tpu.memory_space<vmem>>)
          tpu.yield
        }) : () -> ()
        %mul3A_32 = arith.constant 40 : i32
        %mul3A_33 = arith.muli %scan3A_16, %mul3A_32 : i32
        "tpu.region"() ({
          %run_scoped3A = tpu.sem_alloc : memref<!tpu.dma_semaphore, #tpu.memory_space<semaphore_mem>>
          %dma_start3A_34 = arith.constant 0 : i32
          %dma_start3A_35 = arith.constant 0 : i32
          %dma_start3A_36 = arith.constant 0 : i32
          %dma_start3A_37 = tpu.memref_slice %arg3[%arg0, %dma_start3A_34, %dma_start3A_35, %dma_start3A_36] : memref<2x16x80x128xi32, #tpu.memory_space<hbm>> -> memref<1x16x80x128xi32, #tpu.memory_space<hbm>>
          %dma_start3A_38 = tpu.memref_squeeze %dma_start3A_37 : memref<1x16x80x128xi32, #tpu.memory_space<hbm>> -> memref<16x80x128xi32, #tpu.memory_space<hbm>>
          %dma_start3A_39 = arith.constant 0 : i32
          %dma_start3A_40 = arith.constant 0 : i32
          %dma_start3A_41 = tpu.memref_slice %dma_start3A_38[%arg1, %dma_start3A_39, %dma_start3A_40] : memref<16x80x128xi32, #tpu.memory_space<hbm>> -> memref<1x80x128xi32, #tpu.memory_space<hbm>>
          %dma_start3A_42 = tpu.memref_squeeze %dma_start3A_41 : memref<1x80x128xi32, #tpu.memory_space<hbm>> -> memref<80x128xi32, #tpu.memory_space<hbm>>
          %dma_start3A_43 = arith.constant 0 : i32
          %dma_start3A_44 = tpu.memref_slice %dma_start3A_42[%mul3A_33, %dma_start3A_43] : memref<80x128xi32, #tpu.memory_space<hbm>> -> memref<40x128xi32, #tpu.memory_space<hbm>>
          %dma_start3A_45 = arith.constant 0 : i32
          %dma_start3A_46 = arith.constant 0 : i32
          %dma_start3A_47 = arith.constant 0 : i32
          %dma_start3A_48 = tpu.memref_slice %arg3[%arg0, %dma_start3A_45, %dma_start3A_46, %dma_start3A_47] : memref<2x16x80x128xi32, #tpu.memory_space<hbm>> -> memref<1x16x80x128xi32, #tpu.memory_space<hbm>>
          %dma_start3A_49 = tpu.memref_squeeze %dma_start3A_48 : memref<1x16x80x128xi32, #tpu.memory_space<hbm>> -> memref<16x80x128xi32, #tpu.memory_space<hbm>>
          %dma_start3A_50 = arith.constant 0 : i32
          %dma_start3A_51 = arith.constant 0 : i32
          %dma_start3A_52 = tpu.memref_slice %dma_start3A_49[%arg1, %dma_start3A_50, %dma_start3A_51] : memref<16x80x128xi32, #tpu.memory_space<hbm>> -> memref<1x80x128xi32, #tpu.memory_space<hbm>>
          %dma_start3A_53 = tpu.memref_squeeze %dma_start3A_52 : memref<1x80x128xi32, #tpu.memory_space<hbm>> -> memref<80x128xi32, #tpu.memory_space<hbm>>
          %dma_start3A_54 = arith.constant 0 : i32
          %dma_start3A_55 = tpu.memref_slice %dma_start3A_53[%mul3A_33, %dma_start3A_54] : memref<80x128xi32, #tpu.memory_space<hbm>> -> memref<40x128xi32, #tpu.memory_space<hbm>>
          tpu.enqueue_dma source(%dma_start3A_55 : memref<40x128xi32, #tpu.memory_space<hbm>>) target(%arg8 : memref<40x128xi32, #tpu.memory_space<vmem>>) target_semaphore(%run_scoped3A : memref<!tpu.dma_semaphore, #tpu.memory_space<semaphore_mem>>)
          %dma_wait3A_56 = arith.constant 0 : i32
          %dma_wait3A_57 = arith.constant 0 : i32
          %dma_wait3A_58 = arith.constant 0 : i32
          %dma_wait3A_59 = tpu.memref_slice %arg3[%arg0, %dma_wait3A_56, %dma_wait3A_57, %dma_wait3A_58] : memref<2x16x80x128xi32, #tpu.memory_space<hbm>> -> memref<1x16x80x128xi32, #tpu.memory_space<hbm>>
          %dma_wait3A_60 = tpu.memref_squeeze %dma_wait3A_59 : memref<1x16x80x128xi32, #tpu.memory_space<hbm>> -> memref<16x80x128xi32, #tpu.memory_space<hbm>>
          %dma_wait3A_61 = arith.constant 0 : i32
          %dma_wait3A_62 = arith.constant 0 : i32
          %dma_wait3A_63 = tpu.memref_slice %dma_wait3A_60[%arg1, %dma_wait3A_61, %dma_wait3A_62] : memref<16x80x128xi32, #tpu.memory_space<hbm>> -> memref<1x80x128xi32, #tpu.memory_space<hbm>>
          %dma_wait3A_64 = tpu.memref_squeeze %dma_wait3A_63 : memref<1x80x128xi32, #tpu.memory_space<hbm>> -> memref<80x128xi32, #tpu.memory_space<hbm>>
          %dma_wait3A_65 = arith.constant 0 : i32
          %dma_wait3A_66 = tpu.memref_slice %dma_wait3A_64[%mul3A_33, %dma_wait3A_65] : memref<80x128xi32, #tpu.memory_space<hbm>> -> memref<40x128xi32, #tpu.memory_space<hbm>>
          %dma_wait3A_67 = arith.constant 0 : i32
          %dma_wait3A_68 = arith.constant 0 : i32
          %dma_wait3A_69 = arith.constant 0 : i32
          %dma_wait3A_70 = tpu.memref_slice %arg3[%arg0, %dma_wait3A_67, %dma_wait3A_68, %dma_wait3A_69] : memref<2x16x80x128xi32, #tpu.memory_space<hbm>> -> memref<1x16x80x128xi32, #tpu.memory_space<hbm>>
          %dma_wait3A_71 = tpu.memref_squeeze %dma_wait3A_70 : memref<1x16x80x128xi32, #tpu.memory_space<hbm>> -> memref<16x80x128xi32, #tpu.memory_space<hbm>>
          %dma_wait3A_72 = arith.constant 0 : i32
          %dma_wait3A_73 = arith.constant 0 : i32
          %dma_wait3A_74 = tpu.memref_slice %dma_wait3A_71[%arg1, %dma_wait3A_72, %dma_wait3A_73] : memref<16x80x128xi32, #tpu.memory_space<hbm>> -> memref<1x80x128xi32, #tpu.memory_space<hbm>>
          %dma_wait3A_75 = tpu.memref_squeeze %dma_wait3A_74 : memref<1x80x128xi32, #tpu.memory_space<hbm>> -> memref<80x128xi32, #tpu.memory_space<hbm>>
          %dma_wait3A_76 = arith.constant 0 : i32
          %dma_wait3A_77 = tpu.memref_slice %dma_wait3A_75[%mul3A_33, %dma_wait3A_76] : memref<80x128xi32, #tpu.memory_space<hbm>> -> memref<40x128xi32, #tpu.memory_space<hbm>>
          tpu.wait_dma2 semaphore(%run_scoped3A : memref<!tpu.dma_semaphore, #tpu.memory_space<semaphore_mem>>) src(%dma_wait3A_77 : memref<40x128xi32, #tpu.memory_space<hbm>>) dst(%arg8 : memref<40x128xi32, #tpu.memory_space<vmem>>)
          tpu.yield
        }) : () -> ()
      } else {
      }
      %scan3A_22 = arith.constant 0 : i32
      %scan3A_23 = arith.constant 0 : i32
      %scan3A_24 = arith.constant 5 : i32
      %scan3A_25 = arith.addi %scan3A_23, %scan3A_24 : i32
      %scan3A_26 = arith.constant 1 : i32
      %scan3A_27 = scf.for %scan3A_30 = %scan3A_23 to %scan3A_25 step %scan3A_26 iter_args(%scan3A_31 = %scan3A_22) -> (i32)  : i32 {
        %mul3A_32 = arith.constant 8 : i32
        %mul3A_33 = arith.muli %scan3A_30, %mul3A_32 : i32
        %dma_start3A_34 = arith.constant 0 : i32
        %dma_start3A_35 = tpu.memref_slice %arg7[%mul3A_33, %dma_start3A_34] : memref<40x128xi32, #tpu.memory_space<vmem>> -> memref<1x128xi32, #tpu.memory_space<vmem>>
        %dma_start3A_36 = tpu.memref_squeeze %dma_start3A_35 : memref<1x128xi32, #tpu.memory_space<vmem>> -> memref<128xi32, #tpu.memory_space<vmem>>
        %dma_start3A_37 = arith.constant 0 : i32
        %dma_start3A_38 = arith.constant 0 : i32
        %dma_start3A_39 = tpu.memref_slice %arg4[%dma_start3A_37, %dma_start3A_38] : memref<10000x128xf32, #tpu.memory_space<hbm>> -> memref<10000x128xf32, #tpu.memory_space<hbm>>
        tpu.enqueue_indirect_dma source(%dma_start3A_39 : memref<10000x128xf32, #tpu.memory_space<hbm>>) target(%arg9 : memref<128x128xf32, #tpu.memory_space<vmem>>) offsets(%dma_start3A_36 : memref<128xi32, #tpu.memory_space<vmem>>) semaphore(%arg12 : memref<!tpu.dma_semaphore, #tpu.memory_space<semaphore_mem>>)
        %add3A = arith.constant 1 : i32
        %add3A_40 = arith.addi %mul3A_33, %add3A : i32
        %dma_start3A_41 = arith.constant 0 : i32
        %dma_start3A_42 = tpu.memref_slice %arg7[%add3A_40, %dma_start3A_41] : memref<40x128xi32, #tpu.memory_space<vmem>> -> memref<1x128xi32, #tpu.memory_space<vmem>>
        %dma_start3A_43 = tpu.memref_squeeze %dma_start3A_42 : memref<1x128xi32, #tpu.memory_space<vmem>> -> memref<128xi32, #tpu.memory_space<vmem>>
        %dma_start3A_44 = arith.constant 0 : i32
        %dma_start3A_45 = arith.constant 0 : i32
        %dma_start3A_46 = tpu.memref_slice %arg4[%dma_start3A_44, %dma_start3A_45] : memref<10000x128xf32, #tpu.memory_space<hbm>> -> memref<10000x128xf32, #tpu.memory_space<hbm>>
        tpu.enqueue_indirect_dma source(%dma_start3A_46 : memref<10000x128xf32, #tpu.memory_space<hbm>>) target(%arg10 : memref<128x128xf32, #tpu.memory_space<vmem>>) offsets(%dma_start3A_43 : memref<128xi32, #tpu.memory_space<vmem>>) semaphore(%arg13 : memref<!tpu.dma_semaphore, #tpu.memory_space<semaphore_mem>>)
        %dma_wait3A_47 = arith.constant 0 : i32
        %dma_wait3A_48 = tpu.memref_slice %arg7[%mul3A_33, %dma_wait3A_47] : memref<40x128xi32, #tpu.memory_space<vmem>> -> memref<1x128xi32, #tpu.memory_space<vmem>>
        %dma_wait3A_49 = tpu.memref_squeeze %dma_wait3A_48 : memref<1x128xi32, #tpu.memory_space<vmem>> -> memref<128xi32, #tpu.memory_space<vmem>>
        %dma_wait3A_50 = arith.constant 0 : i32
        %dma_wait3A_51 = arith.constant 0 : i32
        %dma_wait3A_52 = tpu.memref_slice %arg4[%dma_wait3A_50, %dma_wait3A_51] : memref<10000x128xf32, #tpu.memory_space<hbm>> -> memref<10000x128xf32, #tpu.memory_space<hbm>>
        tpu.wait_indirect_dma semaphore(%arg12 : memref<!tpu.dma_semaphore, #tpu.memory_space<semaphore_mem>>) src(%dma_wait3A_52 : memref<10000x128xf32, #tpu.memory_space<hbm>>) dst(%arg9 : memref<128x128xf32, #tpu.memory_space<vmem>>)
        %add3A_53 = arith.constant 0 : i32
        %add3A_54 = arith.addi %mul3A_33, %add3A_53 : i32
        %dma_start3A_55 = arith.constant 0 : i32
        %dma_start3A_56 = tpu.memref_slice %arg8[%add3A_54, %dma_start3A_55] : memref<40x128xi32, #tpu.memory_space<vmem>> -> memref<1x128xi32, #tpu.memory_space<vmem>>
        %dma_start3A_57 = tpu.memref_squeeze %dma_start3A_56 : memref<1x128xi32, #tpu.memory_space<vmem>> -> memref<128xi32, #tpu.memory_space<vmem>>
        %dma_start3A_58 = arith.constant 0 : i32
        %dma_start3A_59 = arith.constant 0 : i32
        %dma_start3A_60 = tpu.memref_slice %arg11[%dma_start3A_58, %dma_start3A_59] : memref<10240x128xf32, #tpu.memory_space<vmem_shared>> -> memref<10240x128xf32, #tpu.memory_space<vmem_shared>>
        tpu.enqueue_indirect_dma source(%arg9 : memref<128x128xf32, #tpu.memory_space<vmem>>) target(%dma_start3A_60 : memref<10240x128xf32, #tpu.memory_space<vmem_shared>>) offsets(%dma_start3A_57 : memref<128xi32, #tpu.memory_space<vmem>>) semaphore(%arg14 : memref<!tpu.dma_semaphore, #tpu.memory_space<semaphore_mem>>) {add = true}
        %dma_wait3A_61 = arith.constant 0 : i32
        %dma_wait3A_62 = tpu.memref_slice %arg8[%add3A_54, %dma_wait3A_61] : memref<40x128xi32, #tpu.memory_space<vmem>> -> memref<1x128xi32, #tpu.memory_space<vmem>>
        %dma_wait3A_63 = tpu.memref_squeeze %dma_wait3A_62 : memref<1x128xi32, #tpu.memory_space<vmem>> -> memref<128xi32, #tpu.memory_space<vmem>>
        %dma_wait3A_64 = arith.constant 0 : i32
        %dma_wait3A_65 = arith.constant 0 : i32
        %dma_wait3A_66 = tpu.memref_slice %arg11[%dma_wait3A_64, %dma_wait3A_65] : memref<10240x128xf32, #tpu.memory_space<vmem_shared>> -> memref<10240x128xf32, #tpu.memory_space<vmem_shared>>
        tpu.wait_indirect_dma semaphore(%arg14 : memref<!tpu.dma_semaphore, #tpu.memory_space<semaphore_mem>>) src(%arg9 : memref<128x128xf32, #tpu.memory_space<vmem>>) dst(%dma_wait3A_66 : memref<10240x128xf32, #tpu.memory_space<vmem_shared>>)
        %add3A_67 = arith.constant 0 : i32
        %add3A_68 = arith.addi %mul3A_33, %add3A_67 : i32
        %add3A_69 = arith.constant 2 : i32
        %add3A_70 = arith.addi %add3A_68, %add3A_69 : i32
        %dma_start3A_71 = arith.constant 0 : i32
        %dma_start3A_72 = tpu.memref_slice %arg7[%add3A_70, %dma_start3A_71] : memref<40x128xi32, #tpu.memory_space<vmem>> -> memref<1x128xi32, #tpu.memory_space<vmem>>
        %dma_start3A_73 = tpu.memref_squeeze %dma_start3A_72 : memref<1x128xi32, #tpu.memory_space<vmem>> -> memref<128xi32, #tpu.memory_space<vmem>>
        %dma_start3A_74 = arith.constant 0 : i32
        %dma_start3A_75 = arith.constant 0 : i32
        %dma_start3A_76 = tpu.memref_slice %arg4[%dma_start3A_74, %dma_start3A_75] : memref<10000x128xf32, #tpu.memory_space<hbm>> -> memref<10000x128xf32, #tpu.memory_space<hbm>>
        tpu.enqueue_indirect_dma source(%dma_start3A_76 : memref<10000x128xf32, #tpu.memory_space<hbm>>) target(%arg9 : memref<128x128xf32, #tpu.memory_space<vmem>>) offsets(%dma_start3A_73 : memref<128xi32, #tpu.memory_space<vmem>>) semaphore(%arg12 : memref<!tpu.dma_semaphore, #tpu.memory_space<semaphore_mem>>)
        %dma_wait3A_77 = arith.constant 0 : i32
        %dma_wait3A_78 = tpu.memref_slice %arg7[%add3A_40, %dma_wait3A_77] : memref<40x128xi32, #tpu.memory_space<vmem>> -> memref<1x128xi32, #tpu.memory_space<vmem>>
        %dma_wait3A_79 = tpu.memref_squeeze %dma_wait3A_78 : memref<1x128xi32, #tpu.memory_space<vmem>> -> memref<128xi32, #tpu.memory_space<vmem>>
        %dma_wait3A_80 = arith.constant 0 : i32
        %dma_wait3A_81 = arith.constant 0 : i32
        %dma_wait3A_82 = tpu.memref_slice %arg4[%dma_wait3A_80, %dma_wait3A_81] : memref<10000x128xf32, #tpu.memory_space<hbm>> -> memref<10000x128xf32, #tpu.memory_space<hbm>>
        tpu.wait_indirect_dma semaphore(%arg13 : memref<!tpu.dma_semaphore, #tpu.memory_space<semaphore_mem>>) src(%dma_wait3A_82 : memref<10000x128xf32, #tpu.memory_space<hbm>>) dst(%arg10 : memref<128x128xf32, #tpu.memory_space<vmem>>)
        %add3A_83 = arith.constant 1 : i32
        %add3A_84 = arith.addi %mul3A_33, %add3A_83 : i32
        %dma_start3A_85 = arith.constant 0 : i32
        %dma_start3A_86 = tpu.memref_slice %arg8[%add3A_84, %dma_start3A_85] : memref<40x128xi32, #tpu.memory_space<vmem>> -> memref<1x128xi32, #tpu.memory_space<vmem>>
        %dma_start3A_87 = tpu.memref_squeeze %dma_start3A_86 : memref<1x128xi32, #tpu.memory_space<vmem>> -> memref<128xi32, #tpu.memory_space<vmem>>
        %dma_start3A_88 = arith.constant 0 : i32
        %dma_start3A_89 = arith.constant 0 : i32
        %dma_start3A_90 = tpu.memref_slice %arg11[%dma_start3A_88, %dma_start3A_89] : memref<10240x128xf32, #tpu.memory_space<vmem_shared>> -> memref<10240x128xf32, #tpu.memory_space<vmem_shared>>
        tpu.enqueue_indirect_dma source(%arg10 : memref<128x128xf32, #tpu.memory_space<vmem>>) target(%dma_start3A_90 : memref<10240x128xf32, #tpu.memory_space<vmem_shared>>) offsets(%dma_start3A_87 : memref<128xi32, #tpu.memory_space<vmem>>) semaphore(%arg15 : memref<!tpu.dma_semaphore, #tpu.memory_space<semaphore_mem>>) {add = true}
        %dma_wait3A_91 = arith.constant 0 : i32
        %dma_wait3A_92 = tpu.memref_slice %arg8[%add3A_84, %dma_wait3A_91] : memref<40x128xi32, #tpu.memory_space<vmem>> -> memref<1x128xi32, #tpu.memory_space<vmem>>
        %dma_wait3A_93 = tpu.memref_squeeze %dma_wait3A_92 : memref<1x128xi32, #tpu.memory_space<vmem>> -> memref<128xi32, #tpu.memory_space<vmem>>
        %dma_wait3A_94 = arith.constant 0 : i32
        %dma_wait3A_95 = arith.constant 0 : i32
        %dma_wait3A_96 = tpu.memref_slice %arg11[%dma_wait3A_94, %dma_wait3A_95] : memref<10240x128xf32, #tpu.memory_space<vmem_shared>> -> memref<10240x128xf32, #tpu.memory_space<vmem_shared>>
        tpu.wait_indirect_dma semaphore(%arg15 : memref<!tpu.dma_semaphore, #tpu.memory_space<semaphore_mem>>) src(%arg10 : memref<128x128xf32, #tpu.memory_space<vmem>>) dst(%dma_wait3A_96 : memref<10240x128xf32, #tpu.memory_space<vmem_shared>>)
        %add3A_97 = arith.constant 1 : i32
        %add3A_98 = arith.addi %mul3A_33, %add3A_97 : i32
        %add3A_99 = arith.constant 2 : i32
        %add3A_100 = arith.addi %add3A_98, %add3A_99 : i32
        %dma_start3A_101 = arith.constant 0 : i32
        %dma_start3A_102 = tpu.memref_slice %arg7[%add3A_100, %dma_start3A_101] : memref<40x128xi32, #tpu.memory_space<vmem>> -> memref<1x128xi32, #tpu.memory_space<vmem>>
        %dma_start3A_103 = tpu.memref_squeeze %dma_start3A_102 : memref<1x128xi32, #tpu.memory_space<vmem>> -> memref<128xi32, #tpu.memory_space<vmem>>
        %dma_start3A_104 = arith.constant 0 : i32
        %dma_start3A_105 = arith.constant 0 : i32
        %dma_start3A_106 = tpu.memref_slice %arg4[%dma_start3A_104, %dma_start3A_105] : memref<10000x128xf32, #tpu.memory_space<hbm>> -> memref<10000x128xf32, #tpu.memory_space<hbm>>
        tpu.enqueue_indirect_dma source(%dma_start3A_106 : memref<10000x128xf32, #tpu.memory_space<hbm>>) target(%arg10 : memref<128x128xf32, #tpu.memory_space<vmem>>) offsets(%dma_start3A_103 : memref<128xi32, #tpu.memory_space<vmem>>) semaphore(%arg13 : memref<!tpu.dma_semaphore, #tpu.memory_space<semaphore_mem>>)
        %dma_wait3A_107 = arith.constant 0 : i32
        %dma_wait3A_108 = tpu.memref_slice %arg7[%add3A_70, %dma_wait3A_107] : memref<40x128xi32, #tpu.memory_space<vmem>> -> memref<1x128xi32, #tpu.memory_space<vmem>>
        %dma_wait3A_109 = tpu.memref_squeeze %dma_wait3A_108 : memref<1x128xi32, #tpu.memory_space<vmem>> -> memref<128xi32, #tpu.memory_space<vmem>>
        %dma_wait3A_110 = arith.constant 0 : i32
        %dma_wait3A_111 = arith.constant 0 : i32
        %dma_wait3A_112 = tpu.memref_slice %arg4[%dma_wait3A_110, %dma_wait3A_111] : memref<10000x128xf32, #tpu.memory_space<hbm>> -> memref<10000x128xf32, #tpu.memory_space<hbm>>
        tpu.wait_indirect_dma semaphore(%arg12 : memref<!tpu.dma_semaphore, #tpu.memory_space<semaphore_mem>>) src(%dma_wait3A_112 : memref<10000x128xf32, #tpu.memory_space<hbm>>) dst(%arg9 : memref<128x128xf32, #tpu.memory_space<vmem>>)
        %add3A_113 = arith.constant 2 : i32
        %add3A_114 = arith.addi %mul3A_33, %add3A_113 : i32
        %dma_start3A_115 = arith.constant 0 : i32
        %dma_start3A_116 = tpu.memref_slice %arg8[%add3A_114, %dma_start3A_115] : memref<40x128xi32, #tpu.memory_space<vmem>> -> memref<1x128xi32, #tpu.memory_space<vmem>>
        %dma_start3A_117 = tpu.memref_squeeze %dma_start3A_116 : memref<1x128xi32, #tpu.memory_space<vmem>> -> memref<128xi32, #tpu.memory_space<vmem>>
        %dma_start3A_118 = arith.constant 0 : i32
        %dma_start3A_119 = arith.constant 0 : i32
        %dma_start3A_120 = tpu.memref_slice %arg11[%dma_start3A_118, %dma_start3A_119] : memref<10240x128xf32, #tpu.memory_space<vmem_shared>> -> memref<10240x128xf32, #tpu.memory_space<vmem_shared>>
        tpu.enqueue_indirect_dma source(%arg9 : memref<128x128xf32, #tpu.memory_space<vmem>>) target(%dma_start3A_120 : memref<10240x128xf32, #tpu.memory_space<vmem_shared>>) offsets(%dma_start3A_117 : memref<128xi32, #tpu.memory_space<vmem>>) semaphore(%arg14 : memref<!tpu.dma_semaphore, #tpu.memory_space<semaphore_mem>>) {add = true}
        %dma_wait3A_121 = arith.constant 0 : i32
        %dma_wait3A_122 = tpu.memref_slice %arg8[%add3A_114, %dma_wait3A_121] : memref<40x128xi32, #tpu.memory_space<vmem>> -> memref<1x128xi32, #tpu.memory_space<vmem>>
        %dma_wait3A_123 = tpu.memref_squeeze %dma_wait3A_122 : memref<1x128xi32, #tpu.memory_space<vmem>> -> memref<128xi32, #tpu.memory_space<vmem>>
        %dma_wait3A_124 = arith.constant 0 : i32
        %dma_wait3A_125 = arith.constant 0 : i32
        %dma_wait3A_126 = tpu.memref_slice %arg11[%dma_wait3A_124, %dma_wait3A_125] : memref<10240x128xf32, #tpu.memory_space<vmem_shared>> -> memref<10240x128xf32, #tpu.memory_space<vmem_shared>>
        tpu.wait_indirect_dma semaphore(%arg14 : memref<!tpu.dma_semaphore, #tpu.memory_space<semaphore_mem>>) src(%arg9 : memref<128x128xf32, #tpu.memory_space<vmem>>) dst(%dma_wait3A_126 : memref<10240x128xf32, #tpu.memory_space<vmem_shared>>)
        %add3A_127 = arith.constant 2 : i32
        %add3A_128 = arith.addi %mul3A_33, %add3A_127 : i32
        %add3A_129 = arith.constant 2 : i32
        %add3A_130 = arith.addi %add3A_128, %add3A_129 : i32
        %dma_start3A_131 = arith.constant 0 : i32
        %dma_start3A_132 = tpu.memref_slice %arg7[%add3A_130, %dma_start3A_131] : memref<40x128xi32, #tpu.memory_space<vmem>> -> memref<1x128xi32, #tpu.memory_space<vmem>>
        %dma_start3A_133 = tpu.memref_squeeze %dma_start3A_132 : memref<1x128xi32, #tpu.memory_space<vmem>> -> memref<128xi32, #tpu.memory_space<vmem>>
        %dma_start3A_134 = arith.constant 0 : i32
        %dma_start3A_135 = arith.constant 0 : i32
        %dma_start3A_136 = tpu.memref_slice %arg4[%dma_start3A_134, %dma_start3A_135] : memref<10000x128xf32, #tpu.memory_space<hbm>> -> memref<10000x128xf32, #tpu.memory_space<hbm>>
        tpu.enqueue_indirect_dma source(%dma_start3A_136 : memref<10000x128xf32, #tpu.memory_space<hbm>>) target(%arg9 : memref<128x128xf32, #tpu.memory_space<vmem>>) offsets(%dma_start3A_133 : memref<128xi32, #tpu.memory_space<vmem>>) semaphore(%arg12 : memref<!tpu.dma_semaphore, #tpu.memory_space<semaphore_mem>>)
        %dma_wait3A_137 = arith.constant 0 : i32
        %dma_wait3A_138 = tpu.memref_slice %arg7[%add3A_100, %dma_wait3A_137] : memref<40x128xi32, #tpu.memory_space<vmem>> -> memref<1x128xi32, #tpu.memory_space<vmem>>
        %dma_wait3A_139 = tpu.memref_squeeze %dma_wait3A_138 : memref<1x128xi32, #tpu.memory_space<vmem>> -> memref<128xi32, #tpu.memory_space<vmem>>
        %dma_wait3A_140 = arith.constant 0 : i32
        %dma_wait3A_141 = arith.constant 0 : i32
        %dma_wait3A_142 = tpu.memref_slice %arg4[%dma_wait3A_140, %dma_wait3A_141] : memref<10000x128xf32, #tpu.memory_space<hbm>> -> memref<10000x128xf32, #tpu.memory_space<hbm>>
        tpu.wait_indirect_dma semaphore(%arg13 : memref<!tpu.dma_semaphore, #tpu.memory_space<semaphore_mem>>) src(%dma_wait3A_142 : memref<10000x128xf32, #tpu.memory_space<hbm>>) dst(%arg10 : memref<128x128xf32, #tpu.memory_space<vmem>>)
        %add3A_143 = arith.constant 3 : i32
        %add3A_144 = arith.addi %mul3A_33, %add3A_143 : i32
        %dma_start3A_145 = arith.constant 0 : i32
        %dma_start3A_146 = tpu.memref_slice %arg8[%add3A_144, %dma_start3A_145] : memref<40x128xi32, #tpu.memory_space<vmem>> -> memref<1x128xi32, #tpu.memory_space<vmem>>
        %dma_start3A_147 = tpu.memref_squeeze %dma_start3A_146 : memref<1x128xi32, #tpu.memory_space<vmem>> -> memref<128xi32, #tpu.memory_space<vmem>>
        %dma_start3A_148 = arith.constant 0 : i32
        %dma_start3A_149 = arith.constant 0 : i32
        %dma_start3A_150 = tpu.memref_slice %arg11[%dma_start3A_148, %dma_start3A_149] : memref<10240x128xf32, #tpu.memory_space<vmem_shared>> -> memref<10240x128xf32, #tpu.memory_space<vmem_shared>>
        tpu.enqueue_indirect_dma source(%arg10 : memref<128x128xf32, #tpu.memory_space<vmem>>) target(%dma_start3A_150 : memref<10240x128xf32, #tpu.memory_space<vmem_shared>>) offsets(%dma_start3A_147 : memref<128xi32, #tpu.memory_space<vmem>>) semaphore(%arg15 : memref<!tpu.dma_semaphore, #tpu.memory_space<semaphore_mem>>) {add = true}
        %dma_wait3A_151 = arith.constant 0 : i32
        %dma_wait3A_152 = tpu.memref_slice %arg8[%add3A_144, %dma_wait3A_151] : memref<40x128xi32, #tpu.memory_space<vmem>> -> memref<1x128xi32, #tpu.memory_space<vmem>>
        %dma_wait3A_153 = tpu.memref_squeeze %dma_wait3A_152 : memref<1x128xi32, #tpu.memory_space<vmem>> -> memref<128xi32, #tpu.memory_space<vmem>>
        %dma_wait3A_154 = arith.constant 0 : i32
        %dma_wait3A_155 = arith.constant 0 : i32
        %dma_wait3A_156 = tpu.memref_slice %arg11[%dma_wait3A_154, %dma_wait3A_155] : memref<10240x128xf32, #tpu.memory_space<vmem_shared>> -> memref<10240x128xf32, #tpu.memory_space<vmem_shared>>
        tpu.wait_indirect_dma semaphore(%arg15 : memref<!tpu.dma_semaphore, #tpu.memory_space<semaphore_mem>>) src(%arg10 : memref<128x128xf32, #tpu.memory_space<vmem>>) dst(%dma_wait3A_156 : memref<10240x128xf32, #tpu.memory_space<vmem_shared>>)
        %add3A_157 = arith.constant 3 : i32
        %add3A_158 = arith.addi %mul3A_33, %add3A_157 : i32
        %add3A_159 = arith.constant 2 : i32
        %add3A_160 = arith.addi %add3A_158, %add3A_159 : i32
        %dma_start3A_161 = arith.constant 0 : i32
        %dma_start3A_162 = tpu.memref_slice %arg7[%add3A_160, %dma_start3A_161] : memref<40x128xi32, #tpu.memory_space<vmem>> -> memref<1x128xi32, #tpu.memory_space<vmem>>
        %dma_start3A_163 = tpu.memref_squeeze %dma_start3A_162 : memref<1x128xi32, #tpu.memory_space<vmem>> -> memref<128xi32, #tpu.memory_space<vmem>>
        %dma_start3A_164 = arith.constant 0 : i32
        %dma_start3A_165 = arith.constant 0 : i32
        %dma_start3A_166 = tpu.memref_slice %arg4[%dma_start3A_164, %dma_start3A_165] : memref<10000x128xf32, #tpu.memory_space<hbm>> -> memref<10000x128xf32, #tpu.memory_space<hbm>>
        tpu.enqueue_indirect_dma source(%dma_start3A_166 : memref<10000x128xf32, #tpu.memory_space<hbm>>) target(%arg10 : memref<128x128xf32, #tpu.memory_space<vmem>>) offsets(%dma_start3A_163 : memref<128xi32, #tpu.memory_space<vmem>>) semaphore(%arg13 : memref<!tpu.dma_semaphore, #tpu.memory_space<semaphore_mem>>)
        %dma_wait3A_167 = arith.constant 0 : i32
        %dma_wait3A_168 = tpu.memref_slice %arg7[%add3A_130, %dma_wait3A_167] : memref<40x128xi32, #tpu.memory_space<vmem>> -> memref<1x128xi32, #tpu.memory_space<vmem>>
        %dma_wait3A_169 = tpu.memref_squeeze %dma_wait3A_168 : memref<1x128xi32, #tpu.memory_space<vmem>> -> memref<128xi32, #tpu.memory_space<vmem>>
        %dma_wait3A_170 = arith.constant 0 : i32
        %dma_wait3A_171 = arith.constant 0 : i32
        %dma_wait3A_172 = tpu.memref_slice %arg4[%dma_wait3A_170, %dma_wait3A_171] : memref<10000x128xf32, #tpu.memory_space<hbm>> -> memref<10000x128xf32, #tpu.memory_space<hbm>>
        tpu.wait_indirect_dma semaphore(%arg12 : memref<!tpu.dma_semaphore, #tpu.memory_space<semaphore_mem>>) src(%dma_wait3A_172 : memref<10000x128xf32, #tpu.memory_space<hbm>>) dst(%arg9 : memref<128x128xf32, #tpu.memory_space<vmem>>)
        %add3A_173 = arith.constant 4 : i32
        %add3A_174 = arith.addi %mul3A_33, %add3A_173 : i32
        %dma_start3A_175 = arith.constant 0 : i32
        %dma_start3A_176 = tpu.memref_slice %arg8[%add3A_174, %dma_start3A_175] : memref<40x128xi32, #tpu.memory_space<vmem>> -> memref<1x128xi32, #tpu.memory_space<vmem>>
        %dma_start3A_177 = tpu.memref_squeeze %dma_start3A_176 : memref<1x128xi32, #tpu.memory_space<vmem>> -> memref<128xi32, #tpu.memory_space<vmem>>
        %dma_start3A_178 = arith.constant 0 : i32
        %dma_start3A_179 = arith.constant 0 : i32
        %dma_start3A_180 = tpu.memref_slice %arg11[%dma_start3A_178, %dma_start3A_179] : memref<10240x128xf32, #tpu.memory_space<vmem_shared>> -> memref<10240x128xf32, #tpu.memory_space<vmem_shared>>
        tpu.enqueue_indirect_dma source(%arg9 : memref<128x128xf32, #tpu.memory_space<vmem>>) target(%dma_start3A_180 : memref<10240x128xf32, #tpu.memory_space<vmem_shared>>) offsets(%dma_start3A_177 : memref<128xi32, #tpu.memory_space<vmem>>) semaphore(%arg14 : memref<!tpu.dma_semaphore, #tpu.memory_space<semaphore_mem>>) {add = true}
        %dma_wait3A_181 = arith.constant 0 : i32
        %dma_wait3A_182 = tpu.memref_slice %arg8[%add3A_174, %dma_wait3A_181] : memref<40x128xi32, #tpu.memory_space<vmem>> -> memref<1x128xi32, #tpu.memory_space<vmem>>
        %dma_wait3A_183 = tpu.memref_squeeze %dma_wait3A_182 : memref<1x128xi32, #tpu.memory_space<vmem>> -> memref<128xi32, #tpu.memory_space<vmem>>
        %dma_wait3A_184 = arith.constant 0 : i32
        %dma_wait3A_185 = arith.constant 0 : i32
        %dma_wait3A_186 = tpu.memref_slice %arg11[%dma_wait3A_184, %dma_wait3A_185] : memref<10240x128xf32, #tpu.memory_space<vmem_shared>> -> memref<10240x128xf32, #tpu.memory_space<vmem_shared>>
        tpu.wait_indirect_dma semaphore(%arg14 : memref<!tpu.dma_semaphore, #tpu.memory_space<semaphore_mem>>) src(%arg9 : memref<128x128xf32, #tpu.memory_space<vmem>>) dst(%dma_wait3A_186 : memref<10240x128xf32, #tpu.memory_space<vmem_shared>>)
        %add3A_187 = arith.constant 4 : i32
        %add3A_188 = arith.addi %mul3A_33, %add3A_187 : i32
        %add3A_189 = arith.constant 2 : i32
        %add3A_190 = arith.addi %add3A_188, %add3A_189 : i32
        %dma_start3A_191 = arith.constant 0 : i32
        %dma_start3A_192 = tpu.memref_slice %arg7[%add3A_190, %dma_start3A_191] : memref<40x128xi32, #tpu.memory_space<vmem>> -> memref<1x128xi32, #tpu.memory_space<vmem>>
        %dma_start3A_193 = tpu.memref_squeeze %dma_start3A_192 : memref<1x128xi32, #tpu.memory_space<vmem>> -> memref<128xi32, #tpu.memory_space<vmem>>
        %dma_start3A_194 = arith.constant 0 : i32
        %dma_start3A_195 = arith.constant 0 : i32
        %dma_start3A_196 = tpu.memref_slice %arg4[%dma_start3A_194, %dma_start3A_195] : memref<10000x128xf32, #tpu.memory_space<hbm>> -> memref<10000x128xf32, #tpu.memory_space<hbm>>
        tpu.enqueue_indirect_dma source(%dma_start3A_196 : memref<10000x128xf32, #tpu.memory_space<hbm>>) target(%arg9 : memref<128x128xf32, #tpu.memory_space<vmem>>) offsets(%dma_start3A_193 : memref<128xi32, #tpu.memory_space<vmem>>) semaphore(%arg12 : memref<!tpu.dma_semaphore, #tpu.memory_space<semaphore_mem>>)
        %dma_wait3A_197 = arith.constant 0 : i32
        %dma_wait3A_198 = tpu.memref_slice %arg7[%add3A_160, %dma_wait3A_197] : memref<40x128xi32, #tpu.memory_space<vmem>> -> memref<1x128xi32, #tpu.memory_space<vmem>>
        %dma_wait3A_199 = tpu.memref_squeeze %dma_wait3A_198 : memref<1x128xi32, #tpu.memory_space<vmem>> -> memref<128xi32, #tpu.memory_space<vmem>>
        %dma_wait3A_200 = arith.constant 0 : i32
        %dma_wait3A_201 = arith.constant 0 : i32
        %dma_wait3A_202 = tpu.memref_slice %arg4[%dma_wait3A_200, %dma_wait3A_201] : memref<10000x128xf32, #tpu.memory_space<hbm>> -> memref<10000x128xf32, #tpu.memory_space<hbm>>
        tpu.wait_indirect_dma semaphore(%arg13 : memref<!tpu.dma_semaphore, #tpu.memory_space<semaphore_mem>>) src(%dma_wait3A_202 : memref<10000x128xf32, #tpu.memory_space<hbm>>) dst(%arg10 : memref<128x128xf32, #tpu.memory_space<vmem>>)
        %add3A_203 = arith.constant 5 : i32
        %add3A_204 = arith.addi %mul3A_33, %add3A_203 : i32
        %dma_start3A_205 = arith.constant 0 : i32
        %dma_start3A_206 = tpu.memref_slice %arg8[%add3A_204, %dma_start3A_205] : memref<40x128xi32, #tpu.memory_space<vmem>> -> memref<1x128xi32, #tpu.memory_space<vmem>>
        %dma_start3A_207 = tpu.memref_squeeze %dma_start3A_206 : memref<1x128xi32, #tpu.memory_space<vmem>> -> memref<128xi32, #tpu.memory_space<vmem>>
        %dma_start3A_208 = arith.constant 0 : i32
        %dma_start3A_209 = arith.constant 0 : i32
        %dma_start3A_210 = tpu.memref_slice %arg11[%dma_start3A_208, %dma_start3A_209] : memref<10240x128xf32, #tpu.memory_space<vmem_shared>> -> memref<10240x128xf32, #tpu.memory_space<vmem_shared>>
        tpu.enqueue_indirect_dma source(%arg10 : memref<128x128xf32, #tpu.memory_space<vmem>>) target(%dma_start3A_210 : memref<10240x128xf32, #tpu.memory_space<vmem_shared>>) offsets(%dma_start3A_207 : memref<128xi32, #tpu.memory_space<vmem>>) semaphore(%arg15 : memref<!tpu.dma_semaphore, #tpu.memory_space<semaphore_mem>>) {add = true}
        %dma_wait3A_211 = arith.constant 0 : i32
        %dma_wait3A_212 = tpu.memref_slice %arg8[%add3A_204, %dma_wait3A_211] : memref<40x128xi32, #tpu.memory_space<vmem>> -> memref<1x128xi32, #tpu.memory_space<vmem>>
        %dma_wait3A_213 = tpu.memref_squeeze %dma_wait3A_212 : memref<1x128xi32, #tpu.memory_space<vmem>> -> memref<128xi32, #tpu.memory_space<vmem>>
        %dma_wait3A_214 = arith.constant 0 : i32
        %dma_wait3A_215 = arith.constant 0 : i32
        %dma_wait3A_216 = tpu.memref_slice %arg11[%dma_wait3A_214, %dma_wait3A_215] : memref<10240x128xf32, #tpu.memory_space<vmem_shared>> -> memref<10240x128xf32, #tpu.memory_space<vmem_shared>>
        tpu.wait_indirect_dma semaphore(%arg15 : memref<!tpu.dma_semaphore, #tpu.memory_space<semaphore_mem>>) src(%arg10 : memref<128x128xf32, #tpu.memory_space<vmem>>) dst(%dma_wait3A_216 : memref<10240x128xf32, #tpu.memory_space<vmem_shared>>)
        %add3A_217 = arith.constant 5 : i32
        %add3A_218 = arith.addi %mul3A_33, %add3A_217 : i32
        %add3A_219 = arith.constant 2 : i32
        %add3A_220 = arith.addi %add3A_218, %add3A_219 : i32
        %dma_start3A_221 = arith.constant 0 : i32
        %dma_start3A_222 = tpu.memref_slice %arg7[%add3A_220, %dma_start3A_221] : memref<40x128xi32, #tpu.memory_space<vmem>> -> memref<1x128xi32, #tpu.memory_space<vmem>>
        %dma_start3A_223 = tpu.memref_squeeze %dma_start3A_222 : memref<1x128xi32, #tpu.memory_space<vmem>> -> memref<128xi32, #tpu.memory_space<vmem>>
        %dma_start3A_224 = arith.constant 0 : i32
        %dma_start3A_225 = arith.constant 0 : i32
        %dma_start3A_226 = tpu.memref_slice %arg4[%dma_start3A_224, %dma_start3A_225] : memref<10000x128xf32, #tpu.memory_space<hbm>> -> memref<10000x128xf32, #tpu.memory_space<hbm>>
        tpu.enqueue_indirect_dma source(%dma_start3A_226 : memref<10000x128xf32, #tpu.memory_space<hbm>>) target(%arg10 : memref<128x128xf32, #tpu.memory_space<vmem>>) offsets(%dma_start3A_223 : memref<128xi32, #tpu.memory_space<vmem>>) semaphore(%arg13 : memref<!tpu.dma_semaphore, #tpu.memory_space<semaphore_mem>>)
        %dma_wait3A_227 = arith.constant 0 : i32
        %dma_wait3A_228 = tpu.memref_slice %arg7[%add3A_190, %dma_wait3A_227] : memref<40x128xi32, #tpu.memory_space<vmem>> -> memref<1x128xi32, #tpu.memory_space<vmem>>
        %dma_wait3A_229 = tpu.memref_squeeze %dma_wait3A_228 : memref<1x128xi32, #tpu.memory_space<vmem>> -> memref<128xi32, #tpu.memory_space<vmem>>
        %dma_wait3A_230 = arith.constant 0 : i32
        %dma_wait3A_231 = arith.constant 0 : i32
        %dma_wait3A_232 = tpu.memref_slice %arg4[%dma_wait3A_230, %dma_wait3A_231] : memref<10000x128xf32, #tpu.memory_space<hbm>> -> memref<10000x128xf32, #tpu.memory_space<hbm>>
        tpu.wait_indirect_dma semaphore(%arg12 : memref<!tpu.dma_semaphore, #tpu.memory_space<semaphore_mem>>) src(%dma_wait3A_232 : memref<10000x128xf32, #tpu.memory_space<hbm>>) dst(%arg9 : memref<128x128xf32, #tpu.memory_space<vmem>>)
        %add3A_233 = arith.constant 6 : i32
        %add3A_234 = arith.addi %mul3A_33, %add3A_233 : i32
        %dma_start3A_235 = arith.constant 0 : i32
        %dma_start3A_236 = tpu.memref_slice %arg8[%add3A_234, %dma_start3A_235] : memref<40x128xi32, #tpu.memory_space<vmem>> -> memref<1x128xi32, #tpu.memory_space<vmem>>
        %dma_start3A_237 = tpu.memref_squeeze %dma_start3A_236 : memref<1x128xi32, #tpu.memory_space<vmem>> -> memref<128xi32, #tpu.memory_space<vmem>>
        %dma_start3A_238 = arith.constant 0 : i32
        %dma_start3A_239 = arith.constant 0 : i32
        %dma_start3A_240 = tpu.memref_slice %arg11[%dma_start3A_238, %dma_start3A_239] : memref<10240x128xf32, #tpu.memory_space<vmem_shared>> -> memref<10240x128xf32, #tpu.memory_space<vmem_shared>>
        tpu.enqueue_indirect_dma source(%arg9 : memref<128x128xf32, #tpu.memory_space<vmem>>) target(%dma_start3A_240 : memref<10240x128xf32, #tpu.memory_space<vmem_shared>>) offsets(%dma_start3A_237 : memref<128xi32, #tpu.memory_space<vmem>>) semaphore(%arg14 : memref<!tpu.dma_semaphore, #tpu.memory_space<semaphore_mem>>) {add = true}
        %dma_wait3A_241 = arith.constant 0 : i32
        %dma_wait3A_242 = tpu.memref_slice %arg8[%add3A_234, %dma_wait3A_241] : memref<40x128xi32, #tpu.memory_space<vmem>> -> memref<1x128xi32, #tpu.memory_space<vmem>>
        %dma_wait3A_243 = tpu.memref_squeeze %dma_wait3A_242 : memref<1x128xi32, #tpu.memory_space<vmem>> -> memref<128xi32, #tpu.memory_space<vmem>>
        %dma_wait3A_244 = arith.constant 0 : i32
        %dma_wait3A_245 = arith.constant 0 : i32
        %dma_wait3A_246 = tpu.memref_slice %arg11[%dma_wait3A_244, %dma_wait3A_245] : memref<10240x128xf32, #tpu.memory_space<vmem_shared>> -> memref<10240x128xf32, #tpu.memory_space<vmem_shared>>
        tpu.wait_indirect_dma semaphore(%arg14 : memref<!tpu.dma_semaphore, #tpu.memory_space<semaphore_mem>>) src(%arg9 : memref<128x128xf32, #tpu.memory_space<vmem>>) dst(%dma_wait3A_246 : memref<10240x128xf32, #tpu.memory_space<vmem_shared>>)
        %dma_wait3A_247 = arith.constant 0 : i32
        %dma_wait3A_248 = tpu.memref_slice %arg7[%add3A_220, %dma_wait3A_247] : memref<40x128xi32, #tpu.memory_space<vmem>> -> memref<1x128xi32, #tpu.memory_space<vmem>>
        %dma_wait3A_249 = tpu.memref_squeeze %dma_wait3A_248 : memref<1x128xi32, #tpu.memory_space<vmem>> -> memref<128xi32, #tpu.memory_space<vmem>>
        %dma_wait3A_250 = arith.constant 0 : i32
        %dma_wait3A_251 = arith.constant 0 : i32
        %dma_wait3A_252 = tpu.memref_slice %arg4[%dma_wait3A_250, %dma_wait3A_251] : memref<10000x128xf32, #tpu.memory_space<hbm>> -> memref<10000x128xf32, #tpu.memory_space<hbm>>
        tpu.wait_indirect_dma semaphore(%arg13 : memref<!tpu.dma_semaphore, #tpu.memory_space<semaphore_mem>>) src(%dma_wait3A_252 : memref<10000x128xf32, #tpu.memory_space<hbm>>) dst(%arg10 : memref<128x128xf32, #tpu.memory_space<vmem>>)
        %add3A_253 = arith.constant 7 : i32
        %add3A_254 = arith.addi %mul3A_33, %add3A_253 : i32
        %dma_start3A_255 = arith.constant 0 : i32
        %dma_start3A_256 = tpu.memref_slice %arg8[%add3A_254, %dma_start3A_255] : memref<40x128xi32, #tpu.memory_space<vmem>> -> memref<1x128xi32, #tpu.memory_space<vmem>>
        %dma_start3A_257 = tpu.memref_squeeze %dma_start3A_256 : memref<1x128xi32, #tpu.memory_space<vmem>> -> memref<128xi32, #tpu.memory_space<vmem>>
        %dma_start3A_258 = arith.constant 0 : i32
        %dma_start3A_259 = arith.constant 0 : i32
        %dma_start3A_260 = tpu.memref_slice %arg11[%dma_start3A_258, %dma_start3A_259] : memref<10240x128xf32, #tpu.memory_space<vmem_shared>> -> memref<10240x128xf32, #tpu.memory_space<vmem_shared>>
        tpu.enqueue_indirect_dma source(%arg10 : memref<128x128xf32, #tpu.memory_space<vmem>>) target(%dma_start3A_260 : memref<10240x128xf32, #tpu.memory_space<vmem_shared>>) offsets(%dma_start3A_257 : memref<128xi32, #tpu.memory_space<vmem>>) semaphore(%arg15 : memref<!tpu.dma_semaphore, #tpu.memory_space<semaphore_mem>>) {add = true}
        %dma_wait3A_261 = arith.constant 0 : i32
        %dma_wait3A_262 = tpu.memref_slice %arg8[%add3A_254, %dma_wait3A_261] : memref<40x128xi32, #tpu.memory_space<vmem>> -> memref<1x128xi32, #tpu.memory_space<vmem>>
        %dma_wait3A_263 = tpu.memref_squeeze %dma_wait3A_262 : memref<1x128xi32, #tpu.memory_space<vmem>> -> memref<128xi32, #tpu.memory_space<vmem>>
        %dma_wait3A_264 = arith.constant 0 : i32
        %dma_wait3A_265 = arith.constant 0 : i32
        %dma_wait3A_266 = tpu.memref_slice %arg11[%dma_wait3A_264, %dma_wait3A_265] : memref<10240x128xf32, #tpu.memory_space<vmem_shared>> -> memref<10240x128xf32, #tpu.memory_space<vmem_shared>>
        tpu.wait_indirect_dma semaphore(%arg15 : memref<!tpu.dma_semaphore, #tpu.memory_space<semaphore_mem>>) src(%arg10 : memref<128x128xf32, #tpu.memory_space<vmem>>) dst(%dma_wait3A_266 : memref<10240x128xf32, #tpu.memory_space<vmem_shared>>)
        %scan3A_267 = arith.constant 0 : i32
        scf.yield %scan3A_267 : i32
      }
      %scan3A_28 = arith.constant 5 : i32
      %scan3A_29 = arith.constant 0 : i32
      scf.yield %scan3A_29 : i32
    }
    %scan3A_8 = arith.constant 2 : i32
    %barrier3A_9 = arith.constant 0 : index
    tpu.barrier barrier_id(%barrier3A_9)
    %lt3A = arith.constant 15 : i32
    %lt3A_10 = arith.cmpi slt, %arg1, %lt3A : i32
    %convert_element_type3A = arith.extui %lt3A_10 : i1 to i32
    %cond3A = arith.constant 0 : i32
    %cond3A_11 = arith.cmpi ne, %convert_element_type3A, %cond3A : i32
    scf.if %cond3A_11 {
      %mul3A_16 = arith.constant 624 : i32
      %mul3A_17 = arith.muli %arg1, %mul3A_16 : i32
      %mul3A_18 = arith.constant 624 : i32
      %mul3A_19 = arith.muli %arg1, %mul3A_18 : i32
      "tpu.region"() ({
        %run_scoped3A = tpu.sem_alloc : memref<!tpu.dma_semaphore, #tpu.memory_space<semaphore_mem>>
        %dma_start3A_20 = arith.constant 0 : i32
        %dma_start3A_21 = arith.constant 0 : i32
        %dma_start3A_22 = tpu.memref_slice %arg6[%arg0, %dma_start3A_20, %dma_start3A_21] : memref<2x10000x128xf32, #tpu.memory_space<hbm>> -> memref<1x10000x128xf32, #tpu.memory_space<hbm>>
        %dma_start3A_23 = tpu.memref_squeeze %dma_start3A_22 : memref<1x10000x128xf32, #tpu.memory_space<hbm>> -> memref<10000x128xf32, #tpu.memory_space<hbm>>
        %dma_start3A_24 = arith.constant 0 : i32
        %dma_start3A_25 = tpu.memref_slice %dma_start3A_23[%mul3A_19, %dma_start3A_24] : memref<10000x128xf32, #tpu.memory_space<hbm>> -> memref<624x128xf32, #tpu.memory_space<hbm>>
        %dma_start3A_26 = arith.constant 0 : i32
        %dma_start3A_27 = tpu.memref_slice %arg11[%mul3A_17, %dma_start3A_26] : memref<10240x128xf32, #tpu.memory_space<vmem_shared>> -> memref<624x128xf32, #tpu.memory_space<vmem_shared>>
        tpu.enqueue_dma source(%dma_start3A_27 : memref<624x128xf32, #tpu.memory_space<vmem_shared>>) target(%dma_start3A_25 : memref<624x128xf32, #tpu.memory_space<hbm>>) target_semaphore(%run_scoped3A : memref<!tpu.dma_semaphore, #tpu.memory_space<semaphore_mem>>)
        %dma_wait3A_28 = arith.constant 0 : i32
        %dma_wait3A_29 = arith.constant 0 : i32
        %dma_wait3A_30 = tpu.memref_slice %arg6[%arg0, %dma_wait3A_28, %dma_wait3A_29] : memref<2x10000x128xf32, #tpu.memory_space<hbm>> -> memref<1x10000x128xf32, #tpu.memory_space<hbm>>
        %dma_wait3A_31 = tpu.memref_squeeze %dma_wait3A_30 : memref<1x10000x128xf32, #tpu.memory_space<hbm>> -> memref<10000x128xf32, #tpu.memory_space<hbm>>
        %dma_wait3A_32 = arith.constant 0 : i32
        %dma_wait3A_33 = tpu.memref_slice %dma_wait3A_31[%mul3A_19, %dma_wait3A_32] : memref<10000x128xf32, #tpu.memory_space<hbm>> -> memref<624x128xf32, #tpu.memory_space<hbm>>
        %dma_wait3A_34 = arith.constant 0 : i32
        %dma_wait3A_35 = tpu.memref_slice %arg11[%mul3A_17, %dma_wait3A_34] : memref<10240x128xf32, #tpu.memory_space<vmem_shared>> -> memref<624x128xf32, #tpu.memory_space<vmem_shared>>
        tpu.wait_dma2 semaphore(%run_scoped3A : memref<!tpu.dma_semaphore, #tpu.memory_space<semaphore_mem>>) src(%dma_wait3A_35 : memref<624x128xf32, #tpu.memory_space<vmem_shared>>) dst(%dma_wait3A_33 : memref<624x128xf32, #tpu.memory_space<hbm>>)
        tpu.yield
      }) : () -> ()
    } else {
    }
    %eq3A = arith.constant 15 : i32
    %eq3A_12 = arith.cmpi eq, %arg1, %eq3A : i32
    %convert_element_type3A_13 = arith.extui %eq3A_12 : i1 to i32
    %cond3A_14 = arith.constant 0 : i32
    %cond3A_15 = arith.cmpi ne, %convert_element_type3A_13, %cond3A_14 : i32
    scf.if %cond3A_15 {
      "tpu.region"() ({
        %run_scoped3A = tpu.sem_alloc : memref<!tpu.dma_semaphore, #tpu.memory_space<semaphore_mem>>
        %dma_start3A_16 = arith.constant 0 : i32
        %dma_start3A_17 = arith.constant 0 : i32
        %dma_start3A_18 = tpu.memref_slice %arg6[%arg0, %dma_start3A_16, %dma_start3A_17] : memref<2x10000x128xf32, #tpu.memory_space<hbm>> -> memref<1x10000x128xf32, #tpu.memory_space<hbm>>
        %dma_start3A_19 = tpu.memref_squeeze %dma_start3A_18 : memref<1x10000x128xf32, #tpu.memory_space<hbm>> -> memref<10000x128xf32, #tpu.memory_space<hbm>>
        %dma_start3A_20 = arith.constant 9360 : i32
        %dma_start3A_21 = arith.constant 0 : i32
        %dma_start3A_22 = tpu.memref_slice %dma_start3A_19[%dma_start3A_20, %dma_start3A_21] : memref<10000x128xf32, #tpu.memory_space<hbm>> -> memref<640x128xf32, #tpu.memory_space<hbm>>
        %dma_start3A_23 = arith.constant 9360 : i32
        %dma_start3A_24 = arith.constant 0 : i32
        %dma_start3A_25 = tpu.memref_slice %arg11[%dma_start3A_23, %dma_start3A_24] : memref<10240x128xf32, #tpu.memory_space<vmem_shared>> -> memref<640x128xf32, #tpu.memory_space<vmem_shared>>
        tpu.enqueue_dma source(%dma_start3A_25 : memref<640x128xf32, #tpu.memory_space<vmem_shared>>) target(%dma_start3A_22 : memref<640x128xf32, #tpu.memory_space<hbm>>) target_semaphore(%run_scoped3A : memref<!tpu.dma_semaphore, #tpu.memory_space<semaphore_mem>>)
        %dma_wait3A_26 = arith.constant 0 : i32
        %dma_wait3A_27 = arith.constant 0 : i32
        %dma_wait3A_28 = tpu.memref_slice %arg6[%arg0, %dma_wait3A_26, %dma_wait3A_27] : memref<2x10000x128xf32, #tpu.memory_space<hbm>> -> memref<1x10000x128xf32, #tpu.memory_space<hbm>>
        %dma_wait3A_29 = tpu.memref_squeeze %dma_wait3A_28 : memref<1x10000x128xf32, #tpu.memory_space<hbm>> -> memref<10000x128xf32, #tpu.memory_space<hbm>>
        %dma_wait3A_30 = arith.constant 9360 : i32
        %dma_wait3A_31 = arith.constant 0 : i32
        %dma_wait3A_32 = tpu.memref_slice %dma_wait3A_29[%dma_wait3A_30, %dma_wait3A_31] : memref<10000x128xf32, #tpu.memory_space<hbm>> -> memref<640x128xf32, #tpu.memory_space<hbm>>
        %dma_wait3A_33 = arith.constant 9360 : i32
        %dma_wait3A_34 = arith.constant 0 : i32
        %dma_wait3A_35 = tpu.memref_slice %arg11[%dma_wait3A_33, %dma_wait3A_34] : memref<10240x128xf32, #tpu.memory_space<vmem_shared>> -> memref<640x128xf32, #tpu.memory_space<vmem_shared>>
        tpu.wait_dma2 semaphore(%run_scoped3A : memref<!tpu.dma_semaphore, #tpu.memory_space<semaphore_mem>>) src(%dma_wait3A_35 : memref<640x128xf32, #tpu.memory_space<vmem_shared>>) dst(%dma_wait3A_32 : memref<640x128xf32, #tpu.memory_space<hbm>>)
        tpu.yield
      }) : () -> ()
    } else {
    }
    return
  }
}

#map = affine_map<(d0, d1) -> (0, 0, 0, 0)>
#map1 = affine_map<(d0, d1) -> (0, 0)>
#map2 = affine_map<(d0, d1) -> (0, 0, 0)>
module attributes {stable_mosaic.version = 14 : i64} {
  func.func @_segsum_sc(%arg0: i32, %arg1: i32, %arg2: memref<2x16x80x128xi32, #tpu.memory_space<hbm>>, %arg3: memref<2x16x80x128xi32, #tpu.memory_space<hbm>>, %arg4: memref<10000x128xf32, #tpu.memory_space<hbm>>, %arg5: memref<640x128xf32, #tpu.memory_space<hbm>>, %arg6: memref<2x10000x128xf32, #tpu.memory_space<hbm>>, %arg7: memref<40x128xi32, #tpu.memory_space<vmem>>, %arg8: memref<40x128xi32, #tpu.memory_space<vmem>>, %arg9: memref<128x128xf32, #tpu.memory_space<vmem>>, %arg10: memref<128x128xf32, #tpu.memory_space<vmem>>, %arg11: memref<10240x128xf32, #tpu.memory_space<vmem_shared>>, %arg12: memref<!tpu.dma_semaphore, #tpu.memory_space<semaphore_mem>>, %arg13: memref<!tpu.dma_semaphore, #tpu.memory_space<semaphore_mem>>, %arg14: memref<!tpu.dma_semaphore, #tpu.memory_space<semaphore_mem>>, %arg15: memref<!tpu.dma_semaphore, #tpu.memory_space<semaphore_mem>>) attributes {dimension_semantics = [#tpu.dimension_semantics<core_parallel>, #tpu.dimension_semantics<subcore_parallel>], iteration_bounds = array<i64: 2, 16>, scalar_prefetch = 0 : i64, scratch_operands = 9 : i64, tpu.core_type = #tpu.core_type<sc_vector_subcore>, window_params = [{transform_indices = #map}, {transform_indices = #map}, {transform_indices = #map1}, {transform_indices = #map1}, {transform_indices = #map2}]} {
    %mul3A = arith.constant 640 : i32
    %mul3A_0 = arith.muli %arg1, %mul3A : i32
    %dma_start3A = arith.constant 0 : i32
    %dma_start3A_1 = tpu.memref_slice %arg11[%mul3A_0, %dma_start3A] : memref<10240x128xf32, #tpu.memory_space<vmem_shared>> -> memref<640x128xf32, #tpu.memory_space<vmem_shared>>
    tpu.enqueue_dma source(%arg5 : memref<640x128xf32, #tpu.memory_space<hbm>>) target(%dma_start3A_1 : memref<640x128xf32, #tpu.memory_space<vmem_shared>>) target_semaphore(%arg12 : memref<!tpu.dma_semaphore, #tpu.memory_space<semaphore_mem>>)
    "tpu.region"() ({
      %run_scoped3A = tpu.sem_alloc : memref<!tpu.dma_semaphore, #tpu.memory_space<semaphore_mem>>
      %dma_start3A_16 = arith.constant 0 : i32
      %dma_start3A_17 = arith.constant 0 : i32
      %dma_start3A_18 = arith.constant 0 : i32
      %dma_start3A_19 = tpu.memref_slice %arg2[%arg0, %dma_start3A_16, %dma_start3A_17, %dma_start3A_18] : memref<2x16x80x128xi32, #tpu.memory_space<hbm>> -> memref<1x16x80x128xi32, #tpu.memory_space<hbm>>
      %dma_start3A_20 = tpu.memref_squeeze %dma_start3A_19 : memref<1x16x80x128xi32, #tpu.memory_space<hbm>> -> memref<16x80x128xi32, #tpu.memory_space<hbm>>
      %dma_start3A_21 = arith.constant 0 : i32
      %dma_start3A_22 = arith.constant 0 : i32
      %dma_start3A_23 = tpu.memref_slice %dma_start3A_20[%arg1, %dma_start3A_21, %dma_start3A_22] : memref<16x80x128xi32, #tpu.memory_space<hbm>> -> memref<1x80x128xi32, #tpu.memory_space<hbm>>
      %dma_start3A_24 = tpu.memref_squeeze %dma_start3A_23 : memref<1x80x128xi32, #tpu.memory_space<hbm>> -> memref<80x128xi32, #tpu.memory_space<hbm>>
      %dma_start3A_25 = arith.constant 0 : i32
      %dma_start3A_26 = arith.constant 0 : i32
      %dma_start3A_27 = tpu.memref_slice %dma_start3A_24[%dma_start3A_25, %dma_start3A_26] : memref<80x128xi32, #tpu.memory_space<hbm>> -> memref<40x128xi32, #tpu.memory_space<hbm>>
      %dma_start3A_28 = arith.constant 0 : i32
      %dma_start3A_29 = arith.constant 0 : i32
      %dma_start3A_30 = arith.constant 0 : i32
      %dma_start3A_31 = tpu.memref_slice %arg2[%arg0, %dma_start3A_28, %dma_start3A_29, %dma_start3A_30] : memref<2x16x80x128xi32, #tpu.memory_space<hbm>> -> memref<1x16x80x128xi32, #tpu.memory_space<hbm>>
      %dma_start3A_32 = tpu.memref_squeeze %dma_start3A_31 : memref<1x16x80x128xi32, #tpu.memory_space<hbm>> -> memref<16x80x128xi32, #tpu.memory_space<hbm>>
      %dma_start3A_33 = arith.constant 0 : i32
      %dma_start3A_34 = arith.constant 0 : i32
      %dma_start3A_35 = tpu.memref_slice %dma_start3A_32[%arg1, %dma_start3A_33, %dma_start3A_34] : memref<16x80x128xi32, #tpu.memory_space<hbm>> -> memref<1x80x128xi32, #tpu.memory_space<hbm>>
      %dma_start3A_36 = tpu.memref_squeeze %dma_start3A_35 : memref<1x80x128xi32, #tpu.memory_space<hbm>> -> memref<80x128xi32, #tpu.memory_space<hbm>>
      %dma_start3A_37 = arith.constant 0 : i32
      %dma_start3A_38 = arith.constant 0 : i32
      %dma_start3A_39 = tpu.memref_slice %dma_start3A_36[%dma_start3A_37, %dma_start3A_38] : memref<80x128xi32, #tpu.memory_space<hbm>> -> memref<40x128xi32, #tpu.memory_space<hbm>>
      tpu.enqueue_dma source(%dma_start3A_39 : memref<40x128xi32, #tpu.memory_space<hbm>>) target(%arg7 : memref<40x128xi32, #tpu.memory_space<vmem>>) target_semaphore(%run_scoped3A : memref<!tpu.dma_semaphore, #tpu.memory_space<semaphore_mem>>)
      %dma_wait3A_40 = arith.constant 0 : i32
      %dma_wait3A_41 = arith.constant 0 : i32
      %dma_wait3A_42 = arith.constant 0 : i32
      %dma_wait3A_43 = tpu.memref_slice %arg2[%arg0, %dma_wait3A_40, %dma_wait3A_41, %dma_wait3A_42] : memref<2x16x80x128xi32, #tpu.memory_space<hbm>> -> memref<1x16x80x128xi32, #tpu.memory_space<hbm>>
      %dma_wait3A_44 = tpu.memref_squeeze %dma_wait3A_43 : memref<1x16x80x128xi32, #tpu.memory_space<hbm>> -> memref<16x80x128xi32, #tpu.memory_space<hbm>>
      %dma_wait3A_45 = arith.constant 0 : i32
      %dma_wait3A_46 = arith.constant 0 : i32
      %dma_wait3A_47 = tpu.memref_slice %dma_wait3A_44[%arg1, %dma_wait3A_45, %dma_wait3A_46] : memref<16x80x128xi32, #tpu.memory_space<hbm>> -> memref<1x80x128xi32, #tpu.memory_space<hbm>>
      %dma_wait3A_48 = tpu.memref_squeeze %dma_wait3A_47 : memref<1x80x128xi32, #tpu.memory_space<hbm>> -> memref<80x128xi32, #tpu.memory_space<hbm>>
      %dma_wait3A_49 = arith.constant 0 : i32
      %dma_wait3A_50 = arith.constant 0 : i32
      %dma_wait3A_51 = tpu.memref_slice %dma_wait3A_48[%dma_wait3A_49, %dma_wait3A_50] : memref<80x128xi32, #tpu.memory_space<hbm>> -> memref<40x128xi32, #tpu.memory_space<hbm>>
      %dma_wait3A_52 = arith.constant 0 : i32
      %dma_wait3A_53 = arith.constant 0 : i32
      %dma_wait3A_54 = arith.constant 0 : i32
      %dma_wait3A_55 = tpu.memref_slice %arg2[%arg0, %dma_wait3A_52, %dma_wait3A_53, %dma_wait3A_54] : memref<2x16x80x128xi32, #tpu.memory_space<hbm>> -> memref<1x16x80x128xi32, #tpu.memory_space<hbm>>
      %dma_wait3A_56 = tpu.memref_squeeze %dma_wait3A_55 : memref<1x16x80x128xi32, #tpu.memory_space<hbm>> -> memref<16x80x128xi32, #tpu.memory_space<hbm>>
      %dma_wait3A_57 = arith.constant 0 : i32
      %dma_wait3A_58 = arith.constant 0 : i32
      %dma_wait3A_59 = tpu.memref_slice %dma_wait3A_56[%arg1, %dma_wait3A_57, %dma_wait3A_58] : memref<16x80x128xi32, #tpu.memory_space<hbm>> -> memref<1x80x128xi32, #tpu.memory_space<hbm>>
      %dma_wait3A_60 = tpu.memref_squeeze %dma_wait3A_59 : memref<1x80x128xi32, #tpu.memory_space<hbm>> -> memref<80x128xi32, #tpu.memory_space<hbm>>
      %dma_wait3A_61 = arith.constant 0 : i32
      %dma_wait3A_62 = arith.constant 0 : i32
      %dma_wait3A_63 = tpu.memref_slice %dma_wait3A_60[%dma_wait3A_61, %dma_wait3A_62] : memref<80x128xi32, #tpu.memory_space<hbm>> -> memref<40x128xi32, #tpu.memory_space<hbm>>
      tpu.wait_dma2 semaphore(%run_scoped3A : memref<!tpu.dma_semaphore, #tpu.memory_space<semaphore_mem>>) src(%dma_wait3A_63 : memref<40x128xi32, #tpu.memory_space<hbm>>) dst(%arg7 : memref<40x128xi32, #tpu.memory_space<vmem>>)
      tpu.yield
    }) : () -> ()
    "tpu.region"() ({
      %run_scoped3A = tpu.sem_alloc : memref<!tpu.dma_semaphore, #tpu.memory_space<semaphore_mem>>
      %dma_start3A_16 = arith.constant 0 : i32
      %dma_start3A_17 = arith.constant 0 : i32
      %dma_start3A_18 = arith.constant 0 : i32
      %dma_start3A_19 = tpu.memref_slice %arg3[%arg0, %dma_start3A_16, %dma_start3A_17, %dma_start3A_18] : memref<2x16x80x128xi32, #tpu.memory_space<hbm>> -> memref<1x16x80x128xi32, #tpu.memory_space<hbm>>
      %dma_start3A_20 = tpu.memref_squeeze %dma_start3A_19 : memref<1x16x80x128xi32, #tpu.memory_space<hbm>> -> memref<16x80x128xi32, #tpu.memory_space<hbm>>
      %dma_start3A_21 = arith.constant 0 : i32
      %dma_start3A_22 = arith.constant 0 : i32
      %dma_start3A_23 = tpu.memref_slice %dma_start3A_20[%arg1, %dma_start3A_21, %dma_start3A_22] : memref<16x80x128xi32, #tpu.memory_space<hbm>> -> memref<1x80x128xi32, #tpu.memory_space<hbm>>
      %dma_start3A_24 = tpu.memref_squeeze %dma_start3A_23 : memref<1x80x128xi32, #tpu.memory_space<hbm>> -> memref<80x128xi32, #tpu.memory_space<hbm>>
      %dma_start3A_25 = arith.constant 0 : i32
      %dma_start3A_26 = arith.constant 0 : i32
      %dma_start3A_27 = tpu.memref_slice %dma_start3A_24[%dma_start3A_25, %dma_start3A_26] : memref<80x128xi32, #tpu.memory_space<hbm>> -> memref<40x128xi32, #tpu.memory_space<hbm>>
      %dma_start3A_28 = arith.constant 0 : i32
      %dma_start3A_29 = arith.constant 0 : i32
      %dma_start3A_30 = arith.constant 0 : i32
      %dma_start3A_31 = tpu.memref_slice %arg3[%arg0, %dma_start3A_28, %dma_start3A_29, %dma_start3A_30] : memref<2x16x80x128xi32, #tpu.memory_space<hbm>> -> memref<1x16x80x128xi32, #tpu.memory_space<hbm>>
      %dma_start3A_32 = tpu.memref_squeeze %dma_start3A_31 : memref<1x16x80x128xi32, #tpu.memory_space<hbm>> -> memref<16x80x128xi32, #tpu.memory_space<hbm>>
      %dma_start3A_33 = arith.constant 0 : i32
      %dma_start3A_34 = arith.constant 0 : i32
      %dma_start3A_35 = tpu.memref_slice %dma_start3A_32[%arg1, %dma_start3A_33, %dma_start3A_34] : memref<16x80x128xi32, #tpu.memory_space<hbm>> -> memref<1x80x128xi32, #tpu.memory_space<hbm>>
      %dma_start3A_36 = tpu.memref_squeeze %dma_start3A_35 : memref<1x80x128xi32, #tpu.memory_space<hbm>> -> memref<80x128xi32, #tpu.memory_space<hbm>>
      %dma_start3A_37 = arith.constant 0 : i32
      %dma_start3A_38 = arith.constant 0 : i32
      %dma_start3A_39 = tpu.memref_slice %dma_start3A_36[%dma_start3A_37, %dma_start3A_38] : memref<80x128xi32, #tpu.memory_space<hbm>> -> memref<40x128xi32, #tpu.memory_space<hbm>>
      tpu.enqueue_dma source(%dma_start3A_39 : memref<40x128xi32, #tpu.memory_space<hbm>>) target(%arg8 : memref<40x128xi32, #tpu.memory_space<vmem>>) target_semaphore(%run_scoped3A : memref<!tpu.dma_semaphore, #tpu.memory_space<semaphore_mem>>)
      %dma_wait3A_40 = arith.constant 0 : i32
      %dma_wait3A_41 = arith.constant 0 : i32
      %dma_wait3A_42 = arith.constant 0 : i32
      %dma_wait3A_43 = tpu.memref_slice %arg3[%arg0, %dma_wait3A_40, %dma_wait3A_41, %dma_wait3A_42] : memref<2x16x80x128xi32, #tpu.memory_space<hbm>> -> memref<1x16x80x128xi32, #tpu.memory_space<hbm>>
      %dma_wait3A_44 = tpu.memref_squeeze %dma_wait3A_43 : memref<1x16x80x128xi32, #tpu.memory_space<hbm>> -> memref<16x80x128xi32, #tpu.memory_space<hbm>>
      %dma_wait3A_45 = arith.constant 0 : i32
      %dma_wait3A_46 = arith.constant 0 : i32
      %dma_wait3A_47 = tpu.memref_slice %dma_wait3A_44[%arg1, %dma_wait3A_45, %dma_wait3A_46] : memref<16x80x128xi32, #tpu.memory_space<hbm>> -> memref<1x80x128xi32, #tpu.memory_space<hbm>>
      %dma_wait3A_48 = tpu.memref_squeeze %dma_wait3A_47 : memref<1x80x128xi32, #tpu.memory_space<hbm>> -> memref<80x128xi32, #tpu.memory_space<hbm>>
      %dma_wait3A_49 = arith.constant 0 : i32
      %dma_wait3A_50 = arith.constant 0 : i32
      %dma_wait3A_51 = tpu.memref_slice %dma_wait3A_48[%dma_wait3A_49, %dma_wait3A_50] : memref<80x128xi32, #tpu.memory_space<hbm>> -> memref<40x128xi32, #tpu.memory_space<hbm>>
      %dma_wait3A_52 = arith.constant 0 : i32
      %dma_wait3A_53 = arith.constant 0 : i32
      %dma_wait3A_54 = arith.constant 0 : i32
      %dma_wait3A_55 = tpu.memref_slice %arg3[%arg0, %dma_wait3A_52, %dma_wait3A_53, %dma_wait3A_54] : memref<2x16x80x128xi32, #tpu.memory_space<hbm>> -> memref<1x16x80x128xi32, #tpu.memory_space<hbm>>
      %dma_wait3A_56 = tpu.memref_squeeze %dma_wait3A_55 : memref<1x16x80x128xi32, #tpu.memory_space<hbm>> -> memref<16x80x128xi32, #tpu.memory_space<hbm>>
      %dma_wait3A_57 = arith.constant 0 : i32
      %dma_wait3A_58 = arith.constant 0 : i32
      %dma_wait3A_59 = tpu.memref_slice %dma_wait3A_56[%arg1, %dma_wait3A_57, %dma_wait3A_58] : memref<16x80x128xi32, #tpu.memory_space<hbm>> -> memref<1x80x128xi32, #tpu.memory_space<hbm>>
      %dma_wait3A_60 = tpu.memref_squeeze %dma_wait3A_59 : memref<1x80x128xi32, #tpu.memory_space<hbm>> -> memref<80x128xi32, #tpu.memory_space<hbm>>
      %dma_wait3A_61 = arith.constant 0 : i32
      %dma_wait3A_62 = arith.constant 0 : i32
      %dma_wait3A_63 = tpu.memref_slice %dma_wait3A_60[%dma_wait3A_61, %dma_wait3A_62] : memref<80x128xi32, #tpu.memory_space<hbm>> -> memref<40x128xi32, #tpu.memory_space<hbm>>
      tpu.wait_dma2 semaphore(%run_scoped3A : memref<!tpu.dma_semaphore, #tpu.memory_space<semaphore_mem>>) src(%dma_wait3A_63 : memref<40x128xi32, #tpu.memory_space<hbm>>) dst(%arg8 : memref<40x128xi32, #tpu.memory_space<vmem>>)
      tpu.yield
    }) : () -> ()
    %dma_wait3A = arith.constant 0 : i32
    %dma_wait3A_2 = tpu.memref_slice %arg11[%mul3A_0, %dma_wait3A] : memref<10240x128xf32, #tpu.memory_space<vmem_shared>> -> memref<640x128xf32, #tpu.memory_space<vmem_shared>>
    tpu.wait_dma2 semaphore(%arg12 : memref<!tpu.dma_semaphore, #tpu.memory_space<semaphore_mem>>) src(%arg5 : memref<640x128xf32, #tpu.memory_space<hbm>>) dst(%dma_wait3A_2 : memref<640x128xf32, #tpu.memory_space<vmem_shared>>)
    %barrier3A = arith.constant 0 : index
    tpu.barrier barrier_id(%barrier3A)
    %scan3A = arith.constant 0 : i32
    %scan3A_3 = arith.constant 0 : i32
    %scan3A_4 = arith.constant 2 : i32
    %scan3A_5 = arith.addi %scan3A_3, %scan3A_4 : i32
    %scan3A_6 = arith.constant 1 : i32
    %scan3A_7 = scf.for %scan3A_16 = %scan3A_3 to %scan3A_5 step %scan3A_6 iter_args(%scan3A_17 = %scan3A) -> (i32)  : i32 {
      %gt3A = arith.constant 0 : i32
      %gt3A_18 = arith.cmpi sgt, %scan3A_16, %gt3A : i32
      %convert_element_type3A_19 = arith.extui %gt3A_18 : i1 to i32
      %cond3A_20 = arith.constant 0 : i32
      %cond3A_21 = arith.cmpi ne, %convert_element_type3A_19, %cond3A_20 : i32
      scf.if %cond3A_21 {
        %mul3A_30 = arith.constant 40 : i32
        %mul3A_31 = arith.muli %scan3A_16, %mul3A_30 : i32
        "tpu.region"() ({
          %run_scoped3A = tpu.sem_alloc : memref<!tpu.dma_semaphore, #tpu.memory_space<semaphore_mem>>
          %dma_start3A_34 = arith.constant 0 : i32
          %dma_start3A_35 = arith.constant 0 : i32
          %dma_start3A_36 = arith.constant 0 : i32
          %dma_start3A_37 = tpu.memref_slice %arg2[%arg0, %dma_start3A_34, %dma_start3A_35, %dma_start3A_36] : memref<2x16x80x128xi32, #tpu.memory_space<hbm>> -> memref<1x16x80x128xi32, #tpu.memory_space<hbm>>
          %dma_start3A_38 = tpu.memref_squeeze %dma_start3A_37 : memref<1x16x80x128xi32, #tpu.memory_space<hbm>> -> memref<16x80x128xi32, #tpu.memory_space<hbm>>
          %dma_start3A_39 = arith.constant 0 : i32
          %dma_start3A_40 = arith.constant 0 : i32
          %dma_start3A_41 = tpu.memref_slice %dma_start3A_38[%arg1, %dma_start3A_39, %dma_start3A_40] : memref<16x80x128xi32, #tpu.memory_space<hbm>> -> memref<1x80x128xi32, #tpu.memory_space<hbm>>
          %dma_start3A_42 = tpu.memref_squeeze %dma_start3A_41 : memref<1x80x128xi32, #tpu.memory_space<hbm>> -> memref<80x128xi32, #tpu.memory_space<hbm>>
          %dma_start3A_43 = arith.constant 0 : i32
          %dma_start3A_44 = tpu.memref_slice %dma_start3A_42[%mul3A_31, %dma_start3A_43] : memref<80x128xi32, #tpu.memory_space<hbm>> -> memref<40x128xi32, #tpu.memory_space<hbm>>
          %dma_start3A_45 = arith.constant 0 : i32
          %dma_start3A_46 = arith.constant 0 : i32
          %dma_start3A_47 = arith.constant 0 : i32
          %dma_start3A_48 = tpu.memref_slice %arg2[%arg0, %dma_start3A_45, %dma_start3A_46, %dma_start3A_47] : memref<2x16x80x128xi32, #tpu.memory_space<hbm>> -> memref<1x16x80x128xi32, #tpu.memory_space<hbm>>
          %dma_start3A_49 = tpu.memref_squeeze %dma_start3A_48 : memref<1x16x80x128xi32, #tpu.memory_space<hbm>> -> memref<16x80x128xi32, #tpu.memory_space<hbm>>
          %dma_start3A_50 = arith.constant 0 : i32
          %dma_start3A_51 = arith.constant 0 : i32
          %dma_start3A_52 = tpu.memref_slice %dma_start3A_49[%arg1, %dma_start3A_50, %dma_start3A_51] : memref<16x80x128xi32, #tpu.memory_space<hbm>> -> memref<1x80x128xi32, #tpu.memory_space<hbm>>
          %dma_start3A_53 = tpu.memref_squeeze %dma_start3A_52 : memref<1x80x128xi32, #tpu.memory_space<hbm>> -> memref<80x128xi32, #tpu.memory_space<hbm>>
          %dma_start3A_54 = arith.constant 0 : i32
          %dma_start3A_55 = tpu.memref_slice %dma_start3A_53[%mul3A_31, %dma_start3A_54] : memref<80x128xi32, #tpu.memory_space<hbm>> -> memref<40x128xi32, #tpu.memory_space<hbm>>
          tpu.enqueue_dma source(%dma_start3A_55 : memref<40x128xi32, #tpu.memory_space<hbm>>) target(%arg7 : memref<40x128xi32, #tpu.memory_space<vmem>>) target_semaphore(%run_scoped3A : memref<!tpu.dma_semaphore, #tpu.memory_space<semaphore_mem>>)
          %dma_wait3A_56 = arith.constant 0 : i32
          %dma_wait3A_57 = arith.constant 0 : i32
          %dma_wait3A_58 = arith.constant 0 : i32
          %dma_wait3A_59 = tpu.memref_slice %arg2[%arg0, %dma_wait3A_56, %dma_wait3A_57, %dma_wait3A_58] : memref<2x16x80x128xi32, #tpu.memory_space<hbm>> -> memref<1x16x80x128xi32, #tpu.memory_space<hbm>>
          %dma_wait3A_60 = tpu.memref_squeeze %dma_wait3A_59 : memref<1x16x80x128xi32, #tpu.memory_space<hbm>> -> memref<16x80x128xi32, #tpu.memory_space<hbm>>
          %dma_wait3A_61 = arith.constant 0 : i32
          %dma_wait3A_62 = arith.constant 0 : i32
          %dma_wait3A_63 = tpu.memref_slice %dma_wait3A_60[%arg1, %dma_wait3A_61, %dma_wait3A_62] : memref<16x80x128xi32, #tpu.memory_space<hbm>> -> memref<1x80x128xi32, #tpu.memory_space<hbm>>
          %dma_wait3A_64 = tpu.memref_squeeze %dma_wait3A_63 : memref<1x80x128xi32, #tpu.memory_space<hbm>> -> memref<80x128xi32, #tpu.memory_space<hbm>>
          %dma_wait3A_65 = arith.constant 0 : i32
          %dma_wait3A_66 = tpu.memref_slice %dma_wait3A_64[%mul3A_31, %dma_wait3A_65] : memref<80x128xi32, #tpu.memory_space<hbm>> -> memref<40x128xi32, #tpu.memory_space<hbm>>
          %dma_wait3A_67 = arith.constant 0 : i32
          %dma_wait3A_68 = arith.constant 0 : i32
          %dma_wait3A_69 = arith.constant 0 : i32
          %dma_wait3A_70 = tpu.memref_slice %arg2[%arg0, %dma_wait3A_67, %dma_wait3A_68, %dma_wait3A_69] : memref<2x16x80x128xi32, #tpu.memory_space<hbm>> -> memref<1x16x80x128xi32, #tpu.memory_space<hbm>>
          %dma_wait3A_71 = tpu.memref_squeeze %dma_wait3A_70 : memref<1x16x80x128xi32, #tpu.memory_space<hbm>> -> memref<16x80x128xi32, #tpu.memory_space<hbm>>
          %dma_wait3A_72 = arith.constant 0 : i32
          %dma_wait3A_73 = arith.constant 0 : i32
          %dma_wait3A_74 = tpu.memref_slice %dma_wait3A_71[%arg1, %dma_wait3A_72, %dma_wait3A_73] : memref<16x80x128xi32, #tpu.memory_space<hbm>> -> memref<1x80x128xi32, #tpu.memory_space<hbm>>
          %dma_wait3A_75 = tpu.memref_squeeze %dma_wait3A_74 : memref<1x80x128xi32, #tpu.memory_space<hbm>> -> memref<80x128xi32, #tpu.memory_space<hbm>>
          %dma_wait3A_76 = arith.constant 0 : i32
          %dma_wait3A_77 = tpu.memref_slice %dma_wait3A_75[%mul3A_31, %dma_wait3A_76] : memref<80x128xi32, #tpu.memory_space<hbm>> -> memref<40x128xi32, #tpu.memory_space<hbm>>
          tpu.wait_dma2 semaphore(%run_scoped3A : memref<!tpu.dma_semaphore, #tpu.memory_space<semaphore_mem>>) src(%dma_wait3A_77 : memref<40x128xi32, #tpu.memory_space<hbm>>) dst(%arg7 : memref<40x128xi32, #tpu.memory_space<vmem>>)
          tpu.yield
        }) : () -> ()
        %mul3A_32 = arith.constant 40 : i32
        %mul3A_33 = arith.muli %scan3A_16, %mul3A_32 : i32
        "tpu.region"() ({
          %run_scoped3A = tpu.sem_alloc : memref<!tpu.dma_semaphore, #tpu.memory_space<semaphore_mem>>
          %dma_start3A_34 = arith.constant 0 : i32
          %dma_start3A_35 = arith.constant 0 : i32
          %dma_start3A_36 = arith.constant 0 : i32
          %dma_start3A_37 = tpu.memref_slice %arg3[%arg0, %dma_start3A_34, %dma_start3A_35, %dma_start3A_36] : memref<2x16x80x128xi32, #tpu.memory_space<hbm>> -> memref<1x16x80x128xi32, #tpu.memory_space<hbm>>
          %dma_start3A_38 = tpu.memref_squeeze %dma_start3A_37 : memref<1x16x80x128xi32, #tpu.memory_space<hbm>> -> memref<16x80x128xi32, #tpu.memory_space<hbm>>
          %dma_start3A_39 = arith.constant 0 : i32
          %dma_start3A_40 = arith.constant 0 : i32
          %dma_start3A_41 = tpu.memref_slice %dma_start3A_38[%arg1, %dma_start3A_39, %dma_start3A_40] : memref<16x80x128xi32, #tpu.memory_space<hbm>> -> memref<1x80x128xi32, #tpu.memory_space<hbm>>
          %dma_start3A_42 = tpu.memref_squeeze %dma_start3A_41 : memref<1x80x128xi32, #tpu.memory_space<hbm>> -> memref<80x128xi32, #tpu.memory_space<hbm>>
          %dma_start3A_43 = arith.constant 0 : i32
          %dma_start3A_44 = tpu.memref_slice %dma_start3A_42[%mul3A_33, %dma_start3A_43] : memref<80x128xi32, #tpu.memory_space<hbm>> -> memref<40x128xi32, #tpu.memory_space<hbm>>
          %dma_start3A_45 = arith.constant 0 : i32
          %dma_start3A_46 = arith.constant 0 : i32
          %dma_start3A_47 = arith.constant 0 : i32
          %dma_start3A_48 = tpu.memref_slice %arg3[%arg0, %dma_start3A_45, %dma_start3A_46, %dma_start3A_47] : memref<2x16x80x128xi32, #tpu.memory_space<hbm>> -> memref<1x16x80x128xi32, #tpu.memory_space<hbm>>
          %dma_start3A_49 = tpu.memref_squeeze %dma_start3A_48 : memref<1x16x80x128xi32, #tpu.memory_space<hbm>> -> memref<16x80x128xi32, #tpu.memory_space<hbm>>
          %dma_start3A_50 = arith.constant 0 : i32
          %dma_start3A_51 = arith.constant 0 : i32
          %dma_start3A_52 = tpu.memref_slice %dma_start3A_49[%arg1, %dma_start3A_50, %dma_start3A_51] : memref<16x80x128xi32, #tpu.memory_space<hbm>> -> memref<1x80x128xi32, #tpu.memory_space<hbm>>
          %dma_start3A_53 = tpu.memref_squeeze %dma_start3A_52 : memref<1x80x128xi32, #tpu.memory_space<hbm>> -> memref<80x128xi32, #tpu.memory_space<hbm>>
          %dma_start3A_54 = arith.constant 0 : i32
          %dma_start3A_55 = tpu.memref_slice %dma_start3A_53[%mul3A_33, %dma_start3A_54] : memref<80x128xi32, #tpu.memory_space<hbm>> -> memref<40x128xi32, #tpu.memory_space<hbm>>
          tpu.enqueue_dma source(%dma_start3A_55 : memref<40x128xi32, #tpu.memory_space<hbm>>) target(%arg8 : memref<40x128xi32, #tpu.memory_space<vmem>>) target_semaphore(%run_scoped3A : memref<!tpu.dma_semaphore, #tpu.memory_space<semaphore_mem>>)
          %dma_wait3A_56 = arith.constant 0 : i32
          %dma_wait3A_57 = arith.constant 0 : i32
          %dma_wait3A_58 = arith.constant 0 : i32
          %dma_wait3A_59 = tpu.memref_slice %arg3[%arg0, %dma_wait3A_56, %dma_wait3A_57, %dma_wait3A_58] : memref<2x16x80x128xi32, #tpu.memory_space<hbm>> -> memref<1x16x80x128xi32, #tpu.memory_space<hbm>>
          %dma_wait3A_60 = tpu.memref_squeeze %dma_wait3A_59 : memref<1x16x80x128xi32, #tpu.memory_space<hbm>> -> memref<16x80x128xi32, #tpu.memory_space<hbm>>
          %dma_wait3A_61 = arith.constant 0 : i32
          %dma_wait3A_62 = arith.constant 0 : i32
          %dma_wait3A_63 = tpu.memref_slice %dma_wait3A_60[%arg1, %dma_wait3A_61, %dma_wait3A_62] : memref<16x80x128xi32, #tpu.memory_space<hbm>> -> memref<1x80x128xi32, #tpu.memory_space<hbm>>
          %dma_wait3A_64 = tpu.memref_squeeze %dma_wait3A_63 : memref<1x80x128xi32, #tpu.memory_space<hbm>> -> memref<80x128xi32, #tpu.memory_space<hbm>>
          %dma_wait3A_65 = arith.constant 0 : i32
          %dma_wait3A_66 = tpu.memref_slice %dma_wait3A_64[%mul3A_33, %dma_wait3A_65] : memref<80x128xi32, #tpu.memory_space<hbm>> -> memref<40x128xi32, #tpu.memory_space<hbm>>
          %dma_wait3A_67 = arith.constant 0 : i32
          %dma_wait3A_68 = arith.constant 0 : i32
          %dma_wait3A_69 = arith.constant 0 : i32
          %dma_wait3A_70 = tpu.memref_slice %arg3[%arg0, %dma_wait3A_67, %dma_wait3A_68, %dma_wait3A_69] : memref<2x16x80x128xi32, #tpu.memory_space<hbm>> -> memref<1x16x80x128xi32, #tpu.memory_space<hbm>>
          %dma_wait3A_71 = tpu.memref_squeeze %dma_wait3A_70 : memref<1x16x80x128xi32, #tpu.memory_space<hbm>> -> memref<16x80x128xi32, #tpu.memory_space<hbm>>
          %dma_wait3A_72 = arith.constant 0 : i32
          %dma_wait3A_73 = arith.constant 0 : i32
          %dma_wait3A_74 = tpu.memref_slice %dma_wait3A_71[%arg1, %dma_wait3A_72, %dma_wait3A_73] : memref<16x80x128xi32, #tpu.memory_space<hbm>> -> memref<1x80x128xi32, #tpu.memory_space<hbm>>
          %dma_wait3A_75 = tpu.memref_squeeze %dma_wait3A_74 : memref<1x80x128xi32, #tpu.memory_space<hbm>> -> memref<80x128xi32, #tpu.memory_space<hbm>>
          %dma_wait3A_76 = arith.constant 0 : i32
          %dma_wait3A_77 = tpu.memref_slice %dma_wait3A_75[%mul3A_33, %dma_wait3A_76] : memref<80x128xi32, #tpu.memory_space<hbm>> -> memref<40x128xi32, #tpu.memory_space<hbm>>
          tpu.wait_dma2 semaphore(%run_scoped3A : memref<!tpu.dma_semaphore, #tpu.memory_space<semaphore_mem>>) src(%dma_wait3A_77 : memref<40x128xi32, #tpu.memory_space<hbm>>) dst(%arg8 : memref<40x128xi32, #tpu.memory_space<vmem>>)
          tpu.yield
        }) : () -> ()
      } else {
      }
      %scan3A_22 = arith.constant 0 : i32
      %scan3A_23 = arith.constant 0 : i32
      %scan3A_24 = arith.constant 5 : i32
      %scan3A_25 = arith.addi %scan3A_23, %scan3A_24 : i32
      %scan3A_26 = arith.constant 1 : i32
      %scan3A_27 = scf.for %scan3A_30 = %scan3A_23 to %scan3A_25 step %scan3A_26 iter_args(%scan3A_31 = %scan3A_22) -> (i32)  : i32 {
        %mul3A_32 = arith.constant 8 : i32
        %mul3A_33 = arith.muli %scan3A_30, %mul3A_32 : i32
        %dma_start3A_34 = arith.constant 0 : i32
        %dma_start3A_35 = tpu.memref_slice %arg7[%mul3A_33, %dma_start3A_34] : memref<40x128xi32, #tpu.memory_space<vmem>> -> memref<1x128xi32, #tpu.memory_space<vmem>>
        %dma_start3A_36 = tpu.memref_squeeze %dma_start3A_35 : memref<1x128xi32, #tpu.memory_space<vmem>> -> memref<128xi32, #tpu.memory_space<vmem>>
        %dma_start3A_37 = arith.constant 0 : i32
        %dma_start3A_38 = arith.constant 0 : i32
        %dma_start3A_39 = tpu.memref_slice %arg4[%dma_start3A_37, %dma_start3A_38] : memref<10000x128xf32, #tpu.memory_space<hbm>> -> memref<10000x128xf32, #tpu.memory_space<hbm>>
        tpu.enqueue_indirect_dma source(%dma_start3A_39 : memref<10000x128xf32, #tpu.memory_space<hbm>>) target(%arg9 : memref<128x128xf32, #tpu.memory_space<vmem>>) offsets(%dma_start3A_36 : memref<128xi32, #tpu.memory_space<vmem>>) semaphore(%arg12 : memref<!tpu.dma_semaphore, #tpu.memory_space<semaphore_mem>>)
        %add3A = arith.constant 1 : i32
        %add3A_40 = arith.addi %mul3A_33, %add3A : i32
        %dma_start3A_41 = arith.constant 0 : i32
        %dma_start3A_42 = tpu.memref_slice %arg7[%add3A_40, %dma_start3A_41] : memref<40x128xi32, #tpu.memory_space<vmem>> -> memref<1x128xi32, #tpu.memory_space<vmem>>
        %dma_start3A_43 = tpu.memref_squeeze %dma_start3A_42 : memref<1x128xi32, #tpu.memory_space<vmem>> -> memref<128xi32, #tpu.memory_space<vmem>>
        %dma_start3A_44 = arith.constant 0 : i32
        %dma_start3A_45 = arith.constant 0 : i32
        %dma_start3A_46 = tpu.memref_slice %arg4[%dma_start3A_44, %dma_start3A_45] : memref<10000x128xf32, #tpu.memory_space<hbm>> -> memref<10000x128xf32, #tpu.memory_space<hbm>>
        tpu.enqueue_indirect_dma source(%dma_start3A_46 : memref<10000x128xf32, #tpu.memory_space<hbm>>) target(%arg10 : memref<128x128xf32, #tpu.memory_space<vmem>>) offsets(%dma_start3A_43 : memref<128xi32, #tpu.memory_space<vmem>>) semaphore(%arg13 : memref<!tpu.dma_semaphore, #tpu.memory_space<semaphore_mem>>)
        %dma_wait3A_47 = arith.constant 0 : i32
        %dma_wait3A_48 = tpu.memref_slice %arg7[%mul3A_33, %dma_wait3A_47] : memref<40x128xi32, #tpu.memory_space<vmem>> -> memref<1x128xi32, #tpu.memory_space<vmem>>
        %dma_wait3A_49 = tpu.memref_squeeze %dma_wait3A_48 : memref<1x128xi32, #tpu.memory_space<vmem>> -> memref<128xi32, #tpu.memory_space<vmem>>
        %dma_wait3A_50 = arith.constant 0 : i32
        %dma_wait3A_51 = arith.constant 0 : i32
        %dma_wait3A_52 = tpu.memref_slice %arg4[%dma_wait3A_50, %dma_wait3A_51] : memref<10000x128xf32, #tpu.memory_space<hbm>> -> memref<10000x128xf32, #tpu.memory_space<hbm>>
        tpu.wait_indirect_dma semaphore(%arg12 : memref<!tpu.dma_semaphore, #tpu.memory_space<semaphore_mem>>) src(%dma_wait3A_52 : memref<10000x128xf32, #tpu.memory_space<hbm>>) dst(%arg9 : memref<128x128xf32, #tpu.memory_space<vmem>>)
        %add3A_53 = arith.constant 0 : i32
        %add3A_54 = arith.addi %mul3A_33, %add3A_53 : i32
        %dma_start3A_55 = arith.constant 0 : i32
        %dma_start3A_56 = tpu.memref_slice %arg8[%add3A_54, %dma_start3A_55] : memref<40x128xi32, #tpu.memory_space<vmem>> -> memref<1x128xi32, #tpu.memory_space<vmem>>
        %dma_start3A_57 = tpu.memref_squeeze %dma_start3A_56 : memref<1x128xi32, #tpu.memory_space<vmem>> -> memref<128xi32, #tpu.memory_space<vmem>>
        %dma_start3A_58 = arith.constant 0 : i32
        %dma_start3A_59 = arith.constant 0 : i32
        %dma_start3A_60 = tpu.memref_slice %arg11[%dma_start3A_58, %dma_start3A_59] : memref<10240x128xf32, #tpu.memory_space<vmem_shared>> -> memref<10240x128xf32, #tpu.memory_space<vmem_shared>>
        tpu.enqueue_indirect_dma source(%arg9 : memref<128x128xf32, #tpu.memory_space<vmem>>) target(%dma_start3A_60 : memref<10240x128xf32, #tpu.memory_space<vmem_shared>>) offsets(%dma_start3A_57 : memref<128xi32, #tpu.memory_space<vmem>>) semaphore(%arg14 : memref<!tpu.dma_semaphore, #tpu.memory_space<semaphore_mem>>) {add = true}
        %dma_wait3A_61 = arith.constant 0 : i32
        %dma_wait3A_62 = tpu.memref_slice %arg8[%add3A_54, %dma_wait3A_61] : memref<40x128xi32, #tpu.memory_space<vmem>> -> memref<1x128xi32, #tpu.memory_space<vmem>>
        %dma_wait3A_63 = tpu.memref_squeeze %dma_wait3A_62 : memref<1x128xi32, #tpu.memory_space<vmem>> -> memref<128xi32, #tpu.memory_space<vmem>>
        %dma_wait3A_64 = arith.constant 0 : i32
        %dma_wait3A_65 = arith.constant 0 : i32
        %dma_wait3A_66 = tpu.memref_slice %arg11[%dma_wait3A_64, %dma_wait3A_65] : memref<10240x128xf32, #tpu.memory_space<vmem_shared>> -> memref<10240x128xf32, #tpu.memory_space<vmem_shared>>
        tpu.wait_indirect_dma semaphore(%arg14 : memref<!tpu.dma_semaphore, #tpu.memory_space<semaphore_mem>>) src(%arg9 : memref<128x128xf32, #tpu.memory_space<vmem>>) dst(%dma_wait3A_66 : memref<10240x128xf32, #tpu.memory_space<vmem_shared>>)
        %add3A_67 = arith.constant 0 : i32
        %add3A_68 = arith.addi %mul3A_33, %add3A_67 : i32
        %add3A_69 = arith.constant 2 : i32
        %add3A_70 = arith.addi %add3A_68, %add3A_69 : i32
        %dma_start3A_71 = arith.constant 0 : i32
        %dma_start3A_72 = tpu.memref_slice %arg7[%add3A_70, %dma_start3A_71] : memref<40x128xi32, #tpu.memory_space<vmem>> -> memref<1x128xi32, #tpu.memory_space<vmem>>
        %dma_start3A_73 = tpu.memref_squeeze %dma_start3A_72 : memref<1x128xi32, #tpu.memory_space<vmem>> -> memref<128xi32, #tpu.memory_space<vmem>>
        %dma_start3A_74 = arith.constant 0 : i32
        %dma_start3A_75 = arith.constant 0 : i32
        %dma_start3A_76 = tpu.memref_slice %arg4[%dma_start3A_74, %dma_start3A_75] : memref<10000x128xf32, #tpu.memory_space<hbm>> -> memref<10000x128xf32, #tpu.memory_space<hbm>>
        tpu.enqueue_indirect_dma source(%dma_start3A_76 : memref<10000x128xf32, #tpu.memory_space<hbm>>) target(%arg9 : memref<128x128xf32, #tpu.memory_space<vmem>>) offsets(%dma_start3A_73 : memref<128xi32, #tpu.memory_space<vmem>>) semaphore(%arg12 : memref<!tpu.dma_semaphore, #tpu.memory_space<semaphore_mem>>)
        %dma_wait3A_77 = arith.constant 0 : i32
        %dma_wait3A_78 = tpu.memref_slice %arg7[%add3A_40, %dma_wait3A_77] : memref<40x128xi32, #tpu.memory_space<vmem>> -> memref<1x128xi32, #tpu.memory_space<vmem>>
        %dma_wait3A_79 = tpu.memref_squeeze %dma_wait3A_78 : memref<1x128xi32, #tpu.memory_space<vmem>> -> memref<128xi32, #tpu.memory_space<vmem>>
        %dma_wait3A_80 = arith.constant 0 : i32
        %dma_wait3A_81 = arith.constant 0 : i32
        %dma_wait3A_82 = tpu.memref_slice %arg4[%dma_wait3A_80, %dma_wait3A_81] : memref<10000x128xf32, #tpu.memory_space<hbm>> -> memref<10000x128xf32, #tpu.memory_space<hbm>>
        tpu.wait_indirect_dma semaphore(%arg13 : memref<!tpu.dma_semaphore, #tpu.memory_space<semaphore_mem>>) src(%dma_wait3A_82 : memref<10000x128xf32, #tpu.memory_space<hbm>>) dst(%arg10 : memref<128x128xf32, #tpu.memory_space<vmem>>)
        %add3A_83 = arith.constant 1 : i32
        %add3A_84 = arith.addi %mul3A_33, %add3A_83 : i32
        %dma_start3A_85 = arith.constant 0 : i32
        %dma_start3A_86 = tpu.memref_slice %arg8[%add3A_84, %dma_start3A_85] : memref<40x128xi32, #tpu.memory_space<vmem>> -> memref<1x128xi32, #tpu.memory_space<vmem>>
        %dma_start3A_87 = tpu.memref_squeeze %dma_start3A_86 : memref<1x128xi32, #tpu.memory_space<vmem>> -> memref<128xi32, #tpu.memory_space<vmem>>
        %dma_start3A_88 = arith.constant 0 : i32
        %dma_start3A_89 = arith.constant 0 : i32
        %dma_start3A_90 = tpu.memref_slice %arg11[%dma_start3A_88, %dma_start3A_89] : memref<10240x128xf32, #tpu.memory_space<vmem_shared>> -> memref<10240x128xf32, #tpu.memory_space<vmem_shared>>
        tpu.enqueue_indirect_dma source(%arg10 : memref<128x128xf32, #tpu.memory_space<vmem>>) target(%dma_start3A_90 : memref<10240x128xf32, #tpu.memory_space<vmem_shared>>) offsets(%dma_start3A_87 : memref<128xi32, #tpu.memory_space<vmem>>) semaphore(%arg15 : memref<!tpu.dma_semaphore, #tpu.memory_space<semaphore_mem>>) {add = true}
        %dma_wait3A_91 = arith.constant 0 : i32
        %dma_wait3A_92 = tpu.memref_slice %arg8[%add3A_84, %dma_wait3A_91] : memref<40x128xi32, #tpu.memory_space<vmem>> -> memref<1x128xi32, #tpu.memory_space<vmem>>
        %dma_wait3A_93 = tpu.memref_squeeze %dma_wait3A_92 : memref<1x128xi32, #tpu.memory_space<vmem>> -> memref<128xi32, #tpu.memory_space<vmem>>
        %dma_wait3A_94 = arith.constant 0 : i32
        %dma_wait3A_95 = arith.constant 0 : i32
        %dma_wait3A_96 = tpu.memref_slice %arg11[%dma_wait3A_94, %dma_wait3A_95] : memref<10240x128xf32, #tpu.memory_space<vmem_shared>> -> memref<10240x128xf32, #tpu.memory_space<vmem_shared>>
        tpu.wait_indirect_dma semaphore(%arg15 : memref<!tpu.dma_semaphore, #tpu.memory_space<semaphore_mem>>) src(%arg10 : memref<128x128xf32, #tpu.memory_space<vmem>>) dst(%dma_wait3A_96 : memref<10240x128xf32, #tpu.memory_space<vmem_shared>>)
        %add3A_97 = arith.constant 1 : i32
        %add3A_98 = arith.addi %mul3A_33, %add3A_97 : i32
        %add3A_99 = arith.constant 2 : i32
        %add3A_100 = arith.addi %add3A_98, %add3A_99 : i32
        %dma_start3A_101 = arith.constant 0 : i32
        %dma_start3A_102 = tpu.memref_slice %arg7[%add3A_100, %dma_start3A_101] : memref<40x128xi32, #tpu.memory_space<vmem>> -> memref<1x128xi32, #tpu.memory_space<vmem>>
        %dma_start3A_103 = tpu.memref_squeeze %dma_start3A_102 : memref<1x128xi32, #tpu.memory_space<vmem>> -> memref<128xi32, #tpu.memory_space<vmem>>
        %dma_start3A_104 = arith.constant 0 : i32
        %dma_start3A_105 = arith.constant 0 : i32
        %dma_start3A_106 = tpu.memref_slice %arg4[%dma_start3A_104, %dma_start3A_105] : memref<10000x128xf32, #tpu.memory_space<hbm>> -> memref<10000x128xf32, #tpu.memory_space<hbm>>
        tpu.enqueue_indirect_dma source(%dma_start3A_106 : memref<10000x128xf32, #tpu.memory_space<hbm>>) target(%arg10 : memref<128x128xf32, #tpu.memory_space<vmem>>) offsets(%dma_start3A_103 : memref<128xi32, #tpu.memory_space<vmem>>) semaphore(%arg13 : memref<!tpu.dma_semaphore, #tpu.memory_space<semaphore_mem>>)
        %dma_wait3A_107 = arith.constant 0 : i32
        %dma_wait3A_108 = tpu.memref_slice %arg7[%add3A_70, %dma_wait3A_107] : memref<40x128xi32, #tpu.memory_space<vmem>> -> memref<1x128xi32, #tpu.memory_space<vmem>>
        %dma_wait3A_109 = tpu.memref_squeeze %dma_wait3A_108 : memref<1x128xi32, #tpu.memory_space<vmem>> -> memref<128xi32, #tpu.memory_space<vmem>>
        %dma_wait3A_110 = arith.constant 0 : i32
        %dma_wait3A_111 = arith.constant 0 : i32
        %dma_wait3A_112 = tpu.memref_slice %arg4[%dma_wait3A_110, %dma_wait3A_111] : memref<10000x128xf32, #tpu.memory_space<hbm>> -> memref<10000x128xf32, #tpu.memory_space<hbm>>
        tpu.wait_indirect_dma semaphore(%arg12 : memref<!tpu.dma_semaphore, #tpu.memory_space<semaphore_mem>>) src(%dma_wait3A_112 : memref<10000x128xf32, #tpu.memory_space<hbm>>) dst(%arg9 : memref<128x128xf32, #tpu.memory_space<vmem>>)
        %add3A_113 = arith.constant 2 : i32
        %add3A_114 = arith.addi %mul3A_33, %add3A_113 : i32
        %dma_start3A_115 = arith.constant 0 : i32
        %dma_start3A_116 = tpu.memref_slice %arg8[%add3A_114, %dma_start3A_115] : memref<40x128xi32, #tpu.memory_space<vmem>> -> memref<1x128xi32, #tpu.memory_space<vmem>>
        %dma_start3A_117 = tpu.memref_squeeze %dma_start3A_116 : memref<1x128xi32, #tpu.memory_space<vmem>> -> memref<128xi32, #tpu.memory_space<vmem>>
        %dma_start3A_118 = arith.constant 0 : i32
        %dma_start3A_119 = arith.constant 0 : i32
        %dma_start3A_120 = tpu.memref_slice %arg11[%dma_start3A_118, %dma_start3A_119] : memref<10240x128xf32, #tpu.memory_space<vmem_shared>> -> memref<10240x128xf32, #tpu.memory_space<vmem_shared>>
        tpu.enqueue_indirect_dma source(%arg9 : memref<128x128xf32, #tpu.memory_space<vmem>>) target(%dma_start3A_120 : memref<10240x128xf32, #tpu.memory_space<vmem_shared>>) offsets(%dma_start3A_117 : memref<128xi32, #tpu.memory_space<vmem>>) semaphore(%arg14 : memref<!tpu.dma_semaphore, #tpu.memory_space<semaphore_mem>>) {add = true}
        %dma_wait3A_121 = arith.constant 0 : i32
        %dma_wait3A_122 = tpu.memref_slice %arg8[%add3A_114, %dma_wait3A_121] : memref<40x128xi32, #tpu.memory_space<vmem>> -> memref<1x128xi32, #tpu.memory_space<vmem>>
        %dma_wait3A_123 = tpu.memref_squeeze %dma_wait3A_122 : memref<1x128xi32, #tpu.memory_space<vmem>> -> memref<128xi32, #tpu.memory_space<vmem>>
        %dma_wait3A_124 = arith.constant 0 : i32
        %dma_wait3A_125 = arith.constant 0 : i32
        %dma_wait3A_126 = tpu.memref_slice %arg11[%dma_wait3A_124, %dma_wait3A_125] : memref<10240x128xf32, #tpu.memory_space<vmem_shared>> -> memref<10240x128xf32, #tpu.memory_space<vmem_shared>>
        tpu.wait_indirect_dma semaphore(%arg14 : memref<!tpu.dma_semaphore, #tpu.memory_space<semaphore_mem>>) src(%arg9 : memref<128x128xf32, #tpu.memory_space<vmem>>) dst(%dma_wait3A_126 : memref<10240x128xf32, #tpu.memory_space<vmem_shared>>)
        %add3A_127 = arith.constant 2 : i32
        %add3A_128 = arith.addi %mul3A_33, %add3A_127 : i32
        %add3A_129 = arith.constant 2 : i32
        %add3A_130 = arith.addi %add3A_128, %add3A_129 : i32
        %dma_start3A_131 = arith.constant 0 : i32
        %dma_start3A_132 = tpu.memref_slice %arg7[%add3A_130, %dma_start3A_131] : memref<40x128xi32, #tpu.memory_space<vmem>> -> memref<1x128xi32, #tpu.memory_space<vmem>>
        %dma_start3A_133 = tpu.memref_squeeze %dma_start3A_132 : memref<1x128xi32, #tpu.memory_space<vmem>> -> memref<128xi32, #tpu.memory_space<vmem>>
        %dma_start3A_134 = arith.constant 0 : i32
        %dma_start3A_135 = arith.constant 0 : i32
        %dma_start3A_136 = tpu.memref_slice %arg4[%dma_start3A_134, %dma_start3A_135] : memref<10000x128xf32, #tpu.memory_space<hbm>> -> memref<10000x128xf32, #tpu.memory_space<hbm>>
        tpu.enqueue_indirect_dma source(%dma_start3A_136 : memref<10000x128xf32, #tpu.memory_space<hbm>>) target(%arg9 : memref<128x128xf32, #tpu.memory_space<vmem>>) offsets(%dma_start3A_133 : memref<128xi32, #tpu.memory_space<vmem>>) semaphore(%arg12 : memref<!tpu.dma_semaphore, #tpu.memory_space<semaphore_mem>>)
        %dma_wait3A_137 = arith.constant 0 : i32
        %dma_wait3A_138 = tpu.memref_slice %arg7[%add3A_100, %dma_wait3A_137] : memref<40x128xi32, #tpu.memory_space<vmem>> -> memref<1x128xi32, #tpu.memory_space<vmem>>
        %dma_wait3A_139 = tpu.memref_squeeze %dma_wait3A_138 : memref<1x128xi32, #tpu.memory_space<vmem>> -> memref<128xi32, #tpu.memory_space<vmem>>
        %dma_wait3A_140 = arith.constant 0 : i32
        %dma_wait3A_141 = arith.constant 0 : i32
        %dma_wait3A_142 = tpu.memref_slice %arg4[%dma_wait3A_140, %dma_wait3A_141] : memref<10000x128xf32, #tpu.memory_space<hbm>> -> memref<10000x128xf32, #tpu.memory_space<hbm>>
        tpu.wait_indirect_dma semaphore(%arg13 : memref<!tpu.dma_semaphore, #tpu.memory_space<semaphore_mem>>) src(%dma_wait3A_142 : memref<10000x128xf32, #tpu.memory_space<hbm>>) dst(%arg10 : memref<128x128xf32, #tpu.memory_space<vmem>>)
        %add3A_143 = arith.constant 3 : i32
        %add3A_144 = arith.addi %mul3A_33, %add3A_143 : i32
        %dma_start3A_145 = arith.constant 0 : i32
        %dma_start3A_146 = tpu.memref_slice %arg8[%add3A_144, %dma_start3A_145] : memref<40x128xi32, #tpu.memory_space<vmem>> -> memref<1x128xi32, #tpu.memory_space<vmem>>
        %dma_start3A_147 = tpu.memref_squeeze %dma_start3A_146 : memref<1x128xi32, #tpu.memory_space<vmem>> -> memref<128xi32, #tpu.memory_space<vmem>>
        %dma_start3A_148 = arith.constant 0 : i32
        %dma_start3A_149 = arith.constant 0 : i32
        %dma_start3A_150 = tpu.memref_slice %arg11[%dma_start3A_148, %dma_start3A_149] : memref<10240x128xf32, #tpu.memory_space<vmem_shared>> -> memref<10240x128xf32, #tpu.memory_space<vmem_shared>>
        tpu.enqueue_indirect_dma source(%arg10 : memref<128x128xf32, #tpu.memory_space<vmem>>) target(%dma_start3A_150 : memref<10240x128xf32, #tpu.memory_space<vmem_shared>>) offsets(%dma_start3A_147 : memref<128xi32, #tpu.memory_space<vmem>>) semaphore(%arg15 : memref<!tpu.dma_semaphore, #tpu.memory_space<semaphore_mem>>) {add = true}
        %dma_wait3A_151 = arith.constant 0 : i32
        %dma_wait3A_152 = tpu.memref_slice %arg8[%add3A_144, %dma_wait3A_151] : memref<40x128xi32, #tpu.memory_space<vmem>> -> memref<1x128xi32, #tpu.memory_space<vmem>>
        %dma_wait3A_153 = tpu.memref_squeeze %dma_wait3A_152 : memref<1x128xi32, #tpu.memory_space<vmem>> -> memref<128xi32, #tpu.memory_space<vmem>>
        %dma_wait3A_154 = arith.constant 0 : i32
        %dma_wait3A_155 = arith.constant 0 : i32
        %dma_wait3A_156 = tpu.memref_slice %arg11[%dma_wait3A_154, %dma_wait3A_155] : memref<10240x128xf32, #tpu.memory_space<vmem_shared>> -> memref<10240x128xf32, #tpu.memory_space<vmem_shared>>
        tpu.wait_indirect_dma semaphore(%arg15 : memref<!tpu.dma_semaphore, #tpu.memory_space<semaphore_mem>>) src(%arg10 : memref<128x128xf32, #tpu.memory_space<vmem>>) dst(%dma_wait3A_156 : memref<10240x128xf32, #tpu.memory_space<vmem_shared>>)
        %add3A_157 = arith.constant 3 : i32
        %add3A_158 = arith.addi %mul3A_33, %add3A_157 : i32
        %add3A_159 = arith.constant 2 : i32
        %add3A_160 = arith.addi %add3A_158, %add3A_159 : i32
        %dma_start3A_161 = arith.constant 0 : i32
        %dma_start3A_162 = tpu.memref_slice %arg7[%add3A_160, %dma_start3A_161] : memref<40x128xi32, #tpu.memory_space<vmem>> -> memref<1x128xi32, #tpu.memory_space<vmem>>
        %dma_start3A_163 = tpu.memref_squeeze %dma_start3A_162 : memref<1x128xi32, #tpu.memory_space<vmem>> -> memref<128xi32, #tpu.memory_space<vmem>>
        %dma_start3A_164 = arith.constant 0 : i32
        %dma_start3A_165 = arith.constant 0 : i32
        %dma_start3A_166 = tpu.memref_slice %arg4[%dma_start3A_164, %dma_start3A_165] : memref<10000x128xf32, #tpu.memory_space<hbm>> -> memref<10000x128xf32, #tpu.memory_space<hbm>>
        tpu.enqueue_indirect_dma source(%dma_start3A_166 : memref<10000x128xf32, #tpu.memory_space<hbm>>) target(%arg10 : memref<128x128xf32, #tpu.memory_space<vmem>>) offsets(%dma_start3A_163 : memref<128xi32, #tpu.memory_space<vmem>>) semaphore(%arg13 : memref<!tpu.dma_semaphore, #tpu.memory_space<semaphore_mem>>)
        %dma_wait3A_167 = arith.constant 0 : i32
        %dma_wait3A_168 = tpu.memref_slice %arg7[%add3A_130, %dma_wait3A_167] : memref<40x128xi32, #tpu.memory_space<vmem>> -> memref<1x128xi32, #tpu.memory_space<vmem>>
        %dma_wait3A_169 = tpu.memref_squeeze %dma_wait3A_168 : memref<1x128xi32, #tpu.memory_space<vmem>> -> memref<128xi32, #tpu.memory_space<vmem>>
        %dma_wait3A_170 = arith.constant 0 : i32
        %dma_wait3A_171 = arith.constant 0 : i32
        %dma_wait3A_172 = tpu.memref_slice %arg4[%dma_wait3A_170, %dma_wait3A_171] : memref<10000x128xf32, #tpu.memory_space<hbm>> -> memref<10000x128xf32, #tpu.memory_space<hbm>>
        tpu.wait_indirect_dma semaphore(%arg12 : memref<!tpu.dma_semaphore, #tpu.memory_space<semaphore_mem>>) src(%dma_wait3A_172 : memref<10000x128xf32, #tpu.memory_space<hbm>>) dst(%arg9 : memref<128x128xf32, #tpu.memory_space<vmem>>)
        %add3A_173 = arith.constant 4 : i32
        %add3A_174 = arith.addi %mul3A_33, %add3A_173 : i32
        %dma_start3A_175 = arith.constant 0 : i32
        %dma_start3A_176 = tpu.memref_slice %arg8[%add3A_174, %dma_start3A_175] : memref<40x128xi32, #tpu.memory_space<vmem>> -> memref<1x128xi32, #tpu.memory_space<vmem>>
        %dma_start3A_177 = tpu.memref_squeeze %dma_start3A_176 : memref<1x128xi32, #tpu.memory_space<vmem>> -> memref<128xi32, #tpu.memory_space<vmem>>
        %dma_start3A_178 = arith.constant 0 : i32
        %dma_start3A_179 = arith.constant 0 : i32
        %dma_start3A_180 = tpu.memref_slice %arg11[%dma_start3A_178, %dma_start3A_179] : memref<10240x128xf32, #tpu.memory_space<vmem_shared>> -> memref<10240x128xf32, #tpu.memory_space<vmem_shared>>
        tpu.enqueue_indirect_dma source(%arg9 : memref<128x128xf32, #tpu.memory_space<vmem>>) target(%dma_start3A_180 : memref<10240x128xf32, #tpu.memory_space<vmem_shared>>) offsets(%dma_start3A_177 : memref<128xi32, #tpu.memory_space<vmem>>) semaphore(%arg14 : memref<!tpu.dma_semaphore, #tpu.memory_space<semaphore_mem>>) {add = true}
        %dma_wait3A_181 = arith.constant 0 : i32
        %dma_wait3A_182 = tpu.memref_slice %arg8[%add3A_174, %dma_wait3A_181] : memref<40x128xi32, #tpu.memory_space<vmem>> -> memref<1x128xi32, #tpu.memory_space<vmem>>
        %dma_wait3A_183 = tpu.memref_squeeze %dma_wait3A_182 : memref<1x128xi32, #tpu.memory_space<vmem>> -> memref<128xi32, #tpu.memory_space<vmem>>
        %dma_wait3A_184 = arith.constant 0 : i32
        %dma_wait3A_185 = arith.constant 0 : i32
        %dma_wait3A_186 = tpu.memref_slice %arg11[%dma_wait3A_184, %dma_wait3A_185] : memref<10240x128xf32, #tpu.memory_space<vmem_shared>> -> memref<10240x128xf32, #tpu.memory_space<vmem_shared>>
        tpu.wait_indirect_dma semaphore(%arg14 : memref<!tpu.dma_semaphore, #tpu.memory_space<semaphore_mem>>) src(%arg9 : memref<128x128xf32, #tpu.memory_space<vmem>>) dst(%dma_wait3A_186 : memref<10240x128xf32, #tpu.memory_space<vmem_shared>>)
        %add3A_187 = arith.constant 4 : i32
        %add3A_188 = arith.addi %mul3A_33, %add3A_187 : i32
        %add3A_189 = arith.constant 2 : i32
        %add3A_190 = arith.addi %add3A_188, %add3A_189 : i32
        %dma_start3A_191 = arith.constant 0 : i32
        %dma_start3A_192 = tpu.memref_slice %arg7[%add3A_190, %dma_start3A_191] : memref<40x128xi32, #tpu.memory_space<vmem>> -> memref<1x128xi32, #tpu.memory_space<vmem>>
        %dma_start3A_193 = tpu.memref_squeeze %dma_start3A_192 : memref<1x128xi32, #tpu.memory_space<vmem>> -> memref<128xi32, #tpu.memory_space<vmem>>
        %dma_start3A_194 = arith.constant 0 : i32
        %dma_start3A_195 = arith.constant 0 : i32
        %dma_start3A_196 = tpu.memref_slice %arg4[%dma_start3A_194, %dma_start3A_195] : memref<10000x128xf32, #tpu.memory_space<hbm>> -> memref<10000x128xf32, #tpu.memory_space<hbm>>
        tpu.enqueue_indirect_dma source(%dma_start3A_196 : memref<10000x128xf32, #tpu.memory_space<hbm>>) target(%arg9 : memref<128x128xf32, #tpu.memory_space<vmem>>) offsets(%dma_start3A_193 : memref<128xi32, #tpu.memory_space<vmem>>) semaphore(%arg12 : memref<!tpu.dma_semaphore, #tpu.memory_space<semaphore_mem>>)
        %dma_wait3A_197 = arith.constant 0 : i32
        %dma_wait3A_198 = tpu.memref_slice %arg7[%add3A_160, %dma_wait3A_197] : memref<40x128xi32, #tpu.memory_space<vmem>> -> memref<1x128xi32, #tpu.memory_space<vmem>>
        %dma_wait3A_199 = tpu.memref_squeeze %dma_wait3A_198 : memref<1x128xi32, #tpu.memory_space<vmem>> -> memref<128xi32, #tpu.memory_space<vmem>>
        %dma_wait3A_200 = arith.constant 0 : i32
        %dma_wait3A_201 = arith.constant 0 : i32
        %dma_wait3A_202 = tpu.memref_slice %arg4[%dma_wait3A_200, %dma_wait3A_201] : memref<10000x128xf32, #tpu.memory_space<hbm>> -> memref<10000x128xf32, #tpu.memory_space<hbm>>
        tpu.wait_indirect_dma semaphore(%arg13 : memref<!tpu.dma_semaphore, #tpu.memory_space<semaphore_mem>>) src(%dma_wait3A_202 : memref<10000x128xf32, #tpu.memory_space<hbm>>) dst(%arg10 : memref<128x128xf32, #tpu.memory_space<vmem>>)
        %add3A_203 = arith.constant 5 : i32
        %add3A_204 = arith.addi %mul3A_33, %add3A_203 : i32
        %dma_start3A_205 = arith.constant 0 : i32
        %dma_start3A_206 = tpu.memref_slice %arg8[%add3A_204, %dma_start3A_205] : memref<40x128xi32, #tpu.memory_space<vmem>> -> memref<1x128xi32, #tpu.memory_space<vmem>>
        %dma_start3A_207 = tpu.memref_squeeze %dma_start3A_206 : memref<1x128xi32, #tpu.memory_space<vmem>> -> memref<128xi32, #tpu.memory_space<vmem>>
        %dma_start3A_208 = arith.constant 0 : i32
        %dma_start3A_209 = arith.constant 0 : i32
        %dma_start3A_210 = tpu.memref_slice %arg11[%dma_start3A_208, %dma_start3A_209] : memref<10240x128xf32, #tpu.memory_space<vmem_shared>> -> memref<10240x128xf32, #tpu.memory_space<vmem_shared>>
        tpu.enqueue_indirect_dma source(%arg10 : memref<128x128xf32, #tpu.memory_space<vmem>>) target(%dma_start3A_210 : memref<10240x128xf32, #tpu.memory_space<vmem_shared>>) offsets(%dma_start3A_207 : memref<128xi32, #tpu.memory_space<vmem>>) semaphore(%arg15 : memref<!tpu.dma_semaphore, #tpu.memory_space<semaphore_mem>>) {add = true}
        %dma_wait3A_211 = arith.constant 0 : i32
        %dma_wait3A_212 = tpu.memref_slice %arg8[%add3A_204, %dma_wait3A_211] : memref<40x128xi32, #tpu.memory_space<vmem>> -> memref<1x128xi32, #tpu.memory_space<vmem>>
        %dma_wait3A_213 = tpu.memref_squeeze %dma_wait3A_212 : memref<1x128xi32, #tpu.memory_space<vmem>> -> memref<128xi32, #tpu.memory_space<vmem>>
        %dma_wait3A_214 = arith.constant 0 : i32
        %dma_wait3A_215 = arith.constant 0 : i32
        %dma_wait3A_216 = tpu.memref_slice %arg11[%dma_wait3A_214, %dma_wait3A_215] : memref<10240x128xf32, #tpu.memory_space<vmem_shared>> -> memref<10240x128xf32, #tpu.memory_space<vmem_shared>>
        tpu.wait_indirect_dma semaphore(%arg15 : memref<!tpu.dma_semaphore, #tpu.memory_space<semaphore_mem>>) src(%arg10 : memref<128x128xf32, #tpu.memory_space<vmem>>) dst(%dma_wait3A_216 : memref<10240x128xf32, #tpu.memory_space<vmem_shared>>)
        %add3A_217 = arith.constant 5 : i32
        %add3A_218 = arith.addi %mul3A_33, %add3A_217 : i32
        %add3A_219 = arith.constant 2 : i32
        %add3A_220 = arith.addi %add3A_218, %add3A_219 : i32
        %dma_start3A_221 = arith.constant 0 : i32
        %dma_start3A_222 = tpu.memref_slice %arg7[%add3A_220, %dma_start3A_221] : memref<40x128xi32, #tpu.memory_space<vmem>> -> memref<1x128xi32, #tpu.memory_space<vmem>>
        %dma_start3A_223 = tpu.memref_squeeze %dma_start3A_222 : memref<1x128xi32, #tpu.memory_space<vmem>> -> memref<128xi32, #tpu.memory_space<vmem>>
        %dma_start3A_224 = arith.constant 0 : i32
        %dma_start3A_225 = arith.constant 0 : i32
        %dma_start3A_226 = tpu.memref_slice %arg4[%dma_start3A_224, %dma_start3A_225] : memref<10000x128xf32, #tpu.memory_space<hbm>> -> memref<10000x128xf32, #tpu.memory_space<hbm>>
        tpu.enqueue_indirect_dma source(%dma_start3A_226 : memref<10000x128xf32, #tpu.memory_space<hbm>>) target(%arg10 : memref<128x128xf32, #tpu.memory_space<vmem>>) offsets(%dma_start3A_223 : memref<128xi32, #tpu.memory_space<vmem>>) semaphore(%arg13 : memref<!tpu.dma_semaphore, #tpu.memory_space<semaphore_mem>>)
        %dma_wait3A_227 = arith.constant 0 : i32
        %dma_wait3A_228 = tpu.memref_slice %arg7[%add3A_190, %dma_wait3A_227] : memref<40x128xi32, #tpu.memory_space<vmem>> -> memref<1x128xi32, #tpu.memory_space<vmem>>
        %dma_wait3A_229 = tpu.memref_squeeze %dma_wait3A_228 : memref<1x128xi32, #tpu.memory_space<vmem>> -> memref<128xi32, #tpu.memory_space<vmem>>
        %dma_wait3A_230 = arith.constant 0 : i32
        %dma_wait3A_231 = arith.constant 0 : i32
        %dma_wait3A_232 = tpu.memref_slice %arg4[%dma_wait3A_230, %dma_wait3A_231] : memref<10000x128xf32, #tpu.memory_space<hbm>> -> memref<10000x128xf32, #tpu.memory_space<hbm>>
        tpu.wait_indirect_dma semaphore(%arg12 : memref<!tpu.dma_semaphore, #tpu.memory_space<semaphore_mem>>) src(%dma_wait3A_232 : memref<10000x128xf32, #tpu.memory_space<hbm>>) dst(%arg9 : memref<128x128xf32, #tpu.memory_space<vmem>>)
        %add3A_233 = arith.constant 6 : i32
        %add3A_234 = arith.addi %mul3A_33, %add3A_233 : i32
        %dma_start3A_235 = arith.constant 0 : i32
        %dma_start3A_236 = tpu.memref_slice %arg8[%add3A_234, %dma_start3A_235] : memref<40x128xi32, #tpu.memory_space<vmem>> -> memref<1x128xi32, #tpu.memory_space<vmem>>
        %dma_start3A_237 = tpu.memref_squeeze %dma_start3A_236 : memref<1x128xi32, #tpu.memory_space<vmem>> -> memref<128xi32, #tpu.memory_space<vmem>>
        %dma_start3A_238 = arith.constant 0 : i32
        %dma_start3A_239 = arith.constant 0 : i32
        %dma_start3A_240 = tpu.memref_slice %arg11[%dma_start3A_238, %dma_start3A_239] : memref<10240x128xf32, #tpu.memory_space<vmem_shared>> -> memref<10240x128xf32, #tpu.memory_space<vmem_shared>>
        tpu.enqueue_indirect_dma source(%arg9 : memref<128x128xf32, #tpu.memory_space<vmem>>) target(%dma_start3A_240 : memref<10240x128xf32, #tpu.memory_space<vmem_shared>>) offsets(%dma_start3A_237 : memref<128xi32, #tpu.memory_space<vmem>>) semaphore(%arg14 : memref<!tpu.dma_semaphore, #tpu.memory_space<semaphore_mem>>) {add = true}
        %dma_wait3A_241 = arith.constant 0 : i32
        %dma_wait3A_242 = tpu.memref_slice %arg8[%add3A_234, %dma_wait3A_241] : memref<40x128xi32, #tpu.memory_space<vmem>> -> memref<1x128xi32, #tpu.memory_space<vmem>>
        %dma_wait3A_243 = tpu.memref_squeeze %dma_wait3A_242 : memref<1x128xi32, #tpu.memory_space<vmem>> -> memref<128xi32, #tpu.memory_space<vmem>>
        %dma_wait3A_244 = arith.constant 0 : i32
        %dma_wait3A_245 = arith.constant 0 : i32
        %dma_wait3A_246 = tpu.memref_slice %arg11[%dma_wait3A_244, %dma_wait3A_245] : memref<10240x128xf32, #tpu.memory_space<vmem_shared>> -> memref<10240x128xf32, #tpu.memory_space<vmem_shared>>
        tpu.wait_indirect_dma semaphore(%arg14 : memref<!tpu.dma_semaphore, #tpu.memory_space<semaphore_mem>>) src(%arg9 : memref<128x128xf32, #tpu.memory_space<vmem>>) dst(%dma_wait3A_246 : memref<10240x128xf32, #tpu.memory_space<vmem_shared>>)
        %dma_wait3A_247 = arith.constant 0 : i32
        %dma_wait3A_248 = tpu.memref_slice %arg7[%add3A_220, %dma_wait3A_247] : memref<40x128xi32, #tpu.memory_space<vmem>> -> memref<1x128xi32, #tpu.memory_space<vmem>>
        %dma_wait3A_249 = tpu.memref_squeeze %dma_wait3A_248 : memref<1x128xi32, #tpu.memory_space<vmem>> -> memref<128xi32, #tpu.memory_space<vmem>>
        %dma_wait3A_250 = arith.constant 0 : i32
        %dma_wait3A_251 = arith.constant 0 : i32
        %dma_wait3A_252 = tpu.memref_slice %arg4[%dma_wait3A_250, %dma_wait3A_251] : memref<10000x128xf32, #tpu.memory_space<hbm>> -> memref<10000x128xf32, #tpu.memory_space<hbm>>
        tpu.wait_indirect_dma semaphore(%arg13 : memref<!tpu.dma_semaphore, #tpu.memory_space<semaphore_mem>>) src(%dma_wait3A_252 : memref<10000x128xf32, #tpu.memory_space<hbm>>) dst(%arg10 : memref<128x128xf32, #tpu.memory_space<vmem>>)
        %add3A_253 = arith.constant 7 : i32
        %add3A_254 = arith.addi %mul3A_33, %add3A_253 : i32
        %dma_start3A_255 = arith.constant 0 : i32
        %dma_start3A_256 = tpu.memref_slice %arg8[%add3A_254, %dma_start3A_255] : memref<40x128xi32, #tpu.memory_space<vmem>> -> memref<1x128xi32, #tpu.memory_space<vmem>>
        %dma_start3A_257 = tpu.memref_squeeze %dma_start3A_256 : memref<1x128xi32, #tpu.memory_space<vmem>> -> memref<128xi32, #tpu.memory_space<vmem>>
        %dma_start3A_258 = arith.constant 0 : i32
        %dma_start3A_259 = arith.constant 0 : i32
        %dma_start3A_260 = tpu.memref_slice %arg11[%dma_start3A_258, %dma_start3A_259] : memref<10240x128xf32, #tpu.memory_space<vmem_shared>> -> memref<10240x128xf32, #tpu.memory_space<vmem_shared>>
        tpu.enqueue_indirect_dma source(%arg10 : memref<128x128xf32, #tpu.memory_space<vmem>>) target(%dma_start3A_260 : memref<10240x128xf32, #tpu.memory_space<vmem_shared>>) offsets(%dma_start3A_257 : memref<128xi32, #tpu.memory_space<vmem>>) semaphore(%arg15 : memref<!tpu.dma_semaphore, #tpu.memory_space<semaphore_mem>>) {add = true}
        %dma_wait3A_261 = arith.constant 0 : i32
        %dma_wait3A_262 = tpu.memref_slice %arg8[%add3A_254, %dma_wait3A_261] : memref<40x128xi32, #tpu.memory_space<vmem>> -> memref<1x128xi32, #tpu.memory_space<vmem>>
        %dma_wait3A_263 = tpu.memref_squeeze %dma_wait3A_262 : memref<1x128xi32, #tpu.memory_space<vmem>> -> memref<128xi32, #tpu.memory_space<vmem>>
        %dma_wait3A_264 = arith.constant 0 : i32
        %dma_wait3A_265 = arith.constant 0 : i32
        %dma_wait3A_266 = tpu.memref_slice %arg11[%dma_wait3A_264, %dma_wait3A_265] : memref<10240x128xf32, #tpu.memory_space<vmem_shared>> -> memref<10240x128xf32, #tpu.memory_space<vmem_shared>>
        tpu.wait_indirect_dma semaphore(%arg15 : memref<!tpu.dma_semaphore, #tpu.memory_space<semaphore_mem>>) src(%arg10 : memref<128x128xf32, #tpu.memory_space<vmem>>) dst(%dma_wait3A_266 : memref<10240x128xf32, #tpu.memory_space<vmem_shared>>)
        %scan3A_267 = arith.constant 0 : i32
        scf.yield %scan3A_267 : i32
      }
      %scan3A_28 = arith.constant 5 : i32
      %scan3A_29 = arith.constant 0 : i32
      scf.yield %scan3A_29 : i32
    }
    %scan3A_8 = arith.constant 2 : i32
    %barrier3A_9 = arith.constant 0 : index
    tpu.barrier barrier_id(%barrier3A_9)
    %lt3A = arith.constant 15 : i32
    %lt3A_10 = arith.cmpi slt, %arg1, %lt3A : i32
    %convert_element_type3A = arith.extui %lt3A_10 : i1 to i32
    %cond3A = arith.constant 0 : i32
    %cond3A_11 = arith.cmpi ne, %convert_element_type3A, %cond3A : i32
    scf.if %cond3A_11 {
      %mul3A_16 = arith.constant 624 : i32
      %mul3A_17 = arith.muli %arg1, %mul3A_16 : i32
      %mul3A_18 = arith.constant 624 : i32
      %mul3A_19 = arith.muli %arg1, %mul3A_18 : i32
      "tpu.region"() ({
        %run_scoped3A = tpu.sem_alloc : memref<!tpu.dma_semaphore, #tpu.memory_space<semaphore_mem>>
        %dma_start3A_20 = arith.constant 0 : i32
        %dma_start3A_21 = arith.constant 0 : i32
        %dma_start3A_22 = tpu.memref_slice %arg6[%arg0, %dma_start3A_20, %dma_start3A_21] : memref<2x10000x128xf32, #tpu.memory_space<hbm>> -> memref<1x10000x128xf32, #tpu.memory_space<hbm>>
        %dma_start3A_23 = tpu.memref_squeeze %dma_start3A_22 : memref<1x10000x128xf32, #tpu.memory_space<hbm>> -> memref<10000x128xf32, #tpu.memory_space<hbm>>
        %dma_start3A_24 = arith.constant 0 : i32
        %dma_start3A_25 = tpu.memref_slice %dma_start3A_23[%mul3A_19, %dma_start3A_24] : memref<10000x128xf32, #tpu.memory_space<hbm>> -> memref<624x128xf32, #tpu.memory_space<hbm>>
        %dma_start3A_26 = arith.constant 0 : i32
        %dma_start3A_27 = tpu.memref_slice %arg11[%mul3A_17, %dma_start3A_26] : memref<10240x128xf32, #tpu.memory_space<vmem_shared>> -> memref<624x128xf32, #tpu.memory_space<vmem_shared>>
        tpu.enqueue_dma source(%dma_start3A_27 : memref<624x128xf32, #tpu.memory_space<vmem_shared>>) target(%dma_start3A_25 : memref<624x128xf32, #tpu.memory_space<hbm>>) target_semaphore(%run_scoped3A : memref<!tpu.dma_semaphore, #tpu.memory_space<semaphore_mem>>)
        %dma_wait3A_28 = arith.constant 0 : i32
        %dma_wait3A_29 = arith.constant 0 : i32
        %dma_wait3A_30 = tpu.memref_slice %arg6[%arg0, %dma_wait3A_28, %dma_wait3A_29] : memref<2x10000x128xf32, #tpu.memory_space<hbm>> -> memref<1x10000x128xf32, #tpu.memory_space<hbm>>
        %dma_wait3A_31 = tpu.memref_squeeze %dma_wait3A_30 : memref<1x10000x128xf32, #tpu.memory_space<hbm>> -> memref<10000x128xf32, #tpu.memory_space<hbm>>
        %dma_wait3A_32 = arith.constant 0 : i32
        %dma_wait3A_33 = tpu.memref_slice %dma_wait3A_31[%mul3A_19, %dma_wait3A_32] : memref<10000x128xf32, #tpu.memory_space<hbm>> -> memref<624x128xf32, #tpu.memory_space<hbm>>
        %dma_wait3A_34 = arith.constant 0 : i32
        %dma_wait3A_35 = tpu.memref_slice %arg11[%mul3A_17, %dma_wait3A_34] : memref<10240x128xf32, #tpu.memory_space<vmem_shared>> -> memref<624x128xf32, #tpu.memory_space<vmem_shared>>
        tpu.wait_dma2 semaphore(%run_scoped3A : memref<!tpu.dma_semaphore, #tpu.memory_space<semaphore_mem>>) src(%dma_wait3A_35 : memref<624x128xf32, #tpu.memory_space<vmem_shared>>) dst(%dma_wait3A_33 : memref<624x128xf32, #tpu.memory_space<hbm>>)
        tpu.yield
      }) : () -> ()
    } else {
    }
    %eq3A = arith.constant 15 : i32
    %eq3A_12 = arith.cmpi eq, %arg1, %eq3A : i32
    %convert_element_type3A_13 = arith.extui %eq3A_12 : i1 to i32
    %cond3A_14 = arith.constant 0 : i32
    %cond3A_15 = arith.cmpi ne, %convert_element_type3A_13, %cond3A_14 : i32
    scf.if %cond3A_15 {
      "tpu.region"() ({
        %run_scoped3A = tpu.sem_alloc : memref<!tpu.dma_semaphore, #tpu.memory_space<semaphore_mem>>
        %dma_start3A_16 = arith.constant 0 : i32
        %dma_start3A_17 = arith.constant 0 : i32
        %dma_start3A_18 = tpu.memref_slice %arg6[%arg0, %dma_start3A_16, %dma_start3A_17] : memref<2x10000x128xf32, #tpu.memory_space<hbm>> -> memref<1x10000x128xf32, #tpu.memory_space<hbm>>
        %dma_start3A_19 = tpu.memref_squeeze %dma_start3A_18 : memref<1x10000x128xf32, #tpu.memory_space<hbm>> -> memref<10000x128xf32, #tpu.memory_space<hbm>>
        %dma_start3A_20 = arith.constant 9360 : i32
        %dma_start3A_21 = arith.constant 0 : i32
        %dma_start3A_22 = tpu.memref_slice %dma_start3A_19[%dma_start3A_20, %dma_start3A_21] : memref<10000x128xf32, #tpu.memory_space<hbm>> -> memref<640x128xf32, #tpu.memory_space<hbm>>
        %dma_start3A_23 = arith.constant 9360 : i32
        %dma_start3A_24 = arith.constant 0 : i32
        %dma_start3A_25 = tpu.memref_slice %arg11[%dma_start3A_23, %dma_start3A_24] : memref<10240x128xf32, #tpu.memory_space<vmem_shared>> -> memref<640x128xf32, #tpu.memory_space<vmem_shared>>
        tpu.enqueue_dma source(%dma_start3A_25 : memref<640x128xf32, #tpu.memory_space<vmem_shared>>) target(%dma_start3A_22 : memref<640x128xf32, #tpu.memory_space<hbm>>) target_semaphore(%run_scoped3A : memref<!tpu.dma_semaphore, #tpu.memory_space<semaphore_mem>>)
        %dma_wait3A_26 = arith.constant 0 : i32
        %dma_wait3A_27 = arith.constant 0 : i32
        %dma_wait3A_28 = tpu.memref_slice %arg6[%arg0, %dma_wait3A_26, %dma_wait3A_27] : memref<2x10000x128xf32, #tpu.memory_space<hbm>> -> memref<1x10000x128xf32, #tpu.memory_space<hbm>>
        %dma_wait3A_29 = tpu.memref_squeeze %dma_wait3A_28 : memref<1x10000x128xf32, #tpu.memory_space<hbm>> -> memref<10000x128xf32, #tpu.memory_space<hbm>>
        %dma_wait3A_30 = arith.constant 9360 : i32
        %dma_wait3A_31 = arith.constant 0 : i32
        %dma_wait3A_32 = tpu.memref_slice %dma_wait3A_29[%dma_wait3A_30, %dma_wait3A_31] : memref<10000x128xf32, #tpu.memory_space<hbm>> -> memref<640x128xf32, #tpu.memory_space<hbm>>
        %dma_wait3A_33 = arith.constant 9360 : i32
        %dma_wait3A_34 = arith.constant 0 : i32
        %dma_wait3A_35 = tpu.memref_slice %arg11[%dma_wait3A_33, %dma_wait3A_34] : memref<10240x128xf32, #tpu.memory_space<vmem_shared>> -> memref<640x128xf32, #tpu.memory_space<vmem_shared>>
        tpu.wait_dma2 semaphore(%run_scoped3A : memref<!tpu.dma_semaphore, #tpu.memory_space<semaphore_mem>>) src(%dma_wait3A_35 : memref<640x128xf32, #tpu.memory_space<vmem_shared>>) dst(%dma_wait3A_32 : memref<640x128xf32, #tpu.memory_space<hbm>>)
        tpu.yield
      }) : () -> ()
    } else {
    }
    return
  }
}

#map = affine_map<(d0, d1) -> (0, 0, 0, 0)>
#map1 = affine_map<(d0, d1) -> (0, 0)>
#map2 = affine_map<(d0, d1) -> (0, 0, 0)>
module attributes {stable_mosaic.version = 14 : i64} {
  func.func @_segsum_sc(%arg0: i32, %arg1: i32, %arg2: memref<2x16x80x128xi32, #tpu.memory_space<hbm>>, %arg3: memref<2x16x80x128xi32, #tpu.memory_space<hbm>>, %arg4: memref<10000x128xf32, #tpu.memory_space<hbm>>, %arg5: memref<640x128xf32, #tpu.memory_space<hbm>>, %arg6: memref<2x10000x128xf32, #tpu.memory_space<hbm>>, %arg7: memref<40x128xi32, #tpu.memory_space<vmem>>, %arg8: memref<40x128xi32, #tpu.memory_space<vmem>>, %arg9: memref<128x128xf32, #tpu.memory_space<vmem>>, %arg10: memref<128x128xf32, #tpu.memory_space<vmem>>, %arg11: memref<10240x128xf32, #tpu.memory_space<vmem_shared>>, %arg12: memref<!tpu.dma_semaphore, #tpu.memory_space<semaphore_mem>>, %arg13: memref<!tpu.dma_semaphore, #tpu.memory_space<semaphore_mem>>, %arg14: memref<!tpu.dma_semaphore, #tpu.memory_space<semaphore_mem>>, %arg15: memref<!tpu.dma_semaphore, #tpu.memory_space<semaphore_mem>>) attributes {dimension_semantics = [#tpu.dimension_semantics<core_parallel>, #tpu.dimension_semantics<subcore_parallel>], iteration_bounds = array<i64: 2, 16>, scalar_prefetch = 0 : i64, scratch_operands = 9 : i64, tpu.core_type = #tpu.core_type<sc_vector_subcore>, window_params = [{transform_indices = #map}, {transform_indices = #map}, {transform_indices = #map1}, {transform_indices = #map1}, {transform_indices = #map2}]} {
    %mul3A = arith.constant 640 : i32
    %mul3A_0 = arith.muli %arg1, %mul3A : i32
    %dma_start3A = arith.constant 0 : i32
    %dma_start3A_1 = tpu.memref_slice %arg11[%mul3A_0, %dma_start3A] : memref<10240x128xf32, #tpu.memory_space<vmem_shared>> -> memref<640x128xf32, #tpu.memory_space<vmem_shared>>
    tpu.enqueue_dma source(%arg5 : memref<640x128xf32, #tpu.memory_space<hbm>>) target(%dma_start3A_1 : memref<640x128xf32, #tpu.memory_space<vmem_shared>>) target_semaphore(%arg12 : memref<!tpu.dma_semaphore, #tpu.memory_space<semaphore_mem>>)
    "tpu.region"() ({
      %run_scoped3A = tpu.sem_alloc : memref<!tpu.dma_semaphore, #tpu.memory_space<semaphore_mem>>
      %dma_start3A_16 = arith.constant 0 : i32
      %dma_start3A_17 = arith.constant 0 : i32
      %dma_start3A_18 = arith.constant 0 : i32
      %dma_start3A_19 = tpu.memref_slice %arg2[%arg0, %dma_start3A_16, %dma_start3A_17, %dma_start3A_18] : memref<2x16x80x128xi32, #tpu.memory_space<hbm>> -> memref<1x16x80x128xi32, #tpu.memory_space<hbm>>
      %dma_start3A_20 = tpu.memref_squeeze %dma_start3A_19 : memref<1x16x80x128xi32, #tpu.memory_space<hbm>> -> memref<16x80x128xi32, #tpu.memory_space<hbm>>
      %dma_start3A_21 = arith.constant 0 : i32
      %dma_start3A_22 = arith.constant 0 : i32
      %dma_start3A_23 = tpu.memref_slice %dma_start3A_20[%arg1, %dma_start3A_21, %dma_start3A_22] : memref<16x80x128xi32, #tpu.memory_space<hbm>> -> memref<1x80x128xi32, #tpu.memory_space<hbm>>
      %dma_start3A_24 = tpu.memref_squeeze %dma_start3A_23 : memref<1x80x128xi32, #tpu.memory_space<hbm>> -> memref<80x128xi32, #tpu.memory_space<hbm>>
      %dma_start3A_25 = arith.constant 0 : i32
      %dma_start3A_26 = arith.constant 0 : i32
      %dma_start3A_27 = tpu.memref_slice %dma_start3A_24[%dma_start3A_25, %dma_start3A_26] : memref<80x128xi32, #tpu.memory_space<hbm>> -> memref<40x128xi32, #tpu.memory_space<hbm>>
      %dma_start3A_28 = arith.constant 0 : i32
      %dma_start3A_29 = arith.constant 0 : i32
      %dma_start3A_30 = arith.constant 0 : i32
      %dma_start3A_31 = tpu.memref_slice %arg2[%arg0, %dma_start3A_28, %dma_start3A_29, %dma_start3A_30] : memref<2x16x80x128xi32, #tpu.memory_space<hbm>> -> memref<1x16x80x128xi32, #tpu.memory_space<hbm>>
      %dma_start3A_32 = tpu.memref_squeeze %dma_start3A_31 : memref<1x16x80x128xi32, #tpu.memory_space<hbm>> -> memref<16x80x128xi32, #tpu.memory_space<hbm>>
      %dma_start3A_33 = arith.constant 0 : i32
      %dma_start3A_34 = arith.constant 0 : i32
      %dma_start3A_35 = tpu.memref_slice %dma_start3A_32[%arg1, %dma_start3A_33, %dma_start3A_34] : memref<16x80x128xi32, #tpu.memory_space<hbm>> -> memref<1x80x128xi32, #tpu.memory_space<hbm>>
      %dma_start3A_36 = tpu.memref_squeeze %dma_start3A_35 : memref<1x80x128xi32, #tpu.memory_space<hbm>> -> memref<80x128xi32, #tpu.memory_space<hbm>>
      %dma_start3A_37 = arith.constant 0 : i32
      %dma_start3A_38 = arith.constant 0 : i32
      %dma_start3A_39 = tpu.memref_slice %dma_start3A_36[%dma_start3A_37, %dma_start3A_38] : memref<80x128xi32, #tpu.memory_space<hbm>> -> memref<40x128xi32, #tpu.memory_space<hbm>>
      tpu.enqueue_dma source(%dma_start3A_39 : memref<40x128xi32, #tpu.memory_space<hbm>>) target(%arg7 : memref<40x128xi32, #tpu.memory_space<vmem>>) target_semaphore(%run_scoped3A : memref<!tpu.dma_semaphore, #tpu.memory_space<semaphore_mem>>)
      %dma_wait3A_40 = arith.constant 0 : i32
      %dma_wait3A_41 = arith.constant 0 : i32
      %dma_wait3A_42 = arith.constant 0 : i32
      %dma_wait3A_43 = tpu.memref_slice %arg2[%arg0, %dma_wait3A_40, %dma_wait3A_41, %dma_wait3A_42] : memref<2x16x80x128xi32, #tpu.memory_space<hbm>> -> memref<1x16x80x128xi32, #tpu.memory_space<hbm>>
      %dma_wait3A_44 = tpu.memref_squeeze %dma_wait3A_43 : memref<1x16x80x128xi32, #tpu.memory_space<hbm>> -> memref<16x80x128xi32, #tpu.memory_space<hbm>>
      %dma_wait3A_45 = arith.constant 0 : i32
      %dma_wait3A_46 = arith.constant 0 : i32
      %dma_wait3A_47 = tpu.memref_slice %dma_wait3A_44[%arg1, %dma_wait3A_45, %dma_wait3A_46] : memref<16x80x128xi32, #tpu.memory_space<hbm>> -> memref<1x80x128xi32, #tpu.memory_space<hbm>>
      %dma_wait3A_48 = tpu.memref_squeeze %dma_wait3A_47 : memref<1x80x128xi32, #tpu.memory_space<hbm>> -> memref<80x128xi32, #tpu.memory_space<hbm>>
      %dma_wait3A_49 = arith.constant 0 : i32
      %dma_wait3A_50 = arith.constant 0 : i32
      %dma_wait3A_51 = tpu.memref_slice %dma_wait3A_48[%dma_wait3A_49, %dma_wait3A_50] : memref<80x128xi32, #tpu.memory_space<hbm>> -> memref<40x128xi32, #tpu.memory_space<hbm>>
      %dma_wait3A_52 = arith.constant 0 : i32
      %dma_wait3A_53 = arith.constant 0 : i32
      %dma_wait3A_54 = arith.constant 0 : i32
      %dma_wait3A_55 = tpu.memref_slice %arg2[%arg0, %dma_wait3A_52, %dma_wait3A_53, %dma_wait3A_54] : memref<2x16x80x128xi32, #tpu.memory_space<hbm>> -> memref<1x16x80x128xi32, #tpu.memory_space<hbm>>
      %dma_wait3A_56 = tpu.memref_squeeze %dma_wait3A_55 : memref<1x16x80x128xi32, #tpu.memory_space<hbm>> -> memref<16x80x128xi32, #tpu.memory_space<hbm>>
      %dma_wait3A_57 = arith.constant 0 : i32
      %dma_wait3A_58 = arith.constant 0 : i32
      %dma_wait3A_59 = tpu.memref_slice %dma_wait3A_56[%arg1, %dma_wait3A_57, %dma_wait3A_58] : memref<16x80x128xi32, #tpu.memory_space<hbm>> -> memref<1x80x128xi32, #tpu.memory_space<hbm>>
      %dma_wait3A_60 = tpu.memref_squeeze %dma_wait3A_59 : memref<1x80x128xi32, #tpu.memory_space<hbm>> -> memref<80x128xi32, #tpu.memory_space<hbm>>
      %dma_wait3A_61 = arith.constant 0 : i32
      %dma_wait3A_62 = arith.constant 0 : i32
      %dma_wait3A_63 = tpu.memref_slice %dma_wait3A_60[%dma_wait3A_61, %dma_wait3A_62] : memref<80x128xi32, #tpu.memory_space<hbm>> -> memref<40x128xi32, #tpu.memory_space<hbm>>
      tpu.wait_dma2 semaphore(%run_scoped3A : memref<!tpu.dma_semaphore, #tpu.memory_space<semaphore_mem>>) src(%dma_wait3A_63 : memref<40x128xi32, #tpu.memory_space<hbm>>) dst(%arg7 : memref<40x128xi32, #tpu.memory_space<vmem>>)
      tpu.yield
    }) : () -> ()
    "tpu.region"() ({
      %run_scoped3A = tpu.sem_alloc : memref<!tpu.dma_semaphore, #tpu.memory_space<semaphore_mem>>
      %dma_start3A_16 = arith.constant 0 : i32
      %dma_start3A_17 = arith.constant 0 : i32
      %dma_start3A_18 = arith.constant 0 : i32
      %dma_start3A_19 = tpu.memref_slice %arg3[%arg0, %dma_start3A_16, %dma_start3A_17, %dma_start3A_18] : memref<2x16x80x128xi32, #tpu.memory_space<hbm>> -> memref<1x16x80x128xi32, #tpu.memory_space<hbm>>
      %dma_start3A_20 = tpu.memref_squeeze %dma_start3A_19 : memref<1x16x80x128xi32, #tpu.memory_space<hbm>> -> memref<16x80x128xi32, #tpu.memory_space<hbm>>
      %dma_start3A_21 = arith.constant 0 : i32
      %dma_start3A_22 = arith.constant 0 : i32
      %dma_start3A_23 = tpu.memref_slice %dma_start3A_20[%arg1, %dma_start3A_21, %dma_start3A_22] : memref<16x80x128xi32, #tpu.memory_space<hbm>> -> memref<1x80x128xi32, #tpu.memory_space<hbm>>
      %dma_start3A_24 = tpu.memref_squeeze %dma_start3A_23 : memref<1x80x128xi32, #tpu.memory_space<hbm>> -> memref<80x128xi32, #tpu.memory_space<hbm>>
      %dma_start3A_25 = arith.constant 0 : i32
      %dma_start3A_26 = arith.constant 0 : i32
      %dma_start3A_27 = tpu.memref_slice %dma_start3A_24[%dma_start3A_25, %dma_start3A_26] : memref<80x128xi32, #tpu.memory_space<hbm>> -> memref<40x128xi32, #tpu.memory_space<hbm>>
      %dma_start3A_28 = arith.constant 0 : i32
      %dma_start3A_29 = arith.constant 0 : i32
      %dma_start3A_30 = arith.constant 0 : i32
      %dma_start3A_31 = tpu.memref_slice %arg3[%arg0, %dma_start3A_28, %dma_start3A_29, %dma_start3A_30] : memref<2x16x80x128xi32, #tpu.memory_space<hbm>> -> memref<1x16x80x128xi32, #tpu.memory_space<hbm>>
      %dma_start3A_32 = tpu.memref_squeeze %dma_start3A_31 : memref<1x16x80x128xi32, #tpu.memory_space<hbm>> -> memref<16x80x128xi32, #tpu.memory_space<hbm>>
      %dma_start3A_33 = arith.constant 0 : i32
      %dma_start3A_34 = arith.constant 0 : i32
      %dma_start3A_35 = tpu.memref_slice %dma_start3A_32[%arg1, %dma_start3A_33, %dma_start3A_34] : memref<16x80x128xi32, #tpu.memory_space<hbm>> -> memref<1x80x128xi32, #tpu.memory_space<hbm>>
      %dma_start3A_36 = tpu.memref_squeeze %dma_start3A_35 : memref<1x80x128xi32, #tpu.memory_space<hbm>> -> memref<80x128xi32, #tpu.memory_space<hbm>>
      %dma_start3A_37 = arith.constant 0 : i32
      %dma_start3A_38 = arith.constant 0 : i32
      %dma_start3A_39 = tpu.memref_slice %dma_start3A_36[%dma_start3A_37, %dma_start3A_38] : memref<80x128xi32, #tpu.memory_space<hbm>> -> memref<40x128xi32, #tpu.memory_space<hbm>>
      tpu.enqueue_dma source(%dma_start3A_39 : memref<40x128xi32, #tpu.memory_space<hbm>>) target(%arg8 : memref<40x128xi32, #tpu.memory_space<vmem>>) target_semaphore(%run_scoped3A : memref<!tpu.dma_semaphore, #tpu.memory_space<semaphore_mem>>)
      %dma_wait3A_40 = arith.constant 0 : i32
      %dma_wait3A_41 = arith.constant 0 : i32
      %dma_wait3A_42 = arith.constant 0 : i32
      %dma_wait3A_43 = tpu.memref_slice %arg3[%arg0, %dma_wait3A_40, %dma_wait3A_41, %dma_wait3A_42] : memref<2x16x80x128xi32, #tpu.memory_space<hbm>> -> memref<1x16x80x128xi32, #tpu.memory_space<hbm>>
      %dma_wait3A_44 = tpu.memref_squeeze %dma_wait3A_43 : memref<1x16x80x128xi32, #tpu.memory_space<hbm>> -> memref<16x80x128xi32, #tpu.memory_space<hbm>>
      %dma_wait3A_45 = arith.constant 0 : i32
      %dma_wait3A_46 = arith.constant 0 : i32
      %dma_wait3A_47 = tpu.memref_slice %dma_wait3A_44[%arg1, %dma_wait3A_45, %dma_wait3A_46] : memref<16x80x128xi32, #tpu.memory_space<hbm>> -> memref<1x80x128xi32, #tpu.memory_space<hbm>>
      %dma_wait3A_48 = tpu.memref_squeeze %dma_wait3A_47 : memref<1x80x128xi32, #tpu.memory_space<hbm>> -> memref<80x128xi32, #tpu.memory_space<hbm>>
      %dma_wait3A_49 = arith.constant 0 : i32
      %dma_wait3A_50 = arith.constant 0 : i32
      %dma_wait3A_51 = tpu.memref_slice %dma_wait3A_48[%dma_wait3A_49, %dma_wait3A_50] : memref<80x128xi32, #tpu.memory_space<hbm>> -> memref<40x128xi32, #tpu.memory_space<hbm>>
      %dma_wait3A_52 = arith.constant 0 : i32
      %dma_wait3A_53 = arith.constant 0 : i32
      %dma_wait3A_54 = arith.constant 0 : i32
      %dma_wait3A_55 = tpu.memref_slice %arg3[%arg0, %dma_wait3A_52, %dma_wait3A_53, %dma_wait3A_54] : memref<2x16x80x128xi32, #tpu.memory_space<hbm>> -> memref<1x16x80x128xi32, #tpu.memory_space<hbm>>
      %dma_wait3A_56 = tpu.memref_squeeze %dma_wait3A_55 : memref<1x16x80x128xi32, #tpu.memory_space<hbm>> -> memref<16x80x128xi32, #tpu.memory_space<hbm>>
      %dma_wait3A_57 = arith.constant 0 : i32
      %dma_wait3A_58 = arith.constant 0 : i32
      %dma_wait3A_59 = tpu.memref_slice %dma_wait3A_56[%arg1, %dma_wait3A_57, %dma_wait3A_58] : memref<16x80x128xi32, #tpu.memory_space<hbm>> -> memref<1x80x128xi32, #tpu.memory_space<hbm>>
      %dma_wait3A_60 = tpu.memref_squeeze %dma_wait3A_59 : memref<1x80x128xi32, #tpu.memory_space<hbm>> -> memref<80x128xi32, #tpu.memory_space<hbm>>
      %dma_wait3A_61 = arith.constant 0 : i32
      %dma_wait3A_62 = arith.constant 0 : i32
      %dma_wait3A_63 = tpu.memref_slice %dma_wait3A_60[%dma_wait3A_61, %dma_wait3A_62] : memref<80x128xi32, #tpu.memory_space<hbm>> -> memref<40x128xi32, #tpu.memory_space<hbm>>
      tpu.wait_dma2 semaphore(%run_scoped3A : memref<!tpu.dma_semaphore, #tpu.memory_space<semaphore_mem>>) src(%dma_wait3A_63 : memref<40x128xi32, #tpu.memory_space<hbm>>) dst(%arg8 : memref<40x128xi32, #tpu.memory_space<vmem>>)
      tpu.yield
    }) : () -> ()
    %dma_wait3A = arith.constant 0 : i32
    %dma_wait3A_2 = tpu.memref_slice %arg11[%mul3A_0, %dma_wait3A] : memref<10240x128xf32, #tpu.memory_space<vmem_shared>> -> memref<640x128xf32, #tpu.memory_space<vmem_shared>>
    tpu.wait_dma2 semaphore(%arg12 : memref<!tpu.dma_semaphore, #tpu.memory_space<semaphore_mem>>) src(%arg5 : memref<640x128xf32, #tpu.memory_space<hbm>>) dst(%dma_wait3A_2 : memref<640x128xf32, #tpu.memory_space<vmem_shared>>)
    %barrier3A = arith.constant 0 : index
    tpu.barrier barrier_id(%barrier3A)
    %scan3A = arith.constant 0 : i32
    %scan3A_3 = arith.constant 0 : i32
    %scan3A_4 = arith.constant 2 : i32
    %scan3A_5 = arith.addi %scan3A_3, %scan3A_4 : i32
    %scan3A_6 = arith.constant 1 : i32
    %scan3A_7 = scf.for %scan3A_16 = %scan3A_3 to %scan3A_5 step %scan3A_6 iter_args(%scan3A_17 = %scan3A) -> (i32)  : i32 {
      %gt3A = arith.constant 0 : i32
      %gt3A_18 = arith.cmpi sgt, %scan3A_16, %gt3A : i32
      %convert_element_type3A_19 = arith.extui %gt3A_18 : i1 to i32
      %cond3A_20 = arith.constant 0 : i32
      %cond3A_21 = arith.cmpi ne, %convert_element_type3A_19, %cond3A_20 : i32
      scf.if %cond3A_21 {
        %mul3A_30 = arith.constant 40 : i32
        %mul3A_31 = arith.muli %scan3A_16, %mul3A_30 : i32
        "tpu.region"() ({
          %run_scoped3A = tpu.sem_alloc : memref<!tpu.dma_semaphore, #tpu.memory_space<semaphore_mem>>
          %dma_start3A_34 = arith.constant 0 : i32
          %dma_start3A_35 = arith.constant 0 : i32
          %dma_start3A_36 = arith.constant 0 : i32
          %dma_start3A_37 = tpu.memref_slice %arg2[%arg0, %dma_start3A_34, %dma_start3A_35, %dma_start3A_36] : memref<2x16x80x128xi32, #tpu.memory_space<hbm>> -> memref<1x16x80x128xi32, #tpu.memory_space<hbm>>
          %dma_start3A_38 = tpu.memref_squeeze %dma_start3A_37 : memref<1x16x80x128xi32, #tpu.memory_space<hbm>> -> memref<16x80x128xi32, #tpu.memory_space<hbm>>
          %dma_start3A_39 = arith.constant 0 : i32
          %dma_start3A_40 = arith.constant 0 : i32
          %dma_start3A_41 = tpu.memref_slice %dma_start3A_38[%arg1, %dma_start3A_39, %dma_start3A_40] : memref<16x80x128xi32, #tpu.memory_space<hbm>> -> memref<1x80x128xi32, #tpu.memory_space<hbm>>
          %dma_start3A_42 = tpu.memref_squeeze %dma_start3A_41 : memref<1x80x128xi32, #tpu.memory_space<hbm>> -> memref<80x128xi32, #tpu.memory_space<hbm>>
          %dma_start3A_43 = arith.constant 0 : i32
          %dma_start3A_44 = tpu.memref_slice %dma_start3A_42[%mul3A_31, %dma_start3A_43] : memref<80x128xi32, #tpu.memory_space<hbm>> -> memref<40x128xi32, #tpu.memory_space<hbm>>
          %dma_start3A_45 = arith.constant 0 : i32
          %dma_start3A_46 = arith.constant 0 : i32
          %dma_start3A_47 = arith.constant 0 : i32
          %dma_start3A_48 = tpu.memref_slice %arg2[%arg0, %dma_start3A_45, %dma_start3A_46, %dma_start3A_47] : memref<2x16x80x128xi32, #tpu.memory_space<hbm>> -> memref<1x16x80x128xi32, #tpu.memory_space<hbm>>
          %dma_start3A_49 = tpu.memref_squeeze %dma_start3A_48 : memref<1x16x80x128xi32, #tpu.memory_space<hbm>> -> memref<16x80x128xi32, #tpu.memory_space<hbm>>
          %dma_start3A_50 = arith.constant 0 : i32
          %dma_start3A_51 = arith.constant 0 : i32
          %dma_start3A_52 = tpu.memref_slice %dma_start3A_49[%arg1, %dma_start3A_50, %dma_start3A_51] : memref<16x80x128xi32, #tpu.memory_space<hbm>> -> memref<1x80x128xi32, #tpu.memory_space<hbm>>
          %dma_start3A_53 = tpu.memref_squeeze %dma_start3A_52 : memref<1x80x128xi32, #tpu.memory_space<hbm>> -> memref<80x128xi32, #tpu.memory_space<hbm>>
          %dma_start3A_54 = arith.constant 0 : i32
          %dma_start3A_55 = tpu.memref_slice %dma_start3A_53[%mul3A_31, %dma_start3A_54] : memref<80x128xi32, #tpu.memory_space<hbm>> -> memref<40x128xi32, #tpu.memory_space<hbm>>
          tpu.enqueue_dma source(%dma_start3A_55 : memref<40x128xi32, #tpu.memory_space<hbm>>) target(%arg7 : memref<40x128xi32, #tpu.memory_space<vmem>>) target_semaphore(%run_scoped3A : memref<!tpu.dma_semaphore, #tpu.memory_space<semaphore_mem>>)
          %dma_wait3A_56 = arith.constant 0 : i32
          %dma_wait3A_57 = arith.constant 0 : i32
          %dma_wait3A_58 = arith.constant 0 : i32
          %dma_wait3A_59 = tpu.memref_slice %arg2[%arg0, %dma_wait3A_56, %dma_wait3A_57, %dma_wait3A_58] : memref<2x16x80x128xi32, #tpu.memory_space<hbm>> -> memref<1x16x80x128xi32, #tpu.memory_space<hbm>>
          %dma_wait3A_60 = tpu.memref_squeeze %dma_wait3A_59 : memref<1x16x80x128xi32, #tpu.memory_space<hbm>> -> memref<16x80x128xi32, #tpu.memory_space<hbm>>
          %dma_wait3A_61 = arith.constant 0 : i32
          %dma_wait3A_62 = arith.constant 0 : i32
          %dma_wait3A_63 = tpu.memref_slice %dma_wait3A_60[%arg1, %dma_wait3A_61, %dma_wait3A_62] : memref<16x80x128xi32, #tpu.memory_space<hbm>> -> memref<1x80x128xi32, #tpu.memory_space<hbm>>
          %dma_wait3A_64 = tpu.memref_squeeze %dma_wait3A_63 : memref<1x80x128xi32, #tpu.memory_space<hbm>> -> memref<80x128xi32, #tpu.memory_space<hbm>>
          %dma_wait3A_65 = arith.constant 0 : i32
          %dma_wait3A_66 = tpu.memref_slice %dma_wait3A_64[%mul3A_31, %dma_wait3A_65] : memref<80x128xi32, #tpu.memory_space<hbm>> -> memref<40x128xi32, #tpu.memory_space<hbm>>
          %dma_wait3A_67 = arith.constant 0 : i32
          %dma_wait3A_68 = arith.constant 0 : i32
          %dma_wait3A_69 = arith.constant 0 : i32
          %dma_wait3A_70 = tpu.memref_slice %arg2[%arg0, %dma_wait3A_67, %dma_wait3A_68, %dma_wait3A_69] : memref<2x16x80x128xi32, #tpu.memory_space<hbm>> -> memref<1x16x80x128xi32, #tpu.memory_space<hbm>>
          %dma_wait3A_71 = tpu.memref_squeeze %dma_wait3A_70 : memref<1x16x80x128xi32, #tpu.memory_space<hbm>> -> memref<16x80x128xi32, #tpu.memory_space<hbm>>
          %dma_wait3A_72 = arith.constant 0 : i32
          %dma_wait3A_73 = arith.constant 0 : i32
          %dma_wait3A_74 = tpu.memref_slice %dma_wait3A_71[%arg1, %dma_wait3A_72, %dma_wait3A_73] : memref<16x80x128xi32, #tpu.memory_space<hbm>> -> memref<1x80x128xi32, #tpu.memory_space<hbm>>
          %dma_wait3A_75 = tpu.memref_squeeze %dma_wait3A_74 : memref<1x80x128xi32, #tpu.memory_space<hbm>> -> memref<80x128xi32, #tpu.memory_space<hbm>>
          %dma_wait3A_76 = arith.constant 0 : i32
          %dma_wait3A_77 = tpu.memref_slice %dma_wait3A_75[%mul3A_31, %dma_wait3A_76] : memref<80x128xi32, #tpu.memory_space<hbm>> -> memref<40x128xi32, #tpu.memory_space<hbm>>
          tpu.wait_dma2 semaphore(%run_scoped3A : memref<!tpu.dma_semaphore, #tpu.memory_space<semaphore_mem>>) src(%dma_wait3A_77 : memref<40x128xi32, #tpu.memory_space<hbm>>) dst(%arg7 : memref<40x128xi32, #tpu.memory_space<vmem>>)
          tpu.yield
        }) : () -> ()
        %mul3A_32 = arith.constant 40 : i32
        %mul3A_33 = arith.muli %scan3A_16, %mul3A_32 : i32
        "tpu.region"() ({
          %run_scoped3A = tpu.sem_alloc : memref<!tpu.dma_semaphore, #tpu.memory_space<semaphore_mem>>
          %dma_start3A_34 = arith.constant 0 : i32
          %dma_start3A_35 = arith.constant 0 : i32
          %dma_start3A_36 = arith.constant 0 : i32
          %dma_start3A_37 = tpu.memref_slice %arg3[%arg0, %dma_start3A_34, %dma_start3A_35, %dma_start3A_36] : memref<2x16x80x128xi32, #tpu.memory_space<hbm>> -> memref<1x16x80x128xi32, #tpu.memory_space<hbm>>
          %dma_start3A_38 = tpu.memref_squeeze %dma_start3A_37 : memref<1x16x80x128xi32, #tpu.memory_space<hbm>> -> memref<16x80x128xi32, #tpu.memory_space<hbm>>
          %dma_start3A_39 = arith.constant 0 : i32
          %dma_start3A_40 = arith.constant 0 : i32
          %dma_start3A_41 = tpu.memref_slice %dma_start3A_38[%arg1, %dma_start3A_39, %dma_start3A_40] : memref<16x80x128xi32, #tpu.memory_space<hbm>> -> memref<1x80x128xi32, #tpu.memory_space<hbm>>
          %dma_start3A_42 = tpu.memref_squeeze %dma_start3A_41 : memref<1x80x128xi32, #tpu.memory_space<hbm>> -> memref<80x128xi32, #tpu.memory_space<hbm>>
          %dma_start3A_43 = arith.constant 0 : i32
          %dma_start3A_44 = tpu.memref_slice %dma_start3A_42[%mul3A_33, %dma_start3A_43] : memref<80x128xi32, #tpu.memory_space<hbm>> -> memref<40x128xi32, #tpu.memory_space<hbm>>
          %dma_start3A_45 = arith.constant 0 : i32
          %dma_start3A_46 = arith.constant 0 : i32
          %dma_start3A_47 = arith.constant 0 : i32
          %dma_start3A_48 = tpu.memref_slice %arg3[%arg0, %dma_start3A_45, %dma_start3A_46, %dma_start3A_47] : memref<2x16x80x128xi32, #tpu.memory_space<hbm>> -> memref<1x16x80x128xi32, #tpu.memory_space<hbm>>
          %dma_start3A_49 = tpu.memref_squeeze %dma_start3A_48 : memref<1x16x80x128xi32, #tpu.memory_space<hbm>> -> memref<16x80x128xi32, #tpu.memory_space<hbm>>
          %dma_start3A_50 = arith.constant 0 : i32
          %dma_start3A_51 = arith.constant 0 : i32
          %dma_start3A_52 = tpu.memref_slice %dma_start3A_49[%arg1, %dma_start3A_50, %dma_start3A_51] : memref<16x80x128xi32, #tpu.memory_space<hbm>> -> memref<1x80x128xi32, #tpu.memory_space<hbm>>
          %dma_start3A_53 = tpu.memref_squeeze %dma_start3A_52 : memref<1x80x128xi32, #tpu.memory_space<hbm>> -> memref<80x128xi32, #tpu.memory_space<hbm>>
          %dma_start3A_54 = arith.constant 0 : i32
          %dma_start3A_55 = tpu.memref_slice %dma_start3A_53[%mul3A_33, %dma_start3A_54] : memref<80x128xi32, #tpu.memory_space<hbm>> -> memref<40x128xi32, #tpu.memory_space<hbm>>
          tpu.enqueue_dma source(%dma_start3A_55 : memref<40x128xi32, #tpu.memory_space<hbm>>) target(%arg8 : memref<40x128xi32, #tpu.memory_space<vmem>>) target_semaphore(%run_scoped3A : memref<!tpu.dma_semaphore, #tpu.memory_space<semaphore_mem>>)
          %dma_wait3A_56 = arith.constant 0 : i32
          %dma_wait3A_57 = arith.constant 0 : i32
          %dma_wait3A_58 = arith.constant 0 : i32
          %dma_wait3A_59 = tpu.memref_slice %arg3[%arg0, %dma_wait3A_56, %dma_wait3A_57, %dma_wait3A_58] : memref<2x16x80x128xi32, #tpu.memory_space<hbm>> -> memref<1x16x80x128xi32, #tpu.memory_space<hbm>>
          %dma_wait3A_60 = tpu.memref_squeeze %dma_wait3A_59 : memref<1x16x80x128xi32, #tpu.memory_space<hbm>> -> memref<16x80x128xi32, #tpu.memory_space<hbm>>
          %dma_wait3A_61 = arith.constant 0 : i32
          %dma_wait3A_62 = arith.constant 0 : i32
          %dma_wait3A_63 = tpu.memref_slice %dma_wait3A_60[%arg1, %dma_wait3A_61, %dma_wait3A_62] : memref<16x80x128xi32, #tpu.memory_space<hbm>> -> memref<1x80x128xi32, #tpu.memory_space<hbm>>
          %dma_wait3A_64 = tpu.memref_squeeze %dma_wait3A_63 : memref<1x80x128xi32, #tpu.memory_space<hbm>> -> memref<80x128xi32, #tpu.memory_space<hbm>>
          %dma_wait3A_65 = arith.constant 0 : i32
          %dma_wait3A_66 = tpu.memref_slice %dma_wait3A_64[%mul3A_33, %dma_wait3A_65] : memref<80x128xi32, #tpu.memory_space<hbm>> -> memref<40x128xi32, #tpu.memory_space<hbm>>
          %dma_wait3A_67 = arith.constant 0 : i32
          %dma_wait3A_68 = arith.constant 0 : i32
          %dma_wait3A_69 = arith.constant 0 : i32
          %dma_wait3A_70 = tpu.memref_slice %arg3[%arg0, %dma_wait3A_67, %dma_wait3A_68, %dma_wait3A_69] : memref<2x16x80x128xi32, #tpu.memory_space<hbm>> -> memref<1x16x80x128xi32, #tpu.memory_space<hbm>>
          %dma_wait3A_71 = tpu.memref_squeeze %dma_wait3A_70 : memref<1x16x80x128xi32, #tpu.memory_space<hbm>> -> memref<16x80x128xi32, #tpu.memory_space<hbm>>
          %dma_wait3A_72 = arith.constant 0 : i32
          %dma_wait3A_73 = arith.constant 0 : i32
          %dma_wait3A_74 = tpu.memref_slice %dma_wait3A_71[%arg1, %dma_wait3A_72, %dma_wait3A_73] : memref<16x80x128xi32, #tpu.memory_space<hbm>> -> memref<1x80x128xi32, #tpu.memory_space<hbm>>
          %dma_wait3A_75 = tpu.memref_squeeze %dma_wait3A_74 : memref<1x80x128xi32, #tpu.memory_space<hbm>> -> memref<80x128xi32, #tpu.memory_space<hbm>>
          %dma_wait3A_76 = arith.constant 0 : i32
          %dma_wait3A_77 = tpu.memref_slice %dma_wait3A_75[%mul3A_33, %dma_wait3A_76] : memref<80x128xi32, #tpu.memory_space<hbm>> -> memref<40x128xi32, #tpu.memory_space<hbm>>
          tpu.wait_dma2 semaphore(%run_scoped3A : memref<!tpu.dma_semaphore, #tpu.memory_space<semaphore_mem>>) src(%dma_wait3A_77 : memref<40x128xi32, #tpu.memory_space<hbm>>) dst(%arg8 : memref<40x128xi32, #tpu.memory_space<vmem>>)
          tpu.yield
        }) : () -> ()
      } else {
      }
      %scan3A_22 = arith.constant 0 : i32
      %scan3A_23 = arith.constant 0 : i32
      %scan3A_24 = arith.constant 5 : i32
      %scan3A_25 = arith.addi %scan3A_23, %scan3A_24 : i32
      %scan3A_26 = arith.constant 1 : i32
      %scan3A_27 = scf.for %scan3A_30 = %scan3A_23 to %scan3A_25 step %scan3A_26 iter_args(%scan3A_31 = %scan3A_22) -> (i32)  : i32 {
        %mul3A_32 = arith.constant 8 : i32
        %mul3A_33 = arith.muli %scan3A_30, %mul3A_32 : i32
        %dma_start3A_34 = arith.constant 0 : i32
        %dma_start3A_35 = tpu.memref_slice %arg7[%mul3A_33, %dma_start3A_34] : memref<40x128xi32, #tpu.memory_space<vmem>> -> memref<1x128xi32, #tpu.memory_space<vmem>>
        %dma_start3A_36 = tpu.memref_squeeze %dma_start3A_35 : memref<1x128xi32, #tpu.memory_space<vmem>> -> memref<128xi32, #tpu.memory_space<vmem>>
        %dma_start3A_37 = arith.constant 0 : i32
        %dma_start3A_38 = arith.constant 0 : i32
        %dma_start3A_39 = tpu.memref_slice %arg4[%dma_start3A_37, %dma_start3A_38] : memref<10000x128xf32, #tpu.memory_space<hbm>> -> memref<10000x128xf32, #tpu.memory_space<hbm>>
        tpu.enqueue_indirect_dma source(%dma_start3A_39 : memref<10000x128xf32, #tpu.memory_space<hbm>>) target(%arg9 : memref<128x128xf32, #tpu.memory_space<vmem>>) offsets(%dma_start3A_36 : memref<128xi32, #tpu.memory_space<vmem>>) semaphore(%arg12 : memref<!tpu.dma_semaphore, #tpu.memory_space<semaphore_mem>>)
        %add3A = arith.constant 1 : i32
        %add3A_40 = arith.addi %mul3A_33, %add3A : i32
        %dma_start3A_41 = arith.constant 0 : i32
        %dma_start3A_42 = tpu.memref_slice %arg7[%add3A_40, %dma_start3A_41] : memref<40x128xi32, #tpu.memory_space<vmem>> -> memref<1x128xi32, #tpu.memory_space<vmem>>
        %dma_start3A_43 = tpu.memref_squeeze %dma_start3A_42 : memref<1x128xi32, #tpu.memory_space<vmem>> -> memref<128xi32, #tpu.memory_space<vmem>>
        %dma_start3A_44 = arith.constant 0 : i32
        %dma_start3A_45 = arith.constant 0 : i32
        %dma_start3A_46 = tpu.memref_slice %arg4[%dma_start3A_44, %dma_start3A_45] : memref<10000x128xf32, #tpu.memory_space<hbm>> -> memref<10000x128xf32, #tpu.memory_space<hbm>>
        tpu.enqueue_indirect_dma source(%dma_start3A_46 : memref<10000x128xf32, #tpu.memory_space<hbm>>) target(%arg10 : memref<128x128xf32, #tpu.memory_space<vmem>>) offsets(%dma_start3A_43 : memref<128xi32, #tpu.memory_space<vmem>>) semaphore(%arg13 : memref<!tpu.dma_semaphore, #tpu.memory_space<semaphore_mem>>)
        %dma_wait3A_47 = arith.constant 0 : i32
        %dma_wait3A_48 = tpu.memref_slice %arg7[%mul3A_33, %dma_wait3A_47] : memref<40x128xi32, #tpu.memory_space<vmem>> -> memref<1x128xi32, #tpu.memory_space<vmem>>
        %dma_wait3A_49 = tpu.memref_squeeze %dma_wait3A_48 : memref<1x128xi32, #tpu.memory_space<vmem>> -> memref<128xi32, #tpu.memory_space<vmem>>
        %dma_wait3A_50 = arith.constant 0 : i32
        %dma_wait3A_51 = arith.constant 0 : i32
        %dma_wait3A_52 = tpu.memref_slice %arg4[%dma_wait3A_50, %dma_wait3A_51] : memref<10000x128xf32, #tpu.memory_space<hbm>> -> memref<10000x128xf32, #tpu.memory_space<hbm>>
        tpu.wait_indirect_dma semaphore(%arg12 : memref<!tpu.dma_semaphore, #tpu.memory_space<semaphore_mem>>) src(%dma_wait3A_52 : memref<10000x128xf32, #tpu.memory_space<hbm>>) dst(%arg9 : memref<128x128xf32, #tpu.memory_space<vmem>>)
        %add3A_53 = arith.constant 0 : i32
        %add3A_54 = arith.addi %mul3A_33, %add3A_53 : i32
        %dma_start3A_55 = arith.constant 0 : i32
        %dma_start3A_56 = tpu.memref_slice %arg8[%add3A_54, %dma_start3A_55] : memref<40x128xi32, #tpu.memory_space<vmem>> -> memref<1x128xi32, #tpu.memory_space<vmem>>
        %dma_start3A_57 = tpu.memref_squeeze %dma_start3A_56 : memref<1x128xi32, #tpu.memory_space<vmem>> -> memref<128xi32, #tpu.memory_space<vmem>>
        %dma_start3A_58 = arith.constant 0 : i32
        %dma_start3A_59 = arith.constant 0 : i32
        %dma_start3A_60 = tpu.memref_slice %arg11[%dma_start3A_58, %dma_start3A_59] : memref<10240x128xf32, #tpu.memory_space<vmem_shared>> -> memref<10240x128xf32, #tpu.memory_space<vmem_shared>>
        tpu.enqueue_indirect_dma source(%arg9 : memref<128x128xf32, #tpu.memory_space<vmem>>) target(%dma_start3A_60 : memref<10240x128xf32, #tpu.memory_space<vmem_shared>>) offsets(%dma_start3A_57 : memref<128xi32, #tpu.memory_space<vmem>>) semaphore(%arg14 : memref<!tpu.dma_semaphore, #tpu.memory_space<semaphore_mem>>) {add = true}
        %dma_wait3A_61 = arith.constant 0 : i32
        %dma_wait3A_62 = tpu.memref_slice %arg8[%add3A_54, %dma_wait3A_61] : memref<40x128xi32, #tpu.memory_space<vmem>> -> memref<1x128xi32, #tpu.memory_space<vmem>>
        %dma_wait3A_63 = tpu.memref_squeeze %dma_wait3A_62 : memref<1x128xi32, #tpu.memory_space<vmem>> -> memref<128xi32, #tpu.memory_space<vmem>>
        %dma_wait3A_64 = arith.constant 0 : i32
        %dma_wait3A_65 = arith.constant 0 : i32
        %dma_wait3A_66 = tpu.memref_slice %arg11[%dma_wait3A_64, %dma_wait3A_65] : memref<10240x128xf32, #tpu.memory_space<vmem_shared>> -> memref<10240x128xf32, #tpu.memory_space<vmem_shared>>
        tpu.wait_indirect_dma semaphore(%arg14 : memref<!tpu.dma_semaphore, #tpu.memory_space<semaphore_mem>>) src(%arg9 : memref<128x128xf32, #tpu.memory_space<vmem>>) dst(%dma_wait3A_66 : memref<10240x128xf32, #tpu.memory_space<vmem_shared>>)
        %add3A_67 = arith.constant 0 : i32
        %add3A_68 = arith.addi %mul3A_33, %add3A_67 : i32
        %add3A_69 = arith.constant 2 : i32
        %add3A_70 = arith.addi %add3A_68, %add3A_69 : i32
        %dma_start3A_71 = arith.constant 0 : i32
        %dma_start3A_72 = tpu.memref_slice %arg7[%add3A_70, %dma_start3A_71] : memref<40x128xi32, #tpu.memory_space<vmem>> -> memref<1x128xi32, #tpu.memory_space<vmem>>
        %dma_start3A_73 = tpu.memref_squeeze %dma_start3A_72 : memref<1x128xi32, #tpu.memory_space<vmem>> -> memref<128xi32, #tpu.memory_space<vmem>>
        %dma_start3A_74 = arith.constant 0 : i32
        %dma_start3A_75 = arith.constant 0 : i32
        %dma_start3A_76 = tpu.memref_slice %arg4[%dma_start3A_74, %dma_start3A_75] : memref<10000x128xf32, #tpu.memory_space<hbm>> -> memref<10000x128xf32, #tpu.memory_space<hbm>>
        tpu.enqueue_indirect_dma source(%dma_start3A_76 : memref<10000x128xf32, #tpu.memory_space<hbm>>) target(%arg9 : memref<128x128xf32, #tpu.memory_space<vmem>>) offsets(%dma_start3A_73 : memref<128xi32, #tpu.memory_space<vmem>>) semaphore(%arg12 : memref<!tpu.dma_semaphore, #tpu.memory_space<semaphore_mem>>)
        %dma_wait3A_77 = arith.constant 0 : i32
        %dma_wait3A_78 = tpu.memref_slice %arg7[%add3A_40, %dma_wait3A_77] : memref<40x128xi32, #tpu.memory_space<vmem>> -> memref<1x128xi32, #tpu.memory_space<vmem>>
        %dma_wait3A_79 = tpu.memref_squeeze %dma_wait3A_78 : memref<1x128xi32, #tpu.memory_space<vmem>> -> memref<128xi32, #tpu.memory_space<vmem>>
        %dma_wait3A_80 = arith.constant 0 : i32
        %dma_wait3A_81 = arith.constant 0 : i32
        %dma_wait3A_82 = tpu.memref_slice %arg4[%dma_wait3A_80, %dma_wait3A_81] : memref<10000x128xf32, #tpu.memory_space<hbm>> -> memref<10000x128xf32, #tpu.memory_space<hbm>>
        tpu.wait_indirect_dma semaphore(%arg13 : memref<!tpu.dma_semaphore, #tpu.memory_space<semaphore_mem>>) src(%dma_wait3A_82 : memref<10000x128xf32, #tpu.memory_space<hbm>>) dst(%arg10 : memref<128x128xf32, #tpu.memory_space<vmem>>)
        %add3A_83 = arith.constant 1 : i32
        %add3A_84 = arith.addi %mul3A_33, %add3A_83 : i32
        %dma_start3A_85 = arith.constant 0 : i32
        %dma_start3A_86 = tpu.memref_slice %arg8[%add3A_84, %dma_start3A_85] : memref<40x128xi32, #tpu.memory_space<vmem>> -> memref<1x128xi32, #tpu.memory_space<vmem>>
        %dma_start3A_87 = tpu.memref_squeeze %dma_start3A_86 : memref<1x128xi32, #tpu.memory_space<vmem>> -> memref<128xi32, #tpu.memory_space<vmem>>
        %dma_start3A_88 = arith.constant 0 : i32
        %dma_start3A_89 = arith.constant 0 : i32
        %dma_start3A_90 = tpu.memref_slice %arg11[%dma_start3A_88, %dma_start3A_89] : memref<10240x128xf32, #tpu.memory_space<vmem_shared>> -> memref<10240x128xf32, #tpu.memory_space<vmem_shared>>
        tpu.enqueue_indirect_dma source(%arg10 : memref<128x128xf32, #tpu.memory_space<vmem>>) target(%dma_start3A_90 : memref<10240x128xf32, #tpu.memory_space<vmem_shared>>) offsets(%dma_start3A_87 : memref<128xi32, #tpu.memory_space<vmem>>) semaphore(%arg15 : memref<!tpu.dma_semaphore, #tpu.memory_space<semaphore_mem>>) {add = true}
        %dma_wait3A_91 = arith.constant 0 : i32
        %dma_wait3A_92 = tpu.memref_slice %arg8[%add3A_84, %dma_wait3A_91] : memref<40x128xi32, #tpu.memory_space<vmem>> -> memref<1x128xi32, #tpu.memory_space<vmem>>
        %dma_wait3A_93 = tpu.memref_squeeze %dma_wait3A_92 : memref<1x128xi32, #tpu.memory_space<vmem>> -> memref<128xi32, #tpu.memory_space<vmem>>
        %dma_wait3A_94 = arith.constant 0 : i32
        %dma_wait3A_95 = arith.constant 0 : i32
        %dma_wait3A_96 = tpu.memref_slice %arg11[%dma_wait3A_94, %dma_wait3A_95] : memref<10240x128xf32, #tpu.memory_space<vmem_shared>> -> memref<10240x128xf32, #tpu.memory_space<vmem_shared>>
        tpu.wait_indirect_dma semaphore(%arg15 : memref<!tpu.dma_semaphore, #tpu.memory_space<semaphore_mem>>) src(%arg10 : memref<128x128xf32, #tpu.memory_space<vmem>>) dst(%dma_wait3A_96 : memref<10240x128xf32, #tpu.memory_space<vmem_shared>>)
        %add3A_97 = arith.constant 1 : i32
        %add3A_98 = arith.addi %mul3A_33, %add3A_97 : i32
        %add3A_99 = arith.constant 2 : i32
        %add3A_100 = arith.addi %add3A_98, %add3A_99 : i32
        %dma_start3A_101 = arith.constant 0 : i32
        %dma_start3A_102 = tpu.memref_slice %arg7[%add3A_100, %dma_start3A_101] : memref<40x128xi32, #tpu.memory_space<vmem>> -> memref<1x128xi32, #tpu.memory_space<vmem>>
        %dma_start3A_103 = tpu.memref_squeeze %dma_start3A_102 : memref<1x128xi32, #tpu.memory_space<vmem>> -> memref<128xi32, #tpu.memory_space<vmem>>
        %dma_start3A_104 = arith.constant 0 : i32
        %dma_start3A_105 = arith.constant 0 : i32
        %dma_start3A_106 = tpu.memref_slice %arg4[%dma_start3A_104, %dma_start3A_105] : memref<10000x128xf32, #tpu.memory_space<hbm>> -> memref<10000x128xf32, #tpu.memory_space<hbm>>
        tpu.enqueue_indirect_dma source(%dma_start3A_106 : memref<10000x128xf32, #tpu.memory_space<hbm>>) target(%arg10 : memref<128x128xf32, #tpu.memory_space<vmem>>) offsets(%dma_start3A_103 : memref<128xi32, #tpu.memory_space<vmem>>) semaphore(%arg13 : memref<!tpu.dma_semaphore, #tpu.memory_space<semaphore_mem>>)
        %dma_wait3A_107 = arith.constant 0 : i32
        %dma_wait3A_108 = tpu.memref_slice %arg7[%add3A_70, %dma_wait3A_107] : memref<40x128xi32, #tpu.memory_space<vmem>> -> memref<1x128xi32, #tpu.memory_space<vmem>>
        %dma_wait3A_109 = tpu.memref_squeeze %dma_wait3A_108 : memref<1x128xi32, #tpu.memory_space<vmem>> -> memref<128xi32, #tpu.memory_space<vmem>>
        %dma_wait3A_110 = arith.constant 0 : i32
        %dma_wait3A_111 = arith.constant 0 : i32
        %dma_wait3A_112 = tpu.memref_slice %arg4[%dma_wait3A_110, %dma_wait3A_111] : memref<10000x128xf32, #tpu.memory_space<hbm>> -> memref<10000x128xf32, #tpu.memory_space<hbm>>
        tpu.wait_indirect_dma semaphore(%arg12 : memref<!tpu.dma_semaphore, #tpu.memory_space<semaphore_mem>>) src(%dma_wait3A_112 : memref<10000x128xf32, #tpu.memory_space<hbm>>) dst(%arg9 : memref<128x128xf32, #tpu.memory_space<vmem>>)
        %add3A_113 = arith.constant 2 : i32
        %add3A_114 = arith.addi %mul3A_33, %add3A_113 : i32
        %dma_start3A_115 = arith.constant 0 : i32
        %dma_start3A_116 = tpu.memref_slice %arg8[%add3A_114, %dma_start3A_115] : memref<40x128xi32, #tpu.memory_space<vmem>> -> memref<1x128xi32, #tpu.memory_space<vmem>>
        %dma_start3A_117 = tpu.memref_squeeze %dma_start3A_116 : memref<1x128xi32, #tpu.memory_space<vmem>> -> memref<128xi32, #tpu.memory_space<vmem>>
        %dma_start3A_118 = arith.constant 0 : i32
        %dma_start3A_119 = arith.constant 0 : i32
        %dma_start3A_120 = tpu.memref_slice %arg11[%dma_start3A_118, %dma_start3A_119] : memref<10240x128xf32, #tpu.memory_space<vmem_shared>> -> memref<10240x128xf32, #tpu.memory_space<vmem_shared>>
        tpu.enqueue_indirect_dma source(%arg9 : memref<128x128xf32, #tpu.memory_space<vmem>>) target(%dma_start3A_120 : memref<10240x128xf32, #tpu.memory_space<vmem_shared>>) offsets(%dma_start3A_117 : memref<128xi32, #tpu.memory_space<vmem>>) semaphore(%arg14 : memref<!tpu.dma_semaphore, #tpu.memory_space<semaphore_mem>>) {add = true}
        %dma_wait3A_121 = arith.constant 0 : i32
        %dma_wait3A_122 = tpu.memref_slice %arg8[%add3A_114, %dma_wait3A_121] : memref<40x128xi32, #tpu.memory_space<vmem>> -> memref<1x128xi32, #tpu.memory_space<vmem>>
        %dma_wait3A_123 = tpu.memref_squeeze %dma_wait3A_122 : memref<1x128xi32, #tpu.memory_space<vmem>> -> memref<128xi32, #tpu.memory_space<vmem>>
        %dma_wait3A_124 = arith.constant 0 : i32
        %dma_wait3A_125 = arith.constant 0 : i32
        %dma_wait3A_126 = tpu.memref_slice %arg11[%dma_wait3A_124, %dma_wait3A_125] : memref<10240x128xf32, #tpu.memory_space<vmem_shared>> -> memref<10240x128xf32, #tpu.memory_space<vmem_shared>>
        tpu.wait_indirect_dma semaphore(%arg14 : memref<!tpu.dma_semaphore, #tpu.memory_space<semaphore_mem>>) src(%arg9 : memref<128x128xf32, #tpu.memory_space<vmem>>) dst(%dma_wait3A_126 : memref<10240x128xf32, #tpu.memory_space<vmem_shared>>)
        %add3A_127 = arith.constant 2 : i32
        %add3A_128 = arith.addi %mul3A_33, %add3A_127 : i32
        %add3A_129 = arith.constant 2 : i32
        %add3A_130 = arith.addi %add3A_128, %add3A_129 : i32
        %dma_start3A_131 = arith.constant 0 : i32
        %dma_start3A_132 = tpu.memref_slice %arg7[%add3A_130, %dma_start3A_131] : memref<40x128xi32, #tpu.memory_space<vmem>> -> memref<1x128xi32, #tpu.memory_space<vmem>>
        %dma_start3A_133 = tpu.memref_squeeze %dma_start3A_132 : memref<1x128xi32, #tpu.memory_space<vmem>> -> memref<128xi32, #tpu.memory_space<vmem>>
        %dma_start3A_134 = arith.constant 0 : i32
        %dma_start3A_135 = arith.constant 0 : i32
        %dma_start3A_136 = tpu.memref_slice %arg4[%dma_start3A_134, %dma_start3A_135] : memref<10000x128xf32, #tpu.memory_space<hbm>> -> memref<10000x128xf32, #tpu.memory_space<hbm>>
        tpu.enqueue_indirect_dma source(%dma_start3A_136 : memref<10000x128xf32, #tpu.memory_space<hbm>>) target(%arg9 : memref<128x128xf32, #tpu.memory_space<vmem>>) offsets(%dma_start3A_133 : memref<128xi32, #tpu.memory_space<vmem>>) semaphore(%arg12 : memref<!tpu.dma_semaphore, #tpu.memory_space<semaphore_mem>>)
        %dma_wait3A_137 = arith.constant 0 : i32
        %dma_wait3A_138 = tpu.memref_slice %arg7[%add3A_100, %dma_wait3A_137] : memref<40x128xi32, #tpu.memory_space<vmem>> -> memref<1x128xi32, #tpu.memory_space<vmem>>
        %dma_wait3A_139 = tpu.memref_squeeze %dma_wait3A_138 : memref<1x128xi32, #tpu.memory_space<vmem>> -> memref<128xi32, #tpu.memory_space<vmem>>
        %dma_wait3A_140 = arith.constant 0 : i32
        %dma_wait3A_141 = arith.constant 0 : i32
        %dma_wait3A_142 = tpu.memref_slice %arg4[%dma_wait3A_140, %dma_wait3A_141] : memref<10000x128xf32, #tpu.memory_space<hbm>> -> memref<10000x128xf32, #tpu.memory_space<hbm>>
        tpu.wait_indirect_dma semaphore(%arg13 : memref<!tpu.dma_semaphore, #tpu.memory_space<semaphore_mem>>) src(%dma_wait3A_142 : memref<10000x128xf32, #tpu.memory_space<hbm>>) dst(%arg10 : memref<128x128xf32, #tpu.memory_space<vmem>>)
        %add3A_143 = arith.constant 3 : i32
        %add3A_144 = arith.addi %mul3A_33, %add3A_143 : i32
        %dma_start3A_145 = arith.constant 0 : i32
        %dma_start3A_146 = tpu.memref_slice %arg8[%add3A_144, %dma_start3A_145] : memref<40x128xi32, #tpu.memory_space<vmem>> -> memref<1x128xi32, #tpu.memory_space<vmem>>
        %dma_start3A_147 = tpu.memref_squeeze %dma_start3A_146 : memref<1x128xi32, #tpu.memory_space<vmem>> -> memref<128xi32, #tpu.memory_space<vmem>>
        %dma_start3A_148 = arith.constant 0 : i32
        %dma_start3A_149 = arith.constant 0 : i32
        %dma_start3A_150 = tpu.memref_slice %arg11[%dma_start3A_148, %dma_start3A_149] : memref<10240x128xf32, #tpu.memory_space<vmem_shared>> -> memref<10240x128xf32, #tpu.memory_space<vmem_shared>>
        tpu.enqueue_indirect_dma source(%arg10 : memref<128x128xf32, #tpu.memory_space<vmem>>) target(%dma_start3A_150 : memref<10240x128xf32, #tpu.memory_space<vmem_shared>>) offsets(%dma_start3A_147 : memref<128xi32, #tpu.memory_space<vmem>>) semaphore(%arg15 : memref<!tpu.dma_semaphore, #tpu.memory_space<semaphore_mem>>) {add = true}
        %dma_wait3A_151 = arith.constant 0 : i32
        %dma_wait3A_152 = tpu.memref_slice %arg8[%add3A_144, %dma_wait3A_151] : memref<40x128xi32, #tpu.memory_space<vmem>> -> memref<1x128xi32, #tpu.memory_space<vmem>>
        %dma_wait3A_153 = tpu.memref_squeeze %dma_wait3A_152 : memref<1x128xi32, #tpu.memory_space<vmem>> -> memref<128xi32, #tpu.memory_space<vmem>>
        %dma_wait3A_154 = arith.constant 0 : i32
        %dma_wait3A_155 = arith.constant 0 : i32
        %dma_wait3A_156 = tpu.memref_slice %arg11[%dma_wait3A_154, %dma_wait3A_155] : memref<10240x128xf32, #tpu.memory_space<vmem_shared>> -> memref<10240x128xf32, #tpu.memory_space<vmem_shared>>
        tpu.wait_indirect_dma semaphore(%arg15 : memref<!tpu.dma_semaphore, #tpu.memory_space<semaphore_mem>>) src(%arg10 : memref<128x128xf32, #tpu.memory_space<vmem>>) dst(%dma_wait3A_156 : memref<10240x128xf32, #tpu.memory_space<vmem_shared>>)
        %add3A_157 = arith.constant 3 : i32
        %add3A_158 = arith.addi %mul3A_33, %add3A_157 : i32
        %add3A_159 = arith.constant 2 : i32
        %add3A_160 = arith.addi %add3A_158, %add3A_159 : i32
        %dma_start3A_161 = arith.constant 0 : i32
        %dma_start3A_162 = tpu.memref_slice %arg7[%add3A_160, %dma_start3A_161] : memref<40x128xi32, #tpu.memory_space<vmem>> -> memref<1x128xi32, #tpu.memory_space<vmem>>
        %dma_start3A_163 = tpu.memref_squeeze %dma_start3A_162 : memref<1x128xi32, #tpu.memory_space<vmem>> -> memref<128xi32, #tpu.memory_space<vmem>>
        %dma_start3A_164 = arith.constant 0 : i32
        %dma_start3A_165 = arith.constant 0 : i32
        %dma_start3A_166 = tpu.memref_slice %arg4[%dma_start3A_164, %dma_start3A_165] : memref<10000x128xf32, #tpu.memory_space<hbm>> -> memref<10000x128xf32, #tpu.memory_space<hbm>>
        tpu.enqueue_indirect_dma source(%dma_start3A_166 : memref<10000x128xf32, #tpu.memory_space<hbm>>) target(%arg10 : memref<128x128xf32, #tpu.memory_space<vmem>>) offsets(%dma_start3A_163 : memref<128xi32, #tpu.memory_space<vmem>>) semaphore(%arg13 : memref<!tpu.dma_semaphore, #tpu.memory_space<semaphore_mem>>)
        %dma_wait3A_167 = arith.constant 0 : i32
        %dma_wait3A_168 = tpu.memref_slice %arg7[%add3A_130, %dma_wait3A_167] : memref<40x128xi32, #tpu.memory_space<vmem>> -> memref<1x128xi32, #tpu.memory_space<vmem>>
        %dma_wait3A_169 = tpu.memref_squeeze %dma_wait3A_168 : memref<1x128xi32, #tpu.memory_space<vmem>> -> memref<128xi32, #tpu.memory_space<vmem>>
        %dma_wait3A_170 = arith.constant 0 : i32
        %dma_wait3A_171 = arith.constant 0 : i32
        %dma_wait3A_172 = tpu.memref_slice %arg4[%dma_wait3A_170, %dma_wait3A_171] : memref<10000x128xf32, #tpu.memory_space<hbm>> -> memref<10000x128xf32, #tpu.memory_space<hbm>>
        tpu.wait_indirect_dma semaphore(%arg12 : memref<!tpu.dma_semaphore, #tpu.memory_space<semaphore_mem>>) src(%dma_wait3A_172 : memref<10000x128xf32, #tpu.memory_space<hbm>>) dst(%arg9 : memref<128x128xf32, #tpu.memory_space<vmem>>)
        %add3A_173 = arith.constant 4 : i32
        %add3A_174 = arith.addi %mul3A_33, %add3A_173 : i32
        %dma_start3A_175 = arith.constant 0 : i32
        %dma_start3A_176 = tpu.memref_slice %arg8[%add3A_174, %dma_start3A_175] : memref<40x128xi32, #tpu.memory_space<vmem>> -> memref<1x128xi32, #tpu.memory_space<vmem>>
        %dma_start3A_177 = tpu.memref_squeeze %dma_start3A_176 : memref<1x128xi32, #tpu.memory_space<vmem>> -> memref<128xi32, #tpu.memory_space<vmem>>
        %dma_start3A_178 = arith.constant 0 : i32
        %dma_start3A_179 = arith.constant 0 : i32
        %dma_start3A_180 = tpu.memref_slice %arg11[%dma_start3A_178, %dma_start3A_179] : memref<10240x128xf32, #tpu.memory_space<vmem_shared>> -> memref<10240x128xf32, #tpu.memory_space<vmem_shared>>
        tpu.enqueue_indirect_dma source(%arg9 : memref<128x128xf32, #tpu.memory_space<vmem>>) target(%dma_start3A_180 : memref<10240x128xf32, #tpu.memory_space<vmem_shared>>) offsets(%dma_start3A_177 : memref<128xi32, #tpu.memory_space<vmem>>) semaphore(%arg14 : memref<!tpu.dma_semaphore, #tpu.memory_space<semaphore_mem>>) {add = true}
        %dma_wait3A_181 = arith.constant 0 : i32
        %dma_wait3A_182 = tpu.memref_slice %arg8[%add3A_174, %dma_wait3A_181] : memref<40x128xi32, #tpu.memory_space<vmem>> -> memref<1x128xi32, #tpu.memory_space<vmem>>
        %dma_wait3A_183 = tpu.memref_squeeze %dma_wait3A_182 : memref<1x128xi32, #tpu.memory_space<vmem>> -> memref<128xi32, #tpu.memory_space<vmem>>
        %dma_wait3A_184 = arith.constant 0 : i32
        %dma_wait3A_185 = arith.constant 0 : i32
        %dma_wait3A_186 = tpu.memref_slice %arg11[%dma_wait3A_184, %dma_wait3A_185] : memref<10240x128xf32, #tpu.memory_space<vmem_shared>> -> memref<10240x128xf32, #tpu.memory_space<vmem_shared>>
        tpu.wait_indirect_dma semaphore(%arg14 : memref<!tpu.dma_semaphore, #tpu.memory_space<semaphore_mem>>) src(%arg9 : memref<128x128xf32, #tpu.memory_space<vmem>>) dst(%dma_wait3A_186 : memref<10240x128xf32, #tpu.memory_space<vmem_shared>>)
        %add3A_187 = arith.constant 4 : i32
        %add3A_188 = arith.addi %mul3A_33, %add3A_187 : i32
        %add3A_189 = arith.constant 2 : i32
        %add3A_190 = arith.addi %add3A_188, %add3A_189 : i32
        %dma_start3A_191 = arith.constant 0 : i32
        %dma_start3A_192 = tpu.memref_slice %arg7[%add3A_190, %dma_start3A_191] : memref<40x128xi32, #tpu.memory_space<vmem>> -> memref<1x128xi32, #tpu.memory_space<vmem>>
        %dma_start3A_193 = tpu.memref_squeeze %dma_start3A_192 : memref<1x128xi32, #tpu.memory_space<vmem>> -> memref<128xi32, #tpu.memory_space<vmem>>
        %dma_start3A_194 = arith.constant 0 : i32
        %dma_start3A_195 = arith.constant 0 : i32
        %dma_start3A_196 = tpu.memref_slice %arg4[%dma_start3A_194, %dma_start3A_195] : memref<10000x128xf32, #tpu.memory_space<hbm>> -> memref<10000x128xf32, #tpu.memory_space<hbm>>
        tpu.enqueue_indirect_dma source(%dma_start3A_196 : memref<10000x128xf32, #tpu.memory_space<hbm>>) target(%arg9 : memref<128x128xf32, #tpu.memory_space<vmem>>) offsets(%dma_start3A_193 : memref<128xi32, #tpu.memory_space<vmem>>) semaphore(%arg12 : memref<!tpu.dma_semaphore, #tpu.memory_space<semaphore_mem>>)
        %dma_wait3A_197 = arith.constant 0 : i32
        %dma_wait3A_198 = tpu.memref_slice %arg7[%add3A_160, %dma_wait3A_197] : memref<40x128xi32, #tpu.memory_space<vmem>> -> memref<1x128xi32, #tpu.memory_space<vmem>>
        %dma_wait3A_199 = tpu.memref_squeeze %dma_wait3A_198 : memref<1x128xi32, #tpu.memory_space<vmem>> -> memref<128xi32, #tpu.memory_space<vmem>>
        %dma_wait3A_200 = arith.constant 0 : i32
        %dma_wait3A_201 = arith.constant 0 : i32
        %dma_wait3A_202 = tpu.memref_slice %arg4[%dma_wait3A_200, %dma_wait3A_201] : memref<10000x128xf32, #tpu.memory_space<hbm>> -> memref<10000x128xf32, #tpu.memory_space<hbm>>
        tpu.wait_indirect_dma semaphore(%arg13 : memref<!tpu.dma_semaphore, #tpu.memory_space<semaphore_mem>>) src(%dma_wait3A_202 : memref<10000x128xf32, #tpu.memory_space<hbm>>) dst(%arg10 : memref<128x128xf32, #tpu.memory_space<vmem>>)
        %add3A_203 = arith.constant 5 : i32
        %add3A_204 = arith.addi %mul3A_33, %add3A_203 : i32
        %dma_start3A_205 = arith.constant 0 : i32
        %dma_start3A_206 = tpu.memref_slice %arg8[%add3A_204, %dma_start3A_205] : memref<40x128xi32, #tpu.memory_space<vmem>> -> memref<1x128xi32, #tpu.memory_space<vmem>>
        %dma_start3A_207 = tpu.memref_squeeze %dma_start3A_206 : memref<1x128xi32, #tpu.memory_space<vmem>> -> memref<128xi32, #tpu.memory_space<vmem>>
        %dma_start3A_208 = arith.constant 0 : i32
        %dma_start3A_209 = arith.constant 0 : i32
        %dma_start3A_210 = tpu.memref_slice %arg11[%dma_start3A_208, %dma_start3A_209] : memref<10240x128xf32, #tpu.memory_space<vmem_shared>> -> memref<10240x128xf32, #tpu.memory_space<vmem_shared>>
        tpu.enqueue_indirect_dma source(%arg10 : memref<128x128xf32, #tpu.memory_space<vmem>>) target(%dma_start3A_210 : memref<10240x128xf32, #tpu.memory_space<vmem_shared>>) offsets(%dma_start3A_207 : memref<128xi32, #tpu.memory_space<vmem>>) semaphore(%arg15 : memref<!tpu.dma_semaphore, #tpu.memory_space<semaphore_mem>>) {add = true}
        %dma_wait3A_211 = arith.constant 0 : i32
        %dma_wait3A_212 = tpu.memref_slice %arg8[%add3A_204, %dma_wait3A_211] : memref<40x128xi32, #tpu.memory_space<vmem>> -> memref<1x128xi32, #tpu.memory_space<vmem>>
        %dma_wait3A_213 = tpu.memref_squeeze %dma_wait3A_212 : memref<1x128xi32, #tpu.memory_space<vmem>> -> memref<128xi32, #tpu.memory_space<vmem>>
        %dma_wait3A_214 = arith.constant 0 : i32
        %dma_wait3A_215 = arith.constant 0 : i32
        %dma_wait3A_216 = tpu.memref_slice %arg11[%dma_wait3A_214, %dma_wait3A_215] : memref<10240x128xf32, #tpu.memory_space<vmem_shared>> -> memref<10240x128xf32, #tpu.memory_space<vmem_shared>>
        tpu.wait_indirect_dma semaphore(%arg15 : memref<!tpu.dma_semaphore, #tpu.memory_space<semaphore_mem>>) src(%arg10 : memref<128x128xf32, #tpu.memory_space<vmem>>) dst(%dma_wait3A_216 : memref<10240x128xf32, #tpu.memory_space<vmem_shared>>)
        %add3A_217 = arith.constant 5 : i32
        %add3A_218 = arith.addi %mul3A_33, %add3A_217 : i32
        %add3A_219 = arith.constant 2 : i32
        %add3A_220 = arith.addi %add3A_218, %add3A_219 : i32
        %dma_start3A_221 = arith.constant 0 : i32
        %dma_start3A_222 = tpu.memref_slice %arg7[%add3A_220, %dma_start3A_221] : memref<40x128xi32, #tpu.memory_space<vmem>> -> memref<1x128xi32, #tpu.memory_space<vmem>>
        %dma_start3A_223 = tpu.memref_squeeze %dma_start3A_222 : memref<1x128xi32, #tpu.memory_space<vmem>> -> memref<128xi32, #tpu.memory_space<vmem>>
        %dma_start3A_224 = arith.constant 0 : i32
        %dma_start3A_225 = arith.constant 0 : i32
        %dma_start3A_226 = tpu.memref_slice %arg4[%dma_start3A_224, %dma_start3A_225] : memref<10000x128xf32, #tpu.memory_space<hbm>> -> memref<10000x128xf32, #tpu.memory_space<hbm>>
        tpu.enqueue_indirect_dma source(%dma_start3A_226 : memref<10000x128xf32, #tpu.memory_space<hbm>>) target(%arg10 : memref<128x128xf32, #tpu.memory_space<vmem>>) offsets(%dma_start3A_223 : memref<128xi32, #tpu.memory_space<vmem>>) semaphore(%arg13 : memref<!tpu.dma_semaphore, #tpu.memory_space<semaphore_mem>>)
        %dma_wait3A_227 = arith.constant 0 : i32
        %dma_wait3A_228 = tpu.memref_slice %arg7[%add3A_190, %dma_wait3A_227] : memref<40x128xi32, #tpu.memory_space<vmem>> -> memref<1x128xi32, #tpu.memory_space<vmem>>
        %dma_wait3A_229 = tpu.memref_squeeze %dma_wait3A_228 : memref<1x128xi32, #tpu.memory_space<vmem>> -> memref<128xi32, #tpu.memory_space<vmem>>
        %dma_wait3A_230 = arith.constant 0 : i32
        %dma_wait3A_231 = arith.constant 0 : i32
        %dma_wait3A_232 = tpu.memref_slice %arg4[%dma_wait3A_230, %dma_wait3A_231] : memref<10000x128xf32, #tpu.memory_space<hbm>> -> memref<10000x128xf32, #tpu.memory_space<hbm>>
        tpu.wait_indirect_dma semaphore(%arg12 : memref<!tpu.dma_semaphore, #tpu.memory_space<semaphore_mem>>) src(%dma_wait3A_232 : memref<10000x128xf32, #tpu.memory_space<hbm>>) dst(%arg9 : memref<128x128xf32, #tpu.memory_space<vmem>>)
        %add3A_233 = arith.constant 6 : i32
        %add3A_234 = arith.addi %mul3A_33, %add3A_233 : i32
        %dma_start3A_235 = arith.constant 0 : i32
        %dma_start3A_236 = tpu.memref_slice %arg8[%add3A_234, %dma_start3A_235] : memref<40x128xi32, #tpu.memory_space<vmem>> -> memref<1x128xi32, #tpu.memory_space<vmem>>
        %dma_start3A_237 = tpu.memref_squeeze %dma_start3A_236 : memref<1x128xi32, #tpu.memory_space<vmem>> -> memref<128xi32, #tpu.memory_space<vmem>>
        %dma_start3A_238 = arith.constant 0 : i32
        %dma_start3A_239 = arith.constant 0 : i32
        %dma_start3A_240 = tpu.memref_slice %arg11[%dma_start3A_238, %dma_start3A_239] : memref<10240x128xf32, #tpu.memory_space<vmem_shared>> -> memref<10240x128xf32, #tpu.memory_space<vmem_shared>>
        tpu.enqueue_indirect_dma source(%arg9 : memref<128x128xf32, #tpu.memory_space<vmem>>) target(%dma_start3A_240 : memref<10240x128xf32, #tpu.memory_space<vmem_shared>>) offsets(%dma_start3A_237 : memref<128xi32, #tpu.memory_space<vmem>>) semaphore(%arg14 : memref<!tpu.dma_semaphore, #tpu.memory_space<semaphore_mem>>) {add = true}
        %dma_wait3A_241 = arith.constant 0 : i32
        %dma_wait3A_242 = tpu.memref_slice %arg8[%add3A_234, %dma_wait3A_241] : memref<40x128xi32, #tpu.memory_space<vmem>> -> memref<1x128xi32, #tpu.memory_space<vmem>>
        %dma_wait3A_243 = tpu.memref_squeeze %dma_wait3A_242 : memref<1x128xi32, #tpu.memory_space<vmem>> -> memref<128xi32, #tpu.memory_space<vmem>>
        %dma_wait3A_244 = arith.constant 0 : i32
        %dma_wait3A_245 = arith.constant 0 : i32
        %dma_wait3A_246 = tpu.memref_slice %arg11[%dma_wait3A_244, %dma_wait3A_245] : memref<10240x128xf32, #tpu.memory_space<vmem_shared>> -> memref<10240x128xf32, #tpu.memory_space<vmem_shared>>
        tpu.wait_indirect_dma semaphore(%arg14 : memref<!tpu.dma_semaphore, #tpu.memory_space<semaphore_mem>>) src(%arg9 : memref<128x128xf32, #tpu.memory_space<vmem>>) dst(%dma_wait3A_246 : memref<10240x128xf32, #tpu.memory_space<vmem_shared>>)
        %dma_wait3A_247 = arith.constant 0 : i32
        %dma_wait3A_248 = tpu.memref_slice %arg7[%add3A_220, %dma_wait3A_247] : memref<40x128xi32, #tpu.memory_space<vmem>> -> memref<1x128xi32, #tpu.memory_space<vmem>>
        %dma_wait3A_249 = tpu.memref_squeeze %dma_wait3A_248 : memref<1x128xi32, #tpu.memory_space<vmem>> -> memref<128xi32, #tpu.memory_space<vmem>>
        %dma_wait3A_250 = arith.constant 0 : i32
        %dma_wait3A_251 = arith.constant 0 : i32
        %dma_wait3A_252 = tpu.memref_slice %arg4[%dma_wait3A_250, %dma_wait3A_251] : memref<10000x128xf32, #tpu.memory_space<hbm>> -> memref<10000x128xf32, #tpu.memory_space<hbm>>
        tpu.wait_indirect_dma semaphore(%arg13 : memref<!tpu.dma_semaphore, #tpu.memory_space<semaphore_mem>>) src(%dma_wait3A_252 : memref<10000x128xf32, #tpu.memory_space<hbm>>) dst(%arg10 : memref<128x128xf32, #tpu.memory_space<vmem>>)
        %add3A_253 = arith.constant 7 : i32
        %add3A_254 = arith.addi %mul3A_33, %add3A_253 : i32
        %dma_start3A_255 = arith.constant 0 : i32
        %dma_start3A_256 = tpu.memref_slice %arg8[%add3A_254, %dma_start3A_255] : memref<40x128xi32, #tpu.memory_space<vmem>> -> memref<1x128xi32, #tpu.memory_space<vmem>>
        %dma_start3A_257 = tpu.memref_squeeze %dma_start3A_256 : memref<1x128xi32, #tpu.memory_space<vmem>> -> memref<128xi32, #tpu.memory_space<vmem>>
        %dma_start3A_258 = arith.constant 0 : i32
        %dma_start3A_259 = arith.constant 0 : i32
        %dma_start3A_260 = tpu.memref_slice %arg11[%dma_start3A_258, %dma_start3A_259] : memref<10240x128xf32, #tpu.memory_space<vmem_shared>> -> memref<10240x128xf32, #tpu.memory_space<vmem_shared>>
        tpu.enqueue_indirect_dma source(%arg10 : memref<128x128xf32, #tpu.memory_space<vmem>>) target(%dma_start3A_260 : memref<10240x128xf32, #tpu.memory_space<vmem_shared>>) offsets(%dma_start3A_257 : memref<128xi32, #tpu.memory_space<vmem>>) semaphore(%arg15 : memref<!tpu.dma_semaphore, #tpu.memory_space<semaphore_mem>>) {add = true}
        %dma_wait3A_261 = arith.constant 0 : i32
        %dma_wait3A_262 = tpu.memref_slice %arg8[%add3A_254, %dma_wait3A_261] : memref<40x128xi32, #tpu.memory_space<vmem>> -> memref<1x128xi32, #tpu.memory_space<vmem>>
        %dma_wait3A_263 = tpu.memref_squeeze %dma_wait3A_262 : memref<1x128xi32, #tpu.memory_space<vmem>> -> memref<128xi32, #tpu.memory_space<vmem>>
        %dma_wait3A_264 = arith.constant 0 : i32
        %dma_wait3A_265 = arith.constant 0 : i32
        %dma_wait3A_266 = tpu.memref_slice %arg11[%dma_wait3A_264, %dma_wait3A_265] : memref<10240x128xf32, #tpu.memory_space<vmem_shared>> -> memref<10240x128xf32, #tpu.memory_space<vmem_shared>>
        tpu.wait_indirect_dma semaphore(%arg15 : memref<!tpu.dma_semaphore, #tpu.memory_space<semaphore_mem>>) src(%arg10 : memref<128x128xf32, #tpu.memory_space<vmem>>) dst(%dma_wait3A_266 : memref<10240x128xf32, #tpu.memory_space<vmem_shared>>)
        %scan3A_267 = arith.constant 0 : i32
        scf.yield %scan3A_267 : i32
      }
      %scan3A_28 = arith.constant 5 : i32
      %scan3A_29 = arith.constant 0 : i32
      scf.yield %scan3A_29 : i32
    }
    %scan3A_8 = arith.constant 2 : i32
    %barrier3A_9 = arith.constant 0 : index
    tpu.barrier barrier_id(%barrier3A_9)
    %lt3A = arith.constant 15 : i32
    %lt3A_10 = arith.cmpi slt, %arg1, %lt3A : i32
    %convert_element_type3A = arith.extui %lt3A_10 : i1 to i32
    %cond3A = arith.constant 0 : i32
    %cond3A_11 = arith.cmpi ne, %convert_element_type3A, %cond3A : i32
    scf.if %cond3A_11 {
      %mul3A_16 = arith.constant 624 : i32
      %mul3A_17 = arith.muli %arg1, %mul3A_16 : i32
      %mul3A_18 = arith.constant 624 : i32
      %mul3A_19 = arith.muli %arg1, %mul3A_18 : i32
      "tpu.region"() ({
        %run_scoped3A = tpu.sem_alloc : memref<!tpu.dma_semaphore, #tpu.memory_space<semaphore_mem>>
        %dma_start3A_20 = arith.constant 0 : i32
        %dma_start3A_21 = arith.constant 0 : i32
        %dma_start3A_22 = tpu.memref_slice %arg6[%arg0, %dma_start3A_20, %dma_start3A_21] : memref<2x10000x128xf32, #tpu.memory_space<hbm>> -> memref<1x10000x128xf32, #tpu.memory_space<hbm>>
        %dma_start3A_23 = tpu.memref_squeeze %dma_start3A_22 : memref<1x10000x128xf32, #tpu.memory_space<hbm>> -> memref<10000x128xf32, #tpu.memory_space<hbm>>
        %dma_start3A_24 = arith.constant 0 : i32
        %dma_start3A_25 = tpu.memref_slice %dma_start3A_23[%mul3A_19, %dma_start3A_24] : memref<10000x128xf32, #tpu.memory_space<hbm>> -> memref<624x128xf32, #tpu.memory_space<hbm>>
        %dma_start3A_26 = arith.constant 0 : i32
        %dma_start3A_27 = tpu.memref_slice %arg11[%mul3A_17, %dma_start3A_26] : memref<10240x128xf32, #tpu.memory_space<vmem_shared>> -> memref<624x128xf32, #tpu.memory_space<vmem_shared>>
        tpu.enqueue_dma source(%dma_start3A_27 : memref<624x128xf32, #tpu.memory_space<vmem_shared>>) target(%dma_start3A_25 : memref<624x128xf32, #tpu.memory_space<hbm>>) target_semaphore(%run_scoped3A : memref<!tpu.dma_semaphore, #tpu.memory_space<semaphore_mem>>)
        %dma_wait3A_28 = arith.constant 0 : i32
        %dma_wait3A_29 = arith.constant 0 : i32
        %dma_wait3A_30 = tpu.memref_slice %arg6[%arg0, %dma_wait3A_28, %dma_wait3A_29] : memref<2x10000x128xf32, #tpu.memory_space<hbm>> -> memref<1x10000x128xf32, #tpu.memory_space<hbm>>
        %dma_wait3A_31 = tpu.memref_squeeze %dma_wait3A_30 : memref<1x10000x128xf32, #tpu.memory_space<hbm>> -> memref<10000x128xf32, #tpu.memory_space<hbm>>
        %dma_wait3A_32 = arith.constant 0 : i32
        %dma_wait3A_33 = tpu.memref_slice %dma_wait3A_31[%mul3A_19, %dma_wait3A_32] : memref<10000x128xf32, #tpu.memory_space<hbm>> -> memref<624x128xf32, #tpu.memory_space<hbm>>
        %dma_wait3A_34 = arith.constant 0 : i32
        %dma_wait3A_35 = tpu.memref_slice %arg11[%mul3A_17, %dma_wait3A_34] : memref<10240x128xf32, #tpu.memory_space<vmem_shared>> -> memref<624x128xf32, #tpu.memory_space<vmem_shared>>
        tpu.wait_dma2 semaphore(%run_scoped3A : memref<!tpu.dma_semaphore, #tpu.memory_space<semaphore_mem>>) src(%dma_wait3A_35 : memref<624x128xf32, #tpu.memory_space<vmem_shared>>) dst(%dma_wait3A_33 : memref<624x128xf32, #tpu.memory_space<hbm>>)
        tpu.yield
      }) : () -> ()
    } else {
    }
    %eq3A = arith.constant 15 : i32
    %eq3A_12 = arith.cmpi eq, %arg1, %eq3A : i32
    %convert_element_type3A_13 = arith.extui %eq3A_12 : i1 to i32
    %cond3A_14 = arith.constant 0 : i32
    %cond3A_15 = arith.cmpi ne, %convert_element_type3A_13, %cond3A_14 : i32
    scf.if %cond3A_15 {
      "tpu.region"() ({
        %run_scoped3A = tpu.sem_alloc : memref<!tpu.dma_semaphore, #tpu.memory_space<semaphore_mem>>
        %dma_start3A_16 = arith.constant 0 : i32
        %dma_start3A_17 = arith.constant 0 : i32
        %dma_start3A_18 = tpu.memref_slice %arg6[%arg0, %dma_start3A_16, %dma_start3A_17] : memref<2x10000x128xf32, #tpu.memory_space<hbm>> -> memref<1x10000x128xf32, #tpu.memory_space<hbm>>
        %dma_start3A_19 = tpu.memref_squeeze %dma_start3A_18 : memref<1x10000x128xf32, #tpu.memory_space<hbm>> -> memref<10000x128xf32, #tpu.memory_space<hbm>>
        %dma_start3A_20 = arith.constant 9360 : i32
        %dma_start3A_21 = arith.constant 0 : i32
        %dma_start3A_22 = tpu.memref_slice %dma_start3A_19[%dma_start3A_20, %dma_start3A_21] : memref<10000x128xf32, #tpu.memory_space<hbm>> -> memref<640x128xf32, #tpu.memory_space<hbm>>
        %dma_start3A_23 = arith.constant 9360 : i32
        %dma_start3A_24 = arith.constant 0 : i32
        %dma_start3A_25 = tpu.memref_slice %arg11[%dma_start3A_23, %dma_start3A_24] : memref<10240x128xf32, #tpu.memory_space<vmem_shared>> -> memref<640x128xf32, #tpu.memory_space<vmem_shared>>
        tpu.enqueue_dma source(%dma_start3A_25 : memref<640x128xf32, #tpu.memory_space<vmem_shared>>) target(%dma_start3A_22 : memref<640x128xf32, #tpu.memory_space<hbm>>) target_semaphore(%run_scoped3A : memref<!tpu.dma_semaphore, #tpu.memory_space<semaphore_mem>>)
        %dma_wait3A_26 = arith.constant 0 : i32
        %dma_wait3A_27 = arith.constant 0 : i32
        %dma_wait3A_28 = tpu.memref_slice %arg6[%arg0, %dma_wait3A_26, %dma_wait3A_27] : memref<2x10000x128xf32, #tpu.memory_space<hbm>> -> memref<1x10000x128xf32, #tpu.memory_space<hbm>>
        %dma_wait3A_29 = tpu.memref_squeeze %dma_wait3A_28 : memref<1x10000x128xf32, #tpu.memory_space<hbm>> -> memref<10000x128xf32, #tpu.memory_space<hbm>>
        %dma_wait3A_30 = arith.constant 9360 : i32
        %dma_wait3A_31 = arith.constant 0 : i32
        %dma_wait3A_32 = tpu.memref_slice %dma_wait3A_29[%dma_wait3A_30, %dma_wait3A_31] : memref<10000x128xf32, #tpu.memory_space<hbm>> -> memref<640x128xf32, #tpu.memory_space<hbm>>
        %dma_wait3A_33 = arith.constant 9360 : i32
        %dma_wait3A_34 = arith.constant 0 : i32
        %dma_wait3A_35 = tpu.memref_slice %arg11[%dma_wait3A_33, %dma_wait3A_34] : memref<10240x128xf32, #tpu.memory_space<vmem_shared>> -> memref<640x128xf32, #tpu.memory_space<vmem_shared>>
        tpu.wait_dma2 semaphore(%run_scoped3A : memref<!tpu.dma_semaphore, #tpu.memory_space<semaphore_mem>>) src(%dma_wait3A_35 : memref<640x128xf32, #tpu.memory_space<vmem_shared>>) dst(%dma_wait3A_32 : memref<640x128xf32, #tpu.memory_space<hbm>>)
        tpu.yield
      }) : () -> ()
    } else {
    }
    return
  }
}

#map = affine_map<(d0, d1) -> (0, 0, 0, 0)>
#map1 = affine_map<(d0, d1) -> (0, 0)>
#map2 = affine_map<(d0, d1) -> (0, 0, 0)>
module attributes {stable_mosaic.version = 14 : i64} {
  func.func @_segsum_sc(%arg0: i32, %arg1: i32, %arg2: memref<2x16x80x128xi32, #tpu.memory_space<hbm>>, %arg3: memref<2x16x80x128xi32, #tpu.memory_space<hbm>>, %arg4: memref<10000x128xf32, #tpu.memory_space<hbm>>, %arg5: memref<640x128xf32, #tpu.memory_space<hbm>>, %arg6: memref<2x10000x128xf32, #tpu.memory_space<hbm>>, %arg7: memref<40x128xi32, #tpu.memory_space<vmem>>, %arg8: memref<40x128xi32, #tpu.memory_space<vmem>>, %arg9: memref<128x128xf32, #tpu.memory_space<vmem>>, %arg10: memref<128x128xf32, #tpu.memory_space<vmem>>, %arg11: memref<10240x128xf32, #tpu.memory_space<vmem_shared>>, %arg12: memref<!tpu.dma_semaphore, #tpu.memory_space<semaphore_mem>>, %arg13: memref<!tpu.dma_semaphore, #tpu.memory_space<semaphore_mem>>, %arg14: memref<!tpu.dma_semaphore, #tpu.memory_space<semaphore_mem>>, %arg15: memref<!tpu.dma_semaphore, #tpu.memory_space<semaphore_mem>>) attributes {dimension_semantics = [#tpu.dimension_semantics<core_parallel>, #tpu.dimension_semantics<subcore_parallel>], iteration_bounds = array<i64: 2, 16>, scalar_prefetch = 0 : i64, scratch_operands = 9 : i64, tpu.core_type = #tpu.core_type<sc_vector_subcore>, window_params = [{transform_indices = #map}, {transform_indices = #map}, {transform_indices = #map1}, {transform_indices = #map1}, {transform_indices = #map2}]} {
    %mul3A = arith.constant 640 : i32
    %mul3A_0 = arith.muli %arg1, %mul3A : i32
    %dma_start3A = arith.constant 0 : i32
    %dma_start3A_1 = tpu.memref_slice %arg11[%mul3A_0, %dma_start3A] : memref<10240x128xf32, #tpu.memory_space<vmem_shared>> -> memref<640x128xf32, #tpu.memory_space<vmem_shared>>
    tpu.enqueue_dma source(%arg5 : memref<640x128xf32, #tpu.memory_space<hbm>>) target(%dma_start3A_1 : memref<640x128xf32, #tpu.memory_space<vmem_shared>>) target_semaphore(%arg12 : memref<!tpu.dma_semaphore, #tpu.memory_space<semaphore_mem>>)
    "tpu.region"() ({
      %run_scoped3A = tpu.sem_alloc : memref<!tpu.dma_semaphore, #tpu.memory_space<semaphore_mem>>
      %dma_start3A_16 = arith.constant 0 : i32
      %dma_start3A_17 = arith.constant 0 : i32
      %dma_start3A_18 = arith.constant 0 : i32
      %dma_start3A_19 = tpu.memref_slice %arg2[%arg0, %dma_start3A_16, %dma_start3A_17, %dma_start3A_18] : memref<2x16x80x128xi32, #tpu.memory_space<hbm>> -> memref<1x16x80x128xi32, #tpu.memory_space<hbm>>
      %dma_start3A_20 = tpu.memref_squeeze %dma_start3A_19 : memref<1x16x80x128xi32, #tpu.memory_space<hbm>> -> memref<16x80x128xi32, #tpu.memory_space<hbm>>
      %dma_start3A_21 = arith.constant 0 : i32
      %dma_start3A_22 = arith.constant 0 : i32
      %dma_start3A_23 = tpu.memref_slice %dma_start3A_20[%arg1, %dma_start3A_21, %dma_start3A_22] : memref<16x80x128xi32, #tpu.memory_space<hbm>> -> memref<1x80x128xi32, #tpu.memory_space<hbm>>
      %dma_start3A_24 = tpu.memref_squeeze %dma_start3A_23 : memref<1x80x128xi32, #tpu.memory_space<hbm>> -> memref<80x128xi32, #tpu.memory_space<hbm>>
      %dma_start3A_25 = arith.constant 0 : i32
      %dma_start3A_26 = arith.constant 0 : i32
      %dma_start3A_27 = tpu.memref_slice %dma_start3A_24[%dma_start3A_25, %dma_start3A_26] : memref<80x128xi32, #tpu.memory_space<hbm>> -> memref<40x128xi32, #tpu.memory_space<hbm>>
      %dma_start3A_28 = arith.constant 0 : i32
      %dma_start3A_29 = arith.constant 0 : i32
      %dma_start3A_30 = arith.constant 0 : i32
      %dma_start3A_31 = tpu.memref_slice %arg2[%arg0, %dma_start3A_28, %dma_start3A_29, %dma_start3A_30] : memref<2x16x80x128xi32, #tpu.memory_space<hbm>> -> memref<1x16x80x128xi32, #tpu.memory_space<hbm>>
      %dma_start3A_32 = tpu.memref_squeeze %dma_start3A_31 : memref<1x16x80x128xi32, #tpu.memory_space<hbm>> -> memref<16x80x128xi32, #tpu.memory_space<hbm>>
      %dma_start3A_33 = arith.constant 0 : i32
      %dma_start3A_34 = arith.constant 0 : i32
      %dma_start3A_35 = tpu.memref_slice %dma_start3A_32[%arg1, %dma_start3A_33, %dma_start3A_34] : memref<16x80x128xi32, #tpu.memory_space<hbm>> -> memref<1x80x128xi32, #tpu.memory_space<hbm>>
      %dma_start3A_36 = tpu.memref_squeeze %dma_start3A_35 : memref<1x80x128xi32, #tpu.memory_space<hbm>> -> memref<80x128xi32, #tpu.memory_space<hbm>>
      %dma_start3A_37 = arith.constant 0 : i32
      %dma_start3A_38 = arith.constant 0 : i32
      %dma_start3A_39 = tpu.memref_slice %dma_start3A_36[%dma_start3A_37, %dma_start3A_38] : memref<80x128xi32, #tpu.memory_space<hbm>> -> memref<40x128xi32, #tpu.memory_space<hbm>>
      tpu.enqueue_dma source(%dma_start3A_39 : memref<40x128xi32, #tpu.memory_space<hbm>>) target(%arg7 : memref<40x128xi32, #tpu.memory_space<vmem>>) target_semaphore(%run_scoped3A : memref<!tpu.dma_semaphore, #tpu.memory_space<semaphore_mem>>)
      %dma_wait3A_40 = arith.constant 0 : i32
      %dma_wait3A_41 = arith.constant 0 : i32
      %dma_wait3A_42 = arith.constant 0 : i32
      %dma_wait3A_43 = tpu.memref_slice %arg2[%arg0, %dma_wait3A_40, %dma_wait3A_41, %dma_wait3A_42] : memref<2x16x80x128xi32, #tpu.memory_space<hbm>> -> memref<1x16x80x128xi32, #tpu.memory_space<hbm>>
      %dma_wait3A_44 = tpu.memref_squeeze %dma_wait3A_43 : memref<1x16x80x128xi32, #tpu.memory_space<hbm>> -> memref<16x80x128xi32, #tpu.memory_space<hbm>>
      %dma_wait3A_45 = arith.constant 0 : i32
      %dma_wait3A_46 = arith.constant 0 : i32
      %dma_wait3A_47 = tpu.memref_slice %dma_wait3A_44[%arg1, %dma_wait3A_45, %dma_wait3A_46] : memref<16x80x128xi32, #tpu.memory_space<hbm>> -> memref<1x80x128xi32, #tpu.memory_space<hbm>>
      %dma_wait3A_48 = tpu.memref_squeeze %dma_wait3A_47 : memref<1x80x128xi32, #tpu.memory_space<hbm>> -> memref<80x128xi32, #tpu.memory_space<hbm>>
      %dma_wait3A_49 = arith.constant 0 : i32
      %dma_wait3A_50 = arith.constant 0 : i32
      %dma_wait3A_51 = tpu.memref_slice %dma_wait3A_48[%dma_wait3A_49, %dma_wait3A_50] : memref<80x128xi32, #tpu.memory_space<hbm>> -> memref<40x128xi32, #tpu.memory_space<hbm>>
      %dma_wait3A_52 = arith.constant 0 : i32
      %dma_wait3A_53 = arith.constant 0 : i32
      %dma_wait3A_54 = arith.constant 0 : i32
      %dma_wait3A_55 = tpu.memref_slice %arg2[%arg0, %dma_wait3A_52, %dma_wait3A_53, %dma_wait3A_54] : memref<2x16x80x128xi32, #tpu.memory_space<hbm>> -> memref<1x16x80x128xi32, #tpu.memory_space<hbm>>
      %dma_wait3A_56 = tpu.memref_squeeze %dma_wait3A_55 : memref<1x16x80x128xi32, #tpu.memory_space<hbm>> -> memref<16x80x128xi32, #tpu.memory_space<hbm>>
      %dma_wait3A_57 = arith.constant 0 : i32
      %dma_wait3A_58 = arith.constant 0 : i32
      %dma_wait3A_59 = tpu.memref_slice %dma_wait3A_56[%arg1, %dma_wait3A_57, %dma_wait3A_58] : memref<16x80x128xi32, #tpu.memory_space<hbm>> -> memref<1x80x128xi32, #tpu.memory_space<hbm>>
      %dma_wait3A_60 = tpu.memref_squeeze %dma_wait3A_59 : memref<1x80x128xi32, #tpu.memory_space<hbm>> -> memref<80x128xi32, #tpu.memory_space<hbm>>
      %dma_wait3A_61 = arith.constant 0 : i32
      %dma_wait3A_62 = arith.constant 0 : i32
      %dma_wait3A_63 = tpu.memref_slice %dma_wait3A_60[%dma_wait3A_61, %dma_wait3A_62] : memref<80x128xi32, #tpu.memory_space<hbm>> -> memref<40x128xi32, #tpu.memory_space<hbm>>
      tpu.wait_dma2 semaphore(%run_scoped3A : memref<!tpu.dma_semaphore, #tpu.memory_space<semaphore_mem>>) src(%dma_wait3A_63 : memref<40x128xi32, #tpu.memory_space<hbm>>) dst(%arg7 : memref<40x128xi32, #tpu.memory_space<vmem>>)
      tpu.yield
    }) : () -> ()
    "tpu.region"() ({
      %run_scoped3A = tpu.sem_alloc : memref<!tpu.dma_semaphore, #tpu.memory_space<semaphore_mem>>
      %dma_start3A_16 = arith.constant 0 : i32
      %dma_start3A_17 = arith.constant 0 : i32
      %dma_start3A_18 = arith.constant 0 : i32
      %dma_start3A_19 = tpu.memref_slice %arg3[%arg0, %dma_start3A_16, %dma_start3A_17, %dma_start3A_18] : memref<2x16x80x128xi32, #tpu.memory_space<hbm>> -> memref<1x16x80x128xi32, #tpu.memory_space<hbm>>
      %dma_start3A_20 = tpu.memref_squeeze %dma_start3A_19 : memref<1x16x80x128xi32, #tpu.memory_space<hbm>> -> memref<16x80x128xi32, #tpu.memory_space<hbm>>
      %dma_start3A_21 = arith.constant 0 : i32
      %dma_start3A_22 = arith.constant 0 : i32
      %dma_start3A_23 = tpu.memref_slice %dma_start3A_20[%arg1, %dma_start3A_21, %dma_start3A_22] : memref<16x80x128xi32, #tpu.memory_space<hbm>> -> memref<1x80x128xi32, #tpu.memory_space<hbm>>
      %dma_start3A_24 = tpu.memref_squeeze %dma_start3A_23 : memref<1x80x128xi32, #tpu.memory_space<hbm>> -> memref<80x128xi32, #tpu.memory_space<hbm>>
      %dma_start3A_25 = arith.constant 0 : i32
      %dma_start3A_26 = arith.constant 0 : i32
      %dma_start3A_27 = tpu.memref_slice %dma_start3A_24[%dma_start3A_25, %dma_start3A_26] : memref<80x128xi32, #tpu.memory_space<hbm>> -> memref<40x128xi32, #tpu.memory_space<hbm>>
      %dma_start3A_28 = arith.constant 0 : i32
      %dma_start3A_29 = arith.constant 0 : i32
      %dma_start3A_30 = arith.constant 0 : i32
      %dma_start3A_31 = tpu.memref_slice %arg3[%arg0, %dma_start3A_28, %dma_start3A_29, %dma_start3A_30] : memref<2x16x80x128xi32, #tpu.memory_space<hbm>> -> memref<1x16x80x128xi32, #tpu.memory_space<hbm>>
      %dma_start3A_32 = tpu.memref_squeeze %dma_start3A_31 : memref<1x16x80x128xi32, #tpu.memory_space<hbm>> -> memref<16x80x128xi32, #tpu.memory_space<hbm>>
      %dma_start3A_33 = arith.constant 0 : i32
      %dma_start3A_34 = arith.constant 0 : i32
      %dma_start3A_35 = tpu.memref_slice %dma_start3A_32[%arg1, %dma_start3A_33, %dma_start3A_34] : memref<16x80x128xi32, #tpu.memory_space<hbm>> -> memref<1x80x128xi32, #tpu.memory_space<hbm>>
      %dma_start3A_36 = tpu.memref_squeeze %dma_start3A_35 : memref<1x80x128xi32, #tpu.memory_space<hbm>> -> memref<80x128xi32, #tpu.memory_space<hbm>>
      %dma_start3A_37 = arith.constant 0 : i32
      %dma_start3A_38 = arith.constant 0 : i32
      %dma_start3A_39 = tpu.memref_slice %dma_start3A_36[%dma_start3A_37, %dma_start3A_38] : memref<80x128xi32, #tpu.memory_space<hbm>> -> memref<40x128xi32, #tpu.memory_space<hbm>>
      tpu.enqueue_dma source(%dma_start3A_39 : memref<40x128xi32, #tpu.memory_space<hbm>>) target(%arg8 : memref<40x128xi32, #tpu.memory_space<vmem>>) target_semaphore(%run_scoped3A : memref<!tpu.dma_semaphore, #tpu.memory_space<semaphore_mem>>)
      %dma_wait3A_40 = arith.constant 0 : i32
      %dma_wait3A_41 = arith.constant 0 : i32
      %dma_wait3A_42 = arith.constant 0 : i32
      %dma_wait3A_43 = tpu.memref_slice %arg3[%arg0, %dma_wait3A_40, %dma_wait3A_41, %dma_wait3A_42] : memref<2x16x80x128xi32, #tpu.memory_space<hbm>> -> memref<1x16x80x128xi32, #tpu.memory_space<hbm>>
      %dma_wait3A_44 = tpu.memref_squeeze %dma_wait3A_43 : memref<1x16x80x128xi32, #tpu.memory_space<hbm>> -> memref<16x80x128xi32, #tpu.memory_space<hbm>>
      %dma_wait3A_45 = arith.constant 0 : i32
      %dma_wait3A_46 = arith.constant 0 : i32
      %dma_wait3A_47 = tpu.memref_slice %dma_wait3A_44[%arg1, %dma_wait3A_45, %dma_wait3A_46] : memref<16x80x128xi32, #tpu.memory_space<hbm>> -> memref<1x80x128xi32, #tpu.memory_space<hbm>>
      %dma_wait3A_48 = tpu.memref_squeeze %dma_wait3A_47 : memref<1x80x128xi32, #tpu.memory_space<hbm>> -> memref<80x128xi32, #tpu.memory_space<hbm>>
      %dma_wait3A_49 = arith.constant 0 : i32
      %dma_wait3A_50 = arith.constant 0 : i32
      %dma_wait3A_51 = tpu.memref_slice %dma_wait3A_48[%dma_wait3A_49, %dma_wait3A_50] : memref<80x128xi32, #tpu.memory_space<hbm>> -> memref<40x128xi32, #tpu.memory_space<hbm>>
      %dma_wait3A_52 = arith.constant 0 : i32
      %dma_wait3A_53 = arith.constant 0 : i32
      %dma_wait3A_54 = arith.constant 0 : i32
      %dma_wait3A_55 = tpu.memref_slice %arg3[%arg0, %dma_wait3A_52, %dma_wait3A_53, %dma_wait3A_54] : memref<2x16x80x128xi32, #tpu.memory_space<hbm>> -> memref<1x16x80x128xi32, #tpu.memory_space<hbm>>
      %dma_wait3A_56 = tpu.memref_squeeze %dma_wait3A_55 : memref<1x16x80x128xi32, #tpu.memory_space<hbm>> -> memref<16x80x128xi32, #tpu.memory_space<hbm>>
      %dma_wait3A_57 = arith.constant 0 : i32
      %dma_wait3A_58 = arith.constant 0 : i32
      %dma_wait3A_59 = tpu.memref_slice %dma_wait3A_56[%arg1, %dma_wait3A_57, %dma_wait3A_58] : memref<16x80x128xi32, #tpu.memory_space<hbm>> -> memref<1x80x128xi32, #tpu.memory_space<hbm>>
      %dma_wait3A_60 = tpu.memref_squeeze %dma_wait3A_59 : memref<1x80x128xi32, #tpu.memory_space<hbm>> -> memref<80x128xi32, #tpu.memory_space<hbm>>
      %dma_wait3A_61 = arith.constant 0 : i32
      %dma_wait3A_62 = arith.constant 0 : i32
      %dma_wait3A_63 = tpu.memref_slice %dma_wait3A_60[%dma_wait3A_61, %dma_wait3A_62] : memref<80x128xi32, #tpu.memory_space<hbm>> -> memref<40x128xi32, #tpu.memory_space<hbm>>
      tpu.wait_dma2 semaphore(%run_scoped3A : memref<!tpu.dma_semaphore, #tpu.memory_space<semaphore_mem>>) src(%dma_wait3A_63 : memref<40x128xi32, #tpu.memory_space<hbm>>) dst(%arg8 : memref<40x128xi32, #tpu.memory_space<vmem>>)
      tpu.yield
    }) : () -> ()
    %dma_wait3A = arith.constant 0 : i32
    %dma_wait3A_2 = tpu.memref_slice %arg11[%mul3A_0, %dma_wait3A] : memref<10240x128xf32, #tpu.memory_space<vmem_shared>> -> memref<640x128xf32, #tpu.memory_space<vmem_shared>>
    tpu.wait_dma2 semaphore(%arg12 : memref<!tpu.dma_semaphore, #tpu.memory_space<semaphore_mem>>) src(%arg5 : memref<640x128xf32, #tpu.memory_space<hbm>>) dst(%dma_wait3A_2 : memref<640x128xf32, #tpu.memory_space<vmem_shared>>)
    %barrier3A = arith.constant 0 : index
    tpu.barrier barrier_id(%barrier3A)
    %scan3A = arith.constant 0 : i32
    %scan3A_3 = arith.constant 0 : i32
    %scan3A_4 = arith.constant 2 : i32
    %scan3A_5 = arith.addi %scan3A_3, %scan3A_4 : i32
    %scan3A_6 = arith.constant 1 : i32
    %scan3A_7 = scf.for %scan3A_16 = %scan3A_3 to %scan3A_5 step %scan3A_6 iter_args(%scan3A_17 = %scan3A) -> (i32)  : i32 {
      %gt3A = arith.constant 0 : i32
      %gt3A_18 = arith.cmpi sgt, %scan3A_16, %gt3A : i32
      %convert_element_type3A_19 = arith.extui %gt3A_18 : i1 to i32
      %cond3A_20 = arith.constant 0 : i32
      %cond3A_21 = arith.cmpi ne, %convert_element_type3A_19, %cond3A_20 : i32
      scf.if %cond3A_21 {
        %mul3A_30 = arith.constant 40 : i32
        %mul3A_31 = arith.muli %scan3A_16, %mul3A_30 : i32
        "tpu.region"() ({
          %run_scoped3A = tpu.sem_alloc : memref<!tpu.dma_semaphore, #tpu.memory_space<semaphore_mem>>
          %dma_start3A_34 = arith.constant 0 : i32
          %dma_start3A_35 = arith.constant 0 : i32
          %dma_start3A_36 = arith.constant 0 : i32
          %dma_start3A_37 = tpu.memref_slice %arg2[%arg0, %dma_start3A_34, %dma_start3A_35, %dma_start3A_36] : memref<2x16x80x128xi32, #tpu.memory_space<hbm>> -> memref<1x16x80x128xi32, #tpu.memory_space<hbm>>
          %dma_start3A_38 = tpu.memref_squeeze %dma_start3A_37 : memref<1x16x80x128xi32, #tpu.memory_space<hbm>> -> memref<16x80x128xi32, #tpu.memory_space<hbm>>
          %dma_start3A_39 = arith.constant 0 : i32
          %dma_start3A_40 = arith.constant 0 : i32
          %dma_start3A_41 = tpu.memref_slice %dma_start3A_38[%arg1, %dma_start3A_39, %dma_start3A_40] : memref<16x80x128xi32, #tpu.memory_space<hbm>> -> memref<1x80x128xi32, #tpu.memory_space<hbm>>
          %dma_start3A_42 = tpu.memref_squeeze %dma_start3A_41 : memref<1x80x128xi32, #tpu.memory_space<hbm>> -> memref<80x128xi32, #tpu.memory_space<hbm>>
          %dma_start3A_43 = arith.constant 0 : i32
          %dma_start3A_44 = tpu.memref_slice %dma_start3A_42[%mul3A_31, %dma_start3A_43] : memref<80x128xi32, #tpu.memory_space<hbm>> -> memref<40x128xi32, #tpu.memory_space<hbm>>
          %dma_start3A_45 = arith.constant 0 : i32
          %dma_start3A_46 = arith.constant 0 : i32
          %dma_start3A_47 = arith.constant 0 : i32
          %dma_start3A_48 = tpu.memref_slice %arg2[%arg0, %dma_start3A_45, %dma_start3A_46, %dma_start3A_47] : memref<2x16x80x128xi32, #tpu.memory_space<hbm>> -> memref<1x16x80x128xi32, #tpu.memory_space<hbm>>
          %dma_start3A_49 = tpu.memref_squeeze %dma_start3A_48 : memref<1x16x80x128xi32, #tpu.memory_space<hbm>> -> memref<16x80x128xi32, #tpu.memory_space<hbm>>
          %dma_start3A_50 = arith.constant 0 : i32
          %dma_start3A_51 = arith.constant 0 : i32
          %dma_start3A_52 = tpu.memref_slice %dma_start3A_49[%arg1, %dma_start3A_50, %dma_start3A_51] : memref<16x80x128xi32, #tpu.memory_space<hbm>> -> memref<1x80x128xi32, #tpu.memory_space<hbm>>
          %dma_start3A_53 = tpu.memref_squeeze %dma_start3A_52 : memref<1x80x128xi32, #tpu.memory_space<hbm>> -> memref<80x128xi32, #tpu.memory_space<hbm>>
          %dma_start3A_54 = arith.constant 0 : i32
          %dma_start3A_55 = tpu.memref_slice %dma_start3A_53[%mul3A_31, %dma_start3A_54] : memref<80x128xi32, #tpu.memory_space<hbm>> -> memref<40x128xi32, #tpu.memory_space<hbm>>
          tpu.enqueue_dma source(%dma_start3A_55 : memref<40x128xi32, #tpu.memory_space<hbm>>) target(%arg7 : memref<40x128xi32, #tpu.memory_space<vmem>>) target_semaphore(%run_scoped3A : memref<!tpu.dma_semaphore, #tpu.memory_space<semaphore_mem>>)
          %dma_wait3A_56 = arith.constant 0 : i32
          %dma_wait3A_57 = arith.constant 0 : i32
          %dma_wait3A_58 = arith.constant 0 : i32
          %dma_wait3A_59 = tpu.memref_slice %arg2[%arg0, %dma_wait3A_56, %dma_wait3A_57, %dma_wait3A_58] : memref<2x16x80x128xi32, #tpu.memory_space<hbm>> -> memref<1x16x80x128xi32, #tpu.memory_space<hbm>>
          %dma_wait3A_60 = tpu.memref_squeeze %dma_wait3A_59 : memref<1x16x80x128xi32, #tpu.memory_space<hbm>> -> memref<16x80x128xi32, #tpu.memory_space<hbm>>
          %dma_wait3A_61 = arith.constant 0 : i32
          %dma_wait3A_62 = arith.constant 0 : i32
          %dma_wait3A_63 = tpu.memref_slice %dma_wait3A_60[%arg1, %dma_wait3A_61, %dma_wait3A_62] : memref<16x80x128xi32, #tpu.memory_space<hbm>> -> memref<1x80x128xi32, #tpu.memory_space<hbm>>
          %dma_wait3A_64 = tpu.memref_squeeze %dma_wait3A_63 : memref<1x80x128xi32, #tpu.memory_space<hbm>> -> memref<80x128xi32, #tpu.memory_space<hbm>>
          %dma_wait3A_65 = arith.constant 0 : i32
          %dma_wait3A_66 = tpu.memref_slice %dma_wait3A_64[%mul3A_31, %dma_wait3A_65] : memref<80x128xi32, #tpu.memory_space<hbm>> -> memref<40x128xi32, #tpu.memory_space<hbm>>
          %dma_wait3A_67 = arith.constant 0 : i32
          %dma_wait3A_68 = arith.constant 0 : i32
          %dma_wait3A_69 = arith.constant 0 : i32
          %dma_wait3A_70 = tpu.memref_slice %arg2[%arg0, %dma_wait3A_67, %dma_wait3A_68, %dma_wait3A_69] : memref<2x16x80x128xi32, #tpu.memory_space<hbm>> -> memref<1x16x80x128xi32, #tpu.memory_space<hbm>>
          %dma_wait3A_71 = tpu.memref_squeeze %dma_wait3A_70 : memref<1x16x80x128xi32, #tpu.memory_space<hbm>> -> memref<16x80x128xi32, #tpu.memory_space<hbm>>
          %dma_wait3A_72 = arith.constant 0 : i32
          %dma_wait3A_73 = arith.constant 0 : i32
          %dma_wait3A_74 = tpu.memref_slice %dma_wait3A_71[%arg1, %dma_wait3A_72, %dma_wait3A_73] : memref<16x80x128xi32, #tpu.memory_space<hbm>> -> memref<1x80x128xi32, #tpu.memory_space<hbm>>
          %dma_wait3A_75 = tpu.memref_squeeze %dma_wait3A_74 : memref<1x80x128xi32, #tpu.memory_space<hbm>> -> memref<80x128xi32, #tpu.memory_space<hbm>>
          %dma_wait3A_76 = arith.constant 0 : i32
          %dma_wait3A_77 = tpu.memref_slice %dma_wait3A_75[%mul3A_31, %dma_wait3A_76] : memref<80x128xi32, #tpu.memory_space<hbm>> -> memref<40x128xi32, #tpu.memory_space<hbm>>
          tpu.wait_dma2 semaphore(%run_scoped3A : memref<!tpu.dma_semaphore, #tpu.memory_space<semaphore_mem>>) src(%dma_wait3A_77 : memref<40x128xi32, #tpu.memory_space<hbm>>) dst(%arg7 : memref<40x128xi32, #tpu.memory_space<vmem>>)
          tpu.yield
        }) : () -> ()
        %mul3A_32 = arith.constant 40 : i32
        %mul3A_33 = arith.muli %scan3A_16, %mul3A_32 : i32
        "tpu.region"() ({
          %run_scoped3A = tpu.sem_alloc : memref<!tpu.dma_semaphore, #tpu.memory_space<semaphore_mem>>
          %dma_start3A_34 = arith.constant 0 : i32
          %dma_start3A_35 = arith.constant 0 : i32
          %dma_start3A_36 = arith.constant 0 : i32
          %dma_start3A_37 = tpu.memref_slice %arg3[%arg0, %dma_start3A_34, %dma_start3A_35, %dma_start3A_36] : memref<2x16x80x128xi32, #tpu.memory_space<hbm>> -> memref<1x16x80x128xi32, #tpu.memory_space<hbm>>
          %dma_start3A_38 = tpu.memref_squeeze %dma_start3A_37 : memref<1x16x80x128xi32, #tpu.memory_space<hbm>> -> memref<16x80x128xi32, #tpu.memory_space<hbm>>
          %dma_start3A_39 = arith.constant 0 : i32
          %dma_start3A_40 = arith.constant 0 : i32
          %dma_start3A_41 = tpu.memref_slice %dma_start3A_38[%arg1, %dma_start3A_39, %dma_start3A_40] : memref<16x80x128xi32, #tpu.memory_space<hbm>> -> memref<1x80x128xi32, #tpu.memory_space<hbm>>
          %dma_start3A_42 = tpu.memref_squeeze %dma_start3A_41 : memref<1x80x128xi32, #tpu.memory_space<hbm>> -> memref<80x128xi32, #tpu.memory_space<hbm>>
          %dma_start3A_43 = arith.constant 0 : i32
          %dma_start3A_44 = tpu.memref_slice %dma_start3A_42[%mul3A_33, %dma_start3A_43] : memref<80x128xi32, #tpu.memory_space<hbm>> -> memref<40x128xi32, #tpu.memory_space<hbm>>
          %dma_start3A_45 = arith.constant 0 : i32
          %dma_start3A_46 = arith.constant 0 : i32
          %dma_start3A_47 = arith.constant 0 : i32
          %dma_start3A_48 = tpu.memref_slice %arg3[%arg0, %dma_start3A_45, %dma_start3A_46, %dma_start3A_47] : memref<2x16x80x128xi32, #tpu.memory_space<hbm>> -> memref<1x16x80x128xi32, #tpu.memory_space<hbm>>
          %dma_start3A_49 = tpu.memref_squeeze %dma_start3A_48 : memref<1x16x80x128xi32, #tpu.memory_space<hbm>> -> memref<16x80x128xi32, #tpu.memory_space<hbm>>
          %dma_start3A_50 = arith.constant 0 : i32
          %dma_start3A_51 = arith.constant 0 : i32
          %dma_start3A_52 = tpu.memref_slice %dma_start3A_49[%arg1, %dma_start3A_50, %dma_start3A_51] : memref<16x80x128xi32, #tpu.memory_space<hbm>> -> memref<1x80x128xi32, #tpu.memory_space<hbm>>
          %dma_start3A_53 = tpu.memref_squeeze %dma_start3A_52 : memref<1x80x128xi32, #tpu.memory_space<hbm>> -> memref<80x128xi32, #tpu.memory_space<hbm>>
          %dma_start3A_54 = arith.constant 0 : i32
          %dma_start3A_55 = tpu.memref_slice %dma_start3A_53[%mul3A_33, %dma_start3A_54] : memref<80x128xi32, #tpu.memory_space<hbm>> -> memref<40x128xi32, #tpu.memory_space<hbm>>
          tpu.enqueue_dma source(%dma_start3A_55 : memref<40x128xi32, #tpu.memory_space<hbm>>) target(%arg8 : memref<40x128xi32, #tpu.memory_space<vmem>>) target_semaphore(%run_scoped3A : memref<!tpu.dma_semaphore, #tpu.memory_space<semaphore_mem>>)
          %dma_wait3A_56 = arith.constant 0 : i32
          %dma_wait3A_57 = arith.constant 0 : i32
          %dma_wait3A_58 = arith.constant 0 : i32
          %dma_wait3A_59 = tpu.memref_slice %arg3[%arg0, %dma_wait3A_56, %dma_wait3A_57, %dma_wait3A_58] : memref<2x16x80x128xi32, #tpu.memory_space<hbm>> -> memref<1x16x80x128xi32, #tpu.memory_space<hbm>>
          %dma_wait3A_60 = tpu.memref_squeeze %dma_wait3A_59 : memref<1x16x80x128xi32, #tpu.memory_space<hbm>> -> memref<16x80x128xi32, #tpu.memory_space<hbm>>
          %dma_wait3A_61 = arith.constant 0 : i32
          %dma_wait3A_62 = arith.constant 0 : i32
          %dma_wait3A_63 = tpu.memref_slice %dma_wait3A_60[%arg1, %dma_wait3A_61, %dma_wait3A_62] : memref<16x80x128xi32, #tpu.memory_space<hbm>> -> memref<1x80x128xi32, #tpu.memory_space<hbm>>
          %dma_wait3A_64 = tpu.memref_squeeze %dma_wait3A_63 : memref<1x80x128xi32, #tpu.memory_space<hbm>> -> memref<80x128xi32, #tpu.memory_space<hbm>>
          %dma_wait3A_65 = arith.constant 0 : i32
          %dma_wait3A_66 = tpu.memref_slice %dma_wait3A_64[%mul3A_33, %dma_wait3A_65] : memref<80x128xi32, #tpu.memory_space<hbm>> -> memref<40x128xi32, #tpu.memory_space<hbm>>
          %dma_wait3A_67 = arith.constant 0 : i32
          %dma_wait3A_68 = arith.constant 0 : i32
          %dma_wait3A_69 = arith.constant 0 : i32
          %dma_wait3A_70 = tpu.memref_slice %arg3[%arg0, %dma_wait3A_67, %dma_wait3A_68, %dma_wait3A_69] : memref<2x16x80x128xi32, #tpu.memory_space<hbm>> -> memref<1x16x80x128xi32, #tpu.memory_space<hbm>>
          %dma_wait3A_71 = tpu.memref_squeeze %dma_wait3A_70 : memref<1x16x80x128xi32, #tpu.memory_space<hbm>> -> memref<16x80x128xi32, #tpu.memory_space<hbm>>
          %dma_wait3A_72 = arith.constant 0 : i32
          %dma_wait3A_73 = arith.constant 0 : i32
          %dma_wait3A_74 = tpu.memref_slice %dma_wait3A_71[%arg1, %dma_wait3A_72, %dma_wait3A_73] : memref<16x80x128xi32, #tpu.memory_space<hbm>> -> memref<1x80x128xi32, #tpu.memory_space<hbm>>
          %dma_wait3A_75 = tpu.memref_squeeze %dma_wait3A_74 : memref<1x80x128xi32, #tpu.memory_space<hbm>> -> memref<80x128xi32, #tpu.memory_space<hbm>>
          %dma_wait3A_76 = arith.constant 0 : i32
          %dma_wait3A_77 = tpu.memref_slice %dma_wait3A_75[%mul3A_33, %dma_wait3A_76] : memref<80x128xi32, #tpu.memory_space<hbm>> -> memref<40x128xi32, #tpu.memory_space<hbm>>
          tpu.wait_dma2 semaphore(%run_scoped3A : memref<!tpu.dma_semaphore, #tpu.memory_space<semaphore_mem>>) src(%dma_wait3A_77 : memref<40x128xi32, #tpu.memory_space<hbm>>) dst(%arg8 : memref<40x128xi32, #tpu.memory_space<vmem>>)
          tpu.yield
        }) : () -> ()
      } else {
      }
      %scan3A_22 = arith.constant 0 : i32
      %scan3A_23 = arith.constant 0 : i32
      %scan3A_24 = arith.constant 5 : i32
      %scan3A_25 = arith.addi %scan3A_23, %scan3A_24 : i32
      %scan3A_26 = arith.constant 1 : i32
      %scan3A_27 = scf.for %scan3A_30 = %scan3A_23 to %scan3A_25 step %scan3A_26 iter_args(%scan3A_31 = %scan3A_22) -> (i32)  : i32 {
        %mul3A_32 = arith.constant 8 : i32
        %mul3A_33 = arith.muli %scan3A_30, %mul3A_32 : i32
        %dma_start3A_34 = arith.constant 0 : i32
        %dma_start3A_35 = tpu.memref_slice %arg7[%mul3A_33, %dma_start3A_34] : memref<40x128xi32, #tpu.memory_space<vmem>> -> memref<1x128xi32, #tpu.memory_space<vmem>>
        %dma_start3A_36 = tpu.memref_squeeze %dma_start3A_35 : memref<1x128xi32, #tpu.memory_space<vmem>> -> memref<128xi32, #tpu.memory_space<vmem>>
        %dma_start3A_37 = arith.constant 0 : i32
        %dma_start3A_38 = arith.constant 0 : i32
        %dma_start3A_39 = tpu.memref_slice %arg4[%dma_start3A_37, %dma_start3A_38] : memref<10000x128xf32, #tpu.memory_space<hbm>> -> memref<10000x128xf32, #tpu.memory_space<hbm>>
        tpu.enqueue_indirect_dma source(%dma_start3A_39 : memref<10000x128xf32, #tpu.memory_space<hbm>>) target(%arg9 : memref<128x128xf32, #tpu.memory_space<vmem>>) offsets(%dma_start3A_36 : memref<128xi32, #tpu.memory_space<vmem>>) semaphore(%arg12 : memref<!tpu.dma_semaphore, #tpu.memory_space<semaphore_mem>>)
        %add3A = arith.constant 1 : i32
        %add3A_40 = arith.addi %mul3A_33, %add3A : i32
        %dma_start3A_41 = arith.constant 0 : i32
        %dma_start3A_42 = tpu.memref_slice %arg7[%add3A_40, %dma_start3A_41] : memref<40x128xi32, #tpu.memory_space<vmem>> -> memref<1x128xi32, #tpu.memory_space<vmem>>
        %dma_start3A_43 = tpu.memref_squeeze %dma_start3A_42 : memref<1x128xi32, #tpu.memory_space<vmem>> -> memref<128xi32, #tpu.memory_space<vmem>>
        %dma_start3A_44 = arith.constant 0 : i32
        %dma_start3A_45 = arith.constant 0 : i32
        %dma_start3A_46 = tpu.memref_slice %arg4[%dma_start3A_44, %dma_start3A_45] : memref<10000x128xf32, #tpu.memory_space<hbm>> -> memref<10000x128xf32, #tpu.memory_space<hbm>>
        tpu.enqueue_indirect_dma source(%dma_start3A_46 : memref<10000x128xf32, #tpu.memory_space<hbm>>) target(%arg10 : memref<128x128xf32, #tpu.memory_space<vmem>>) offsets(%dma_start3A_43 : memref<128xi32, #tpu.memory_space<vmem>>) semaphore(%arg13 : memref<!tpu.dma_semaphore, #tpu.memory_space<semaphore_mem>>)
        %dma_wait3A_47 = arith.constant 0 : i32
        %dma_wait3A_48 = tpu.memref_slice %arg7[%mul3A_33, %dma_wait3A_47] : memref<40x128xi32, #tpu.memory_space<vmem>> -> memref<1x128xi32, #tpu.memory_space<vmem>>
        %dma_wait3A_49 = tpu.memref_squeeze %dma_wait3A_48 : memref<1x128xi32, #tpu.memory_space<vmem>> -> memref<128xi32, #tpu.memory_space<vmem>>
        %dma_wait3A_50 = arith.constant 0 : i32
        %dma_wait3A_51 = arith.constant 0 : i32
        %dma_wait3A_52 = tpu.memref_slice %arg4[%dma_wait3A_50, %dma_wait3A_51] : memref<10000x128xf32, #tpu.memory_space<hbm>> -> memref<10000x128xf32, #tpu.memory_space<hbm>>
        tpu.wait_indirect_dma semaphore(%arg12 : memref<!tpu.dma_semaphore, #tpu.memory_space<semaphore_mem>>) src(%dma_wait3A_52 : memref<10000x128xf32, #tpu.memory_space<hbm>>) dst(%arg9 : memref<128x128xf32, #tpu.memory_space<vmem>>)
        %add3A_53 = arith.constant 0 : i32
        %add3A_54 = arith.addi %mul3A_33, %add3A_53 : i32
        %dma_start3A_55 = arith.constant 0 : i32
        %dma_start3A_56 = tpu.memref_slice %arg8[%add3A_54, %dma_start3A_55] : memref<40x128xi32, #tpu.memory_space<vmem>> -> memref<1x128xi32, #tpu.memory_space<vmem>>
        %dma_start3A_57 = tpu.memref_squeeze %dma_start3A_56 : memref<1x128xi32, #tpu.memory_space<vmem>> -> memref<128xi32, #tpu.memory_space<vmem>>
        %dma_start3A_58 = arith.constant 0 : i32
        %dma_start3A_59 = arith.constant 0 : i32
        %dma_start3A_60 = tpu.memref_slice %arg11[%dma_start3A_58, %dma_start3A_59] : memref<10240x128xf32, #tpu.memory_space<vmem_shared>> -> memref<10240x128xf32, #tpu.memory_space<vmem_shared>>
        tpu.enqueue_indirect_dma source(%arg9 : memref<128x128xf32, #tpu.memory_space<vmem>>) target(%dma_start3A_60 : memref<10240x128xf32, #tpu.memory_space<vmem_shared>>) offsets(%dma_start3A_57 : memref<128xi32, #tpu.memory_space<vmem>>) semaphore(%arg14 : memref<!tpu.dma_semaphore, #tpu.memory_space<semaphore_mem>>) {add = true}
        %dma_wait3A_61 = arith.constant 0 : i32
        %dma_wait3A_62 = tpu.memref_slice %arg8[%add3A_54, %dma_wait3A_61] : memref<40x128xi32, #tpu.memory_space<vmem>> -> memref<1x128xi32, #tpu.memory_space<vmem>>
        %dma_wait3A_63 = tpu.memref_squeeze %dma_wait3A_62 : memref<1x128xi32, #tpu.memory_space<vmem>> -> memref<128xi32, #tpu.memory_space<vmem>>
        %dma_wait3A_64 = arith.constant 0 : i32
        %dma_wait3A_65 = arith.constant 0 : i32
        %dma_wait3A_66 = tpu.memref_slice %arg11[%dma_wait3A_64, %dma_wait3A_65] : memref<10240x128xf32, #tpu.memory_space<vmem_shared>> -> memref<10240x128xf32, #tpu.memory_space<vmem_shared>>
        tpu.wait_indirect_dma semaphore(%arg14 : memref<!tpu.dma_semaphore, #tpu.memory_space<semaphore_mem>>) src(%arg9 : memref<128x128xf32, #tpu.memory_space<vmem>>) dst(%dma_wait3A_66 : memref<10240x128xf32, #tpu.memory_space<vmem_shared>>)
        %add3A_67 = arith.constant 0 : i32
        %add3A_68 = arith.addi %mul3A_33, %add3A_67 : i32
        %add3A_69 = arith.constant 2 : i32
        %add3A_70 = arith.addi %add3A_68, %add3A_69 : i32
        %dma_start3A_71 = arith.constant 0 : i32
        %dma_start3A_72 = tpu.memref_slice %arg7[%add3A_70, %dma_start3A_71] : memref<40x128xi32, #tpu.memory_space<vmem>> -> memref<1x128xi32, #tpu.memory_space<vmem>>
        %dma_start3A_73 = tpu.memref_squeeze %dma_start3A_72 : memref<1x128xi32, #tpu.memory_space<vmem>> -> memref<128xi32, #tpu.memory_space<vmem>>
        %dma_start3A_74 = arith.constant 0 : i32
        %dma_start3A_75 = arith.constant 0 : i32
        %dma_start3A_76 = tpu.memref_slice %arg4[%dma_start3A_74, %dma_start3A_75] : memref<10000x128xf32, #tpu.memory_space<hbm>> -> memref<10000x128xf32, #tpu.memory_space<hbm>>
        tpu.enqueue_indirect_dma source(%dma_start3A_76 : memref<10000x128xf32, #tpu.memory_space<hbm>>) target(%arg9 : memref<128x128xf32, #tpu.memory_space<vmem>>) offsets(%dma_start3A_73 : memref<128xi32, #tpu.memory_space<vmem>>) semaphore(%arg12 : memref<!tpu.dma_semaphore, #tpu.memory_space<semaphore_mem>>)
        %dma_wait3A_77 = arith.constant 0 : i32
        %dma_wait3A_78 = tpu.memref_slice %arg7[%add3A_40, %dma_wait3A_77] : memref<40x128xi32, #tpu.memory_space<vmem>> -> memref<1x128xi32, #tpu.memory_space<vmem>>
        %dma_wait3A_79 = tpu.memref_squeeze %dma_wait3A_78 : memref<1x128xi32, #tpu.memory_space<vmem>> -> memref<128xi32, #tpu.memory_space<vmem>>
        %dma_wait3A_80 = arith.constant 0 : i32
        %dma_wait3A_81 = arith.constant 0 : i32
        %dma_wait3A_82 = tpu.memref_slice %arg4[%dma_wait3A_80, %dma_wait3A_81] : memref<10000x128xf32, #tpu.memory_space<hbm>> -> memref<10000x128xf32, #tpu.memory_space<hbm>>
        tpu.wait_indirect_dma semaphore(%arg13 : memref<!tpu.dma_semaphore, #tpu.memory_space<semaphore_mem>>) src(%dma_wait3A_82 : memref<10000x128xf32, #tpu.memory_space<hbm>>) dst(%arg10 : memref<128x128xf32, #tpu.memory_space<vmem>>)
        %add3A_83 = arith.constant 1 : i32
        %add3A_84 = arith.addi %mul3A_33, %add3A_83 : i32
        %dma_start3A_85 = arith.constant 0 : i32
        %dma_start3A_86 = tpu.memref_slice %arg8[%add3A_84, %dma_start3A_85] : memref<40x128xi32, #tpu.memory_space<vmem>> -> memref<1x128xi32, #tpu.memory_space<vmem>>
        %dma_start3A_87 = tpu.memref_squeeze %dma_start3A_86 : memref<1x128xi32, #tpu.memory_space<vmem>> -> memref<128xi32, #tpu.memory_space<vmem>>
        %dma_start3A_88 = arith.constant 0 : i32
        %dma_start3A_89 = arith.constant 0 : i32
        %dma_start3A_90 = tpu.memref_slice %arg11[%dma_start3A_88, %dma_start3A_89] : memref<10240x128xf32, #tpu.memory_space<vmem_shared>> -> memref<10240x128xf32, #tpu.memory_space<vmem_shared>>
        tpu.enqueue_indirect_dma source(%arg10 : memref<128x128xf32, #tpu.memory_space<vmem>>) target(%dma_start3A_90 : memref<10240x128xf32, #tpu.memory_space<vmem_shared>>) offsets(%dma_start3A_87 : memref<128xi32, #tpu.memory_space<vmem>>) semaphore(%arg15 : memref<!tpu.dma_semaphore, #tpu.memory_space<semaphore_mem>>) {add = true}
        %dma_wait3A_91 = arith.constant 0 : i32
        %dma_wait3A_92 = tpu.memref_slice %arg8[%add3A_84, %dma_wait3A_91] : memref<40x128xi32, #tpu.memory_space<vmem>> -> memref<1x128xi32, #tpu.memory_space<vmem>>
        %dma_wait3A_93 = tpu.memref_squeeze %dma_wait3A_92 : memref<1x128xi32, #tpu.memory_space<vmem>> -> memref<128xi32, #tpu.memory_space<vmem>>
        %dma_wait3A_94 = arith.constant 0 : i32
        %dma_wait3A_95 = arith.constant 0 : i32
        %dma_wait3A_96 = tpu.memref_slice %arg11[%dma_wait3A_94, %dma_wait3A_95] : memref<10240x128xf32, #tpu.memory_space<vmem_shared>> -> memref<10240x128xf32, #tpu.memory_space<vmem_shared>>
        tpu.wait_indirect_dma semaphore(%arg15 : memref<!tpu.dma_semaphore, #tpu.memory_space<semaphore_mem>>) src(%arg10 : memref<128x128xf32, #tpu.memory_space<vmem>>) dst(%dma_wait3A_96 : memref<10240x128xf32, #tpu.memory_space<vmem_shared>>)
        %add3A_97 = arith.constant 1 : i32
        %add3A_98 = arith.addi %mul3A_33, %add3A_97 : i32
        %add3A_99 = arith.constant 2 : i32
        %add3A_100 = arith.addi %add3A_98, %add3A_99 : i32
        %dma_start3A_101 = arith.constant 0 : i32
        %dma_start3A_102 = tpu.memref_slice %arg7[%add3A_100, %dma_start3A_101] : memref<40x128xi32, #tpu.memory_space<vmem>> -> memref<1x128xi32, #tpu.memory_space<vmem>>
        %dma_start3A_103 = tpu.memref_squeeze %dma_start3A_102 : memref<1x128xi32, #tpu.memory_space<vmem>> -> memref<128xi32, #tpu.memory_space<vmem>>
        %dma_start3A_104 = arith.constant 0 : i32
        %dma_start3A_105 = arith.constant 0 : i32
        %dma_start3A_106 = tpu.memref_slice %arg4[%dma_start3A_104, %dma_start3A_105] : memref<10000x128xf32, #tpu.memory_space<hbm>> -> memref<10000x128xf32, #tpu.memory_space<hbm>>
        tpu.enqueue_indirect_dma source(%dma_start3A_106 : memref<10000x128xf32, #tpu.memory_space<hbm>>) target(%arg10 : memref<128x128xf32, #tpu.memory_space<vmem>>) offsets(%dma_start3A_103 : memref<128xi32, #tpu.memory_space<vmem>>) semaphore(%arg13 : memref<!tpu.dma_semaphore, #tpu.memory_space<semaphore_mem>>)
        %dma_wait3A_107 = arith.constant 0 : i32
        %dma_wait3A_108 = tpu.memref_slice %arg7[%add3A_70, %dma_wait3A_107] : memref<40x128xi32, #tpu.memory_space<vmem>> -> memref<1x128xi32, #tpu.memory_space<vmem>>
        %dma_wait3A_109 = tpu.memref_squeeze %dma_wait3A_108 : memref<1x128xi32, #tpu.memory_space<vmem>> -> memref<128xi32, #tpu.memory_space<vmem>>
        %dma_wait3A_110 = arith.constant 0 : i32
        %dma_wait3A_111 = arith.constant 0 : i32
        %dma_wait3A_112 = tpu.memref_slice %arg4[%dma_wait3A_110, %dma_wait3A_111] : memref<10000x128xf32, #tpu.memory_space<hbm>> -> memref<10000x128xf32, #tpu.memory_space<hbm>>
        tpu.wait_indirect_dma semaphore(%arg12 : memref<!tpu.dma_semaphore, #tpu.memory_space<semaphore_mem>>) src(%dma_wait3A_112 : memref<10000x128xf32, #tpu.memory_space<hbm>>) dst(%arg9 : memref<128x128xf32, #tpu.memory_space<vmem>>)
        %add3A_113 = arith.constant 2 : i32
        %add3A_114 = arith.addi %mul3A_33, %add3A_113 : i32
        %dma_start3A_115 = arith.constant 0 : i32
        %dma_start3A_116 = tpu.memref_slice %arg8[%add3A_114, %dma_start3A_115] : memref<40x128xi32, #tpu.memory_space<vmem>> -> memref<1x128xi32, #tpu.memory_space<vmem>>
        %dma_start3A_117 = tpu.memref_squeeze %dma_start3A_116 : memref<1x128xi32, #tpu.memory_space<vmem>> -> memref<128xi32, #tpu.memory_space<vmem>>
        %dma_start3A_118 = arith.constant 0 : i32
        %dma_start3A_119 = arith.constant 0 : i32
        %dma_start3A_120 = tpu.memref_slice %arg11[%dma_start3A_118, %dma_start3A_119] : memref<10240x128xf32, #tpu.memory_space<vmem_shared>> -> memref<10240x128xf32, #tpu.memory_space<vmem_shared>>
        tpu.enqueue_indirect_dma source(%arg9 : memref<128x128xf32, #tpu.memory_space<vmem>>) target(%dma_start3A_120 : memref<10240x128xf32, #tpu.memory_space<vmem_shared>>) offsets(%dma_start3A_117 : memref<128xi32, #tpu.memory_space<vmem>>) semaphore(%arg14 : memref<!tpu.dma_semaphore, #tpu.memory_space<semaphore_mem>>) {add = true}
        %dma_wait3A_121 = arith.constant 0 : i32
        %dma_wait3A_122 = tpu.memref_slice %arg8[%add3A_114, %dma_wait3A_121] : memref<40x128xi32, #tpu.memory_space<vmem>> -> memref<1x128xi32, #tpu.memory_space<vmem>>
        %dma_wait3A_123 = tpu.memref_squeeze %dma_wait3A_122 : memref<1x128xi32, #tpu.memory_space<vmem>> -> memref<128xi32, #tpu.memory_space<vmem>>
        %dma_wait3A_124 = arith.constant 0 : i32
        %dma_wait3A_125 = arith.constant 0 : i32
        %dma_wait3A_126 = tpu.memref_slice %arg11[%dma_wait3A_124, %dma_wait3A_125] : memref<10240x128xf32, #tpu.memory_space<vmem_shared>> -> memref<10240x128xf32, #tpu.memory_space<vmem_shared>>
        tpu.wait_indirect_dma semaphore(%arg14 : memref<!tpu.dma_semaphore, #tpu.memory_space<semaphore_mem>>) src(%arg9 : memref<128x128xf32, #tpu.memory_space<vmem>>) dst(%dma_wait3A_126 : memref<10240x128xf32, #tpu.memory_space<vmem_shared>>)
        %add3A_127 = arith.constant 2 : i32
        %add3A_128 = arith.addi %mul3A_33, %add3A_127 : i32
        %add3A_129 = arith.constant 2 : i32
        %add3A_130 = arith.addi %add3A_128, %add3A_129 : i32
        %dma_start3A_131 = arith.constant 0 : i32
        %dma_start3A_132 = tpu.memref_slice %arg7[%add3A_130, %dma_start3A_131] : memref<40x128xi32, #tpu.memory_space<vmem>> -> memref<1x128xi32, #tpu.memory_space<vmem>>
        %dma_start3A_133 = tpu.memref_squeeze %dma_start3A_132 : memref<1x128xi32, #tpu.memory_space<vmem>> -> memref<128xi32, #tpu.memory_space<vmem>>
        %dma_start3A_134 = arith.constant 0 : i32
        %dma_start3A_135 = arith.constant 0 : i32
        %dma_start3A_136 = tpu.memref_slice %arg4[%dma_start3A_134, %dma_start3A_135] : memref<10000x128xf32, #tpu.memory_space<hbm>> -> memref<10000x128xf32, #tpu.memory_space<hbm>>
        tpu.enqueue_indirect_dma source(%dma_start3A_136 : memref<10000x128xf32, #tpu.memory_space<hbm>>) target(%arg9 : memref<128x128xf32, #tpu.memory_space<vmem>>) offsets(%dma_start3A_133 : memref<128xi32, #tpu.memory_space<vmem>>) semaphore(%arg12 : memref<!tpu.dma_semaphore, #tpu.memory_space<semaphore_mem>>)
        %dma_wait3A_137 = arith.constant 0 : i32
        %dma_wait3A_138 = tpu.memref_slice %arg7[%add3A_100, %dma_wait3A_137] : memref<40x128xi32, #tpu.memory_space<vmem>> -> memref<1x128xi32, #tpu.memory_space<vmem>>
        %dma_wait3A_139 = tpu.memref_squeeze %dma_wait3A_138 : memref<1x128xi32, #tpu.memory_space<vmem>> -> memref<128xi32, #tpu.memory_space<vmem>>
        %dma_wait3A_140 = arith.constant 0 : i32
        %dma_wait3A_141 = arith.constant 0 : i32
        %dma_wait3A_142 = tpu.memref_slice %arg4[%dma_wait3A_140, %dma_wait3A_141] : memref<10000x128xf32, #tpu.memory_space<hbm>> -> memref<10000x128xf32, #tpu.memory_space<hbm>>
        tpu.wait_indirect_dma semaphore(%arg13 : memref<!tpu.dma_semaphore, #tpu.memory_space<semaphore_mem>>) src(%dma_wait3A_142 : memref<10000x128xf32, #tpu.memory_space<hbm>>) dst(%arg10 : memref<128x128xf32, #tpu.memory_space<vmem>>)
        %add3A_143 = arith.constant 3 : i32
        %add3A_144 = arith.addi %mul3A_33, %add3A_143 : i32
        %dma_start3A_145 = arith.constant 0 : i32
        %dma_start3A_146 = tpu.memref_slice %arg8[%add3A_144, %dma_start3A_145] : memref<40x128xi32, #tpu.memory_space<vmem>> -> memref<1x128xi32, #tpu.memory_space<vmem>>
        %dma_start3A_147 = tpu.memref_squeeze %dma_start3A_146 : memref<1x128xi32, #tpu.memory_space<vmem>> -> memref<128xi32, #tpu.memory_space<vmem>>
        %dma_start3A_148 = arith.constant 0 : i32
        %dma_start3A_149 = arith.constant 0 : i32
        %dma_start3A_150 = tpu.memref_slice %arg11[%dma_start3A_148, %dma_start3A_149] : memref<10240x128xf32, #tpu.memory_space<vmem_shared>> -> memref<10240x128xf32, #tpu.memory_space<vmem_shared>>
        tpu.enqueue_indirect_dma source(%arg10 : memref<128x128xf32, #tpu.memory_space<vmem>>) target(%dma_start3A_150 : memref<10240x128xf32, #tpu.memory_space<vmem_shared>>) offsets(%dma_start3A_147 : memref<128xi32, #tpu.memory_space<vmem>>) semaphore(%arg15 : memref<!tpu.dma_semaphore, #tpu.memory_space<semaphore_mem>>) {add = true}
        %dma_wait3A_151 = arith.constant 0 : i32
        %dma_wait3A_152 = tpu.memref_slice %arg8[%add3A_144, %dma_wait3A_151] : memref<40x128xi32, #tpu.memory_space<vmem>> -> memref<1x128xi32, #tpu.memory_space<vmem>>
        %dma_wait3A_153 = tpu.memref_squeeze %dma_wait3A_152 : memref<1x128xi32, #tpu.memory_space<vmem>> -> memref<128xi32, #tpu.memory_space<vmem>>
        %dma_wait3A_154 = arith.constant 0 : i32
        %dma_wait3A_155 = arith.constant 0 : i32
        %dma_wait3A_156 = tpu.memref_slice %arg11[%dma_wait3A_154, %dma_wait3A_155] : memref<10240x128xf32, #tpu.memory_space<vmem_shared>> -> memref<10240x128xf32, #tpu.memory_space<vmem_shared>>
        tpu.wait_indirect_dma semaphore(%arg15 : memref<!tpu.dma_semaphore, #tpu.memory_space<semaphore_mem>>) src(%arg10 : memref<128x128xf32, #tpu.memory_space<vmem>>) dst(%dma_wait3A_156 : memref<10240x128xf32, #tpu.memory_space<vmem_shared>>)
        %add3A_157 = arith.constant 3 : i32
        %add3A_158 = arith.addi %mul3A_33, %add3A_157 : i32
        %add3A_159 = arith.constant 2 : i32
        %add3A_160 = arith.addi %add3A_158, %add3A_159 : i32
        %dma_start3A_161 = arith.constant 0 : i32
        %dma_start3A_162 = tpu.memref_slice %arg7[%add3A_160, %dma_start3A_161] : memref<40x128xi32, #tpu.memory_space<vmem>> -> memref<1x128xi32, #tpu.memory_space<vmem>>
        %dma_start3A_163 = tpu.memref_squeeze %dma_start3A_162 : memref<1x128xi32, #tpu.memory_space<vmem>> -> memref<128xi32, #tpu.memory_space<vmem>>
        %dma_start3A_164 = arith.constant 0 : i32
        %dma_start3A_165 = arith.constant 0 : i32
        %dma_start3A_166 = tpu.memref_slice %arg4[%dma_start3A_164, %dma_start3A_165] : memref<10000x128xf32, #tpu.memory_space<hbm>> -> memref<10000x128xf32, #tpu.memory_space<hbm>>
        tpu.enqueue_indirect_dma source(%dma_start3A_166 : memref<10000x128xf32, #tpu.memory_space<hbm>>) target(%arg10 : memref<128x128xf32, #tpu.memory_space<vmem>>) offsets(%dma_start3A_163 : memref<128xi32, #tpu.memory_space<vmem>>) semaphore(%arg13 : memref<!tpu.dma_semaphore, #tpu.memory_space<semaphore_mem>>)
        %dma_wait3A_167 = arith.constant 0 : i32
        %dma_wait3A_168 = tpu.memref_slice %arg7[%add3A_130, %dma_wait3A_167] : memref<40x128xi32, #tpu.memory_space<vmem>> -> memref<1x128xi32, #tpu.memory_space<vmem>>
        %dma_wait3A_169 = tpu.memref_squeeze %dma_wait3A_168 : memref<1x128xi32, #tpu.memory_space<vmem>> -> memref<128xi32, #tpu.memory_space<vmem>>
        %dma_wait3A_170 = arith.constant 0 : i32
        %dma_wait3A_171 = arith.constant 0 : i32
        %dma_wait3A_172 = tpu.memref_slice %arg4[%dma_wait3A_170, %dma_wait3A_171] : memref<10000x128xf32, #tpu.memory_space<hbm>> -> memref<10000x128xf32, #tpu.memory_space<hbm>>
        tpu.wait_indirect_dma semaphore(%arg12 : memref<!tpu.dma_semaphore, #tpu.memory_space<semaphore_mem>>) src(%dma_wait3A_172 : memref<10000x128xf32, #tpu.memory_space<hbm>>) dst(%arg9 : memref<128x128xf32, #tpu.memory_space<vmem>>)
        %add3A_173 = arith.constant 4 : i32
        %add3A_174 = arith.addi %mul3A_33, %add3A_173 : i32
        %dma_start3A_175 = arith.constant 0 : i32
        %dma_start3A_176 = tpu.memref_slice %arg8[%add3A_174, %dma_start3A_175] : memref<40x128xi32, #tpu.memory_space<vmem>> -> memref<1x128xi32, #tpu.memory_space<vmem>>
        %dma_start3A_177 = tpu.memref_squeeze %dma_start3A_176 : memref<1x128xi32, #tpu.memory_space<vmem>> -> memref<128xi32, #tpu.memory_space<vmem>>
        %dma_start3A_178 = arith.constant 0 : i32
        %dma_start3A_179 = arith.constant 0 : i32
        %dma_start3A_180 = tpu.memref_slice %arg11[%dma_start3A_178, %dma_start3A_179] : memref<10240x128xf32, #tpu.memory_space<vmem_shared>> -> memref<10240x128xf32, #tpu.memory_space<vmem_shared>>
        tpu.enqueue_indirect_dma source(%arg9 : memref<128x128xf32, #tpu.memory_space<vmem>>) target(%dma_start3A_180 : memref<10240x128xf32, #tpu.memory_space<vmem_shared>>) offsets(%dma_start3A_177 : memref<128xi32, #tpu.memory_space<vmem>>) semaphore(%arg14 : memref<!tpu.dma_semaphore, #tpu.memory_space<semaphore_mem>>) {add = true}
        %dma_wait3A_181 = arith.constant 0 : i32
        %dma_wait3A_182 = tpu.memref_slice %arg8[%add3A_174, %dma_wait3A_181] : memref<40x128xi32, #tpu.memory_space<vmem>> -> memref<1x128xi32, #tpu.memory_space<vmem>>
        %dma_wait3A_183 = tpu.memref_squeeze %dma_wait3A_182 : memref<1x128xi32, #tpu.memory_space<vmem>> -> memref<128xi32, #tpu.memory_space<vmem>>
        %dma_wait3A_184 = arith.constant 0 : i32
        %dma_wait3A_185 = arith.constant 0 : i32
        %dma_wait3A_186 = tpu.memref_slice %arg11[%dma_wait3A_184, %dma_wait3A_185] : memref<10240x128xf32, #tpu.memory_space<vmem_shared>> -> memref<10240x128xf32, #tpu.memory_space<vmem_shared>>
        tpu.wait_indirect_dma semaphore(%arg14 : memref<!tpu.dma_semaphore, #tpu.memory_space<semaphore_mem>>) src(%arg9 : memref<128x128xf32, #tpu.memory_space<vmem>>) dst(%dma_wait3A_186 : memref<10240x128xf32, #tpu.memory_space<vmem_shared>>)
        %add3A_187 = arith.constant 4 : i32
        %add3A_188 = arith.addi %mul3A_33, %add3A_187 : i32
        %add3A_189 = arith.constant 2 : i32
        %add3A_190 = arith.addi %add3A_188, %add3A_189 : i32
        %dma_start3A_191 = arith.constant 0 : i32
        %dma_start3A_192 = tpu.memref_slice %arg7[%add3A_190, %dma_start3A_191] : memref<40x128xi32, #tpu.memory_space<vmem>> -> memref<1x128xi32, #tpu.memory_space<vmem>>
        %dma_start3A_193 = tpu.memref_squeeze %dma_start3A_192 : memref<1x128xi32, #tpu.memory_space<vmem>> -> memref<128xi32, #tpu.memory_space<vmem>>
        %dma_start3A_194 = arith.constant 0 : i32
        %dma_start3A_195 = arith.constant 0 : i32
        %dma_start3A_196 = tpu.memref_slice %arg4[%dma_start3A_194, %dma_start3A_195] : memref<10000x128xf32, #tpu.memory_space<hbm>> -> memref<10000x128xf32, #tpu.memory_space<hbm>>
        tpu.enqueue_indirect_dma source(%dma_start3A_196 : memref<10000x128xf32, #tpu.memory_space<hbm>>) target(%arg9 : memref<128x128xf32, #tpu.memory_space<vmem>>) offsets(%dma_start3A_193 : memref<128xi32, #tpu.memory_space<vmem>>) semaphore(%arg12 : memref<!tpu.dma_semaphore, #tpu.memory_space<semaphore_mem>>)
        %dma_wait3A_197 = arith.constant 0 : i32
        %dma_wait3A_198 = tpu.memref_slice %arg7[%add3A_160, %dma_wait3A_197] : memref<40x128xi32, #tpu.memory_space<vmem>> -> memref<1x128xi32, #tpu.memory_space<vmem>>
        %dma_wait3A_199 = tpu.memref_squeeze %dma_wait3A_198 : memref<1x128xi32, #tpu.memory_space<vmem>> -> memref<128xi32, #tpu.memory_space<vmem>>
        %dma_wait3A_200 = arith.constant 0 : i32
        %dma_wait3A_201 = arith.constant 0 : i32
        %dma_wait3A_202 = tpu.memref_slice %arg4[%dma_wait3A_200, %dma_wait3A_201] : memref<10000x128xf32, #tpu.memory_space<hbm>> -> memref<10000x128xf32, #tpu.memory_space<hbm>>
        tpu.wait_indirect_dma semaphore(%arg13 : memref<!tpu.dma_semaphore, #tpu.memory_space<semaphore_mem>>) src(%dma_wait3A_202 : memref<10000x128xf32, #tpu.memory_space<hbm>>) dst(%arg10 : memref<128x128xf32, #tpu.memory_space<vmem>>)
        %add3A_203 = arith.constant 5 : i32
        %add3A_204 = arith.addi %mul3A_33, %add3A_203 : i32
        %dma_start3A_205 = arith.constant 0 : i32
        %dma_start3A_206 = tpu.memref_slice %arg8[%add3A_204, %dma_start3A_205] : memref<40x128xi32, #tpu.memory_space<vmem>> -> memref<1x128xi32, #tpu.memory_space<vmem>>
        %dma_start3A_207 = tpu.memref_squeeze %dma_start3A_206 : memref<1x128xi32, #tpu.memory_space<vmem>> -> memref<128xi32, #tpu.memory_space<vmem>>
        %dma_start3A_208 = arith.constant 0 : i32
        %dma_start3A_209 = arith.constant 0 : i32
        %dma_start3A_210 = tpu.memref_slice %arg11[%dma_start3A_208, %dma_start3A_209] : memref<10240x128xf32, #tpu.memory_space<vmem_shared>> -> memref<10240x128xf32, #tpu.memory_space<vmem_shared>>
        tpu.enqueue_indirect_dma source(%arg10 : memref<128x128xf32, #tpu.memory_space<vmem>>) target(%dma_start3A_210 : memref<10240x128xf32, #tpu.memory_space<vmem_shared>>) offsets(%dma_start3A_207 : memref<128xi32, #tpu.memory_space<vmem>>) semaphore(%arg15 : memref<!tpu.dma_semaphore, #tpu.memory_space<semaphore_mem>>) {add = true}
        %dma_wait3A_211 = arith.constant 0 : i32
        %dma_wait3A_212 = tpu.memref_slice %arg8[%add3A_204, %dma_wait3A_211] : memref<40x128xi32, #tpu.memory_space<vmem>> -> memref<1x128xi32, #tpu.memory_space<vmem>>
        %dma_wait3A_213 = tpu.memref_squeeze %dma_wait3A_212 : memref<1x128xi32, #tpu.memory_space<vmem>> -> memref<128xi32, #tpu.memory_space<vmem>>
        %dma_wait3A_214 = arith.constant 0 : i32
        %dma_wait3A_215 = arith.constant 0 : i32
        %dma_wait3A_216 = tpu.memref_slice %arg11[%dma_wait3A_214, %dma_wait3A_215] : memref<10240x128xf32, #tpu.memory_space<vmem_shared>> -> memref<10240x128xf32, #tpu.memory_space<vmem_shared>>
        tpu.wait_indirect_dma semaphore(%arg15 : memref<!tpu.dma_semaphore, #tpu.memory_space<semaphore_mem>>) src(%arg10 : memref<128x128xf32, #tpu.memory_space<vmem>>) dst(%dma_wait3A_216 : memref<10240x128xf32, #tpu.memory_space<vmem_shared>>)
        %add3A_217 = arith.constant 5 : i32
        %add3A_218 = arith.addi %mul3A_33, %add3A_217 : i32
        %add3A_219 = arith.constant 2 : i32
        %add3A_220 = arith.addi %add3A_218, %add3A_219 : i32
        %dma_start3A_221 = arith.constant 0 : i32
        %dma_start3A_222 = tpu.memref_slice %arg7[%add3A_220, %dma_start3A_221] : memref<40x128xi32, #tpu.memory_space<vmem>> -> memref<1x128xi32, #tpu.memory_space<vmem>>
        %dma_start3A_223 = tpu.memref_squeeze %dma_start3A_222 : memref<1x128xi32, #tpu.memory_space<vmem>> -> memref<128xi32, #tpu.memory_space<vmem>>
        %dma_start3A_224 = arith.constant 0 : i32
        %dma_start3A_225 = arith.constant 0 : i32
        %dma_start3A_226 = tpu.memref_slice %arg4[%dma_start3A_224, %dma_start3A_225] : memref<10000x128xf32, #tpu.memory_space<hbm>> -> memref<10000x128xf32, #tpu.memory_space<hbm>>
        tpu.enqueue_indirect_dma source(%dma_start3A_226 : memref<10000x128xf32, #tpu.memory_space<hbm>>) target(%arg10 : memref<128x128xf32, #tpu.memory_space<vmem>>) offsets(%dma_start3A_223 : memref<128xi32, #tpu.memory_space<vmem>>) semaphore(%arg13 : memref<!tpu.dma_semaphore, #tpu.memory_space<semaphore_mem>>)
        %dma_wait3A_227 = arith.constant 0 : i32
        %dma_wait3A_228 = tpu.memref_slice %arg7[%add3A_190, %dma_wait3A_227] : memref<40x128xi32, #tpu.memory_space<vmem>> -> memref<1x128xi32, #tpu.memory_space<vmem>>
        %dma_wait3A_229 = tpu.memref_squeeze %dma_wait3A_228 : memref<1x128xi32, #tpu.memory_space<vmem>> -> memref<128xi32, #tpu.memory_space<vmem>>
        %dma_wait3A_230 = arith.constant 0 : i32
        %dma_wait3A_231 = arith.constant 0 : i32
        %dma_wait3A_232 = tpu.memref_slice %arg4[%dma_wait3A_230, %dma_wait3A_231] : memref<10000x128xf32, #tpu.memory_space<hbm>> -> memref<10000x128xf32, #tpu.memory_space<hbm>>
        tpu.wait_indirect_dma semaphore(%arg12 : memref<!tpu.dma_semaphore, #tpu.memory_space<semaphore_mem>>) src(%dma_wait3A_232 : memref<10000x128xf32, #tpu.memory_space<hbm>>) dst(%arg9 : memref<128x128xf32, #tpu.memory_space<vmem>>)
        %add3A_233 = arith.constant 6 : i32
        %add3A_234 = arith.addi %mul3A_33, %add3A_233 : i32
        %dma_start3A_235 = arith.constant 0 : i32
        %dma_start3A_236 = tpu.memref_slice %arg8[%add3A_234, %dma_start3A_235] : memref<40x128xi32, #tpu.memory_space<vmem>> -> memref<1x128xi32, #tpu.memory_space<vmem>>
        %dma_start3A_237 = tpu.memref_squeeze %dma_start3A_236 : memref<1x128xi32, #tpu.memory_space<vmem>> -> memref<128xi32, #tpu.memory_space<vmem>>
        %dma_start3A_238 = arith.constant 0 : i32
        %dma_start3A_239 = arith.constant 0 : i32
        %dma_start3A_240 = tpu.memref_slice %arg11[%dma_start3A_238, %dma_start3A_239] : memref<10240x128xf32, #tpu.memory_space<vmem_shared>> -> memref<10240x128xf32, #tpu.memory_space<vmem_shared>>
        tpu.enqueue_indirect_dma source(%arg9 : memref<128x128xf32, #tpu.memory_space<vmem>>) target(%dma_start3A_240 : memref<10240x128xf32, #tpu.memory_space<vmem_shared>>) offsets(%dma_start3A_237 : memref<128xi32, #tpu.memory_space<vmem>>) semaphore(%arg14 : memref<!tpu.dma_semaphore, #tpu.memory_space<semaphore_mem>>) {add = true}
        %dma_wait3A_241 = arith.constant 0 : i32
        %dma_wait3A_242 = tpu.memref_slice %arg8[%add3A_234, %dma_wait3A_241] : memref<40x128xi32, #tpu.memory_space<vmem>> -> memref<1x128xi32, #tpu.memory_space<vmem>>
        %dma_wait3A_243 = tpu.memref_squeeze %dma_wait3A_242 : memref<1x128xi32, #tpu.memory_space<vmem>> -> memref<128xi32, #tpu.memory_space<vmem>>
        %dma_wait3A_244 = arith.constant 0 : i32
        %dma_wait3A_245 = arith.constant 0 : i32
        %dma_wait3A_246 = tpu.memref_slice %arg11[%dma_wait3A_244, %dma_wait3A_245] : memref<10240x128xf32, #tpu.memory_space<vmem_shared>> -> memref<10240x128xf32, #tpu.memory_space<vmem_shared>>
        tpu.wait_indirect_dma semaphore(%arg14 : memref<!tpu.dma_semaphore, #tpu.memory_space<semaphore_mem>>) src(%arg9 : memref<128x128xf32, #tpu.memory_space<vmem>>) dst(%dma_wait3A_246 : memref<10240x128xf32, #tpu.memory_space<vmem_shared>>)
        %dma_wait3A_247 = arith.constant 0 : i32
        %dma_wait3A_248 = tpu.memref_slice %arg7[%add3A_220, %dma_wait3A_247] : memref<40x128xi32, #tpu.memory_space<vmem>> -> memref<1x128xi32, #tpu.memory_space<vmem>>
        %dma_wait3A_249 = tpu.memref_squeeze %dma_wait3A_248 : memref<1x128xi32, #tpu.memory_space<vmem>> -> memref<128xi32, #tpu.memory_space<vmem>>
        %dma_wait3A_250 = arith.constant 0 : i32
        %dma_wait3A_251 = arith.constant 0 : i32
        %dma_wait3A_252 = tpu.memref_slice %arg4[%dma_wait3A_250, %dma_wait3A_251] : memref<10000x128xf32, #tpu.memory_space<hbm>> -> memref<10000x128xf32, #tpu.memory_space<hbm>>
        tpu.wait_indirect_dma semaphore(%arg13 : memref<!tpu.dma_semaphore, #tpu.memory_space<semaphore_mem>>) src(%dma_wait3A_252 : memref<10000x128xf32, #tpu.memory_space<hbm>>) dst(%arg10 : memref<128x128xf32, #tpu.memory_space<vmem>>)
        %add3A_253 = arith.constant 7 : i32
        %add3A_254 = arith.addi %mul3A_33, %add3A_253 : i32
        %dma_start3A_255 = arith.constant 0 : i32
        %dma_start3A_256 = tpu.memref_slice %arg8[%add3A_254, %dma_start3A_255] : memref<40x128xi32, #tpu.memory_space<vmem>> -> memref<1x128xi32, #tpu.memory_space<vmem>>
        %dma_start3A_257 = tpu.memref_squeeze %dma_start3A_256 : memref<1x128xi32, #tpu.memory_space<vmem>> -> memref<128xi32, #tpu.memory_space<vmem>>
        %dma_start3A_258 = arith.constant 0 : i32
        %dma_start3A_259 = arith.constant 0 : i32
        %dma_start3A_260 = tpu.memref_slice %arg11[%dma_start3A_258, %dma_start3A_259] : memref<10240x128xf32, #tpu.memory_space<vmem_shared>> -> memref<10240x128xf32, #tpu.memory_space<vmem_shared>>
        tpu.enqueue_indirect_dma source(%arg10 : memref<128x128xf32, #tpu.memory_space<vmem>>) target(%dma_start3A_260 : memref<10240x128xf32, #tpu.memory_space<vmem_shared>>) offsets(%dma_start3A_257 : memref<128xi32, #tpu.memory_space<vmem>>) semaphore(%arg15 : memref<!tpu.dma_semaphore, #tpu.memory_space<semaphore_mem>>) {add = true}
        %dma_wait3A_261 = arith.constant 0 : i32
        %dma_wait3A_262 = tpu.memref_slice %arg8[%add3A_254, %dma_wait3A_261] : memref<40x128xi32, #tpu.memory_space<vmem>> -> memref<1x128xi32, #tpu.memory_space<vmem>>
        %dma_wait3A_263 = tpu.memref_squeeze %dma_wait3A_262 : memref<1x128xi32, #tpu.memory_space<vmem>> -> memref<128xi32, #tpu.memory_space<vmem>>
        %dma_wait3A_264 = arith.constant 0 : i32
        %dma_wait3A_265 = arith.constant 0 : i32
        %dma_wait3A_266 = tpu.memref_slice %arg11[%dma_wait3A_264, %dma_wait3A_265] : memref<10240x128xf32, #tpu.memory_space<vmem_shared>> -> memref<10240x128xf32, #tpu.memory_space<vmem_shared>>
        tpu.wait_indirect_dma semaphore(%arg15 : memref<!tpu.dma_semaphore, #tpu.memory_space<semaphore_mem>>) src(%arg10 : memref<128x128xf32, #tpu.memory_space<vmem>>) dst(%dma_wait3A_266 : memref<10240x128xf32, #tpu.memory_space<vmem_shared>>)
        %scan3A_267 = arith.constant 0 : i32
        scf.yield %scan3A_267 : i32
      }
      %scan3A_28 = arith.constant 5 : i32
      %scan3A_29 = arith.constant 0 : i32
      scf.yield %scan3A_29 : i32
    }
    %scan3A_8 = arith.constant 2 : i32
    %barrier3A_9 = arith.constant 0 : index
    tpu.barrier barrier_id(%barrier3A_9)
    %lt3A = arith.constant 15 : i32
    %lt3A_10 = arith.cmpi slt, %arg1, %lt3A : i32
    %convert_element_type3A = arith.extui %lt3A_10 : i1 to i32
    %cond3A = arith.constant 0 : i32
    %cond3A_11 = arith.cmpi ne, %convert_element_type3A, %cond3A : i32
    scf.if %cond3A_11 {
      %mul3A_16 = arith.constant 624 : i32
      %mul3A_17 = arith.muli %arg1, %mul3A_16 : i32
      %mul3A_18 = arith.constant 624 : i32
      %mul3A_19 = arith.muli %arg1, %mul3A_18 : i32
      "tpu.region"() ({
        %run_scoped3A = tpu.sem_alloc : memref<!tpu.dma_semaphore, #tpu.memory_space<semaphore_mem>>
        %dma_start3A_20 = arith.constant 0 : i32
        %dma_start3A_21 = arith.constant 0 : i32
        %dma_start3A_22 = tpu.memref_slice %arg6[%arg0, %dma_start3A_20, %dma_start3A_21] : memref<2x10000x128xf32, #tpu.memory_space<hbm>> -> memref<1x10000x128xf32, #tpu.memory_space<hbm>>
        %dma_start3A_23 = tpu.memref_squeeze %dma_start3A_22 : memref<1x10000x128xf32, #tpu.memory_space<hbm>> -> memref<10000x128xf32, #tpu.memory_space<hbm>>
        %dma_start3A_24 = arith.constant 0 : i32
        %dma_start3A_25 = tpu.memref_slice %dma_start3A_23[%mul3A_19, %dma_start3A_24] : memref<10000x128xf32, #tpu.memory_space<hbm>> -> memref<624x128xf32, #tpu.memory_space<hbm>>
        %dma_start3A_26 = arith.constant 0 : i32
        %dma_start3A_27 = tpu.memref_slice %arg11[%mul3A_17, %dma_start3A_26] : memref<10240x128xf32, #tpu.memory_space<vmem_shared>> -> memref<624x128xf32, #tpu.memory_space<vmem_shared>>
        tpu.enqueue_dma source(%dma_start3A_27 : memref<624x128xf32, #tpu.memory_space<vmem_shared>>) target(%dma_start3A_25 : memref<624x128xf32, #tpu.memory_space<hbm>>) target_semaphore(%run_scoped3A : memref<!tpu.dma_semaphore, #tpu.memory_space<semaphore_mem>>)
        %dma_wait3A_28 = arith.constant 0 : i32
        %dma_wait3A_29 = arith.constant 0 : i32
        %dma_wait3A_30 = tpu.memref_slice %arg6[%arg0, %dma_wait3A_28, %dma_wait3A_29] : memref<2x10000x128xf32, #tpu.memory_space<hbm>> -> memref<1x10000x128xf32, #tpu.memory_space<hbm>>
        %dma_wait3A_31 = tpu.memref_squeeze %dma_wait3A_30 : memref<1x10000x128xf32, #tpu.memory_space<hbm>> -> memref<10000x128xf32, #tpu.memory_space<hbm>>
        %dma_wait3A_32 = arith.constant 0 : i32
        %dma_wait3A_33 = tpu.memref_slice %dma_wait3A_31[%mul3A_19, %dma_wait3A_32] : memref<10000x128xf32, #tpu.memory_space<hbm>> -> memref<624x128xf32, #tpu.memory_space<hbm>>
        %dma_wait3A_34 = arith.constant 0 : i32
        %dma_wait3A_35 = tpu.memref_slice %arg11[%mul3A_17, %dma_wait3A_34] : memref<10240x128xf32, #tpu.memory_space<vmem_shared>> -> memref<624x128xf32, #tpu.memory_space<vmem_shared>>
        tpu.wait_dma2 semaphore(%run_scoped3A : memref<!tpu.dma_semaphore, #tpu.memory_space<semaphore_mem>>) src(%dma_wait3A_35 : memref<624x128xf32, #tpu.memory_space<vmem_shared>>) dst(%dma_wait3A_33 : memref<624x128xf32, #tpu.memory_space<hbm>>)
        tpu.yield
      }) : () -> ()
    } else {
    }
    %eq3A = arith.constant 15 : i32
    %eq3A_12 = arith.cmpi eq, %arg1, %eq3A : i32
    %convert_element_type3A_13 = arith.extui %eq3A_12 : i1 to i32
    %cond3A_14 = arith.constant 0 : i32
    %cond3A_15 = arith.cmpi ne, %convert_element_type3A_13, %cond3A_14 : i32
    scf.if %cond3A_15 {
      "tpu.region"() ({
        %run_scoped3A = tpu.sem_alloc : memref<!tpu.dma_semaphore, #tpu.memory_space<semaphore_mem>>
        %dma_start3A_16 = arith.constant 0 : i32
        %dma_start3A_17 = arith.constant 0 : i32
        %dma_start3A_18 = tpu.memref_slice %arg6[%arg0, %dma_start3A_16, %dma_start3A_17] : memref<2x10000x128xf32, #tpu.memory_space<hbm>> -> memref<1x10000x128xf32, #tpu.memory_space<hbm>>
        %dma_start3A_19 = tpu.memref_squeeze %dma_start3A_18 : memref<1x10000x128xf32, #tpu.memory_space<hbm>> -> memref<10000x128xf32, #tpu.memory_space<hbm>>
        %dma_start3A_20 = arith.constant 9360 : i32
        %dma_start3A_21 = arith.constant 0 : i32
        %dma_start3A_22 = tpu.memref_slice %dma_start3A_19[%dma_start3A_20, %dma_start3A_21] : memref<10000x128xf32, #tpu.memory_space<hbm>> -> memref<640x128xf32, #tpu.memory_space<hbm>>
        %dma_start3A_23 = arith.constant 9360 : i32
        %dma_start3A_24 = arith.constant 0 : i32
        %dma_start3A_25 = tpu.memref_slice %arg11[%dma_start3A_23, %dma_start3A_24] : memref<10240x128xf32, #tpu.memory_space<vmem_shared>> -> memref<640x128xf32, #tpu.memory_space<vmem_shared>>
        tpu.enqueue_dma source(%dma_start3A_25 : memref<640x128xf32, #tpu.memory_space<vmem_shared>>) target(%dma_start3A_22 : memref<640x128xf32, #tpu.memory_space<hbm>>) target_semaphore(%run_scoped3A : memref<!tpu.dma_semaphore, #tpu.memory_space<semaphore_mem>>)
        %dma_wait3A_26 = arith.constant 0 : i32
        %dma_wait3A_27 = arith.constant 0 : i32
        %dma_wait3A_28 = tpu.memref_slice %arg6[%arg0, %dma_wait3A_26, %dma_wait3A_27] : memref<2x10000x128xf32, #tpu.memory_space<hbm>> -> memref<1x10000x128xf32, #tpu.memory_space<hbm>>
        %dma_wait3A_29 = tpu.memref_squeeze %dma_wait3A_28 : memref<1x10000x128xf32, #tpu.memory_space<hbm>> -> memref<10000x128xf32, #tpu.memory_space<hbm>>
        %dma_wait3A_30 = arith.constant 9360 : i32
        %dma_wait3A_31 = arith.constant 0 : i32
        %dma_wait3A_32 = tpu.memref_slice %dma_wait3A_29[%dma_wait3A_30, %dma_wait3A_31] : memref<10000x128xf32, #tpu.memory_space<hbm>> -> memref<640x128xf32, #tpu.memory_space<hbm>>
        %dma_wait3A_33 = arith.constant 9360 : i32
        %dma_wait3A_34 = arith.constant 0 : i32
        %dma_wait3A_35 = tpu.memref_slice %arg11[%dma_wait3A_33, %dma_wait3A_34] : memref<10240x128xf32, #tpu.memory_space<vmem_shared>> -> memref<640x128xf32, #tpu.memory_space<vmem_shared>>
        tpu.wait_dma2 semaphore(%run_scoped3A : memref<!tpu.dma_semaphore, #tpu.memory_space<semaphore_mem>>) src(%dma_wait3A_35 : memref<640x128xf32, #tpu.memory_space<vmem_shared>>) dst(%dma_wait3A_32 : memref<640x128xf32, #tpu.memory_space<hbm>>)
        tpu.yield
      }) : () -> ()
    } else {
    }
    return
  }
}

#map = affine_map<(d0, d1) -> (0, 0, 0, 0)>
#map1 = affine_map<(d0, d1) -> (0, 0)>
#map2 = affine_map<(d0, d1) -> (0, 0, 0)>
module attributes {stable_mosaic.version = 14 : i64} {
  func.func @_segsum_sc(%arg0: i32, %arg1: i32, %arg2: memref<2x16x80x128xi32, #tpu.memory_space<hbm>>, %arg3: memref<2x16x80x128xi32, #tpu.memory_space<hbm>>, %arg4: memref<10000x128xf32, #tpu.memory_space<hbm>>, %arg5: memref<640x128xf32, #tpu.memory_space<hbm>>, %arg6: memref<2x10000x128xf32, #tpu.memory_space<hbm>>, %arg7: memref<40x128xi32, #tpu.memory_space<vmem>>, %arg8: memref<40x128xi32, #tpu.memory_space<vmem>>, %arg9: memref<128x128xf32, #tpu.memory_space<vmem>>, %arg10: memref<128x128xf32, #tpu.memory_space<vmem>>, %arg11: memref<10240x128xf32, #tpu.memory_space<vmem_shared>>, %arg12: memref<!tpu.dma_semaphore, #tpu.memory_space<semaphore_mem>>, %arg13: memref<!tpu.dma_semaphore, #tpu.memory_space<semaphore_mem>>, %arg14: memref<!tpu.dma_semaphore, #tpu.memory_space<semaphore_mem>>, %arg15: memref<!tpu.dma_semaphore, #tpu.memory_space<semaphore_mem>>) attributes {dimension_semantics = [#tpu.dimension_semantics<core_parallel>, #tpu.dimension_semantics<subcore_parallel>], iteration_bounds = array<i64: 2, 16>, scalar_prefetch = 0 : i64, scratch_operands = 9 : i64, tpu.core_type = #tpu.core_type<sc_vector_subcore>, window_params = [{transform_indices = #map}, {transform_indices = #map}, {transform_indices = #map1}, {transform_indices = #map1}, {transform_indices = #map2}]} {
    %mul3A = arith.constant 640 : i32
    %mul3A_0 = arith.muli %arg1, %mul3A : i32
    %dma_start3A = arith.constant 0 : i32
    %dma_start3A_1 = tpu.memref_slice %arg11[%mul3A_0, %dma_start3A] : memref<10240x128xf32, #tpu.memory_space<vmem_shared>> -> memref<640x128xf32, #tpu.memory_space<vmem_shared>>
    tpu.enqueue_dma source(%arg5 : memref<640x128xf32, #tpu.memory_space<hbm>>) target(%dma_start3A_1 : memref<640x128xf32, #tpu.memory_space<vmem_shared>>) target_semaphore(%arg12 : memref<!tpu.dma_semaphore, #tpu.memory_space<semaphore_mem>>)
    "tpu.region"() ({
      %run_scoped3A = tpu.sem_alloc : memref<!tpu.dma_semaphore, #tpu.memory_space<semaphore_mem>>
      %dma_start3A_16 = arith.constant 0 : i32
      %dma_start3A_17 = arith.constant 0 : i32
      %dma_start3A_18 = arith.constant 0 : i32
      %dma_start3A_19 = tpu.memref_slice %arg2[%arg0, %dma_start3A_16, %dma_start3A_17, %dma_start3A_18] : memref<2x16x80x128xi32, #tpu.memory_space<hbm>> -> memref<1x16x80x128xi32, #tpu.memory_space<hbm>>
      %dma_start3A_20 = tpu.memref_squeeze %dma_start3A_19 : memref<1x16x80x128xi32, #tpu.memory_space<hbm>> -> memref<16x80x128xi32, #tpu.memory_space<hbm>>
      %dma_start3A_21 = arith.constant 0 : i32
      %dma_start3A_22 = arith.constant 0 : i32
      %dma_start3A_23 = tpu.memref_slice %dma_start3A_20[%arg1, %dma_start3A_21, %dma_start3A_22] : memref<16x80x128xi32, #tpu.memory_space<hbm>> -> memref<1x80x128xi32, #tpu.memory_space<hbm>>
      %dma_start3A_24 = tpu.memref_squeeze %dma_start3A_23 : memref<1x80x128xi32, #tpu.memory_space<hbm>> -> memref<80x128xi32, #tpu.memory_space<hbm>>
      %dma_start3A_25 = arith.constant 0 : i32
      %dma_start3A_26 = arith.constant 0 : i32
      %dma_start3A_27 = tpu.memref_slice %dma_start3A_24[%dma_start3A_25, %dma_start3A_26] : memref<80x128xi32, #tpu.memory_space<hbm>> -> memref<40x128xi32, #tpu.memory_space<hbm>>
      %dma_start3A_28 = arith.constant 0 : i32
      %dma_start3A_29 = arith.constant 0 : i32
      %dma_start3A_30 = arith.constant 0 : i32
      %dma_start3A_31 = tpu.memref_slice %arg2[%arg0, %dma_start3A_28, %dma_start3A_29, %dma_start3A_30] : memref<2x16x80x128xi32, #tpu.memory_space<hbm>> -> memref<1x16x80x128xi32, #tpu.memory_space<hbm>>
      %dma_start3A_32 = tpu.memref_squeeze %dma_start3A_31 : memref<1x16x80x128xi32, #tpu.memory_space<hbm>> -> memref<16x80x128xi32, #tpu.memory_space<hbm>>
      %dma_start3A_33 = arith.constant 0 : i32
      %dma_start3A_34 = arith.constant 0 : i32
      %dma_start3A_35 = tpu.memref_slice %dma_start3A_32[%arg1, %dma_start3A_33, %dma_start3A_34] : memref<16x80x128xi32, #tpu.memory_space<hbm>> -> memref<1x80x128xi32, #tpu.memory_space<hbm>>
      %dma_start3A_36 = tpu.memref_squeeze %dma_start3A_35 : memref<1x80x128xi32, #tpu.memory_space<hbm>> -> memref<80x128xi32, #tpu.memory_space<hbm>>
      %dma_start3A_37 = arith.constant 0 : i32
      %dma_start3A_38 = arith.constant 0 : i32
      %dma_start3A_39 = tpu.memref_slice %dma_start3A_36[%dma_start3A_37, %dma_start3A_38] : memref<80x128xi32, #tpu.memory_space<hbm>> -> memref<40x128xi32, #tpu.memory_space<hbm>>
      tpu.enqueue_dma source(%dma_start3A_39 : memref<40x128xi32, #tpu.memory_space<hbm>>) target(%arg7 : memref<40x128xi32, #tpu.memory_space<vmem>>) target_semaphore(%run_scoped3A : memref<!tpu.dma_semaphore, #tpu.memory_space<semaphore_mem>>)
      %dma_wait3A_40 = arith.constant 0 : i32
      %dma_wait3A_41 = arith.constant 0 : i32
      %dma_wait3A_42 = arith.constant 0 : i32
      %dma_wait3A_43 = tpu.memref_slice %arg2[%arg0, %dma_wait3A_40, %dma_wait3A_41, %dma_wait3A_42] : memref<2x16x80x128xi32, #tpu.memory_space<hbm>> -> memref<1x16x80x128xi32, #tpu.memory_space<hbm>>
      %dma_wait3A_44 = tpu.memref_squeeze %dma_wait3A_43 : memref<1x16x80x128xi32, #tpu.memory_space<hbm>> -> memref<16x80x128xi32, #tpu.memory_space<hbm>>
      %dma_wait3A_45 = arith.constant 0 : i32
      %dma_wait3A_46 = arith.constant 0 : i32
      %dma_wait3A_47 = tpu.memref_slice %dma_wait3A_44[%arg1, %dma_wait3A_45, %dma_wait3A_46] : memref<16x80x128xi32, #tpu.memory_space<hbm>> -> memref<1x80x128xi32, #tpu.memory_space<hbm>>
      %dma_wait3A_48 = tpu.memref_squeeze %dma_wait3A_47 : memref<1x80x128xi32, #tpu.memory_space<hbm>> -> memref<80x128xi32, #tpu.memory_space<hbm>>
      %dma_wait3A_49 = arith.constant 0 : i32
      %dma_wait3A_50 = arith.constant 0 : i32
      %dma_wait3A_51 = tpu.memref_slice %dma_wait3A_48[%dma_wait3A_49, %dma_wait3A_50] : memref<80x128xi32, #tpu.memory_space<hbm>> -> memref<40x128xi32, #tpu.memory_space<hbm>>
      %dma_wait3A_52 = arith.constant 0 : i32
      %dma_wait3A_53 = arith.constant 0 : i32
      %dma_wait3A_54 = arith.constant 0 : i32
      %dma_wait3A_55 = tpu.memref_slice %arg2[%arg0, %dma_wait3A_52, %dma_wait3A_53, %dma_wait3A_54] : memref<2x16x80x128xi32, #tpu.memory_space<hbm>> -> memref<1x16x80x128xi32, #tpu.memory_space<hbm>>
      %dma_wait3A_56 = tpu.memref_squeeze %dma_wait3A_55 : memref<1x16x80x128xi32, #tpu.memory_space<hbm>> -> memref<16x80x128xi32, #tpu.memory_space<hbm>>
      %dma_wait3A_57 = arith.constant 0 : i32
      %dma_wait3A_58 = arith.constant 0 : i32
      %dma_wait3A_59 = tpu.memref_slice %dma_wait3A_56[%arg1, %dma_wait3A_57, %dma_wait3A_58] : memref<16x80x128xi32, #tpu.memory_space<hbm>> -> memref<1x80x128xi32, #tpu.memory_space<hbm>>
      %dma_wait3A_60 = tpu.memref_squeeze %dma_wait3A_59 : memref<1x80x128xi32, #tpu.memory_space<hbm>> -> memref<80x128xi32, #tpu.memory_space<hbm>>
      %dma_wait3A_61 = arith.constant 0 : i32
      %dma_wait3A_62 = arith.constant 0 : i32
      %dma_wait3A_63 = tpu.memref_slice %dma_wait3A_60[%dma_wait3A_61, %dma_wait3A_62] : memref<80x128xi32, #tpu.memory_space<hbm>> -> memref<40x128xi32, #tpu.memory_space<hbm>>
      tpu.wait_dma2 semaphore(%run_scoped3A : memref<!tpu.dma_semaphore, #tpu.memory_space<semaphore_mem>>) src(%dma_wait3A_63 : memref<40x128xi32, #tpu.memory_space<hbm>>) dst(%arg7 : memref<40x128xi32, #tpu.memory_space<vmem>>)
      tpu.yield
    }) : () -> ()
    "tpu.region"() ({
      %run_scoped3A = tpu.sem_alloc : memref<!tpu.dma_semaphore, #tpu.memory_space<semaphore_mem>>
      %dma_start3A_16 = arith.constant 0 : i32
      %dma_start3A_17 = arith.constant 0 : i32
      %dma_start3A_18 = arith.constant 0 : i32
      %dma_start3A_19 = tpu.memref_slice %arg3[%arg0, %dma_start3A_16, %dma_start3A_17, %dma_start3A_18] : memref<2x16x80x128xi32, #tpu.memory_space<hbm>> -> memref<1x16x80x128xi32, #tpu.memory_space<hbm>>
      %dma_start3A_20 = tpu.memref_squeeze %dma_start3A_19 : memref<1x16x80x128xi32, #tpu.memory_space<hbm>> -> memref<16x80x128xi32, #tpu.memory_space<hbm>>
      %dma_start3A_21 = arith.constant 0 : i32
      %dma_start3A_22 = arith.constant 0 : i32
      %dma_start3A_23 = tpu.memref_slice %dma_start3A_20[%arg1, %dma_start3A_21, %dma_start3A_22] : memref<16x80x128xi32, #tpu.memory_space<hbm>> -> memref<1x80x128xi32, #tpu.memory_space<hbm>>
      %dma_start3A_24 = tpu.memref_squeeze %dma_start3A_23 : memref<1x80x128xi32, #tpu.memory_space<hbm>> -> memref<80x128xi32, #tpu.memory_space<hbm>>
      %dma_start3A_25 = arith.constant 0 : i32
      %dma_start3A_26 = arith.constant 0 : i32
      %dma_start3A_27 = tpu.memref_slice %dma_start3A_24[%dma_start3A_25, %dma_start3A_26] : memref<80x128xi32, #tpu.memory_space<hbm>> -> memref<40x128xi32, #tpu.memory_space<hbm>>
      %dma_start3A_28 = arith.constant 0 : i32
      %dma_start3A_29 = arith.constant 0 : i32
      %dma_start3A_30 = arith.constant 0 : i32
      %dma_start3A_31 = tpu.memref_slice %arg3[%arg0, %dma_start3A_28, %dma_start3A_29, %dma_start3A_30] : memref<2x16x80x128xi32, #tpu.memory_space<hbm>> -> memref<1x16x80x128xi32, #tpu.memory_space<hbm>>
      %dma_start3A_32 = tpu.memref_squeeze %dma_start3A_31 : memref<1x16x80x128xi32, #tpu.memory_space<hbm>> -> memref<16x80x128xi32, #tpu.memory_space<hbm>>
      %dma_start3A_33 = arith.constant 0 : i32
      %dma_start3A_34 = arith.constant 0 : i32
      %dma_start3A_35 = tpu.memref_slice %dma_start3A_32[%arg1, %dma_start3A_33, %dma_start3A_34] : memref<16x80x128xi32, #tpu.memory_space<hbm>> -> memref<1x80x128xi32, #tpu.memory_space<hbm>>
      %dma_start3A_36 = tpu.memref_squeeze %dma_start3A_35 : memref<1x80x128xi32, #tpu.memory_space<hbm>> -> memref<80x128xi32, #tpu.memory_space<hbm>>
      %dma_start3A_37 = arith.constant 0 : i32
      %dma_start3A_38 = arith.constant 0 : i32
      %dma_start3A_39 = tpu.memref_slice %dma_start3A_36[%dma_start3A_37, %dma_start3A_38] : memref<80x128xi32, #tpu.memory_space<hbm>> -> memref<40x128xi32, #tpu.memory_space<hbm>>
      tpu.enqueue_dma source(%dma_start3A_39 : memref<40x128xi32, #tpu.memory_space<hbm>>) target(%arg8 : memref<40x128xi32, #tpu.memory_space<vmem>>) target_semaphore(%run_scoped3A : memref<!tpu.dma_semaphore, #tpu.memory_space<semaphore_mem>>)
      %dma_wait3A_40 = arith.constant 0 : i32
      %dma_wait3A_41 = arith.constant 0 : i32
      %dma_wait3A_42 = arith.constant 0 : i32
      %dma_wait3A_43 = tpu.memref_slice %arg3[%arg0, %dma_wait3A_40, %dma_wait3A_41, %dma_wait3A_42] : memref<2x16x80x128xi32, #tpu.memory_space<hbm>> -> memref<1x16x80x128xi32, #tpu.memory_space<hbm>>
      %dma_wait3A_44 = tpu.memref_squeeze %dma_wait3A_43 : memref<1x16x80x128xi32, #tpu.memory_space<hbm>> -> memref<16x80x128xi32, #tpu.memory_space<hbm>>
      %dma_wait3A_45 = arith.constant 0 : i32
      %dma_wait3A_46 = arith.constant 0 : i32
      %dma_wait3A_47 = tpu.memref_slice %dma_wait3A_44[%arg1, %dma_wait3A_45, %dma_wait3A_46] : memref<16x80x128xi32, #tpu.memory_space<hbm>> -> memref<1x80x128xi32, #tpu.memory_space<hbm>>
      %dma_wait3A_48 = tpu.memref_squeeze %dma_wait3A_47 : memref<1x80x128xi32, #tpu.memory_space<hbm>> -> memref<80x128xi32, #tpu.memory_space<hbm>>
      %dma_wait3A_49 = arith.constant 0 : i32
      %dma_wait3A_50 = arith.constant 0 : i32
      %dma_wait3A_51 = tpu.memref_slice %dma_wait3A_48[%dma_wait3A_49, %dma_wait3A_50] : memref<80x128xi32, #tpu.memory_space<hbm>> -> memref<40x128xi32, #tpu.memory_space<hbm>>
      %dma_wait3A_52 = arith.constant 0 : i32
      %dma_wait3A_53 = arith.constant 0 : i32
      %dma_wait3A_54 = arith.constant 0 : i32
      %dma_wait3A_55 = tpu.memref_slice %arg3[%arg0, %dma_wait3A_52, %dma_wait3A_53, %dma_wait3A_54] : memref<2x16x80x128xi32, #tpu.memory_space<hbm>> -> memref<1x16x80x128xi32, #tpu.memory_space<hbm>>
      %dma_wait3A_56 = tpu.memref_squeeze %dma_wait3A_55 : memref<1x16x80x128xi32, #tpu.memory_space<hbm>> -> memref<16x80x128xi32, #tpu.memory_space<hbm>>
      %dma_wait3A_57 = arith.constant 0 : i32
      %dma_wait3A_58 = arith.constant 0 : i32
      %dma_wait3A_59 = tpu.memref_slice %dma_wait3A_56[%arg1, %dma_wait3A_57, %dma_wait3A_58] : memref<16x80x128xi32, #tpu.memory_space<hbm>> -> memref<1x80x128xi32, #tpu.memory_space<hbm>>
      %dma_wait3A_60 = tpu.memref_squeeze %dma_wait3A_59 : memref<1x80x128xi32, #tpu.memory_space<hbm>> -> memref<80x128xi32, #tpu.memory_space<hbm>>
      %dma_wait3A_61 = arith.constant 0 : i32
      %dma_wait3A_62 = arith.constant 0 : i32
      %dma_wait3A_63 = tpu.memref_slice %dma_wait3A_60[%dma_wait3A_61, %dma_wait3A_62] : memref<80x128xi32, #tpu.memory_space<hbm>> -> memref<40x128xi32, #tpu.memory_space<hbm>>
      tpu.wait_dma2 semaphore(%run_scoped3A : memref<!tpu.dma_semaphore, #tpu.memory_space<semaphore_mem>>) src(%dma_wait3A_63 : memref<40x128xi32, #tpu.memory_space<hbm>>) dst(%arg8 : memref<40x128xi32, #tpu.memory_space<vmem>>)
      tpu.yield
    }) : () -> ()
    %dma_wait3A = arith.constant 0 : i32
    %dma_wait3A_2 = tpu.memref_slice %arg11[%mul3A_0, %dma_wait3A] : memref<10240x128xf32, #tpu.memory_space<vmem_shared>> -> memref<640x128xf32, #tpu.memory_space<vmem_shared>>
    tpu.wait_dma2 semaphore(%arg12 : memref<!tpu.dma_semaphore, #tpu.memory_space<semaphore_mem>>) src(%arg5 : memref<640x128xf32, #tpu.memory_space<hbm>>) dst(%dma_wait3A_2 : memref<640x128xf32, #tpu.memory_space<vmem_shared>>)
    %barrier3A = arith.constant 0 : index
    tpu.barrier barrier_id(%barrier3A)
    %scan3A = arith.constant 0 : i32
    %scan3A_3 = arith.constant 0 : i32
    %scan3A_4 = arith.constant 2 : i32
    %scan3A_5 = arith.addi %scan3A_3, %scan3A_4 : i32
    %scan3A_6 = arith.constant 1 : i32
    %scan3A_7 = scf.for %scan3A_16 = %scan3A_3 to %scan3A_5 step %scan3A_6 iter_args(%scan3A_17 = %scan3A) -> (i32)  : i32 {
      %gt3A = arith.constant 0 : i32
      %gt3A_18 = arith.cmpi sgt, %scan3A_16, %gt3A : i32
      %convert_element_type3A_19 = arith.extui %gt3A_18 : i1 to i32
      %cond3A_20 = arith.constant 0 : i32
      %cond3A_21 = arith.cmpi ne, %convert_element_type3A_19, %cond3A_20 : i32
      scf.if %cond3A_21 {
        %mul3A_30 = arith.constant 40 : i32
        %mul3A_31 = arith.muli %scan3A_16, %mul3A_30 : i32
        "tpu.region"() ({
          %run_scoped3A = tpu.sem_alloc : memref<!tpu.dma_semaphore, #tpu.memory_space<semaphore_mem>>
          %dma_start3A_34 = arith.constant 0 : i32
          %dma_start3A_35 = arith.constant 0 : i32
          %dma_start3A_36 = arith.constant 0 : i32
          %dma_start3A_37 = tpu.memref_slice %arg2[%arg0, %dma_start3A_34, %dma_start3A_35, %dma_start3A_36] : memref<2x16x80x128xi32, #tpu.memory_space<hbm>> -> memref<1x16x80x128xi32, #tpu.memory_space<hbm>>
          %dma_start3A_38 = tpu.memref_squeeze %dma_start3A_37 : memref<1x16x80x128xi32, #tpu.memory_space<hbm>> -> memref<16x80x128xi32, #tpu.memory_space<hbm>>
          %dma_start3A_39 = arith.constant 0 : i32
          %dma_start3A_40 = arith.constant 0 : i32
          %dma_start3A_41 = tpu.memref_slice %dma_start3A_38[%arg1, %dma_start3A_39, %dma_start3A_40] : memref<16x80x128xi32, #tpu.memory_space<hbm>> -> memref<1x80x128xi32, #tpu.memory_space<hbm>>
          %dma_start3A_42 = tpu.memref_squeeze %dma_start3A_41 : memref<1x80x128xi32, #tpu.memory_space<hbm>> -> memref<80x128xi32, #tpu.memory_space<hbm>>
          %dma_start3A_43 = arith.constant 0 : i32
          %dma_start3A_44 = tpu.memref_slice %dma_start3A_42[%mul3A_31, %dma_start3A_43] : memref<80x128xi32, #tpu.memory_space<hbm>> -> memref<40x128xi32, #tpu.memory_space<hbm>>
          %dma_start3A_45 = arith.constant 0 : i32
          %dma_start3A_46 = arith.constant 0 : i32
          %dma_start3A_47 = arith.constant 0 : i32
          %dma_start3A_48 = tpu.memref_slice %arg2[%arg0, %dma_start3A_45, %dma_start3A_46, %dma_start3A_47] : memref<2x16x80x128xi32, #tpu.memory_space<hbm>> -> memref<1x16x80x128xi32, #tpu.memory_space<hbm>>
          %dma_start3A_49 = tpu.memref_squeeze %dma_start3A_48 : memref<1x16x80x128xi32, #tpu.memory_space<hbm>> -> memref<16x80x128xi32, #tpu.memory_space<hbm>>
          %dma_start3A_50 = arith.constant 0 : i32
          %dma_start3A_51 = arith.constant 0 : i32
          %dma_start3A_52 = tpu.memref_slice %dma_start3A_49[%arg1, %dma_start3A_50, %dma_start3A_51] : memref<16x80x128xi32, #tpu.memory_space<hbm>> -> memref<1x80x128xi32, #tpu.memory_space<hbm>>
          %dma_start3A_53 = tpu.memref_squeeze %dma_start3A_52 : memref<1x80x128xi32, #tpu.memory_space<hbm>> -> memref<80x128xi32, #tpu.memory_space<hbm>>
          %dma_start3A_54 = arith.constant 0 : i32
          %dma_start3A_55 = tpu.memref_slice %dma_start3A_53[%mul3A_31, %dma_start3A_54] : memref<80x128xi32, #tpu.memory_space<hbm>> -> memref<40x128xi32, #tpu.memory_space<hbm>>
          tpu.enqueue_dma source(%dma_start3A_55 : memref<40x128xi32, #tpu.memory_space<hbm>>) target(%arg7 : memref<40x128xi32, #tpu.memory_space<vmem>>) target_semaphore(%run_scoped3A : memref<!tpu.dma_semaphore, #tpu.memory_space<semaphore_mem>>)
          %dma_wait3A_56 = arith.constant 0 : i32
          %dma_wait3A_57 = arith.constant 0 : i32
          %dma_wait3A_58 = arith.constant 0 : i32
          %dma_wait3A_59 = tpu.memref_slice %arg2[%arg0, %dma_wait3A_56, %dma_wait3A_57, %dma_wait3A_58] : memref<2x16x80x128xi32, #tpu.memory_space<hbm>> -> memref<1x16x80x128xi32, #tpu.memory_space<hbm>>
          %dma_wait3A_60 = tpu.memref_squeeze %dma_wait3A_59 : memref<1x16x80x128xi32, #tpu.memory_space<hbm>> -> memref<16x80x128xi32, #tpu.memory_space<hbm>>
          %dma_wait3A_61 = arith.constant 0 : i32
          %dma_wait3A_62 = arith.constant 0 : i32
          %dma_wait3A_63 = tpu.memref_slice %dma_wait3A_60[%arg1, %dma_wait3A_61, %dma_wait3A_62] : memref<16x80x128xi32, #tpu.memory_space<hbm>> -> memref<1x80x128xi32, #tpu.memory_space<hbm>>
          %dma_wait3A_64 = tpu.memref_squeeze %dma_wait3A_63 : memref<1x80x128xi32, #tpu.memory_space<hbm>> -> memref<80x128xi32, #tpu.memory_space<hbm>>
          %dma_wait3A_65 = arith.constant 0 : i32
          %dma_wait3A_66 = tpu.memref_slice %dma_wait3A_64[%mul3A_31, %dma_wait3A_65] : memref<80x128xi32, #tpu.memory_space<hbm>> -> memref<40x128xi32, #tpu.memory_space<hbm>>
          %dma_wait3A_67 = arith.constant 0 : i32
          %dma_wait3A_68 = arith.constant 0 : i32
          %dma_wait3A_69 = arith.constant 0 : i32
          %dma_wait3A_70 = tpu.memref_slice %arg2[%arg0, %dma_wait3A_67, %dma_wait3A_68, %dma_wait3A_69] : memref<2x16x80x128xi32, #tpu.memory_space<hbm>> -> memref<1x16x80x128xi32, #tpu.memory_space<hbm>>
          %dma_wait3A_71 = tpu.memref_squeeze %dma_wait3A_70 : memref<1x16x80x128xi32, #tpu.memory_space<hbm>> -> memref<16x80x128xi32, #tpu.memory_space<hbm>>
          %dma_wait3A_72 = arith.constant 0 : i32
          %dma_wait3A_73 = arith.constant 0 : i32
          %dma_wait3A_74 = tpu.memref_slice %dma_wait3A_71[%arg1, %dma_wait3A_72, %dma_wait3A_73] : memref<16x80x128xi32, #tpu.memory_space<hbm>> -> memref<1x80x128xi32, #tpu.memory_space<hbm>>
          %dma_wait3A_75 = tpu.memref_squeeze %dma_wait3A_74 : memref<1x80x128xi32, #tpu.memory_space<hbm>> -> memref<80x128xi32, #tpu.memory_space<hbm>>
          %dma_wait3A_76 = arith.constant 0 : i32
          %dma_wait3A_77 = tpu.memref_slice %dma_wait3A_75[%mul3A_31, %dma_wait3A_76] : memref<80x128xi32, #tpu.memory_space<hbm>> -> memref<40x128xi32, #tpu.memory_space<hbm>>
          tpu.wait_dma2 semaphore(%run_scoped3A : memref<!tpu.dma_semaphore, #tpu.memory_space<semaphore_mem>>) src(%dma_wait3A_77 : memref<40x128xi32, #tpu.memory_space<hbm>>) dst(%arg7 : memref<40x128xi32, #tpu.memory_space<vmem>>)
          tpu.yield
        }) : () -> ()
        %mul3A_32 = arith.constant 40 : i32
        %mul3A_33 = arith.muli %scan3A_16, %mul3A_32 : i32
        "tpu.region"() ({
          %run_scoped3A = tpu.sem_alloc : memref<!tpu.dma_semaphore, #tpu.memory_space<semaphore_mem>>
          %dma_start3A_34 = arith.constant 0 : i32
          %dma_start3A_35 = arith.constant 0 : i32
          %dma_start3A_36 = arith.constant 0 : i32
          %dma_start3A_37 = tpu.memref_slice %arg3[%arg0, %dma_start3A_34, %dma_start3A_35, %dma_start3A_36] : memref<2x16x80x128xi32, #tpu.memory_space<hbm>> -> memref<1x16x80x128xi32, #tpu.memory_space<hbm>>
          %dma_start3A_38 = tpu.memref_squeeze %dma_start3A_37 : memref<1x16x80x128xi32, #tpu.memory_space<hbm>> -> memref<16x80x128xi32, #tpu.memory_space<hbm>>
          %dma_start3A_39 = arith.constant 0 : i32
          %dma_start3A_40 = arith.constant 0 : i32
          %dma_start3A_41 = tpu.memref_slice %dma_start3A_38[%arg1, %dma_start3A_39, %dma_start3A_40] : memref<16x80x128xi32, #tpu.memory_space<hbm>> -> memref<1x80x128xi32, #tpu.memory_space<hbm>>
          %dma_start3A_42 = tpu.memref_squeeze %dma_start3A_41 : memref<1x80x128xi32, #tpu.memory_space<hbm>> -> memref<80x128xi32, #tpu.memory_space<hbm>>
          %dma_start3A_43 = arith.constant 0 : i32
          %dma_start3A_44 = tpu.memref_slice %dma_start3A_42[%mul3A_33, %dma_start3A_43] : memref<80x128xi32, #tpu.memory_space<hbm>> -> memref<40x128xi32, #tpu.memory_space<hbm>>
          %dma_start3A_45 = arith.constant 0 : i32
          %dma_start3A_46 = arith.constant 0 : i32
          %dma_start3A_47 = arith.constant 0 : i32
          %dma_start3A_48 = tpu.memref_slice %arg3[%arg0, %dma_start3A_45, %dma_start3A_46, %dma_start3A_47] : memref<2x16x80x128xi32, #tpu.memory_space<hbm>> -> memref<1x16x80x128xi32, #tpu.memory_space<hbm>>
          %dma_start3A_49 = tpu.memref_squeeze %dma_start3A_48 : memref<1x16x80x128xi32, #tpu.memory_space<hbm>> -> memref<16x80x128xi32, #tpu.memory_space<hbm>>
          %dma_start3A_50 = arith.constant 0 : i32
          %dma_start3A_51 = arith.constant 0 : i32
          %dma_start3A_52 = tpu.memref_slice %dma_start3A_49[%arg1, %dma_start3A_50, %dma_start3A_51] : memref<16x80x128xi32, #tpu.memory_space<hbm>> -> memref<1x80x128xi32, #tpu.memory_space<hbm>>
          %dma_start3A_53 = tpu.memref_squeeze %dma_start3A_52 : memref<1x80x128xi32, #tpu.memory_space<hbm>> -> memref<80x128xi32, #tpu.memory_space<hbm>>
          %dma_start3A_54 = arith.constant 0 : i32
          %dma_start3A_55 = tpu.memref_slice %dma_start3A_53[%mul3A_33, %dma_start3A_54] : memref<80x128xi32, #tpu.memory_space<hbm>> -> memref<40x128xi32, #tpu.memory_space<hbm>>
          tpu.enqueue_dma source(%dma_start3A_55 : memref<40x128xi32, #tpu.memory_space<hbm>>) target(%arg8 : memref<40x128xi32, #tpu.memory_space<vmem>>) target_semaphore(%run_scoped3A : memref<!tpu.dma_semaphore, #tpu.memory_space<semaphore_mem>>)
          %dma_wait3A_56 = arith.constant 0 : i32
          %dma_wait3A_57 = arith.constant 0 : i32
          %dma_wait3A_58 = arith.constant 0 : i32
          %dma_wait3A_59 = tpu.memref_slice %arg3[%arg0, %dma_wait3A_56, %dma_wait3A_57, %dma_wait3A_58] : memref<2x16x80x128xi32, #tpu.memory_space<hbm>> -> memref<1x16x80x128xi32, #tpu.memory_space<hbm>>
          %dma_wait3A_60 = tpu.memref_squeeze %dma_wait3A_59 : memref<1x16x80x128xi32, #tpu.memory_space<hbm>> -> memref<16x80x128xi32, #tpu.memory_space<hbm>>
          %dma_wait3A_61 = arith.constant 0 : i32
          %dma_wait3A_62 = arith.constant 0 : i32
          %dma_wait3A_63 = tpu.memref_slice %dma_wait3A_60[%arg1, %dma_wait3A_61, %dma_wait3A_62] : memref<16x80x128xi32, #tpu.memory_space<hbm>> -> memref<1x80x128xi32, #tpu.memory_space<hbm>>
          %dma_wait3A_64 = tpu.memref_squeeze %dma_wait3A_63 : memref<1x80x128xi32, #tpu.memory_space<hbm>> -> memref<80x128xi32, #tpu.memory_space<hbm>>
          %dma_wait3A_65 = arith.constant 0 : i32
          %dma_wait3A_66 = tpu.memref_slice %dma_wait3A_64[%mul3A_33, %dma_wait3A_65] : memref<80x128xi32, #tpu.memory_space<hbm>> -> memref<40x128xi32, #tpu.memory_space<hbm>>
          %dma_wait3A_67 = arith.constant 0 : i32
          %dma_wait3A_68 = arith.constant 0 : i32
          %dma_wait3A_69 = arith.constant 0 : i32
          %dma_wait3A_70 = tpu.memref_slice %arg3[%arg0, %dma_wait3A_67, %dma_wait3A_68, %dma_wait3A_69] : memref<2x16x80x128xi32, #tpu.memory_space<hbm>> -> memref<1x16x80x128xi32, #tpu.memory_space<hbm>>
          %dma_wait3A_71 = tpu.memref_squeeze %dma_wait3A_70 : memref<1x16x80x128xi32, #tpu.memory_space<hbm>> -> memref<16x80x128xi32, #tpu.memory_space<hbm>>
          %dma_wait3A_72 = arith.constant 0 : i32
          %dma_wait3A_73 = arith.constant 0 : i32
          %dma_wait3A_74 = tpu.memref_slice %dma_wait3A_71[%arg1, %dma_wait3A_72, %dma_wait3A_73] : memref<16x80x128xi32, #tpu.memory_space<hbm>> -> memref<1x80x128xi32, #tpu.memory_space<hbm>>
          %dma_wait3A_75 = tpu.memref_squeeze %dma_wait3A_74 : memref<1x80x128xi32, #tpu.memory_space<hbm>> -> memref<80x128xi32, #tpu.memory_space<hbm>>
          %dma_wait3A_76 = arith.constant 0 : i32
          %dma_wait3A_77 = tpu.memref_slice %dma_wait3A_75[%mul3A_33, %dma_wait3A_76] : memref<80x128xi32, #tpu.memory_space<hbm>> -> memref<40x128xi32, #tpu.memory_space<hbm>>
          tpu.wait_dma2 semaphore(%run_scoped3A : memref<!tpu.dma_semaphore, #tpu.memory_space<semaphore_mem>>) src(%dma_wait3A_77 : memref<40x128xi32, #tpu.memory_space<hbm>>) dst(%arg8 : memref<40x128xi32, #tpu.memory_space<vmem>>)
          tpu.yield
        }) : () -> ()
      } else {
      }
      %scan3A_22 = arith.constant 0 : i32
      %scan3A_23 = arith.constant 0 : i32
      %scan3A_24 = arith.constant 5 : i32
      %scan3A_25 = arith.addi %scan3A_23, %scan3A_24 : i32
      %scan3A_26 = arith.constant 1 : i32
      %scan3A_27 = scf.for %scan3A_30 = %scan3A_23 to %scan3A_25 step %scan3A_26 iter_args(%scan3A_31 = %scan3A_22) -> (i32)  : i32 {
        %mul3A_32 = arith.constant 8 : i32
        %mul3A_33 = arith.muli %scan3A_30, %mul3A_32 : i32
        %dma_start3A_34 = arith.constant 0 : i32
        %dma_start3A_35 = tpu.memref_slice %arg7[%mul3A_33, %dma_start3A_34] : memref<40x128xi32, #tpu.memory_space<vmem>> -> memref<1x128xi32, #tpu.memory_space<vmem>>
        %dma_start3A_36 = tpu.memref_squeeze %dma_start3A_35 : memref<1x128xi32, #tpu.memory_space<vmem>> -> memref<128xi32, #tpu.memory_space<vmem>>
        %dma_start3A_37 = arith.constant 0 : i32
        %dma_start3A_38 = arith.constant 0 : i32
        %dma_start3A_39 = tpu.memref_slice %arg4[%dma_start3A_37, %dma_start3A_38] : memref<10000x128xf32, #tpu.memory_space<hbm>> -> memref<10000x128xf32, #tpu.memory_space<hbm>>
        tpu.enqueue_indirect_dma source(%dma_start3A_39 : memref<10000x128xf32, #tpu.memory_space<hbm>>) target(%arg9 : memref<128x128xf32, #tpu.memory_space<vmem>>) offsets(%dma_start3A_36 : memref<128xi32, #tpu.memory_space<vmem>>) semaphore(%arg12 : memref<!tpu.dma_semaphore, #tpu.memory_space<semaphore_mem>>)
        %add3A = arith.constant 1 : i32
        %add3A_40 = arith.addi %mul3A_33, %add3A : i32
        %dma_start3A_41 = arith.constant 0 : i32
        %dma_start3A_42 = tpu.memref_slice %arg7[%add3A_40, %dma_start3A_41] : memref<40x128xi32, #tpu.memory_space<vmem>> -> memref<1x128xi32, #tpu.memory_space<vmem>>
        %dma_start3A_43 = tpu.memref_squeeze %dma_start3A_42 : memref<1x128xi32, #tpu.memory_space<vmem>> -> memref<128xi32, #tpu.memory_space<vmem>>
        %dma_start3A_44 = arith.constant 0 : i32
        %dma_start3A_45 = arith.constant 0 : i32
        %dma_start3A_46 = tpu.memref_slice %arg4[%dma_start3A_44, %dma_start3A_45] : memref<10000x128xf32, #tpu.memory_space<hbm>> -> memref<10000x128xf32, #tpu.memory_space<hbm>>
        tpu.enqueue_indirect_dma source(%dma_start3A_46 : memref<10000x128xf32, #tpu.memory_space<hbm>>) target(%arg10 : memref<128x128xf32, #tpu.memory_space<vmem>>) offsets(%dma_start3A_43 : memref<128xi32, #tpu.memory_space<vmem>>) semaphore(%arg13 : memref<!tpu.dma_semaphore, #tpu.memory_space<semaphore_mem>>)
        %dma_wait3A_47 = arith.constant 0 : i32
        %dma_wait3A_48 = tpu.memref_slice %arg7[%mul3A_33, %dma_wait3A_47] : memref<40x128xi32, #tpu.memory_space<vmem>> -> memref<1x128xi32, #tpu.memory_space<vmem>>
        %dma_wait3A_49 = tpu.memref_squeeze %dma_wait3A_48 : memref<1x128xi32, #tpu.memory_space<vmem>> -> memref<128xi32, #tpu.memory_space<vmem>>
        %dma_wait3A_50 = arith.constant 0 : i32
        %dma_wait3A_51 = arith.constant 0 : i32
        %dma_wait3A_52 = tpu.memref_slice %arg4[%dma_wait3A_50, %dma_wait3A_51] : memref<10000x128xf32, #tpu.memory_space<hbm>> -> memref<10000x128xf32, #tpu.memory_space<hbm>>
        tpu.wait_indirect_dma semaphore(%arg12 : memref<!tpu.dma_semaphore, #tpu.memory_space<semaphore_mem>>) src(%dma_wait3A_52 : memref<10000x128xf32, #tpu.memory_space<hbm>>) dst(%arg9 : memref<128x128xf32, #tpu.memory_space<vmem>>)
        %add3A_53 = arith.constant 0 : i32
        %add3A_54 = arith.addi %mul3A_33, %add3A_53 : i32
        %dma_start3A_55 = arith.constant 0 : i32
        %dma_start3A_56 = tpu.memref_slice %arg8[%add3A_54, %dma_start3A_55] : memref<40x128xi32, #tpu.memory_space<vmem>> -> memref<1x128xi32, #tpu.memory_space<vmem>>
        %dma_start3A_57 = tpu.memref_squeeze %dma_start3A_56 : memref<1x128xi32, #tpu.memory_space<vmem>> -> memref<128xi32, #tpu.memory_space<vmem>>
        %dma_start3A_58 = arith.constant 0 : i32
        %dma_start3A_59 = arith.constant 0 : i32
        %dma_start3A_60 = tpu.memref_slice %arg11[%dma_start3A_58, %dma_start3A_59] : memref<10240x128xf32, #tpu.memory_space<vmem_shared>> -> memref<10240x128xf32, #tpu.memory_space<vmem_shared>>
        tpu.enqueue_indirect_dma source(%arg9 : memref<128x128xf32, #tpu.memory_space<vmem>>) target(%dma_start3A_60 : memref<10240x128xf32, #tpu.memory_space<vmem_shared>>) offsets(%dma_start3A_57 : memref<128xi32, #tpu.memory_space<vmem>>) semaphore(%arg14 : memref<!tpu.dma_semaphore, #tpu.memory_space<semaphore_mem>>) {add = true}
        %dma_wait3A_61 = arith.constant 0 : i32
        %dma_wait3A_62 = tpu.memref_slice %arg8[%add3A_54, %dma_wait3A_61] : memref<40x128xi32, #tpu.memory_space<vmem>> -> memref<1x128xi32, #tpu.memory_space<vmem>>
        %dma_wait3A_63 = tpu.memref_squeeze %dma_wait3A_62 : memref<1x128xi32, #tpu.memory_space<vmem>> -> memref<128xi32, #tpu.memory_space<vmem>>
        %dma_wait3A_64 = arith.constant 0 : i32
        %dma_wait3A_65 = arith.constant 0 : i32
        %dma_wait3A_66 = tpu.memref_slice %arg11[%dma_wait3A_64, %dma_wait3A_65] : memref<10240x128xf32, #tpu.memory_space<vmem_shared>> -> memref<10240x128xf32, #tpu.memory_space<vmem_shared>>
        tpu.wait_indirect_dma semaphore(%arg14 : memref<!tpu.dma_semaphore, #tpu.memory_space<semaphore_mem>>) src(%arg9 : memref<128x128xf32, #tpu.memory_space<vmem>>) dst(%dma_wait3A_66 : memref<10240x128xf32, #tpu.memory_space<vmem_shared>>)
        %add3A_67 = arith.constant 0 : i32
        %add3A_68 = arith.addi %mul3A_33, %add3A_67 : i32
        %add3A_69 = arith.constant 2 : i32
        %add3A_70 = arith.addi %add3A_68, %add3A_69 : i32
        %dma_start3A_71 = arith.constant 0 : i32
        %dma_start3A_72 = tpu.memref_slice %arg7[%add3A_70, %dma_start3A_71] : memref<40x128xi32, #tpu.memory_space<vmem>> -> memref<1x128xi32, #tpu.memory_space<vmem>>
        %dma_start3A_73 = tpu.memref_squeeze %dma_start3A_72 : memref<1x128xi32, #tpu.memory_space<vmem>> -> memref<128xi32, #tpu.memory_space<vmem>>
        %dma_start3A_74 = arith.constant 0 : i32
        %dma_start3A_75 = arith.constant 0 : i32
        %dma_start3A_76 = tpu.memref_slice %arg4[%dma_start3A_74, %dma_start3A_75] : memref<10000x128xf32, #tpu.memory_space<hbm>> -> memref<10000x128xf32, #tpu.memory_space<hbm>>
        tpu.enqueue_indirect_dma source(%dma_start3A_76 : memref<10000x128xf32, #tpu.memory_space<hbm>>) target(%arg9 : memref<128x128xf32, #tpu.memory_space<vmem>>) offsets(%dma_start3A_73 : memref<128xi32, #tpu.memory_space<vmem>>) semaphore(%arg12 : memref<!tpu.dma_semaphore, #tpu.memory_space<semaphore_mem>>)
        %dma_wait3A_77 = arith.constant 0 : i32
        %dma_wait3A_78 = tpu.memref_slice %arg7[%add3A_40, %dma_wait3A_77] : memref<40x128xi32, #tpu.memory_space<vmem>> -> memref<1x128xi32, #tpu.memory_space<vmem>>
        %dma_wait3A_79 = tpu.memref_squeeze %dma_wait3A_78 : memref<1x128xi32, #tpu.memory_space<vmem>> -> memref<128xi32, #tpu.memory_space<vmem>>
        %dma_wait3A_80 = arith.constant 0 : i32
        %dma_wait3A_81 = arith.constant 0 : i32
        %dma_wait3A_82 = tpu.memref_slice %arg4[%dma_wait3A_80, %dma_wait3A_81] : memref<10000x128xf32, #tpu.memory_space<hbm>> -> memref<10000x128xf32, #tpu.memory_space<hbm>>
        tpu.wait_indirect_dma semaphore(%arg13 : memref<!tpu.dma_semaphore, #tpu.memory_space<semaphore_mem>>) src(%dma_wait3A_82 : memref<10000x128xf32, #tpu.memory_space<hbm>>) dst(%arg10 : memref<128x128xf32, #tpu.memory_space<vmem>>)
        %add3A_83 = arith.constant 1 : i32
        %add3A_84 = arith.addi %mul3A_33, %add3A_83 : i32
        %dma_start3A_85 = arith.constant 0 : i32
        %dma_start3A_86 = tpu.memref_slice %arg8[%add3A_84, %dma_start3A_85] : memref<40x128xi32, #tpu.memory_space<vmem>> -> memref<1x128xi32, #tpu.memory_space<vmem>>
        %dma_start3A_87 = tpu.memref_squeeze %dma_start3A_86 : memref<1x128xi32, #tpu.memory_space<vmem>> -> memref<128xi32, #tpu.memory_space<vmem>>
        %dma_start3A_88 = arith.constant 0 : i32
        %dma_start3A_89 = arith.constant 0 : i32
        %dma_start3A_90 = tpu.memref_slice %arg11[%dma_start3A_88, %dma_start3A_89] : memref<10240x128xf32, #tpu.memory_space<vmem_shared>> -> memref<10240x128xf32, #tpu.memory_space<vmem_shared>>
        tpu.enqueue_indirect_dma source(%arg10 : memref<128x128xf32, #tpu.memory_space<vmem>>) target(%dma_start3A_90 : memref<10240x128xf32, #tpu.memory_space<vmem_shared>>) offsets(%dma_start3A_87 : memref<128xi32, #tpu.memory_space<vmem>>) semaphore(%arg15 : memref<!tpu.dma_semaphore, #tpu.memory_space<semaphore_mem>>) {add = true}
        %dma_wait3A_91 = arith.constant 0 : i32
        %dma_wait3A_92 = tpu.memref_slice %arg8[%add3A_84, %dma_wait3A_91] : memref<40x128xi32, #tpu.memory_space<vmem>> -> memref<1x128xi32, #tpu.memory_space<vmem>>
        %dma_wait3A_93 = tpu.memref_squeeze %dma_wait3A_92 : memref<1x128xi32, #tpu.memory_space<vmem>> -> memref<128xi32, #tpu.memory_space<vmem>>
        %dma_wait3A_94 = arith.constant 0 : i32
        %dma_wait3A_95 = arith.constant 0 : i32
        %dma_wait3A_96 = tpu.memref_slice %arg11[%dma_wait3A_94, %dma_wait3A_95] : memref<10240x128xf32, #tpu.memory_space<vmem_shared>> -> memref<10240x128xf32, #tpu.memory_space<vmem_shared>>
        tpu.wait_indirect_dma semaphore(%arg15 : memref<!tpu.dma_semaphore, #tpu.memory_space<semaphore_mem>>) src(%arg10 : memref<128x128xf32, #tpu.memory_space<vmem>>) dst(%dma_wait3A_96 : memref<10240x128xf32, #tpu.memory_space<vmem_shared>>)
        %add3A_97 = arith.constant 1 : i32
        %add3A_98 = arith.addi %mul3A_33, %add3A_97 : i32
        %add3A_99 = arith.constant 2 : i32
        %add3A_100 = arith.addi %add3A_98, %add3A_99 : i32
        %dma_start3A_101 = arith.constant 0 : i32
        %dma_start3A_102 = tpu.memref_slice %arg7[%add3A_100, %dma_start3A_101] : memref<40x128xi32, #tpu.memory_space<vmem>> -> memref<1x128xi32, #tpu.memory_space<vmem>>
        %dma_start3A_103 = tpu.memref_squeeze %dma_start3A_102 : memref<1x128xi32, #tpu.memory_space<vmem>> -> memref<128xi32, #tpu.memory_space<vmem>>
        %dma_start3A_104 = arith.constant 0 : i32
        %dma_start3A_105 = arith.constant 0 : i32
        %dma_start3A_106 = tpu.memref_slice %arg4[%dma_start3A_104, %dma_start3A_105] : memref<10000x128xf32, #tpu.memory_space<hbm>> -> memref<10000x128xf32, #tpu.memory_space<hbm>>
        tpu.enqueue_indirect_dma source(%dma_start3A_106 : memref<10000x128xf32, #tpu.memory_space<hbm>>) target(%arg10 : memref<128x128xf32, #tpu.memory_space<vmem>>) offsets(%dma_start3A_103 : memref<128xi32, #tpu.memory_space<vmem>>) semaphore(%arg13 : memref<!tpu.dma_semaphore, #tpu.memory_space<semaphore_mem>>)
        %dma_wait3A_107 = arith.constant 0 : i32
        %dma_wait3A_108 = tpu.memref_slice %arg7[%add3A_70, %dma_wait3A_107] : memref<40x128xi32, #tpu.memory_space<vmem>> -> memref<1x128xi32, #tpu.memory_space<vmem>>
        %dma_wait3A_109 = tpu.memref_squeeze %dma_wait3A_108 : memref<1x128xi32, #tpu.memory_space<vmem>> -> memref<128xi32, #tpu.memory_space<vmem>>
        %dma_wait3A_110 = arith.constant 0 : i32
        %dma_wait3A_111 = arith.constant 0 : i32
        %dma_wait3A_112 = tpu.memref_slice %arg4[%dma_wait3A_110, %dma_wait3A_111] : memref<10000x128xf32, #tpu.memory_space<hbm>> -> memref<10000x128xf32, #tpu.memory_space<hbm>>
        tpu.wait_indirect_dma semaphore(%arg12 : memref<!tpu.dma_semaphore, #tpu.memory_space<semaphore_mem>>) src(%dma_wait3A_112 : memref<10000x128xf32, #tpu.memory_space<hbm>>) dst(%arg9 : memref<128x128xf32, #tpu.memory_space<vmem>>)
        %add3A_113 = arith.constant 2 : i32
        %add3A_114 = arith.addi %mul3A_33, %add3A_113 : i32
        %dma_start3A_115 = arith.constant 0 : i32
        %dma_start3A_116 = tpu.memref_slice %arg8[%add3A_114, %dma_start3A_115] : memref<40x128xi32, #tpu.memory_space<vmem>> -> memref<1x128xi32, #tpu.memory_space<vmem>>
        %dma_start3A_117 = tpu.memref_squeeze %dma_start3A_116 : memref<1x128xi32, #tpu.memory_space<vmem>> -> memref<128xi32, #tpu.memory_space<vmem>>
        %dma_start3A_118 = arith.constant 0 : i32
        %dma_start3A_119 = arith.constant 0 : i32
        %dma_start3A_120 = tpu.memref_slice %arg11[%dma_start3A_118, %dma_start3A_119] : memref<10240x128xf32, #tpu.memory_space<vmem_shared>> -> memref<10240x128xf32, #tpu.memory_space<vmem_shared>>
        tpu.enqueue_indirect_dma source(%arg9 : memref<128x128xf32, #tpu.memory_space<vmem>>) target(%dma_start3A_120 : memref<10240x128xf32, #tpu.memory_space<vmem_shared>>) offsets(%dma_start3A_117 : memref<128xi32, #tpu.memory_space<vmem>>) semaphore(%arg14 : memref<!tpu.dma_semaphore, #tpu.memory_space<semaphore_mem>>) {add = true}
        %dma_wait3A_121 = arith.constant 0 : i32
        %dma_wait3A_122 = tpu.memref_slice %arg8[%add3A_114, %dma_wait3A_121] : memref<40x128xi32, #tpu.memory_space<vmem>> -> memref<1x128xi32, #tpu.memory_space<vmem>>
        %dma_wait3A_123 = tpu.memref_squeeze %dma_wait3A_122 : memref<1x128xi32, #tpu.memory_space<vmem>> -> memref<128xi32, #tpu.memory_space<vmem>>
        %dma_wait3A_124 = arith.constant 0 : i32
        %dma_wait3A_125 = arith.constant 0 : i32
        %dma_wait3A_126 = tpu.memref_slice %arg11[%dma_wait3A_124, %dma_wait3A_125] : memref<10240x128xf32, #tpu.memory_space<vmem_shared>> -> memref<10240x128xf32, #tpu.memory_space<vmem_shared>>
        tpu.wait_indirect_dma semaphore(%arg14 : memref<!tpu.dma_semaphore, #tpu.memory_space<semaphore_mem>>) src(%arg9 : memref<128x128xf32, #tpu.memory_space<vmem>>) dst(%dma_wait3A_126 : memref<10240x128xf32, #tpu.memory_space<vmem_shared>>)
        %add3A_127 = arith.constant 2 : i32
        %add3A_128 = arith.addi %mul3A_33, %add3A_127 : i32
        %add3A_129 = arith.constant 2 : i32
        %add3A_130 = arith.addi %add3A_128, %add3A_129 : i32
        %dma_start3A_131 = arith.constant 0 : i32
        %dma_start3A_132 = tpu.memref_slice %arg7[%add3A_130, %dma_start3A_131] : memref<40x128xi32, #tpu.memory_space<vmem>> -> memref<1x128xi32, #tpu.memory_space<vmem>>
        %dma_start3A_133 = tpu.memref_squeeze %dma_start3A_132 : memref<1x128xi32, #tpu.memory_space<vmem>> -> memref<128xi32, #tpu.memory_space<vmem>>
        %dma_start3A_134 = arith.constant 0 : i32
        %dma_start3A_135 = arith.constant 0 : i32
        %dma_start3A_136 = tpu.memref_slice %arg4[%dma_start3A_134, %dma_start3A_135] : memref<10000x128xf32, #tpu.memory_space<hbm>> -> memref<10000x128xf32, #tpu.memory_space<hbm>>
        tpu.enqueue_indirect_dma source(%dma_start3A_136 : memref<10000x128xf32, #tpu.memory_space<hbm>>) target(%arg9 : memref<128x128xf32, #tpu.memory_space<vmem>>) offsets(%dma_start3A_133 : memref<128xi32, #tpu.memory_space<vmem>>) semaphore(%arg12 : memref<!tpu.dma_semaphore, #tpu.memory_space<semaphore_mem>>)
        %dma_wait3A_137 = arith.constant 0 : i32
        %dma_wait3A_138 = tpu.memref_slice %arg7[%add3A_100, %dma_wait3A_137] : memref<40x128xi32, #tpu.memory_space<vmem>> -> memref<1x128xi32, #tpu.memory_space<vmem>>
        %dma_wait3A_139 = tpu.memref_squeeze %dma_wait3A_138 : memref<1x128xi32, #tpu.memory_space<vmem>> -> memref<128xi32, #tpu.memory_space<vmem>>
        %dma_wait3A_140 = arith.constant 0 : i32
        %dma_wait3A_141 = arith.constant 0 : i32
        %dma_wait3A_142 = tpu.memref_slice %arg4[%dma_wait3A_140, %dma_wait3A_141] : memref<10000x128xf32, #tpu.memory_space<hbm>> -> memref<10000x128xf32, #tpu.memory_space<hbm>>
        tpu.wait_indirect_dma semaphore(%arg13 : memref<!tpu.dma_semaphore, #tpu.memory_space<semaphore_mem>>) src(%dma_wait3A_142 : memref<10000x128xf32, #tpu.memory_space<hbm>>) dst(%arg10 : memref<128x128xf32, #tpu.memory_space<vmem>>)
        %add3A_143 = arith.constant 3 : i32
        %add3A_144 = arith.addi %mul3A_33, %add3A_143 : i32
        %dma_start3A_145 = arith.constant 0 : i32
        %dma_start3A_146 = tpu.memref_slice %arg8[%add3A_144, %dma_start3A_145] : memref<40x128xi32, #tpu.memory_space<vmem>> -> memref<1x128xi32, #tpu.memory_space<vmem>>
        %dma_start3A_147 = tpu.memref_squeeze %dma_start3A_146 : memref<1x128xi32, #tpu.memory_space<vmem>> -> memref<128xi32, #tpu.memory_space<vmem>>
        %dma_start3A_148 = arith.constant 0 : i32
        %dma_start3A_149 = arith.constant 0 : i32
        %dma_start3A_150 = tpu.memref_slice %arg11[%dma_start3A_148, %dma_start3A_149] : memref<10240x128xf32, #tpu.memory_space<vmem_shared>> -> memref<10240x128xf32, #tpu.memory_space<vmem_shared>>
        tpu.enqueue_indirect_dma source(%arg10 : memref<128x128xf32, #tpu.memory_space<vmem>>) target(%dma_start3A_150 : memref<10240x128xf32, #tpu.memory_space<vmem_shared>>) offsets(%dma_start3A_147 : memref<128xi32, #tpu.memory_space<vmem>>) semaphore(%arg15 : memref<!tpu.dma_semaphore, #tpu.memory_space<semaphore_mem>>) {add = true}
        %dma_wait3A_151 = arith.constant 0 : i32
        %dma_wait3A_152 = tpu.memref_slice %arg8[%add3A_144, %dma_wait3A_151] : memref<40x128xi32, #tpu.memory_space<vmem>> -> memref<1x128xi32, #tpu.memory_space<vmem>>
        %dma_wait3A_153 = tpu.memref_squeeze %dma_wait3A_152 : memref<1x128xi32, #tpu.memory_space<vmem>> -> memref<128xi32, #tpu.memory_space<vmem>>
        %dma_wait3A_154 = arith.constant 0 : i32
        %dma_wait3A_155 = arith.constant 0 : i32
        %dma_wait3A_156 = tpu.memref_slice %arg11[%dma_wait3A_154, %dma_wait3A_155] : memref<10240x128xf32, #tpu.memory_space<vmem_shared>> -> memref<10240x128xf32, #tpu.memory_space<vmem_shared>>
        tpu.wait_indirect_dma semaphore(%arg15 : memref<!tpu.dma_semaphore, #tpu.memory_space<semaphore_mem>>) src(%arg10 : memref<128x128xf32, #tpu.memory_space<vmem>>) dst(%dma_wait3A_156 : memref<10240x128xf32, #tpu.memory_space<vmem_shared>>)
        %add3A_157 = arith.constant 3 : i32
        %add3A_158 = arith.addi %mul3A_33, %add3A_157 : i32
        %add3A_159 = arith.constant 2 : i32
        %add3A_160 = arith.addi %add3A_158, %add3A_159 : i32
        %dma_start3A_161 = arith.constant 0 : i32
        %dma_start3A_162 = tpu.memref_slice %arg7[%add3A_160, %dma_start3A_161] : memref<40x128xi32, #tpu.memory_space<vmem>> -> memref<1x128xi32, #tpu.memory_space<vmem>>
        %dma_start3A_163 = tpu.memref_squeeze %dma_start3A_162 : memref<1x128xi32, #tpu.memory_space<vmem>> -> memref<128xi32, #tpu.memory_space<vmem>>
        %dma_start3A_164 = arith.constant 0 : i32
        %dma_start3A_165 = arith.constant 0 : i32
        %dma_start3A_166 = tpu.memref_slice %arg4[%dma_start3A_164, %dma_start3A_165] : memref<10000x128xf32, #tpu.memory_space<hbm>> -> memref<10000x128xf32, #tpu.memory_space<hbm>>
        tpu.enqueue_indirect_dma source(%dma_start3A_166 : memref<10000x128xf32, #tpu.memory_space<hbm>>) target(%arg10 : memref<128x128xf32, #tpu.memory_space<vmem>>) offsets(%dma_start3A_163 : memref<128xi32, #tpu.memory_space<vmem>>) semaphore(%arg13 : memref<!tpu.dma_semaphore, #tpu.memory_space<semaphore_mem>>)
        %dma_wait3A_167 = arith.constant 0 : i32
        %dma_wait3A_168 = tpu.memref_slice %arg7[%add3A_130, %dma_wait3A_167] : memref<40x128xi32, #tpu.memory_space<vmem>> -> memref<1x128xi32, #tpu.memory_space<vmem>>
        %dma_wait3A_169 = tpu.memref_squeeze %dma_wait3A_168 : memref<1x128xi32, #tpu.memory_space<vmem>> -> memref<128xi32, #tpu.memory_space<vmem>>
        %dma_wait3A_170 = arith.constant 0 : i32
        %dma_wait3A_171 = arith.constant 0 : i32
        %dma_wait3A_172 = tpu.memref_slice %arg4[%dma_wait3A_170, %dma_wait3A_171] : memref<10000x128xf32, #tpu.memory_space<hbm>> -> memref<10000x128xf32, #tpu.memory_space<hbm>>
        tpu.wait_indirect_dma semaphore(%arg12 : memref<!tpu.dma_semaphore, #tpu.memory_space<semaphore_mem>>) src(%dma_wait3A_172 : memref<10000x128xf32, #tpu.memory_space<hbm>>) dst(%arg9 : memref<128x128xf32, #tpu.memory_space<vmem>>)
        %add3A_173 = arith.constant 4 : i32
        %add3A_174 = arith.addi %mul3A_33, %add3A_173 : i32
        %dma_start3A_175 = arith.constant 0 : i32
        %dma_start3A_176 = tpu.memref_slice %arg8[%add3A_174, %dma_start3A_175] : memref<40x128xi32, #tpu.memory_space<vmem>> -> memref<1x128xi32, #tpu.memory_space<vmem>>
        %dma_start3A_177 = tpu.memref_squeeze %dma_start3A_176 : memref<1x128xi32, #tpu.memory_space<vmem>> -> memref<128xi32, #tpu.memory_space<vmem>>
        %dma_start3A_178 = arith.constant 0 : i32
        %dma_start3A_179 = arith.constant 0 : i32
        %dma_start3A_180 = tpu.memref_slice %arg11[%dma_start3A_178, %dma_start3A_179] : memref<10240x128xf32, #tpu.memory_space<vmem_shared>> -> memref<10240x128xf32, #tpu.memory_space<vmem_shared>>
        tpu.enqueue_indirect_dma source(%arg9 : memref<128x128xf32, #tpu.memory_space<vmem>>) target(%dma_start3A_180 : memref<10240x128xf32, #tpu.memory_space<vmem_shared>>) offsets(%dma_start3A_177 : memref<128xi32, #tpu.memory_space<vmem>>) semaphore(%arg14 : memref<!tpu.dma_semaphore, #tpu.memory_space<semaphore_mem>>) {add = true}
        %dma_wait3A_181 = arith.constant 0 : i32
        %dma_wait3A_182 = tpu.memref_slice %arg8[%add3A_174, %dma_wait3A_181] : memref<40x128xi32, #tpu.memory_space<vmem>> -> memref<1x128xi32, #tpu.memory_space<vmem>>
        %dma_wait3A_183 = tpu.memref_squeeze %dma_wait3A_182 : memref<1x128xi32, #tpu.memory_space<vmem>> -> memref<128xi32, #tpu.memory_space<vmem>>
        %dma_wait3A_184 = arith.constant 0 : i32
        %dma_wait3A_185 = arith.constant 0 : i32
        %dma_wait3A_186 = tpu.memref_slice %arg11[%dma_wait3A_184, %dma_wait3A_185] : memref<10240x128xf32, #tpu.memory_space<vmem_shared>> -> memref<10240x128xf32, #tpu.memory_space<vmem_shared>>
        tpu.wait_indirect_dma semaphore(%arg14 : memref<!tpu.dma_semaphore, #tpu.memory_space<semaphore_mem>>) src(%arg9 : memref<128x128xf32, #tpu.memory_space<vmem>>) dst(%dma_wait3A_186 : memref<10240x128xf32, #tpu.memory_space<vmem_shared>>)
        %add3A_187 = arith.constant 4 : i32
        %add3A_188 = arith.addi %mul3A_33, %add3A_187 : i32
        %add3A_189 = arith.constant 2 : i32
        %add3A_190 = arith.addi %add3A_188, %add3A_189 : i32
        %dma_start3A_191 = arith.constant 0 : i32
        %dma_start3A_192 = tpu.memref_slice %arg7[%add3A_190, %dma_start3A_191] : memref<40x128xi32, #tpu.memory_space<vmem>> -> memref<1x128xi32, #tpu.memory_space<vmem>>
        %dma_start3A_193 = tpu.memref_squeeze %dma_start3A_192 : memref<1x128xi32, #tpu.memory_space<vmem>> -> memref<128xi32, #tpu.memory_space<vmem>>
        %dma_start3A_194 = arith.constant 0 : i32
        %dma_start3A_195 = arith.constant 0 : i32
        %dma_start3A_196 = tpu.memref_slice %arg4[%dma_start3A_194, %dma_start3A_195] : memref<10000x128xf32, #tpu.memory_space<hbm>> -> memref<10000x128xf32, #tpu.memory_space<hbm>>
        tpu.enqueue_indirect_dma source(%dma_start3A_196 : memref<10000x128xf32, #tpu.memory_space<hbm>>) target(%arg9 : memref<128x128xf32, #tpu.memory_space<vmem>>) offsets(%dma_start3A_193 : memref<128xi32, #tpu.memory_space<vmem>>) semaphore(%arg12 : memref<!tpu.dma_semaphore, #tpu.memory_space<semaphore_mem>>)
        %dma_wait3A_197 = arith.constant 0 : i32
        %dma_wait3A_198 = tpu.memref_slice %arg7[%add3A_160, %dma_wait3A_197] : memref<40x128xi32, #tpu.memory_space<vmem>> -> memref<1x128xi32, #tpu.memory_space<vmem>>
        %dma_wait3A_199 = tpu.memref_squeeze %dma_wait3A_198 : memref<1x128xi32, #tpu.memory_space<vmem>> -> memref<128xi32, #tpu.memory_space<vmem>>
        %dma_wait3A_200 = arith.constant 0 : i32
        %dma_wait3A_201 = arith.constant 0 : i32
        %dma_wait3A_202 = tpu.memref_slice %arg4[%dma_wait3A_200, %dma_wait3A_201] : memref<10000x128xf32, #tpu.memory_space<hbm>> -> memref<10000x128xf32, #tpu.memory_space<hbm>>
        tpu.wait_indirect_dma semaphore(%arg13 : memref<!tpu.dma_semaphore, #tpu.memory_space<semaphore_mem>>) src(%dma_wait3A_202 : memref<10000x128xf32, #tpu.memory_space<hbm>>) dst(%arg10 : memref<128x128xf32, #tpu.memory_space<vmem>>)
        %add3A_203 = arith.constant 5 : i32
        %add3A_204 = arith.addi %mul3A_33, %add3A_203 : i32
        %dma_start3A_205 = arith.constant 0 : i32
        %dma_start3A_206 = tpu.memref_slice %arg8[%add3A_204, %dma_start3A_205] : memref<40x128xi32, #tpu.memory_space<vmem>> -> memref<1x128xi32, #tpu.memory_space<vmem>>
        %dma_start3A_207 = tpu.memref_squeeze %dma_start3A_206 : memref<1x128xi32, #tpu.memory_space<vmem>> -> memref<128xi32, #tpu.memory_space<vmem>>
        %dma_start3A_208 = arith.constant 0 : i32
        %dma_start3A_209 = arith.constant 0 : i32
        %dma_start3A_210 = tpu.memref_slice %arg11[%dma_start3A_208, %dma_start3A_209] : memref<10240x128xf32, #tpu.memory_space<vmem_shared>> -> memref<10240x128xf32, #tpu.memory_space<vmem_shared>>
        tpu.enqueue_indirect_dma source(%arg10 : memref<128x128xf32, #tpu.memory_space<vmem>>) target(%dma_start3A_210 : memref<10240x128xf32, #tpu.memory_space<vmem_shared>>) offsets(%dma_start3A_207 : memref<128xi32, #tpu.memory_space<vmem>>) semaphore(%arg15 : memref<!tpu.dma_semaphore, #tpu.memory_space<semaphore_mem>>) {add = true}
        %dma_wait3A_211 = arith.constant 0 : i32
        %dma_wait3A_212 = tpu.memref_slice %arg8[%add3A_204, %dma_wait3A_211] : memref<40x128xi32, #tpu.memory_space<vmem>> -> memref<1x128xi32, #tpu.memory_space<vmem>>
        %dma_wait3A_213 = tpu.memref_squeeze %dma_wait3A_212 : memref<1x128xi32, #tpu.memory_space<vmem>> -> memref<128xi32, #tpu.memory_space<vmem>>
        %dma_wait3A_214 = arith.constant 0 : i32
        %dma_wait3A_215 = arith.constant 0 : i32
        %dma_wait3A_216 = tpu.memref_slice %arg11[%dma_wait3A_214, %dma_wait3A_215] : memref<10240x128xf32, #tpu.memory_space<vmem_shared>> -> memref<10240x128xf32, #tpu.memory_space<vmem_shared>>
        tpu.wait_indirect_dma semaphore(%arg15 : memref<!tpu.dma_semaphore, #tpu.memory_space<semaphore_mem>>) src(%arg10 : memref<128x128xf32, #tpu.memory_space<vmem>>) dst(%dma_wait3A_216 : memref<10240x128xf32, #tpu.memory_space<vmem_shared>>)
        %add3A_217 = arith.constant 5 : i32
        %add3A_218 = arith.addi %mul3A_33, %add3A_217 : i32
        %add3A_219 = arith.constant 2 : i32
        %add3A_220 = arith.addi %add3A_218, %add3A_219 : i32
        %dma_start3A_221 = arith.constant 0 : i32
        %dma_start3A_222 = tpu.memref_slice %arg7[%add3A_220, %dma_start3A_221] : memref<40x128xi32, #tpu.memory_space<vmem>> -> memref<1x128xi32, #tpu.memory_space<vmem>>
        %dma_start3A_223 = tpu.memref_squeeze %dma_start3A_222 : memref<1x128xi32, #tpu.memory_space<vmem>> -> memref<128xi32, #tpu.memory_space<vmem>>
        %dma_start3A_224 = arith.constant 0 : i32
        %dma_start3A_225 = arith.constant 0 : i32
        %dma_start3A_226 = tpu.memref_slice %arg4[%dma_start3A_224, %dma_start3A_225] : memref<10000x128xf32, #tpu.memory_space<hbm>> -> memref<10000x128xf32, #tpu.memory_space<hbm>>
        tpu.enqueue_indirect_dma source(%dma_start3A_226 : memref<10000x128xf32, #tpu.memory_space<hbm>>) target(%arg10 : memref<128x128xf32, #tpu.memory_space<vmem>>) offsets(%dma_start3A_223 : memref<128xi32, #tpu.memory_space<vmem>>) semaphore(%arg13 : memref<!tpu.dma_semaphore, #tpu.memory_space<semaphore_mem>>)
        %dma_wait3A_227 = arith.constant 0 : i32
        %dma_wait3A_228 = tpu.memref_slice %arg7[%add3A_190, %dma_wait3A_227] : memref<40x128xi32, #tpu.memory_space<vmem>> -> memref<1x128xi32, #tpu.memory_space<vmem>>
        %dma_wait3A_229 = tpu.memref_squeeze %dma_wait3A_228 : memref<1x128xi32, #tpu.memory_space<vmem>> -> memref<128xi32, #tpu.memory_space<vmem>>
        %dma_wait3A_230 = arith.constant 0 : i32
        %dma_wait3A_231 = arith.constant 0 : i32
        %dma_wait3A_232 = tpu.memref_slice %arg4[%dma_wait3A_230, %dma_wait3A_231] : memref<10000x128xf32, #tpu.memory_space<hbm>> -> memref<10000x128xf32, #tpu.memory_space<hbm>>
        tpu.wait_indirect_dma semaphore(%arg12 : memref<!tpu.dma_semaphore, #tpu.memory_space<semaphore_mem>>) src(%dma_wait3A_232 : memref<10000x128xf32, #tpu.memory_space<hbm>>) dst(%arg9 : memref<128x128xf32, #tpu.memory_space<vmem>>)
        %add3A_233 = arith.constant 6 : i32
        %add3A_234 = arith.addi %mul3A_33, %add3A_233 : i32
        %dma_start3A_235 = arith.constant 0 : i32
        %dma_start3A_236 = tpu.memref_slice %arg8[%add3A_234, %dma_start3A_235] : memref<40x128xi32, #tpu.memory_space<vmem>> -> memref<1x128xi32, #tpu.memory_space<vmem>>
        %dma_start3A_237 = tpu.memref_squeeze %dma_start3A_236 : memref<1x128xi32, #tpu.memory_space<vmem>> -> memref<128xi32, #tpu.memory_space<vmem>>
        %dma_start3A_238 = arith.constant 0 : i32
        %dma_start3A_239 = arith.constant 0 : i32
        %dma_start3A_240 = tpu.memref_slice %arg11[%dma_start3A_238, %dma_start3A_239] : memref<10240x128xf32, #tpu.memory_space<vmem_shared>> -> memref<10240x128xf32, #tpu.memory_space<vmem_shared>>
        tpu.enqueue_indirect_dma source(%arg9 : memref<128x128xf32, #tpu.memory_space<vmem>>) target(%dma_start3A_240 : memref<10240x128xf32, #tpu.memory_space<vmem_shared>>) offsets(%dma_start3A_237 : memref<128xi32, #tpu.memory_space<vmem>>) semaphore(%arg14 : memref<!tpu.dma_semaphore, #tpu.memory_space<semaphore_mem>>) {add = true}
        %dma_wait3A_241 = arith.constant 0 : i32
        %dma_wait3A_242 = tpu.memref_slice %arg8[%add3A_234, %dma_wait3A_241] : memref<40x128xi32, #tpu.memory_space<vmem>> -> memref<1x128xi32, #tpu.memory_space<vmem>>
        %dma_wait3A_243 = tpu.memref_squeeze %dma_wait3A_242 : memref<1x128xi32, #tpu.memory_space<vmem>> -> memref<128xi32, #tpu.memory_space<vmem>>
        %dma_wait3A_244 = arith.constant 0 : i32
        %dma_wait3A_245 = arith.constant 0 : i32
        %dma_wait3A_246 = tpu.memref_slice %arg11[%dma_wait3A_244, %dma_wait3A_245] : memref<10240x128xf32, #tpu.memory_space<vmem_shared>> -> memref<10240x128xf32, #tpu.memory_space<vmem_shared>>
        tpu.wait_indirect_dma semaphore(%arg14 : memref<!tpu.dma_semaphore, #tpu.memory_space<semaphore_mem>>) src(%arg9 : memref<128x128xf32, #tpu.memory_space<vmem>>) dst(%dma_wait3A_246 : memref<10240x128xf32, #tpu.memory_space<vmem_shared>>)
        %dma_wait3A_247 = arith.constant 0 : i32
        %dma_wait3A_248 = tpu.memref_slice %arg7[%add3A_220, %dma_wait3A_247] : memref<40x128xi32, #tpu.memory_space<vmem>> -> memref<1x128xi32, #tpu.memory_space<vmem>>
        %dma_wait3A_249 = tpu.memref_squeeze %dma_wait3A_248 : memref<1x128xi32, #tpu.memory_space<vmem>> -> memref<128xi32, #tpu.memory_space<vmem>>
        %dma_wait3A_250 = arith.constant 0 : i32
        %dma_wait3A_251 = arith.constant 0 : i32
        %dma_wait3A_252 = tpu.memref_slice %arg4[%dma_wait3A_250, %dma_wait3A_251] : memref<10000x128xf32, #tpu.memory_space<hbm>> -> memref<10000x128xf32, #tpu.memory_space<hbm>>
        tpu.wait_indirect_dma semaphore(%arg13 : memref<!tpu.dma_semaphore, #tpu.memory_space<semaphore_mem>>) src(%dma_wait3A_252 : memref<10000x128xf32, #tpu.memory_space<hbm>>) dst(%arg10 : memref<128x128xf32, #tpu.memory_space<vmem>>)
        %add3A_253 = arith.constant 7 : i32
        %add3A_254 = arith.addi %mul3A_33, %add3A_253 : i32
        %dma_start3A_255 = arith.constant 0 : i32
        %dma_start3A_256 = tpu.memref_slice %arg8[%add3A_254, %dma_start3A_255] : memref<40x128xi32, #tpu.memory_space<vmem>> -> memref<1x128xi32, #tpu.memory_space<vmem>>
        %dma_start3A_257 = tpu.memref_squeeze %dma_start3A_256 : memref<1x128xi32, #tpu.memory_space<vmem>> -> memref<128xi32, #tpu.memory_space<vmem>>
        %dma_start3A_258 = arith.constant 0 : i32
        %dma_start3A_259 = arith.constant 0 : i32
        %dma_start3A_260 = tpu.memref_slice %arg11[%dma_start3A_258, %dma_start3A_259] : memref<10240x128xf32, #tpu.memory_space<vmem_shared>> -> memref<10240x128xf32, #tpu.memory_space<vmem_shared>>
        tpu.enqueue_indirect_dma source(%arg10 : memref<128x128xf32, #tpu.memory_space<vmem>>) target(%dma_start3A_260 : memref<10240x128xf32, #tpu.memory_space<vmem_shared>>) offsets(%dma_start3A_257 : memref<128xi32, #tpu.memory_space<vmem>>) semaphore(%arg15 : memref<!tpu.dma_semaphore, #tpu.memory_space<semaphore_mem>>) {add = true}
        %dma_wait3A_261 = arith.constant 0 : i32
        %dma_wait3A_262 = tpu.memref_slice %arg8[%add3A_254, %dma_wait3A_261] : memref<40x128xi32, #tpu.memory_space<vmem>> -> memref<1x128xi32, #tpu.memory_space<vmem>>
        %dma_wait3A_263 = tpu.memref_squeeze %dma_wait3A_262 : memref<1x128xi32, #tpu.memory_space<vmem>> -> memref<128xi32, #tpu.memory_space<vmem>>
        %dma_wait3A_264 = arith.constant 0 : i32
        %dma_wait3A_265 = arith.constant 0 : i32
        %dma_wait3A_266 = tpu.memref_slice %arg11[%dma_wait3A_264, %dma_wait3A_265] : memref<10240x128xf32, #tpu.memory_space<vmem_shared>> -> memref<10240x128xf32, #tpu.memory_space<vmem_shared>>
        tpu.wait_indirect_dma semaphore(%arg15 : memref<!tpu.dma_semaphore, #tpu.memory_space<semaphore_mem>>) src(%arg10 : memref<128x128xf32, #tpu.memory_space<vmem>>) dst(%dma_wait3A_266 : memref<10240x128xf32, #tpu.memory_space<vmem_shared>>)
        %scan3A_267 = arith.constant 0 : i32
        scf.yield %scan3A_267 : i32
      }
      %scan3A_28 = arith.constant 5 : i32
      %scan3A_29 = arith.constant 0 : i32
      scf.yield %scan3A_29 : i32
    }
    %scan3A_8 = arith.constant 2 : i32
    %barrier3A_9 = arith.constant 0 : index
    tpu.barrier barrier_id(%barrier3A_9)
    %lt3A = arith.constant 15 : i32
    %lt3A_10 = arith.cmpi slt, %arg1, %lt3A : i32
    %convert_element_type3A = arith.extui %lt3A_10 : i1 to i32
    %cond3A = arith.constant 0 : i32
    %cond3A_11 = arith.cmpi ne, %convert_element_type3A, %cond3A : i32
    scf.if %cond3A_11 {
      %mul3A_16 = arith.constant 624 : i32
      %mul3A_17 = arith.muli %arg1, %mul3A_16 : i32
      %mul3A_18 = arith.constant 624 : i32
      %mul3A_19 = arith.muli %arg1, %mul3A_18 : i32
      "tpu.region"() ({
        %run_scoped3A = tpu.sem_alloc : memref<!tpu.dma_semaphore, #tpu.memory_space<semaphore_mem>>
        %dma_start3A_20 = arith.constant 0 : i32
        %dma_start3A_21 = arith.constant 0 : i32
        %dma_start3A_22 = tpu.memref_slice %arg6[%arg0, %dma_start3A_20, %dma_start3A_21] : memref<2x10000x128xf32, #tpu.memory_space<hbm>> -> memref<1x10000x128xf32, #tpu.memory_space<hbm>>
        %dma_start3A_23 = tpu.memref_squeeze %dma_start3A_22 : memref<1x10000x128xf32, #tpu.memory_space<hbm>> -> memref<10000x128xf32, #tpu.memory_space<hbm>>
        %dma_start3A_24 = arith.constant 0 : i32
        %dma_start3A_25 = tpu.memref_slice %dma_start3A_23[%mul3A_19, %dma_start3A_24] : memref<10000x128xf32, #tpu.memory_space<hbm>> -> memref<624x128xf32, #tpu.memory_space<hbm>>
        %dma_start3A_26 = arith.constant 0 : i32
        %dma_start3A_27 = tpu.memref_slice %arg11[%mul3A_17, %dma_start3A_26] : memref<10240x128xf32, #tpu.memory_space<vmem_shared>> -> memref<624x128xf32, #tpu.memory_space<vmem_shared>>
        tpu.enqueue_dma source(%dma_start3A_27 : memref<624x128xf32, #tpu.memory_space<vmem_shared>>) target(%dma_start3A_25 : memref<624x128xf32, #tpu.memory_space<hbm>>) target_semaphore(%run_scoped3A : memref<!tpu.dma_semaphore, #tpu.memory_space<semaphore_mem>>)
        %dma_wait3A_28 = arith.constant 0 : i32
        %dma_wait3A_29 = arith.constant 0 : i32
        %dma_wait3A_30 = tpu.memref_slice %arg6[%arg0, %dma_wait3A_28, %dma_wait3A_29] : memref<2x10000x128xf32, #tpu.memory_space<hbm>> -> memref<1x10000x128xf32, #tpu.memory_space<hbm>>
        %dma_wait3A_31 = tpu.memref_squeeze %dma_wait3A_30 : memref<1x10000x128xf32, #tpu.memory_space<hbm>> -> memref<10000x128xf32, #tpu.memory_space<hbm>>
        %dma_wait3A_32 = arith.constant 0 : i32
        %dma_wait3A_33 = tpu.memref_slice %dma_wait3A_31[%mul3A_19, %dma_wait3A_32] : memref<10000x128xf32, #tpu.memory_space<hbm>> -> memref<624x128xf32, #tpu.memory_space<hbm>>
        %dma_wait3A_34 = arith.constant 0 : i32
        %dma_wait3A_35 = tpu.memref_slice %arg11[%mul3A_17, %dma_wait3A_34] : memref<10240x128xf32, #tpu.memory_space<vmem_shared>> -> memref<624x128xf32, #tpu.memory_space<vmem_shared>>
        tpu.wait_dma2 semaphore(%run_scoped3A : memref<!tpu.dma_semaphore, #tpu.memory_space<semaphore_mem>>) src(%dma_wait3A_35 : memref<624x128xf32, #tpu.memory_space<vmem_shared>>) dst(%dma_wait3A_33 : memref<624x128xf32, #tpu.memory_space<hbm>>)
        tpu.yield
      }) : () -> ()
    } else {
    }
    %eq3A = arith.constant 15 : i32
    %eq3A_12 = arith.cmpi eq, %arg1, %eq3A : i32
    %convert_element_type3A_13 = arith.extui %eq3A_12 : i1 to i32
    %cond3A_14 = arith.constant 0 : i32
    %cond3A_15 = arith.cmpi ne, %convert_element_type3A_13, %cond3A_14 : i32
    scf.if %cond3A_15 {
      "tpu.region"() ({
        %run_scoped3A = tpu.sem_alloc : memref<!tpu.dma_semaphore, #tpu.memory_space<semaphore_mem>>
        %dma_start3A_16 = arith.constant 0 : i32
        %dma_start3A_17 = arith.constant 0 : i32
        %dma_start3A_18 = tpu.memref_slice %arg6[%arg0, %dma_start3A_16, %dma_start3A_17] : memref<2x10000x128xf32, #tpu.memory_space<hbm>> -> memref<1x10000x128xf32, #tpu.memory_space<hbm>>
        %dma_start3A_19 = tpu.memref_squeeze %dma_start3A_18 : memref<1x10000x128xf32, #tpu.memory_space<hbm>> -> memref<10000x128xf32, #tpu.memory_space<hbm>>
        %dma_start3A_20 = arith.constant 9360 : i32
        %dma_start3A_21 = arith.constant 0 : i32
        %dma_start3A_22 = tpu.memref_slice %dma_start3A_19[%dma_start3A_20, %dma_start3A_21] : memref<10000x128xf32, #tpu.memory_space<hbm>> -> memref<640x128xf32, #tpu.memory_space<hbm>>
        %dma_start3A_23 = arith.constant 9360 : i32
        %dma_start3A_24 = arith.constant 0 : i32
        %dma_start3A_25 = tpu.memref_slice %arg11[%dma_start3A_23, %dma_start3A_24] : memref<10240x128xf32, #tpu.memory_space<vmem_shared>> -> memref<640x128xf32, #tpu.memory_space<vmem_shared>>
        tpu.enqueue_dma source(%dma_start3A_25 : memref<640x128xf32, #tpu.memory_space<vmem_shared>>) target(%dma_start3A_22 : memref<640x128xf32, #tpu.memory_space<hbm>>) target_semaphore(%run_scoped3A : memref<!tpu.dma_semaphore, #tpu.memory_space<semaphore_mem>>)
        %dma_wait3A_26 = arith.constant 0 : i32
        %dma_wait3A_27 = arith.constant 0 : i32
        %dma_wait3A_28 = tpu.memref_slice %arg6[%arg0, %dma_wait3A_26, %dma_wait3A_27] : memref<2x10000x128xf32, #tpu.memory_space<hbm>> -> memref<1x10000x128xf32, #tpu.memory_space<hbm>>
        %dma_wait3A_29 = tpu.memref_squeeze %dma_wait3A_28 : memref<1x10000x128xf32, #tpu.memory_space<hbm>> -> memref<10000x128xf32, #tpu.memory_space<hbm>>
        %dma_wait3A_30 = arith.constant 9360 : i32
        %dma_wait3A_31 = arith.constant 0 : i32
        %dma_wait3A_32 = tpu.memref_slice %dma_wait3A_29[%dma_wait3A_30, %dma_wait3A_31] : memref<10000x128xf32, #tpu.memory_space<hbm>> -> memref<640x128xf32, #tpu.memory_space<hbm>>
        %dma_wait3A_33 = arith.constant 9360 : i32
        %dma_wait3A_34 = arith.constant 0 : i32
        %dma_wait3A_35 = tpu.memref_slice %arg11[%dma_wait3A_33, %dma_wait3A_34] : memref<10240x128xf32, #tpu.memory_space<vmem_shared>> -> memref<640x128xf32, #tpu.memory_space<vmem_shared>>
        tpu.wait_dma2 semaphore(%run_scoped3A : memref<!tpu.dma_semaphore, #tpu.memory_space<semaphore_mem>>) src(%dma_wait3A_35 : memref<640x128xf32, #tpu.memory_space<vmem_shared>>) dst(%dma_wait3A_32 : memref<640x128xf32, #tpu.memory_space<hbm>>)
        tpu.yield
      }) : () -> ()
    } else {
    }
    return
  }
}

module attributes {stable_mosaic.version = 14 : i64} {
  func.func @_foot_body(%arg0: i32, %arg1: memref<1000x128xf32, #tpu.memory_space<vmem>>, %arg2: memref<128x128xf32, #tpu.memory_space<vmem>>, %arg3: memref<1x128xf32, #tpu.memory_space<vmem>>, %arg4: memref<1000x128xf32, #tpu.memory_space<vmem>>) attributes {dimension_semantics = [#tpu.dimension_semantics<arbitrary>], iteration_bounds = array<i64: 10>, scalar_prefetch = 0 : i64, scratch_operands = 0 : i64, tpu.core_type = #tpu.core_type<tc>, window_params = [{transform_indices = @transform_0, window_bounds = array<i64: 1000, 128>}, {pipeline_mode = #tpu.pipeline_mode<synchronous>, transform_indices = @transform_1, window_bounds = array<i64: 128, 128>}, {pipeline_mode = #tpu.pipeline_mode<synchronous>, transform_indices = @transform_2, window_bounds = array<i64: 1, 128>}, {transform_indices = @transform_3, window_bounds = array<i64: 1000, 128>}]} {
    %get3A = arith.constant 0 : index
    %get3A_0 = arith.constant 0 : index
    %get3A_1 = vector.load %arg1[%get3A, %get3A_0] : memref<1000x128xf32, #tpu.memory_space<vmem>>, vector<1000x128xf32>
    %get3A_2 = arith.constant 0 : index
    %get3A_3 = arith.constant 0 : index
    %get3A_4 = vector.load %arg2[%get3A_2, %get3A_3] : memref<128x128xf32, #tpu.memory_space<vmem>>, vector<128x128xf32>
    %dot_general3A = arith.constant dense<0.000000e+00> : vector<1000x128xf32>
    %dot_general3A_5 = tpu.matmul %get3A_1, %get3A_4, %dot_general3A {dimension_numbers = #tpu.dot_dimension_numbers<[1], [0], [0], [1], [0, 0, 1, 1], [], []>, transpose_lhs_hint = false} : vector<1000x128xf32>, vector<128x128xf32>, vector<1000x128xf32> -> vector<1000x128xf32>
    %get3A_6 = arith.constant 0 : index
    %get3A_7 = arith.constant 0 : index
    %get3A_8 = vector.load %arg3[%get3A_6, %get3A_7] : memref<1x128xf32, #tpu.memory_space<vmem>>, vector<1x128xf32>
    %add3A = vector.broadcast %get3A_8 : vector<1x128xf32> to vector<1000x128xf32>
    %add3A_9 = arith.addf %dot_general3A_5, %add3A : vector<1000x128xf32>
    %mul3A = arith.constant 5.000000e-01 : f32
    %mul3A_10 = vector.broadcast %mul3A : f32 to vector<1000x128xf32>
    %mul3A_11 = arith.mulf %mul3A_10, %add3A_9 : vector<1000x128xf32>
    %mul3A_12 = arith.constant 0.707106769 : f32
    %mul3A_13 = vector.broadcast %mul3A_12 : f32 to vector<1000x128xf32>
    %mul3A_14 = arith.mulf %add3A_9, %mul3A_13 : vector<1000x128xf32>
    %erf3A = math.erf %mul3A_14 : vector<1000x128xf32>
    %add3A_15 = arith.constant 1.000000e+00 : f32
    %add3A_16 = vector.broadcast %add3A_15 : f32 to vector<1000x128xf32>
    %add3A_17 = arith.addf %add3A_16, %erf3A : vector<1000x128xf32>
    %mul3A_18 = arith.mulf %mul3A_11, %add3A_17 : vector<1000x128xf32>
    %swap3A = arith.constant 0 : index
    %swap3A_19 = arith.constant 0 : index
    %swap3A_20 = vector.load %arg4[%swap3A, %swap3A_19] : memref<1000x128xf32, #tpu.memory_space<vmem>>, vector<1000x128xf32>
    tpu.vector_store %arg4[%swap3A, %swap3A_19], %mul3A_18 {strides = array<i32>} : memref<1000x128xf32, #tpu.memory_space<vmem>>, vector<1000x128xf32>,
    return
  }
  func.func @transform_0(%arg0: i32) -> (i32, i32) {
    %c0_i32 = arith.constant 0 : i32
    %c0_i32_0 = arith.constant 0 : i32
    return %arg0, %c0_i32 : i32, i32
  }
  func.func @transform_1(%arg0: i32) -> (i32, i32) {
    %c0_i32 = arith.constant 0 : i32
    %c0_i32_0 = arith.constant 0 : i32
    %c0_i32_1 = arith.constant 0 : i32
    return %c0_i32, %c0_i32_0 : i32, i32
  }
  func.func @transform_2(%arg0: i32) -> (i32, i32) {
    %c0_i32 = arith.constant 0 : i32
    %c0_i32_0 = arith.constant 0 : i32
    %c0_i32_1 = arith.constant 0 : i32
    return %c0_i32, %c0_i32_0 : i32, i32
  }
  func.func @transform_3(%arg0: i32) -> (i32, i32) {
    %c0_i32 = arith.constant 0 : i32
    %c0_i32_0 = arith.constant 0 : i32
    return %arg0, %c0_i32 : i32, i32
  }
}

module attributes {stable_mosaic.version = 14 : i64} {
  func.func @_mlp_body(%arg0: i32, %arg1: memref<1000x128xf32, #tpu.memory_space<vmem>>, %arg2: memref<2x1000x128xf32, #tpu.memory_space<vmem>>, %arg3: memref<128x128xf32, #tpu.memory_space<vmem>>, %arg4: memref<1x128xf32, #tpu.memory_space<vmem>>, %arg5: memref<128x128xf32, #tpu.memory_space<vmem>>, %arg6: memref<1x128xf32, #tpu.memory_space<vmem>>, %arg7: memref<1000x128xf32, #tpu.memory_space<vmem>>) attributes {dimension_semantics = [#tpu.dimension_semantics<arbitrary>], iteration_bounds = array<i64: 10>, scalar_prefetch = 0 : i64, scratch_operands = 0 : i64, tpu.core_type = #tpu.core_type<tc>, window_params = [{transform_indices = @transform_0, window_bounds = array<i64: 1000, 128>}, {transform_indices = @transform_1, window_bounds = array<i64: 2, 1000, 128>}, {pipeline_mode = #tpu.pipeline_mode<synchronous>, transform_indices = @transform_2, window_bounds = array<i64: 128, 128>}, {pipeline_mode = #tpu.pipeline_mode<synchronous>, transform_indices = @transform_3, window_bounds = array<i64: 1, 128>}, {pipeline_mode = #tpu.pipeline_mode<synchronous>, transform_indices = @transform_4, window_bounds = array<i64: 128, 128>}, {pipeline_mode = #tpu.pipeline_mode<synchronous>, transform_indices = @transform_5, window_bounds = array<i64: 1, 128>}, {transform_indices = @transform_6, window_bounds = array<i64: 1000, 128>}]} {
    %get3A = arith.constant 0 : index
    %get3A_0 = arith.constant 0 : index
    %get3A_1 = vector.load %arg1[%get3A, %get3A_0] : memref<1000x128xf32, #tpu.memory_space<vmem>>, vector<1000x128xf32>
    %get3A_2 = arith.constant 0 : index
    %get3A_3 = arith.constant 0 : index
    %get3A_4 = arith.constant 0 : index
    %get3A_5 = vector.load %arg2[%get3A_2, %get3A_3, %get3A_4] : memref<2x1000x128xf32, #tpu.memory_space<vmem>>, vector<1x1000x128xf32>
    %get3A_6 = vector.shape_cast %get3A_5 : vector<1x1000x128xf32> to vector<1000x128xf32>
    %add3A = arith.addf %get3A_1, %get3A_6 : vector<1000x128xf32>
    %get3A_7 = arith.constant 1 : index
    %get3A_8 = arith.constant 0 : index
    %get3A_9 = arith.constant 0 : index
    %get3A_10 = vector.load %arg2[%get3A_7, %get3A_8, %get3A_9] : memref<2x1000x128xf32, #tpu.memory_space<vmem>>, vector<1x1000x128xf32>
    %get3A_11 = vector.shape_cast %get3A_10 : vector<1x1000x128xf32> to vector<1000x128xf32>
    %add3A_12 = arith.addf %add3A, %get3A_11 : vector<1000x128xf32>
    %get3A_13 = arith.constant 0 : index
    %get3A_14 = arith.constant 0 : index
    %get3A_15 = vector.load %arg3[%get3A_13, %get3A_14] : memref<128x128xf32, #tpu.memory_space<vmem>>, vector<128x128xf32>
    %dot_general3A = arith.constant dense<0.000000e+00> : vector<1000x128xf32>
    %dot_general3A_16 = tpu.matmul %add3A_12, %get3A_15, %dot_general3A {dimension_numbers = #tpu.dot_dimension_numbers<[1], [0], [0], [1], [0, 0, 1, 1], [], []>, transpose_lhs_hint = false} : vector<1000x128xf32>, vector<128x128xf32>, vector<1000x128xf32> -> vector<1000x128xf32>
    %get3A_17 = arith.constant 0 : index
    %get3A_18 = arith.constant 0 : index
    %get3A_19 = vector.load %arg4[%get3A_17, %get3A_18] : memref<1x128xf32, #tpu.memory_space<vmem>>, vector<1x128xf32>
    %add3A_20 = vector.broadcast %get3A_19 : vector<1x128xf32> to vector<1000x128xf32>
    %add3A_21 = arith.addf %dot_general3A_16, %add3A_20 : vector<1000x128xf32>
    %mul3A = arith.constant 5.000000e-01 : f32
    %mul3A_22 = vector.broadcast %mul3A : f32 to vector<1000x128xf32>
    %mul3A_23 = arith.mulf %mul3A_22, %add3A_21 : vector<1000x128xf32>
    %mul3A_24 = arith.constant 0.707106769 : f32
    %mul3A_25 = vector.broadcast %mul3A_24 : f32 to vector<1000x128xf32>
    %mul3A_26 = arith.mulf %add3A_21, %mul3A_25 : vector<1000x128xf32>
    %erf3A = math.erf %mul3A_26 : vector<1000x128xf32>
    %add3A_27 = arith.constant 1.000000e+00 : f32
    %add3A_28 = vector.broadcast %add3A_27 : f32 to vector<1000x128xf32>
    %add3A_29 = arith.addf %add3A_28, %erf3A : vector<1000x128xf32>
    %mul3A_30 = arith.mulf %mul3A_23, %add3A_29 : vector<1000x128xf32>
    %get3A_31 = arith.constant 0 : index
    %get3A_32 = arith.constant 0 : index
    %get3A_33 = vector.load %arg5[%get3A_31, %get3A_32] : memref<128x128xf32, #tpu.memory_space<vmem>>, vector<128x128xf32>
    %dot_general3A_34 = arith.constant dense<0.000000e+00> : vector<1000x128xf32>
    %dot_general3A_35 = tpu.matmul %mul3A_30, %get3A_33, %dot_general3A_34 {dimension_numbers = #tpu.dot_dimension_numbers<[1], [0], [0], [1], [0, 0, 1, 1], [], []>, transpose_lhs_hint = false} : vector<1000x128xf32>, vector<128x128xf32>, vector<1000x128xf32> -> vector<1000x128xf32>
    %add3A_36 = arith.addf %get3A_1, %dot_general3A_35 : vector<1000x128xf32>
    %get3A_37 = arith.constant 0 : index
    %get3A_38 = arith.constant 0 : index
    %get3A_39 = vector.load %arg6[%get3A_37, %get3A_38] : memref<1x128xf32, #tpu.memory_space<vmem>>, vector<1x128xf32>
    %add3A_40 = vector.broadcast %get3A_39 : vector<1x128xf32> to vector<1000x128xf32>
    %add3A_41 = arith.addf %add3A_36, %add3A_40 : vector<1000x128xf32>
    %swap3A = arith.constant 0 : index
    %swap3A_42 = arith.constant 0 : index
    %swap3A_43 = vector.load %arg7[%swap3A, %swap3A_42] : memref<1000x128xf32, #tpu.memory_space<vmem>>, vector<1000x128xf32>
    tpu.vector_store %arg7[%swap3A, %swap3A_42], %add3A_41 {strides = array<i32>} : memref<1000x128xf32, #tpu.memory_space<vmem>>, vector<1000x128xf32>,
    return
  }
  func.func @transform_0(%arg0: i32) -> (i32, i32) {
    %c0_i32 = arith.constant 0 : i32
    %c0_i32_0 = arith.constant 0 : i32
    return %arg0, %c0_i32 : i32, i32
  }
  func.func @transform_1(%arg0: i32) -> (i32, i32, i32) {
    %c0_i32 = arith.constant 0 : i32
    %c0_i32_0 = arith.constant 0 : i32
    %c0_i32_1 = arith.constant 0 : i32
    return %c0_i32, %arg0, %c0_i32_0 : i32, i32, i32
  }
  func.func @transform_2(%arg0: i32) -> (i32, i32) {
    %c0_i32 = arith.constant 0 : i32
    %c0_i32_0 = arith.constant 0 : i32
    %c0_i32_1 = arith.constant 0 : i32
    return %c0_i32, %c0_i32_0 : i32, i32
  }
  func.func @transform_3(%arg0: i32) -> (i32, i32) {
    %c0_i32 = arith.constant 0 : i32
    %c0_i32_0 = arith.constant 0 : i32
    %c0_i32_1 = arith.constant 0 : i32
    return %c0_i32, %c0_i32_0 : i32, i32
  }
  func.func @transform_4(%arg0: i32) -> (i32, i32) {
    %c0_i32 = arith.constant 0 : i32
    %c0_i32_0 = arith.constant 0 : i32
    %c0_i32_1 = arith.constant 0 : i32
    return %c0_i32, %c0_i32_0 : i32, i32
  }
  func.func @transform_5(%arg0: i32) -> (i32, i32) {
    %c0_i32 = arith.constant 0 : i32
    %c0_i32_0 = arith.constant 0 : i32
    %c0_i32_1 = arith.constant 0 : i32
    return %c0_i32, %c0_i32_0 : i32, i32
  }
  func.func @transform_6(%arg0: i32) -> (i32, i32) {
    %c0_i32 = arith.constant 0 : i32
    %c0_i32_0 = arith.constant 0 : i32
    return %arg0, %c0_i32 : i32, i32
  }
}

module attributes {stable_mosaic.version = 14 : i64} {
  func.func @_mlp_head_body(%arg0: i32, %arg1: memref<1000x128xf32, #tpu.memory_space<vmem>>, %arg2: memref<2x1000x128xf32, #tpu.memory_space<vmem>>, %arg3: memref<128x128xf32, #tpu.memory_space<vmem>>, %arg4: memref<1x128xf32, #tpu.memory_space<vmem>>, %arg5: memref<128x128xf32, #tpu.memory_space<vmem>>, %arg6: memref<1x128xf32, #tpu.memory_space<vmem>>, %arg7: memref<128x128xf32, #tpu.memory_space<vmem>>, %arg8: memref<1x128xf32, #tpu.memory_space<vmem>>, %arg9: memref<1000x128xf32, #tpu.memory_space<vmem>>) attributes {dimension_semantics = [#tpu.dimension_semantics<arbitrary>], iteration_bounds = array<i64: 10>, scalar_prefetch = 0 : i64, scratch_operands = 0 : i64, tpu.core_type = #tpu.core_type<tc>, window_params = [{transform_indices = @transform_0, window_bounds = array<i64: 1000, 128>}, {transform_indices = @transform_1, window_bounds = array<i64: 2, 1000, 128>}, {pipeline_mode = #tpu.pipeline_mode<synchronous>, transform_indices = @transform_2, window_bounds = array<i64: 128, 128>}, {pipeline_mode = #tpu.pipeline_mode<synchronous>, transform_indices = @transform_3, window_bounds = array<i64: 1, 128>}, {pipeline_mode = #tpu.pipeline_mode<synchronous>, transform_indices = @transform_4, window_bounds = array<i64: 128, 128>}, {pipeline_mode = #tpu.pipeline_mode<synchronous>, transform_indices = @transform_5, window_bounds = array<i64: 1, 128>}, {pipeline_mode = #tpu.pipeline_mode<synchronous>, transform_indices = @transform_6, window_bounds = array<i64: 128, 128>}, {pipeline_mode = #tpu.pipeline_mode<synchronous>, transform_indices = @transform_7, window_bounds = array<i64: 1, 128>}, {transform_indices = @transform_8, window_bounds = array<i64: 1000, 128>}]} {
    %get3A = arith.constant 0 : index
    %get3A_0 = arith.constant 0 : index
    %get3A_1 = vector.load %arg1[%get3A, %get3A_0] : memref<1000x128xf32, #tpu.memory_space<vmem>>, vector<1000x128xf32>
    %get3A_2 = arith.constant 0 : index
    %get3A_3 = arith.constant 0 : index
    %get3A_4 = arith.constant 0 : index
    %get3A_5 = vector.load %arg2[%get3A_2, %get3A_3, %get3A_4] : memref<2x1000x128xf32, #tpu.memory_space<vmem>>, vector<1x1000x128xf32>
    %get3A_6 = vector.shape_cast %get3A_5 : vector<1x1000x128xf32> to vector<1000x128xf32>
    %add3A = arith.addf %get3A_1, %get3A_6 : vector<1000x128xf32>
    %get3A_7 = arith.constant 1 : index
    %get3A_8 = arith.constant 0 : index
    %get3A_9 = arith.constant 0 : index
    %get3A_10 = vector.load %arg2[%get3A_7, %get3A_8, %get3A_9] : memref<2x1000x128xf32, #tpu.memory_space<vmem>>, vector<1x1000x128xf32>
    %get3A_11 = vector.shape_cast %get3A_10 : vector<1x1000x128xf32> to vector<1000x128xf32>
    %add3A_12 = arith.addf %add3A, %get3A_11 : vector<1000x128xf32>
    %get3A_13 = arith.constant 0 : index
    %get3A_14 = arith.constant 0 : index
    %get3A_15 = vector.load %arg3[%get3A_13, %get3A_14] : memref<128x128xf32, #tpu.memory_space<vmem>>, vector<128x128xf32>
    %dot_general3A = arith.constant dense<0.000000e+00> : vector<1000x128xf32>
    %dot_general3A_16 = tpu.matmul %add3A_12, %get3A_15, %dot_general3A {dimension_numbers = #tpu.dot_dimension_numbers<[1], [0], [0], [1], [0, 0, 1, 1], [], []>, transpose_lhs_hint = false} : vector<1000x128xf32>, vector<128x128xf32>, vector<1000x128xf32> -> vector<1000x128xf32>
    %get3A_17 = arith.constant 0 : index
    %get3A_18 = arith.constant 0 : index
    %get3A_19 = vector.load %arg4[%get3A_17, %get3A_18] : memref<1x128xf32, #tpu.memory_space<vmem>>, vector<1x128xf32>
    %add3A_20 = vector.broadcast %get3A_19 : vector<1x128xf32> to vector<1000x128xf32>
    %add3A_21 = arith.addf %dot_general3A_16, %add3A_20 : vector<1000x128xf32>
    %mul3A = arith.constant 5.000000e-01 : f32
    %mul3A_22 = vector.broadcast %mul3A : f32 to vector<1000x128xf32>
    %mul3A_23 = arith.mulf %mul3A_22, %add3A_21 : vector<1000x128xf32>
    %mul3A_24 = arith.constant 0.707106769 : f32
    %mul3A_25 = vector.broadcast %mul3A_24 : f32 to vector<1000x128xf32>
    %mul3A_26 = arith.mulf %add3A_21, %mul3A_25 : vector<1000x128xf32>
    %erf3A = math.erf %mul3A_26 : vector<1000x128xf32>
    %add3A_27 = arith.constant 1.000000e+00 : f32
    %add3A_28 = vector.broadcast %add3A_27 : f32 to vector<1000x128xf32>
    %add3A_29 = arith.addf %add3A_28, %erf3A : vector<1000x128xf32>
    %mul3A_30 = arith.mulf %mul3A_23, %add3A_29 : vector<1000x128xf32>
    %get3A_31 = arith.constant 0 : index
    %get3A_32 = arith.constant 0 : index
    %get3A_33 = vector.load %arg5[%get3A_31, %get3A_32] : memref<128x128xf32, #tpu.memory_space<vmem>>, vector<128x128xf32>
    %dot_general3A_34 = arith.constant dense<0.000000e+00> : vector<1000x128xf32>
    %dot_general3A_35 = tpu.matmul %mul3A_30, %get3A_33, %dot_general3A_34 {dimension_numbers = #tpu.dot_dimension_numbers<[1], [0], [0], [1], [0, 0, 1, 1], [], []>, transpose_lhs_hint = false} : vector<1000x128xf32>, vector<128x128xf32>, vector<1000x128xf32> -> vector<1000x128xf32>
    %add3A_36 = arith.addf %get3A_1, %dot_general3A_35 : vector<1000x128xf32>
    %get3A_37 = arith.constant 0 : index
    %get3A_38 = arith.constant 0 : index
    %get3A_39 = vector.load %arg6[%get3A_37, %get3A_38] : memref<1x128xf32, #tpu.memory_space<vmem>>, vector<1x128xf32>
    %add3A_40 = vector.broadcast %get3A_39 : vector<1x128xf32> to vector<1000x128xf32>
    %add3A_41 = arith.addf %add3A_36, %add3A_40 : vector<1000x128xf32>
    %mul3A_42 = arith.constant 5.000000e-01 : f32
    %mul3A_43 = vector.broadcast %mul3A_42 : f32 to vector<1000x128xf32>
    %mul3A_44 = arith.mulf %mul3A_43, %add3A_41 : vector<1000x128xf32>
    %mul3A_45 = arith.constant 0.707106769 : f32
    %mul3A_46 = vector.broadcast %mul3A_45 : f32 to vector<1000x128xf32>
    %mul3A_47 = arith.mulf %add3A_41, %mul3A_46 : vector<1000x128xf32>
    %erf3A_48 = math.erf %mul3A_47 : vector<1000x128xf32>
    %add3A_49 = arith.constant 1.000000e+00 : f32
    %add3A_50 = vector.broadcast %add3A_49 : f32 to vector<1000x128xf32>
    %add3A_51 = arith.addf %add3A_50, %erf3A_48 : vector<1000x128xf32>
    %mul3A_52 = arith.mulf %mul3A_44, %add3A_51 : vector<1000x128xf32>
    %get3A_53 = arith.constant 0 : index
    %get3A_54 = arith.constant 0 : index
    %get3A_55 = vector.load %arg7[%get3A_53, %get3A_54] : memref<128x128xf32, #tpu.memory_space<vmem>>, vector<128x128xf32>
    %dot_general3A_56 = arith.constant dense<0.000000e+00> : vector<1000x128xf32>
    %dot_general3A_57 = tpu.matmul %mul3A_52, %get3A_55, %dot_general3A_56 {dimension_numbers = #tpu.dot_dimension_numbers<[1], [0], [0], [1], [0, 0, 1, 1], [], []>, transpose_lhs_hint = false} : vector<1000x128xf32>, vector<128x128xf32>, vector<1000x128xf32> -> vector<1000x128xf32>
    %get3A_58 = arith.constant 0 : index
    %get3A_59 = arith.constant 0 : index
    %get3A_60 = vector.load %arg8[%get3A_58, %get3A_59] : memref<1x128xf32, #tpu.memory_space<vmem>>, vector<1x128xf32>
    %add3A_61 = vector.broadcast %get3A_60 : vector<1x128xf32> to vector<1000x128xf32>
    %add3A_62 = arith.addf %dot_general3A_57, %add3A_61 : vector<1000x128xf32>
    %swap3A = arith.constant 0 : index
    %swap3A_63 = arith.constant 0 : index
    %swap3A_64 = vector.load %arg9[%swap3A, %swap3A_63] : memref<1000x128xf32, #tpu.memory_space<vmem>>, vector<1000x128xf32>
    tpu.vector_store %arg9[%swap3A, %swap3A_63], %add3A_62 {strides = array<i32>} : memref<1000x128xf32, #tpu.memory_space<vmem>>, vector<1000x128xf32>,
    return
  }
  func.func @transform_0(%arg0: i32) -> (i32, i32) {
    %c0_i32 = arith.constant 0 : i32
    %c0_i32_0 = arith.constant 0 : i32
    return %arg0, %c0_i32 : i32, i32
  }
  func.func @transform_1(%arg0: i32) -> (i32, i32, i32) {
    %c0_i32 = arith.constant 0 : i32
    %c0_i32_0 = arith.constant 0 : i32
    %c0_i32_1 = arith.constant 0 : i32
    return %c0_i32, %arg0, %c0_i32_0 : i32, i32, i32
  }
  func.func @transform_2(%arg0: i32) -> (i32, i32) {
    %c0_i32 = arith.constant 0 : i32
    %c0_i32_0 = arith.constant 0 : i32
    %c0_i32_1 = arith.constant 0 : i32
    return %c0_i32, %c0_i32_0 : i32, i32
  }
  func.func @transform_3(%arg0: i32) -> (i32, i32) {
    %c0_i32 = arith.constant 0 : i32
    %c0_i32_0 = arith.constant 0 : i32
    %c0_i32_1 = arith.constant 0 : i32
    return %c0_i32, %c0_i32_0 : i32, i32
  }
  func.func @transform_4(%arg0: i32) -> (i32, i32) {
    %c0_i32 = arith.constant 0 : i32
    %c0_i32_0 = arith.constant 0 : i32
    %c0_i32_1 = arith.constant 0 : i32
    return %c0_i32, %c0_i32_0 : i32, i32
  }
  func.func @transform_5(%arg0: i32) -> (i32, i32) {
    %c0_i32 = arith.constant 0 : i32
    %c0_i32_0 = arith.constant 0 : i32
    %c0_i32_1 = arith.constant 0 : i32
    return %c0_i32, %c0_i32_0 : i32, i32
  }
  func.func @transform_6(%arg0: i32) -> (i32, i32) {
    %c0_i32 = arith.constant 0 : i32
    %c0_i32_0 = arith.constant 0 : i32
    %c0_i32_1 = arith.constant 0 : i32
    return %c0_i32, %c0_i32_0 : i32, i32
  }
  func.func @transform_7(%arg0: i32) -> (i32, i32) {
    %c0_i32 = arith.constant 0 : i32
    %c0_i32_0 = arith.constant 0 : i32
    %c0_i32_1 = arith.constant 0 : i32
    return %c0_i32, %c0_i32_0 : i32, i32
  }
  func.func @transform_8(%arg0: i32) -> (i32, i32) {
    %c0_i32 = arith.constant 0 : i32
    %c0_i32_0 = arith.constant 0 : i32
    return %arg0, %c0_i32 : i32, i32
  }
}

</mosaic_0001>

<sc_bundles>
// kernel: kernel.13.cloned.1.call-start
scs
__scs_entry_jumppad:
0x0: {  	(pc) =	sbr.rel $0x88, $3  }
0x1: {  	(tag) =	ssettag $0x0;
	lr =	simm.s32 $0x1  }
0x2: {  	[smem:$0x3F95] =	sst lr;
	_ =	strace $0xD0000000  }
0x3: {  	_ = 	snop  }
0x4: {  	_ = 	snop  }
0x5: {  	_ = 	snop  }
0x6: {  	_ = 	snop  }
0x7: {  	_ = 	snop  }
__scs_overlays_trampoline_lowered:
0x8: {  	[smem:$0x3FA4] =	sst s0  }
0x9: {  	[smem:$0x3FA5] =	sst s1  }
0xa: {  	[smem:$0x3FA6] =	sst s2  }
0xb: {  	[smem:$0x3FA7] =	sst s3  }
0xc: {  	[smem:$0x3FA8] =	sst s4  }
0xd: {  	[smem:$0x3FA9] =	sst s5  }
0xe: {  	[smem:$0x3FAA] =	sst s6  }
0xf: {  	[smem:$0x3FAB] =	sst s7  }
0x10: {  	[smem:$0x3FAC] =	sst s8  }
0x11: {  	[smem:$0x3FAD] =	sst s9;
	s0 =	simm.s32 @!p0 $0x0  }
0x12: {  	s1 =	sld [smem:$0x3F93];
	s0 =	simm.s32 @p0 $0x1  }
0x13: {  	[smem:$0x3FAE] =	sst s0;
	s0 =	simm.s32 @!p1 $0x0  }
0x14: {  	s2 =	sld [smem:$0x3F92];
	s0 =	simm.s32 @p1 $0x1  }
0x15: {  	[smem:$0x3FAF] =	sst s0;
	s0 =	simm.s32 @!p2 $0x0  }
0x16: {  	s3 =	sld [smem:$0x3FDB];
	s0 =	simm.s32 @p2 $0x1  }
0x17: {  	s4 =	simm.s32 $0x1BF5;
	[smem:$0x3FB1] =	sst s0  }
0x18: {  	s0 =	sld [smem:$0x3F94];
	_ =	swait.ge [sflag:s4], $0x0  }
0x19: {  	s7 =	sld [smem:$0x3F95]  }
0x1a: {  	s8 =	sadd.s32 $0xFFFFE003, lr  }
0x1b: {  	s9 =	sadd.s32 $0xFFFFFEF7, lr;
	s5 =	simm.s32 $0xFFFFFFFF;
	p2 =	slt.u32 s8, $0xFFFFF086  }
0x1c: {  	p1 =	slt.u32 s9, $0xF7A;
	s5 =	simm.s32 @!p2 $0x0  }
0x1d: {  	s5 =	simm.s32 @p1 $0x1;
	p0 =	seq.s32 s7, s2  }
0x1e: {  	s7 =	smul.u32 @!p0 $0xF7A, s2;
	p2 =	seq.s32 @!p0 s5, $0x0  }
0x1f: {  	s9 =	smul.u32 $0xF7A, s1;
	s8 =	simm.s32 @!p0 $0x1BF5;
	p2 =	por !p2, p0  }
0x20: {  	[sflag:s8] =	ssyncset.s32 @!p0 $0xFFFFF086;
	s6 =	sadd.s32 @!p0 s3, s7;
	s7 =	simm.s32 @!p0 $0x108  }
0x21: {  	s3 =	sadd.s32 s3, s9;
	s6 =	sadd.s32 @!p0 $0x88, s6;
	s7 =	simm.s32 @p2 $0x1082  }
0x22: {  	[simem:s7], [sflag:s8] =	dma.local @!p0 [hbm:s6], $0xF7A  }
0x23: {  	s9 =	sor.u32 $0xD0000000, s2;
	s6 =	simm.s32 $0x108;
	_ =	swait.ge @!p0 [sflag:s8], $0x0  }
0x24: {  	s3 =	sadd.s32 $0x88, s3;
	s6 =	simm.s32 @!p1 $0x1082;
	[sflag:s4] =	ssyncset.s32 $0xFFFFF086  }
0x25: {  	[simem:s6], [sflag:s4] =	dma.local [hbm:s3], $0xF7A  }
0x26: {  	[smem:$0x3F95] =	sst s1;
	(tag) =	ssettag s2;
	_ =	strace s9  }
0x27: {  	s1 =	sld [smem:$0x3FA5]  }
0x28: {  	s2 =	sld [smem:$0x3FA6]  }
0x29: {  	s4 =	sld [smem:$0x3FA8]  }
0x2a: {  	p0 =	seq.s32 s5, $0x0;
	s5 =	sld [smem:$0x3FA9]  }
0x2b: {  	s6 =	sld [smem:$0x3FAA]  }
0x2c: {  	s7 =	sld [smem:$0x3FAB]  }
0x2d: {  	s3 =	simm.s32 $0x108;
	s8 =	sld [smem:$0x3FAC]  }
0x2e: {  	s3 =	simm.s32 @!p0 $0x1082;
	s9 =	sld [smem:$0x3FAD]  }
0x2f: {  	lr =	sadd.s32 s0, s3;
	s0 =	sld [smem:$0x3FA4]  }
0x30: {  	s3 =	sld [smem:$0x3FA7]  }
0x31: {  	[smem:$0x3FB0] =	sst s10  }
0x32: {  	s10 =	sld [smem:$0x3FAE];
	_ =	sdelay $0x3  }
0x33: {  	p0 =	seq.s32 s10, $0x1;
	s10 =	sld [smem:$0x3FB0];
	_ =	sdelay $0x3  }
0x34: {  	[smem:$0x3FB0] =	sst s10  }
0x35: {  	s10 =	sld [smem:$0x3FAF];
	_ =	sdelay $0x3  }
0x36: {  	p1 =	seq.s32 s10, $0x1;
	s10 =	sld [smem:$0x3FB0];
	_ =	sdelay $0x3  }
0x37: {  	[smem:$0x3FB0] =	sst s10  }
0x38: {  	s10 =	sld [smem:$0x3FB1]  }
0x39: {  	_ = 	snop;
	(pc) =	sbr.ind lr, $3  }
0x3a: {  	_ = 	snop  }
0x3b: {  	_ = 	snop  }
0x3c: {  	p2 =	seq.s32 s10, $0x1;
	s10 =	sld [smem:$0x3FB0]  }
0x3d: {  	_ =	shalt  }
0x3e: {  	_ =	shalt  }
0x3f: {  	_ =	shalt  }
0x40: {  	_ =	shalt  }
0x41: {  	_ =	shalt  }
0x42: {  	_ =	shalt  }
0x43: {  	_ =	shalt  }
0x44: {  	_ =	shalt  }
0x45: {  	_ =	shalt  }
0x46: {  	_ =	shalt  }
0x47: {  	_ =	shalt  }
0x48: {  	_ =	shalt  }
0x49: {  	_ =	shalt  }
0x4a: {  	_ =	shalt  }
0x4b: {  	_ =	shalt  }
0x4c: {  	_ =	shalt  }
0x4d: {  	_ =	shalt  }
0x4e: {  	_ =	shalt  }
0x4f: {  	_ =	shalt  }
0x50: {  	_ =	shalt  }
0x51: {  	_ =	shalt  }
0x52: {  	_ =	shalt  }
0x53: {  	_ =	shalt  }
0x54: {  	_ =	shalt  }
0x55: {  	_ =	shalt  }
0x56: {  	_ =	shalt  }
0x57: {  	_ =	shalt  }
0x58: {  	_ =	shalt  }
0x59: {  	_ =	shalt  }
0x5a: {  	_ =	shalt  }
0x5b: {  	_ =	shalt  }
0x5c: {  	_ =	shalt  }
0x5d: {  	_ =	shalt  }
0x5e: {  	_ =	shalt  }
0x5f: {  	_ =	shalt  }
0x60: {  	_ =	shalt  }
0x61: {  	_ =	shalt  }
0x62: {  	_ =	shalt  }
0x63: {  	_ =	shalt  }
0x64: {  	_ =	shalt  }
0x65: {  	_ =	shalt  }
0x66: {  	_ =	shalt  }
0x67: {  	_ =	shalt  }
0x68: {  	_ =	shalt  }
0x69: {  	_ =	shalt  }
0x6a: {  	_ =	shalt  }
0x6b: {  	_ =	shalt  }
0x6c: {  	_ =	shalt  }
0x6d: {  	_ =	shalt  }
0x6e: {  	_ =	shalt  }
0x6f: {  	_ =	shalt  }
0x70: {  	_ =	shalt  }
0x71: {  	_ =	shalt  }
0x72: {  	_ =	shalt  }
0x73: {  	_ =	shalt  }
0x74: {  	_ =	shalt  }
0x75: {  	_ =	shalt  }
0x76: {  	_ =	shalt  }
0x77: {  	_ =	shalt  }
0x78: {  	_ =	shalt  }
0x79: {  	_ =	shalt  }
0x7a: {  	_ =	shalt  }
0x7b: {  	_ =	shalt  }
0x7c: {  	_ =	shalt  }
0x7d: {  	_ =	shalt  }
0x7e: {  	_ =	shalt  }
0x7f: {  	_ =	shalt  }
0x80: {  	_ =	shalt  }
0x81: {  	_ =	shalt  }
0x82: {  	_ =	shalt  }
0x83: {  	_ =	shalt  }
0x84: {  	_ =	shalt  }
0x85: {  	_ =	shalt  }
0x86: {  	_ =	shalt  }
0x87: {  	_ =	shalt  }
.Lfunc_end0:
.L_simem_size_0:
called_computation_lowered:
.L_overlay_start_0:
0x88: {  	s2 =	sld [smem:$0x3FD9]  }
0x89: {  	s3 =	sld [smem:$0x3FFE];
	_ =	sdelay $0x1  }
0x8a: {  	s1 =	srdreg.scid  }
0x8b: {  	s0 =	sand.u32 $0x1, s1  }
0x8c: {  	s16 =	sshll.u32 s0, $0xA;
	s2 =	sadd.s32 s3, s2  }
0x8d: {  	s2 =	sadd.s32 s2, s16  }
0x8e: {  	[smem:$0x3FBC] =	sst s2  }
0x8f: {  	_ = 	snop  }
0x90: {  	(tm) =	ssettm $0x1  }
0x91: {  	s17 =	sld [smem:$0x3FFB];
	_ =	sdelay $0x3  }
0x92: {  	_ =	strace s17  }
0x93: {  	s2 =	sld [smem:$0x3FFC];
	_ =	sdelay $0x3  }
0x94: {  	_ =	strace s2  }
0x95: {  	s2 =	sld [smem:$0x3FFD];
	_ =	sdelay $0x3  }
0x96: {  	_ =	strace s2  }
0x97: {  	_ =	strace $0x8FFFFFFF  }
0x98: {  	s18 =	sld [smem:$0x3FDB];
	_ =	sdelay $0x1  }
0x99: {  	s19 =	simm.s32 $_scs_section_size  }
0x9a: {  	s4 =	simm.s32 $_size__tile_overlayer_lowered;
	s5 =	simm.s32 $_tile_overlayer_lowered  }
0x9b: {  	s22 =	simm.s32 $0x1BFF;
	s21 =	sshll.u32 s5, $0x1;
	s2 =	sadd.s32 s19, s18  }
0x9c: {  	s6 =	simm.s32 $0x0;
	s20 =	sshll.u32 s4, $0x1;
	s4 =	sadd.s32 s21, s2  }
0x9d: {  	[timem:s6], [sflag:s22] =	dma.local [hbm:s4], s20  }
0x9e: {  	_ =	swait.ge [sflag:s22], s20  }
0x9f: {  	s3 =	ssub.s32 $0x0, s20;
	[sflag:s22] =	ssyncset.done $0x0  }
0xa0: {  	[sflag:s22] =	ssyncadd.s32 s3;
	_ =	sdelay $0x1  }
0xa1: {  	s23 =	simm.s32 $0x1B8B  }
0xa2: {  	_ =	swait.ge [sflag:s23], $0x1  }
0xa3: {  	[sflag:s23] =	ssyncset.done $0x0  }
0xa4: {  	s25 =	simm.s32 $0x1B8E;
	s24 =	sld [smem:$0x3FFE];
	[sflag:s23] =	ssyncadd.s32 $0xFFFFFFFF  }
0xa5: {  	s26 =	simm.s32 $execute0_lowered;
	[smem:$0x3FD2] =	sst s25  }
0xa6: {  	s4 =	sshll.u32 s26, $0x1;
	_ =	strace $0x80000046;
	[dreg:$0x1] =	wrdreg $0xFFFFFFFF  }
0xa7: {  	s28 =	simm.s32 $_size_execute0_lowered;
	s2 =	sadd.s32 s2, s4;
	[dreg:$0x0] =	wrdreg $0x0  }
0xa8: {  	s4 =	sshll.u32 s28, $0x1;
	[dreg:$0x2] =	wrdreg s2  }
0xa9: {  	[dreg:$0x3] =	wrdreg s4  }
0xaa: {  	[dreg:$0x4] =	wrdreg $0xC0  }
0xab: {  	_ =	task [dreg:s6], $0x5FFFF  }
0xac: {  	[dreg:$0x1] =	wrdreg $0xFFFFFFFF  }
0xad: {  	[dreg:$0x0] =	wrdreg $0x60  }
0xae: {  	[dreg:$0x2] =	wrdreg s24  }
0xaf: {  	[dreg:$0x3] =	wrdreg $0xA8000  }
0xb0: {  	[dreg:$0x4] =	wrdreg $0x9  }
0xb1: {  	_ =	task.clear_ibuf [dreg:s6], $0x5FFFF;
	_ =	strace $0x90000046  }
0xb2: {  	s29 =	simm.s32 $0x9;
	_ =	strace $0x80000048  }
0xb3: {  	_ =	swait.ge [sflag:s29], $0x1  }
0xb4: {  	[sflag:s29] =	ssyncadd.s32 $0xFFFFFFFF  }
0xb5: {  	_ =	strace $0x90000048  }
0xb6: {  	_ =	sfence  }
0xb7: {  	s30 =	sld [smem:$0x0];
	_ =	sdelay $0x2  }
0xb8: {  	s31 =	sshll.u32 s1, $0xD;
	s1 =	sshrl.u32 s1, $0x2  }
0xb9: {  	s3 =	sand.u32 $0x4000, s31;
	s1 =	sadd.s32 s1, s30  }
0xba: {  	s0 =	sor.u32 s3, s0;
	s1 =	sshll.u32 s1, $0x11  }
0xbb: {  	s0 =	sor.u32 s1, s0  }
0xbc: {  	s0 =	sadd.s32 $0x8F2B, s0  }
0xbd: {  	[sflag:s0] =	ssyncadd.remote.s32 $0x1  }
0xbe: {  	_ =	sfence.sel $0xFFFF  }
0xbf: {  	[dreg:$0x0] =	wrdreg $0xFFFFFFFF;
	(pc) =	sbr.abs _section_cstart, $3  }
0xc0: {  	[dreg:$0x1] =	wrdreg $0xFFFFFFFF  }
0xc1: {  	_ =	task.clear_ibuf [dreg:s6], $0x2FFFF;
	_ =	strace $0x9FFFFFFF  }
0xc2: {  	(tm) =	ssettm $0x7FFFFFFF  }
0xc3: {  	_ =	shalt  }
tec
execute0_lowered:
.L_overlay_start_1:
0x0: {  	(tag) =	ssettag $0x1  }
0x1: {  	s6 =	rddreg [dreg:$0x0]  }
0x2: {  	s0 =	srdreg.scid;
	s1 =	rddreg [dreg:$0x1];
	s2 =	simm.s32 $0x0  }
0x3: {  	s17 =	simm.s32 $0x80;
	s18 =	simm.s32 $0x2800;
	s19 =	simm.s32 $0x6800  }
0x4: {  	s20 =	simm.s32 $0x3;
	s21 =	simm.s32 $0x2;
	s22 =	simm.s32 $0x4  }
0x5: {  	s26 =	simm.s32 $0x0;
	s4 =	sand.u32 $0x1, s0;
	s0 =	rddreg [dreg:$0x2]  }
0x6: {  	[smem:$0x7FF] =	sst s2;
	s23 =	sadd.s32 $0x124800, s1;
	s3 =	smul.u32 $0x5000, s4  }
0x7: {  	s5 =	sadd.s32 $0x3F800, s6;
	_ =	strace $0x80000047;
	s8 =	smul.u32 $0x27100, s4  }
0x8: {  	s9 =	ssub.s32 $0x2, s4;
	s7 =	sadd.s32 s3, s6;
	s3 =	stileid.u32  }
0x9: {  	s4 =	sadd.s32 $0x4600, s6;
	s10 =	sshrl.u32 s9, $0x1;
	s11 =	smul.u32 $0x50000, s3  }
0xa: {  	s8 =	sadd.s32 s8, s6;
	s9 =	ssub.s32 s9, s10;
	s30 =	smul.u32 $0x4E000, s3  }
0xb: {  	s29 =	sshll.u32 s3, $0x6;
	s31 =	sadd.s32 $0x2B800, s7;
	s13 =	smul.u32 $0x500, s3  }
0xc: {  	s14 =	sadd.s32 $0x35800, s7;
	s7 =	sadd.s32 $0x42000, s8;
	s24 =	smul.u32 $0x2700, s3  }
0xd: {  	s8 =	smax.u32 s9, $0x1;
	p0 =	seq.s32 s3, $0xF;
	s6 =	sor.u32 $0x1C01, s29  }
0xe: {  	s23 =	sshrl.u32 @p0 s23, $0x3;
	s28 =	sshrl.u32 s11, $0x2;
	s11 =	sshrl.u32 s30, $0x2  }
0xf: {  	s10 =	sadd.s32 s13, s31;
	s24 =	sadd.s32 @!p0 s24, s7;
	s12 =	sadd.s32 s28, s1  }
0x10: {  	s25 =	sadd.s32 s11, s1;
	s11 =	simm.s32 $0x5;
	s15 =	sadd.s32 $0x280, s10  }
0x11: {  	s9 =	sshrl.u32 s12, $0x3;
	s12 =	sadd.s32 s13, s14;
	s13 =	simm.s32 $0x1400  }
0x12: {  	s14 =	simm.s32 $0x1;
	s25 =	sshrl.u32 @!p0 s25, $0x3;
	s16 =	sadd.s32 $0x280, s12  }
.LBB2_1:
0x13: {  	[spmem:s9], [sflag:s6] =	dma.local [hbm:s5], $0x2800  }
0x14: {  	[tilespmem:s2], [sflag:$0x5] =	stream.linear.gather [hbm4b:s10+s2], $0x1400, $0x38;
	[tilespmem:$0x1E800] =	vst v63  }
0x15: {  	_ =	swait.ge [sflag:s11], $0x1400  }
0x16: {  	[sflag:s11] =	ssyncset.done $0x0  }
0x17: {  	[sflag:s11] =	ssyncadd.s32 $0xFFFFEC00  }
0x18: {  	[tilespmem:s13], [sflag:$0x5] =	stream.linear.gather [hbm4b:s12+s2], $0x1400, $0x38;
	[tilespmem:$0x1E800] =	vst v63  }
0x19: {  	_ =	swait.ge [sflag:s11], $0x1400  }
0x1a: {  	[sflag:s11] =	ssyncset.done $0x0  }
0x1b: {  	[sflag:s11] =	ssyncadd.s32 $0xFFFFEC00  }
0x1c: {  	_ =	swait.ge [sflag:s14], $0x2800  }
0x1d: {  	[sflag:s14] =	ssyncset.done $0x0  }
0x1e: {  	[sflag:s14] =	ssyncadd.s32 $0xFFFFD800  }
0x1f: {  	p2 =	por $0x1, $0x1;
	p3 =	por $0x0, $0x0;
	[bflag:$0x0] =	sbarrier.arrive $0xFFFF  }
.LBB2_2:
0x20: {  	s28 =	simm.s32 @p3 $0x0;
	s29 =	simm.s32 @p3 $0x5  }
0x21: {  	[tilespmem:s28], [sflag:$0x5] =	stream.linear.gather @p3 [hbm4b:s15+s28], $0x1400, $0x38;
	[tilespmem:$0x1E800] =	vst v63  }
0x22: {  	_ =	swait.ge @p3 [sflag:s29], $0x1400  }
0x23: {  	[sflag:s29] =	ssyncset.done @p3 $0x0  }
0x24: {  	s30 =	simm.s32 @p3 $0x1400;
	[sflag:s29] =	ssyncadd.s32 @p3 $0xFFFFEC00  }
0x25: {  	[tilespmem:s30], [sflag:$0x5] =	stream.linear.gather @p3 [hbm4b:s16+s28], $0x1400, $0x38;
	[tilespmem:$0x1E800] =	vst v63  }
0x26: {  	_ =	swait.ge @p3 [sflag:s29], $0x1400  }
0x27: {  	[sflag:s29] =	ssyncset.done @p3 $0x0  }
0x28: {  	s28 =	simm.s32 $0x0;
	[sflag:s29] =	ssyncadd.s32 @p3 $0xFFFFEC00  }
0x29: {  	[tilespmem:s18], [sflag:$0x1] =	stream.indirect.gather [hbm4b:s4+s17], $0x80, s28, s17, $0xb8;
	[tilespmem:$0x1E800] =	vst v63  }
0x2a: {  	s28 =	simm.s32 $0x80  }
0x2b: {  	[tilespmem:s19], [sflag:$0x2] =	stream.indirect.gather [hbm4b:s4+s17], $0x80, s28, s17, $0xb8;
	[tilespmem:$0x1E800] =	vst v63  }
0x2c: {  	_ =	swait.ge [sflag:s14], $0x4000  }
0x2d: {  	[sflag:s14] =	ssyncset.done $0x0  }
0x2e: {  	s28 =	simm.s32 $0x1400;
	[sflag:s14] =	ssyncadd.s32 $0xFFFFC000  }
0x2f: {  	[spmem:s1] =	stream.indirect.scatter.add.f32 [tilespmem:s18], [sflag:$0x3], $0x80, s28, s17, $0xb8;
	[tilespmem:$0x1E800] =	vst v63  }
0x30: {  	_ =	swait.ge [sflag:s20], $0x4000  }
0x31: {  	[sflag:s20] =	ssyncset.done $0x0  }
0x32: {  	s28 =	simm.s32 $0x100;
	[sflag:s20] =	ssyncadd.s32 $0xFFFFC000  }
0x33: {  	[tilespmem:s18], [sflag:$0x1] =	stream.indirect.gather [hbm4b:s4+s17], $0x80, s28, s17, $0xb8;
	[tilespmem:$0x1E800] =	vst v63  }
0x34: {  	_ =	swait.ge [sflag:s21], $0x4000  }
0x35: {  	[sflag:s21] =	ssyncset.done $0x0  }
0x36: {  	s28 =	simm.s32 $0x1480;
	[sflag:s21] =	ssyncadd.s32 $0xFFFFC000  }
0x37: {  	[spmem:s1] =	stream.indirect.scatter.add.f32 [tilespmem:s19], [sflag:$0x4], $0x80, s28, s17, $0xb8;
	[tilespmem:$0x1E800] =	vst v63  }
0x38: {  	_ =	swait.ge [sflag:s22], $0x4000  }
0x39: {  	[sflag:s22] =	ssyncset.done $0x0  }
0x3a: {  	s28 =	simm.s32 $0x180;
	[sflag:s22] =	ssyncadd.s32 $0xFFFFC000  }
0x3b: {  	[tilespmem:s19], [sflag:$0x2] =	stream.indirect.gather [hbm4b:s4+s17], $0x80, s28, s17, $0xb8;
	[tilespmem:$0x1E800] =	vst v63  }
0x3c: {  	_ =	swait.ge [sflag:s14], $0x4000  }
0x3d: {  	[sflag:s14] =	ssyncset.done $0x0  }
0x3e: {  	s28 =	simm.s32 $0x1500;
	[sflag:s14] =	ssyncadd.s32 $0xFFFFC000  }
0x3f: {  	[spmem:s1] =	stream.indirect.scatter.add.f32 [tilespmem:s18], [sflag:$0x3], $0x80, s28, s17, $0xb8;
	[tilespmem:$0x1E800] =	vst v63  }
0x40: {  	_ =	swait.ge [sflag:s20], $0x4000  }
0x41: {  	[sflag:s20] =	ssyncset.done $0x0  }
0x42: {  	s28 =	simm.s32 $0x200;
	[sflag:s20] =	ssyncadd.s32 $0xFFFFC000  }
0x43: {  	[tilespmem:s18], [sflag:$0x1] =	stream.indirect.gather [hbm4b:s4+s17], $0x80, s28, s17, $0xb8;
	[tilespmem:$0x1E800] =	vst v63  }
0x44: {  	_ =	swait.ge [sflag:s21], $0x4000  }
0x45: {  	[sflag:s21] =	ssyncset.done $0x0  }
0x46: {  	s28 =	simm.s32 $0x1580;
	[sflag:s21] =	ssyncadd.s32 $0xFFFFC000  }
0x47: {  	[spmem:s1] =	stream.indirect.scatter.add.f32 [tilespmem:s19], [sflag:$0x4], $0x80, s28, s17, $0xb8;
	[tilespmem:$0x1E800] =	vst v63  }
0x48: {  	_ =	swait.ge [sflag:s22], $0x4000  }
0x49: {  	[sflag:s22] =	ssyncset.done $0x0  }
0x4a: {  	s28 =	simm.s32 $0x280;
	[sflag:s22] =	ssyncadd.s32 $0xFFFFC000  }
0x4b: {  	[tilespmem:s19], [sflag:$0x2] =	stream.indirect.gather [hbm4b:s4+s17], $0x80, s28, s17, $0xb8;
	[tilespmem:$0x1E800] =	vst v63  }
0x4c: {  	_ =	swait.ge [sflag:s14], $0x4000  }
0x4d: {  	[sflag:s14] =	ssyncset.done $0x0  }
0x4e: {  	s28 =	simm.s32 $0x1600;
	[sflag:s14] =	ssyncadd.s32 $0xFFFFC000  }
0x4f: {  	[spmem:s1] =	stream.indirect.scatter.add.f32 [tilespmem:s18], [sflag:$0x3], $0x80, s28, s17, $0xb8;
	[tilespmem:$0x1E800] =	vst v63  }
0x50: {  	_ =	swait.ge [sflag:s20], $0x4000  }
0x51: {  	[sflag:s20] =	ssyncset.done $0x0  }
0x52: {  	s28 =	simm.s32 $0x300;
	[sflag:s20] =	ssyncadd.s32 $0xFFFFC000  }
0x53: {  	[tilespmem:s18], [sflag:$0x1] =	stream.indirect.gather [hbm4b:s4+s17], $0x80, s28, s17, $0xb8;
	[tilespmem:$0x1E800] =	vst v63  }
0x54: {  	_ =	swait.ge [sflag:s21], $0x4000  }
0x55: {  	[sflag:s21] =	ssyncset.done $0x0  }
0x56: {  	s28 =	simm.s32 $0x1680;
	[sflag:s21] =	ssyncadd.s32 $0xFFFFC000  }
0x57: {  	[spmem:s1] =	stream.indirect.scatter.add.f32 [tilespmem:s19], [sflag:$0x4], $0x80, s28, s17, $0xb8;
	[tilespmem:$0x1E800] =	vst v63  }
0x58: {  	_ =	swait.ge [sflag:s22], $0x4000  }
0x59: {  	[sflag:s22] =	ssyncset.done $0x0  }
0x5a: {  	s28 =	simm.s32 $0x380;
	[sflag:s22] =	ssyncadd.s32 $0xFFFFC000  }
0x5b: {  	[tilespmem:s19], [sflag:$0x2] =	stream.indirect.gather [hbm4b:s4+s17], $0x80, s28, s17, $0xb8;
	[tilespmem:$0x1E800] =	vst v63  }
0x5c: {  	_ =	swait.ge [sflag:s14], $0x4000  }
0x5d: {  	[sflag:s14] =	ssyncset.done $0x0  }
0x5e: {  	s28 =	simm.s32 $0x1700;
	[sflag:s14] =	ssyncadd.s32 $0xFFFFC000  }
0x5f: {  	[spmem:s1] =	stream.indirect.scatter.add.f32 [tilespmem:s18], [sflag:$0x3], $0x80, s28, s17, $0xb8;
	[tilespmem:$0x1E800] =	vst v63  }
0x60: {  	_ =	swait.ge [sflag:s20], $0x4000  }
0x61: {  	[sflag:s20] =	ssyncset.done $0x0  }
0x62: {  	[sflag:s20] =	ssyncadd.s32 $0xFFFFC000  }
0x63: {  	_ =	swait.ge [sflag:s21], $0x4000  }
0x64: {  	[sflag:s21] =	ssyncset.done $0x0  }
0x65: {  	s28 =	simm.s32 $0x1780;
	[sflag:s21] =	ssyncadd.s32 $0xFFFFC000  }
0x66: {  	[spmem:s1] =	stream.indirect.scatter.add.f32 [tilespmem:s19], [sflag:$0x4], $0x80, s28, s17, $0xb8;
	[tilespmem:$0x1E800] =	vst v63  }
0x67: {  	p1 =	por p2, p2;
	_ =	swait.ge [sflag:s22], $0x4000  }
0x68: {  	s31 =	simm.s32 $0x2000;
	s28 =	simm.s32 $0x1000;
	[sflag:s22] =	ssyncset.done $0x0  }
.LBB2_3:
0x69: {  	s30 =	sshra.s32 s28, $0x2  }
0x6a: {  	[sflag:s22] =	ssyncadd.s32 $0xFFFFC000;
	s28 =	smov.u32 s31;
	s29 =	sadd.s32 $0x1000, s31  }
0x6b: {  	[tilespmem:s18], [sflag:$0x1] =	stream.indirect.gather [hbm4b:s4+s17], $0x80, s30, s17, $0xb8;
	[tilespmem:$0x1E800] =	vst v63  }
0x6c: {  	p2 =	sne.s32 s31, $0x4000;
	s31 =	sadd.s32 $0x80, s30  }
0x6d: {  	[tilespmem:s19], [sflag:$0x2] =	stream.indirect.gather [hbm4b:s4+s17], $0x80, s31, s17, $0xb8;
	[tilespmem:$0x1E800] =	vst v63  }
0x6e: {  	_ =	swait.ge [sflag:s14], $0x4000  }
0x6f: {  	[sflag:s14] =	ssyncset.done $0x0  }
0x70: {  	s31 =	sadd.s32 $0x1400, s30;
	[sflag:s14] =	ssyncadd.s32 $0xFFFFC000  }
0x71: {  	[spmem:s1] =	stream.indirect.scatter.add.f32 [tilespmem:s18], [sflag:$0x3], $0x80, s31, s17, $0xb8;
	[tilespmem:$0x1E800] =	vst v63  }
0x72: {  	_ =	swait.ge [sflag:s20], $0x4000  }
0x73: {  	[sflag:s20] =	ssyncset.done $0x0  }
0x74: {  	s31 =	sadd.s32 $0x100, s30;
	[sflag:s20] =	ssyncadd.s32 $0xFFFFC000  }
0x75: {  	[tilespmem:s18], [sflag:$0x1] =	stream.indirect.gather [hbm4b:s4+s17], $0x80, s31, s17, $0xb8;
	[tilespmem:$0x1E800] =	vst v63  }
0x76: {  	_ =	swait.ge [sflag:s21], $0x4000  }
0x77: {  	[sflag:s21] =	ssyncset.done $0x0  }
0x78: {  	s31 =	sadd.s32 $0x1480, s30;
	[sflag:s21] =	ssyncadd.s32 $0xFFFFC000  }
0x79: {  	[spmem:s1] =	stream.indirect.scatter.add.f32 [tilespmem:s19], [sflag:$0x4], $0x80, s31, s17, $0xb8;
	[tilespmem:$0x1E800] =	vst v63  }
0x7a: {  	_ =	swait.ge [sflag:s22], $0x4000  }
0x7b: {  	[sflag:s22] =	ssyncset.done $0x0  }
0x7c: {  	s31 =	sadd.s32 $0x180, s30;
	[sflag:s22] =	ssyncadd.s32 $0xFFFFC000  }
0x7d: {  	[tilespmem:s19], [sflag:$0x2] =	stream.indirect.gather [hbm4b:s4+s17], $0x80, s31, s17, $0xb8;
	[tilespmem:$0x1E800] =	vst v63  }
0x7e: {  	_ =	swait.ge [sflag:s14], $0x4000  }
0x7f: {  	[sflag:s14] =	ssyncset.done $0x0  }
0x80: {  	s31 =	sadd.s32 $0x1500, s30;
	[sflag:s14] =	ssyncadd.s32 $0xFFFFC000  }
0x81: {  	[spmem:s1] =	stream.indirect.scatter.add.f32 [tilespmem:s18], [sflag:$0x3], $0x80, s31, s17, $0xb8;
	[tilespmem:$0x1E800] =	vst v63  }
0x82: {  	_ =	swait.ge [sflag:s20], $0x4000  }
0x83: {  	[sflag:s20] =	ssyncset.done $0x0  }
0x84: {  	s31 =	sadd.s32 $0x200, s30;
	[sflag:s20] =	ssyncadd.s32 $0xFFFFC000  }
0x85: {  	[tilespmem:s18], [sflag:$0x1] =	stream.indirect.gather [hbm4b:s4+s17], $0x80, s31, s17, $0xb8;
	[tilespmem:$0x1E800] =	vst v63  }
0x86: {  	_ =	swait.ge [sflag:s21], $0x4000  }
0x87: {  	[sflag:s21] =	ssyncset.done $0x0  }
0x88: {  	s31 =	sadd.s32 $0x1580, s30;
	[sflag:s21] =	ssyncadd.s32 $0xFFFFC000  }
0x89: {  	[spmem:s1] =	stream.indirect.scatter.add.f32 [tilespmem:s19], [sflag:$0x4], $0x80, s31, s17, $0xb8;
	[tilespmem:$0x1E800] =	vst v63  }
0x8a: {  	_ =	swait.ge [sflag:s22], $0x4000  }
0x8b: {  	[sflag:s22] =	ssyncset.done $0x0  }
0x8c: {  	s31 =	sadd.s32 $0x280, s30;
	[sflag:s22] =	ssyncadd.s32 $0xFFFFC000  }
0x8d: {  	[tilespmem:s19], [sflag:$0x2] =	stream.indirect.gather [hbm4b:s4+s17], $0x80, s31, s17, $0xb8;
	[tilespmem:$0x1E800] =	vst v63  }
0x8e: {  	_ =	swait.ge [sflag:s14], $0x4000  }
0x8f: {  	[sflag:s14] =	ssyncset.done $0x0  }
0x90: {  	s31 =	sadd.s32 $0x1600, s30;
	[sflag:s14] =	ssyncadd.s32 $0xFFFFC000  }
0x91: {  	[spmem:s1] =	stream.indirect.scatter.add.f32 [tilespmem:s18], [sflag:$0x3], $0x80, s31, s17, $0xb8;
	[tilespmem:$0x1E800] =	vst v63  }
0x92: {  	_ =	swait.ge [sflag:s20], $0x4000  }
0x93: {  	[sflag:s20] =	ssyncset.done $0x0  }
0x94: {  	s31 =	sadd.s32 $0x300, s30;
	[sflag:s20] =	ssyncadd.s32 $0xFFFFC000  }
0x95: {  	[tilespmem:s18], [sflag:$0x1] =	stream.indirect.gather [hbm4b:s4+s17], $0x80, s31, s17, $0xb8;
	[tilespmem:$0x1E800] =	vst v63  }
0x96: {  	_ =	swait.ge [sflag:s21], $0x4000  }
0x97: {  	[sflag:s21] =	ssyncset.done $0x0  }
0x98: {  	s31 =	sadd.s32 $0x1680, s30;
	[sflag:s21] =	ssyncadd.s32 $0xFFFFC000  }
0x99: {  	[spmem:s1] =	stream.indirect.scatter.add.f32 [tilespmem:s19], [sflag:$0x4], $0x80, s31, s17, $0xb8;
	[tilespmem:$0x1E800] =	vst v63  }
0x9a: {  	_ =	swait.ge [sflag:s22], $0x4000  }
0x9b: {  	[sflag:s22] =	ssyncset.done $0x0  }
0x9c: {  	s31 =	sadd.s32 $0x380, s30;
	[sflag:s22] =	ssyncadd.s32 $0xFFFFC000  }
0x9d: {  	[tilespmem:s19], [sflag:$0x2] =	stream.indirect.gather [hbm4b:s4+s17], $0x80, s31, s17, $0xb8;
	[tilespmem:$0x1E800] =	vst v63  }
0x9e: {  	_ =	swait.ge [sflag:s14], $0x4000  }
0x9f: {  	[sflag:s14] =	ssyncset.done $0x0  }
0xa0: {  	s31 =	sadd.s32 $0x1700, s30;
	[sflag:s14] =	ssyncadd.s32 $0xFFFFC000  }
0xa1: {  	[spmem:s1] =	stream.indirect.scatter.add.f32 [tilespmem:s18], [sflag:$0x3], $0x80, s31, s17, $0xb8;
	[tilespmem:$0x1E800] =	vst v63  }
0xa2: {  	_ =	swait.ge [sflag:s20], $0x4000  }
0xa3: {  	[sflag:s20] =	ssyncset.done $0x0  }
0xa4: {  	[sflag:s20] =	ssyncadd.s32 $0xFFFFC000  }
0xa5: {  	_ =	swait.ge [sflag:s21], $0x4000  }
.Ltmp0:
0xa6: {  	[sflag:s21] =	ssyncset.done $0x0;
	(pc) =	sbr.rel @p2 .LBB2_3-.Ltmp0, $4  }
0xa7: {  	s30 =	sadd.s32 $0x1780, s30;
	[sflag:s21] =	ssyncadd.s32 $0xFFFFC000  }
0xa8: {  	[spmem:s1] =	stream.indirect.scatter.add.f32 [tilespmem:s19], [sflag:$0x4], $0x80, s30, s17, $0xb8;
	[tilespmem:$0x1E800] =	vst v63  }
0xa9: {  	_ =	swait.ge [sflag:s22], $0x4000  }
0xaa: {  	s31 =	smov.u32 s29;
	[sflag:s22] =	ssyncset.done $0x0  }
0xab: {  	s28 =	sshra.s32 s28, $0x2;
	[sflag:s22] =	ssyncadd.s32 $0xFFFFC000  }
0xac: {  	[tilespmem:s18], [sflag:$0x1] =	stream.indirect.gather [hbm4b:s4+s17], $0x80, s28, s17, $0xb8;
	[tilespmem:$0x1E800] =	vst v63  }
0xad: {  	s29 =	sadd.s32 $0x80, s28  }
0xae: {  	[tilespmem:s19], [sflag:$0x2] =	stream.indirect.gather [hbm4b:s4+s17], $0x80, s29, s17, $0xb8;
	[tilespmem:$0x1E800] =	vst v63  }
0xaf: {  	_ =	swait.ge [sflag:s14], $0x4000  }
0xb0: {  	[sflag:s14] =	ssyncset.done $0x0  }
0xb1: {  	s31 =	sadd.s32 $0x1400, s28;
	[sflag:s14] =	ssyncadd.s32 $0xFFFFC000  }
0xb2: {  	[spmem:s1] =	stream.indirect.scatter.add.f32 [tilespmem:s18], [sflag:$0x3], $0x80, s31, s17, $0xb8;
	[tilespmem:$0x1E800] =	vst v63  }
0xb3: {  	_ =	swait.ge [sflag:s20], $0x4000  }
0xb4: {  	[sflag:s20] =	ssyncset.done $0x0  }
0xb5: {  	s30 =	sadd.s32 $0x100, s28;
	[sflag:s20] =	ssyncadd.s32 $0xFFFFC000  }
0xb6: {  	[tilespmem:s18], [sflag:$0x1] =	stream.indirect.gather [hbm4b:s4+s17], $0x80, s30, s17, $0xb8;
	[tilespmem:$0x1E800] =	vst v63  }
0xb7: {  	_ =	swait.ge [sflag:s21], $0x4000  }
0xb8: {  	[sflag:s21] =	ssyncset.done $0x0  }
0xb9: {  	s31 =	sadd.s32 $0x1480, s28;
	[sflag:s21] =	ssyncadd.s32 $0xFFFFC000  }
0xba: {  	[spmem:s1] =	stream.indirect.scatter.add.f32 [tilespmem:s19], [sflag:$0x4], $0x80, s31, s17, $0xb8;
	[tilespmem:$0x1E800] =	vst v63  }
0xbb: {  	_ =	swait.ge [sflag:s22], $0x4000  }
0xbc: {  	[sflag:s22] =	ssyncset.done $0x0  }
0xbd: {  	s30 =	sadd.s32 $0x180, s28;
	[sflag:s22] =	ssyncadd.s32 $0xFFFFC000  }
0xbe: {  	[tilespmem:s19], [sflag:$0x2] =	stream.indirect.gather [hbm4b:s4+s17], $0x80, s30, s17, $0xb8;
	[tilespmem:$0x1E800] =	vst v63  }
0xbf: {  	_ =	swait.ge [sflag:s14], $0x4000  }
0xc0: {  	[sflag:s14] =	ssyncset.done $0x0  }
0xc1: {  	s31 =	sadd.s32 $0x1500, s28;
	[sflag:s14] =	ssyncadd.s32 $0xFFFFC000  }
0xc2: {  	[spmem:s1] =	stream.indirect.scatter.add.f32 [tilespmem:s18], [sflag:$0x3], $0x80, s31, s17, $0xb8;
	[tilespmem:$0x1E800] =	vst v63  }
0xc3: {  	_ =	swait.ge [sflag:s20], $0x4000  }
0xc4: {  	[sflag:s20] =	ssyncset.done $0x0  }
0xc5: {  	s30 =	sadd.s32 $0x200, s28;
	[sflag:s20] =	ssyncadd.s32 $0xFFFFC000  }
0xc6: {  	[tilespmem:s18], [sflag:$0x1] =	stream.indirect.gather [hbm4b:s4+s17], $0x80, s30, s17, $0xb8;
	[tilespmem:$0x1E800] =	vst v63  }
0xc7: {  	_ =	swait.ge [sflag:s21], $0x4000  }
0xc8: {  	[sflag:s21] =	ssyncset.done $0x0  }
0xc9: {  	s31 =	sadd.s32 $0x1580, s28;
	[sflag:s21] =	ssyncadd.s32 $0xFFFFC000  }
0xca: {  	[spmem:s1] =	stream.indirect.scatter.add.f32 [tilespmem:s19], [sflag:$0x4], $0x80, s31, s17, $0xb8;
	[tilespmem:$0x1E800] =	vst v63  }
0xcb: {  	_ =	swait.ge [sflag:s22], $0x4000  }
0xcc: {  	[sflag:s22] =	ssyncset.done $0x0  }
0xcd: {  	s30 =	sadd.s32 $0x280, s28;
	[sflag:s22] =	ssyncadd.s32 $0xFFFFC000  }
0xce: {  	[tilespmem:s19], [sflag:$0x2] =	stream.indirect.gather [hbm4b:s4+s17], $0x80, s30, s17, $0xb8;
	[tilespmem:$0x1E800] =	vst v63  }
0xcf: {  	_ =	swait.ge [sflag:s14], $0x4000  }
0xd0: {  	[sflag:s14] =	ssyncset.done $0x0  }
0xd1: {  	s31 =	sadd.s32 $0x1600, s28;
	[sflag:s14] =	ssyncadd.s32 $0xFFFFC000  }
0xd2: {  	[spmem:s1] =	stream.indirect.scatter.add.f32 [tilespmem:s18], [sflag:$0x3], $0x80, s31, s17, $0xb8;
	[tilespmem:$0x1E800] =	vst v63  }
0xd3: {  	_ =	swait.ge [sflag:s20], $0x4000  }
0xd4: {  	[sflag:s20] =	ssyncset.done $0x0  }
0xd5: {  	s30 =	sadd.s32 $0x300, s28;
	[sflag:s20] =	ssyncadd.s32 $0xFFFFC000  }
0xd6: {  	[tilespmem:s18], [sflag:$0x1] =	stream.indirect.gather [hbm4b:s4+s17], $0x80, s30, s17, $0xb8;
	[tilespmem:$0x1E800] =	vst v63  }
0xd7: {  	_ =	swait.ge [sflag:s21], $0x4000  }
0xd8: {  	[sflag:s21] =	ssyncset.done $0x0  }
0xd9: {  	s31 =	sadd.s32 $0x1680, s28;
	[sflag:s21] =	ssyncadd.s32 $0xFFFFC000  }
0xda: {  	[spmem:s1] =	stream.indirect.scatter.add.f32 [tilespmem:s19], [sflag:$0x4], $0x80, s31, s17, $0xb8;
	[tilespmem:$0x1E800] =	vst v63  }
0xdb: {  	_ =	swait.ge [sflag:s22], $0x4000  }
0xdc: {  	[sflag:s22] =	ssyncset.done $0x0  }
0xdd: {  	s30 =	sadd.s32 $0x380, s28;
	[sflag:s22] =	ssyncadd.s32 $0xFFFFC000  }
0xde: {  	[tilespmem:s19], [sflag:$0x2] =	stream.indirect.gather [hbm4b:s4+s17], $0x80, s30, s17, $0xb8;
	[tilespmem:$0x1E800] =	vst v63  }
0xdf: {  	_ =	swait.ge [sflag:s14], $0x4000  }
0xe0: {  	[sflag:s14] =	ssyncset.done $0x0  }
0xe1: {  	s31 =	sadd.s32 $0x1700, s28;
	[sflag:s14] =	ssyncadd.s32 $0xFFFFC000  }
0xe2: {  	[spmem:s1] =	stream.indirect.scatter.add.f32 [tilespmem:s18], [sflag:$0x3], $0x80, s31, s17, $0xb8;
	[tilespmem:$0x1E800] =	vst v63  }
0xe3: {  	_ =	swait.ge [sflag:s20], $0x4000  }
0xe4: {  	[sflag:s20] =	ssyncset.done $0x0  }
0xe5: {  	[sflag:s20] =	ssyncadd.s32 $0xFFFFC000  }
0xe6: {  	_ =	swait.ge [sflag:s21], $0x4000  }
0xe7: {  	[sflag:s21] =	ssyncset.done $0x0  }
.Ltmp1:
0xe8: {  	s28 =	sadd.s32 $0x1780, s28;
	[sflag:s21] =	ssyncadd.s32 $0xFFFFC000;
	(pc) =	sbr.rel @p1 .LBB2_2-.Ltmp1, $4  }
0xe9: {  	[spmem:s1] =	stream.indirect.scatter.add.f32 [tilespmem:s19], [sflag:$0x4], $0x80, s28, s17, $0xb8;
	[tilespmem:$0x1E800] =	vst v63  }
0xea: {  	_ =	swait.ge [sflag:s22], $0x4000  }
0xeb: {  	[sflag:s22] =	ssyncset.done $0x0  }
0xec: {  	p2 =	por $0x0, $0x0;
	p3 =	por $0x1, $0x1;
	[sflag:s22] =	ssyncadd.s32 $0xFFFFC000  }
0xed: {  	[bflag:$0x0] =	sbarrier.arrive $0xFFFF;
	s28 =	sadd.s32 @p0 $0x24900, s7;
	s29 =	simm.s32 @p0 $0x1FC5  }
0xee: {  	[hbm:s28], [sflag:s29] =	dma.local @p0 [spmem:s23], $0x2800  }
0xef: {  	s28 =	simm.s32 @p0 $0x5  }
0xf0: {  	_ =	swait.ge @p0 [sflag:s28], $0x2800  }
0xf1: {  	s26 =	sadd.s32 $0x1, s26;
	s29 =	sshll.u32 @!p0 s3, $0x6;
	[sflag:s28] =	ssyncset.done @p0 $0x0  }
0xf2: {  	p1 =	sne.s32 s26, s8;
	[sflag:s28] =	ssyncadd.s32 @p0 $0xFFFFD800;
	s28 =	sor.u32 @!p0 $0x1C05, s29  }
0xf3: {  	[hbm:s24], [sflag:s28] =	dma.local @!p0 [spmem:s25], $0x2700  }
.Ltmp2:
0xf4: {  	_ = 	snop;
	(pc) =	sbr.rel @p1 .LBB2_1-.Ltmp2, $4  }
0xf5: {  	s28 =	simm.s32 @!p0 $0x5  }
0xf6: {  	_ =	swait.ge @!p0 [sflag:s28], $0x2700  }
0xf7: {  	[sflag:s28] =	ssyncset.done @!p0 $0x0  }
0xf8: {  	[sflag:s28] =	ssyncadd.s32 @!p0 $0xFFFFD900  }
0xf9: {  	_ =	sfence.sel $0x180000  }
0xfa: {  	[bflag:$0x0] =	sbarrier.arrive $0xFFFF  }
0xfb: {  	p0 =	sne.s32 s3, $0x0;
	_ =	strace $0x90000047  }
0xfc: {  	s0 =	sadd.s32 @!p0 $0x100000, s0;
	[bflag:$0x2] =	sbarrier.arrive $0xFFFF  }
0xfd: {  	[sflag:s0] =	ssyncadd.tile.s32 @!p0 $0x1;
	_ =	shalt  }
.Lfunc_end2:
_tile_overlayer_lowered:
.L_overlay_start_2:
0xfe: {  	(tag) =	ssettag $0x2  }
0xff: {  	s0 =	rddreg [dreg:$0x0];
	s2 =	stileid.u32  }
0x100: {  	s1 =	rddreg [dreg:$0x1];
	p0 =	sne.s32 s2, $0x0  }
0x101: {  	s3 =	rddreg [dreg:$0x2];
	[bflag:$0x3] =	sbarrier.arrive $0xFFFF;
	s2 =	simm.s32 @!p0 $0x1C05  }
0x102: {  	[timem:s3], [sflag:s2] =	dma.local @!p0 [hbm:s0], s1  }
0x103: {  	s0 =	simm.s32 @!p0 $0x5  }
0x104: {  	_ =	swait.ge @!p0 [sflag:s0], s1  }
0x105: {  	s1 =	ssub.s32 @!p0 $0x0, s1;
	[sflag:s0] =	ssyncset.done @!p0 $0x0  }
0x106: {  	[sflag:s0] =	ssyncadd.s32 @!p0 s1  }
0x107: {  	[bflag:$0x3] =	sbarrier.arrive $0xFFFF  }
0x108: {  	_ =	shalt  }

// kernel: kernel.16.cloned.1.call-start
scs
__scs_entry_jumppad:
0x0: {  	(pc) =	sbr.rel $0x88, $3  }
0x1: {  	(tag) =	ssettag $0x0;
	lr =	simm.s32 $0x1  }
0x2: {  	[smem:$0x3F95] =	sst lr;
	_ =	strace $0xD0000000  }
0x3: {  	_ = 	snop  }
0x4: {  	_ = 	snop  }
0x5: {  	_ = 	snop  }
0x6: {  	_ = 	snop  }
0x7: {  	_ = 	snop  }
__scs_overlays_trampoline_lowered:
0x8: {  	[smem:$0x3FA4] =	sst s0  }
0x9: {  	[smem:$0x3FA5] =	sst s1  }
0xa: {  	[smem:$0x3FA6] =	sst s2  }
0xb: {  	[smem:$0x3FA7] =	sst s3  }
0xc: {  	[smem:$0x3FA8] =	sst s4  }
0xd: {  	[smem:$0x3FA9] =	sst s5  }
0xe: {  	[smem:$0x3FAA] =	sst s6  }
0xf: {  	[smem:$0x3FAB] =	sst s7  }
0x10: {  	[smem:$0x3FAC] =	sst s8  }
0x11: {  	[smem:$0x3FAD] =	sst s9;
	s0 =	simm.s32 @!p0 $0x0  }
0x12: {  	s1 =	sld [smem:$0x3F93];
	s0 =	simm.s32 @p0 $0x1  }
0x13: {  	[smem:$0x3FAE] =	sst s0;
	s0 =	simm.s32 @!p1 $0x0  }
0x14: {  	s2 =	sld [smem:$0x3F92];
	s0 =	simm.s32 @p1 $0x1  }
0x15: {  	[smem:$0x3FAF] =	sst s0;
	s0 =	simm.s32 @!p2 $0x0  }
0x16: {  	s3 =	sld [smem:$0x3FDB];
	s0 =	simm.s32 @p2 $0x1  }
0x17: {  	s4 =	simm.s32 $0x1BF5;
	[smem:$0x3FB1] =	sst s0  }
0x18: {  	s0 =	sld [smem:$0x3F94];
	_ =	swait.ge [sflag:s4], $0x0  }
0x19: {  	s7 =	sld [smem:$0x3F95]  }
0x1a: {  	s8 =	sadd.s32 $0xFFFFE003, lr  }
0x1b: {  	s9 =	sadd.s32 $0xFFFFFEF7, lr;
	s5 =	simm.s32 $0xFFFFFFFF;
	p2 =	slt.u32 s8, $0xFFFFF086  }
0x1c: {  	p1 =	slt.u32 s9, $0xF7A;
	s5 =	simm.s32 @!p2 $0x0  }
0x1d: {  	s5 =	simm.s32 @p1 $0x1;
	p0 =	seq.s32 s7, s2  }
0x1e: {  	s7 =	smul.u32 @!p0 $0xF7A, s2;
	p2 =	seq.s32 @!p0 s5, $0x0  }
0x1f: {  	s9 =	smul.u32 $0xF7A, s1;
	s8 =	simm.s32 @!p0 $0x1BF5;
	p2 =	por !p2, p0  }
0x20: {  	[sflag:s8] =	ssyncset.s32 @!p0 $0xFFFFF086;
	s6 =	sadd.s32 @!p0 s3, s7;
	s7 =	simm.s32 @!p0 $0x108  }
0x21: {  	s3 =	sadd.s32 s3, s9;
	s6 =	sadd.s32 @!p0 $0x88, s6;
	s7 =	simm.s32 @p2 $0x1082  }
0x22: {  	[simem:s7], [sflag:s8] =	dma.local @!p0 [hbm:s6], $0xF7A  }
0x23: {  	s9 =	sor.u32 $0xD0000000, s2;
	s6 =	simm.s32 $0x108;
	_ =	swait.ge @!p0 [sflag:s8], $0x0  }
0x24: {  	s3 =	sadd.s32 $0x88, s3;
	s6 =	simm.s32 @!p1 $0x1082;
	[sflag:s4] =	ssyncset.s32 $0xFFFFF086  }
0x25: {  	[simem:s6], [sflag:s4] =	dma.local [hbm:s3], $0xF7A  }
0x26: {  	[smem:$0x3F95] =	sst s1;
	(tag) =	ssettag s2;
	_ =	strace s9  }
0x27: {  	s1 =	sld [smem:$0x3FA5]  }
0x28: {  	s2 =	sld [smem:$0x3FA6]  }
0x29: {  	s4 =	sld [smem:$0x3FA8]  }
0x2a: {  	p0 =	seq.s32 s5, $0x0;
	s5 =	sld [smem:$0x3FA9]  }
0x2b: {  	s6 =	sld [smem:$0x3FAA]  }
0x2c: {  	s7 =	sld [smem:$0x3FAB]  }
0x2d: {  	s3 =	simm.s32 $0x108;
	s8 =	sld [smem:$0x3FAC]  }
0x2e: {  	s3 =	simm.s32 @!p0 $0x1082;
	s9 =	sld [smem:$0x3FAD]  }
0x2f: {  	lr =	sadd.s32 s0, s3;
	s0 =	sld [smem:$0x3FA4]  }
0x30: {  	s3 =	sld [smem:$0x3FA7]  }
0x31: {  	[smem:$0x3FB0] =	sst s10  }
0x32: {  	s10 =	sld [smem:$0x3FAE];
	_ =	sdelay $0x3  }
0x33: {  	p0 =	seq.s32 s10, $0x1;
	s10 =	sld [smem:$0x3FB0];
	_ =	sdelay $0x3  }
0x34: {  	[smem:$0x3FB0] =	sst s10  }
0x35: {  	s10 =	sld [smem:$0x3FAF];
	_ =	sdelay $0x3  }
0x36: {  	p1 =	seq.s32 s10, $0x1;
	s10 =	sld [smem:$0x3FB0];
	_ =	sdelay $0x3  }
0x37: {  	[smem:$0x3FB0] =	sst s10  }
0x38: {  	s10 =	sld [smem:$0x3FB1]  }
0x39: {  	_ = 	snop;
	(pc) =	sbr.ind lr, $3  }
0x3a: {  	_ = 	snop  }
0x3b: {  	_ = 	snop  }
0x3c: {  	p2 =	seq.s32 s10, $0x1;
	s10 =	sld [smem:$0x3FB0]  }
0x3d: {  	_ =	shalt  }
0x3e: {  	_ =	shalt  }
0x3f: {  	_ =	shalt  }
0x40: {  	_ =	shalt  }
0x41: {  	_ =	shalt  }
0x42: {  	_ =	shalt  }
0x43: {  	_ =	shalt  }
0x44: {  	_ =	shalt  }
0x45: {  	_ =	shalt  }
0x46: {  	_ =	shalt  }
0x47: {  	_ =	shalt  }
0x48: {  	_ =	shalt  }
0x49: {  	_ =	shalt  }
0x4a: {  	_ =	shalt  }
0x4b: {  	_ =	shalt  }
0x4c: {  	_ =	shalt  }
0x4d: {  	_ =	shalt  }
0x4e: {  	_ =	shalt  }
0x4f: {  	_ =	shalt  }
0x50: {  	_ =	shalt  }
0x51: {  	_ =	shalt  }
0x52: {  	_ =	shalt  }
0x53: {  	_ =	shalt  }
0x54: {  	_ =	shalt  }
0x55: {  	_ =	shalt  }
0x56: {  	_ =	shalt  }
0x57: {  	_ =	shalt  }
0x58: {  	_ =	shalt  }
0x59: {  	_ =	shalt  }
0x5a: {  	_ =	shalt  }
0x5b: {  	_ =	shalt  }
0x5c: {  	_ =	shalt  }
0x5d: {  	_ =	shalt  }
0x5e: {  	_ =	shalt  }
0x5f: {  	_ =	shalt  }
0x60: {  	_ =	shalt  }
0x61: {  	_ =	shalt  }
0x62: {  	_ =	shalt  }
0x63: {  	_ =	shalt  }
0x64: {  	_ =	shalt  }
0x65: {  	_ =	shalt  }
0x66: {  	_ =	shalt  }
0x67: {  	_ =	shalt  }
0x68: {  	_ =	shalt  }
0x69: {  	_ =	shalt  }
0x6a: {  	_ =	shalt  }
0x6b: {  	_ =	shalt  }
0x6c: {  	_ =	shalt  }
0x6d: {  	_ =	shalt  }
0x6e: {  	_ =	shalt  }
0x6f: {  	_ =	shalt  }
0x70: {  	_ =	shalt  }
0x71: {  	_ =	shalt  }
0x72: {  	_ =	shalt  }
0x73: {  	_ =	shalt  }
0x74: {  	_ =	shalt  }
0x75: {  	_ =	shalt  }
0x76: {  	_ =	shalt  }
0x77: {  	_ =	shalt  }
0x78: {  	_ =	shalt  }
0x79: {  	_ =	shalt  }
0x7a: {  	_ =	shalt  }
0x7b: {  	_ =	shalt  }
0x7c: {  	_ =	shalt  }
0x7d: {  	_ =	shalt  }
0x7e: {  	_ =	shalt  }
0x7f: {  	_ =	shalt  }
0x80: {  	_ =	shalt  }
0x81: {  	_ =	shalt  }
0x82: {  	_ =	shalt  }
0x83: {  	_ =	shalt  }
0x84: {  	_ =	shalt  }
0x85: {  	_ =	shalt  }
0x86: {  	_ =	shalt  }
0x87: {  	_ =	shalt  }
.Lfunc_end0:
.L_simem_size_0:
called_computation.1_lowered:
.L_overlay_start_0:
0x88: {  	s2 =	sld [smem:$0x3FD9]  }
0x89: {  	s3 =	sld [smem:$0x3FFE];
	_ =	sdelay $0x1  }
0x8a: {  	s1 =	srdreg.scid  }
0x8b: {  	s0 =	sand.u32 $0x1, s1  }
0x8c: {  	s16 =	sshll.u32 s0, $0xA;
	s2 =	sadd.s32 s3, s2  }
0x8d: {  	s2 =	sadd.s32 s2, s16  }
0x8e: {  	[smem:$0x3FBC] =	sst s2  }
0x8f: {  	_ = 	snop  }
0x90: {  	(tm) =	ssettm $0x1  }
0x91: {  	s17 =	sld [smem:$0x3FFB];
	_ =	sdelay $0x3  }
0x92: {  	_ =	strace s17  }
0x93: {  	s2 =	sld [smem:$0x3FFC];
	_ =	sdelay $0x3  }
0x94: {  	_ =	strace s2  }
0x95: {  	s2 =	sld [smem:$0x3FFD];
	_ =	sdelay $0x3  }
0x96: {  	_ =	strace s2  }
0x97: {  	_ =	strace $0x8FFFFFFF  }
0x98: {  	s18 =	sld [smem:$0x3FDB];
	_ =	sdelay $0x1  }
0x99: {  	s19 =	simm.s32 $_scs_section_size  }
0x9a: {  	s4 =	simm.s32 $_size__tile_overlayer_lowered;
	s5 =	simm.s32 $_tile_overlayer_lowered  }
0x9b: {  	s22 =	simm.s32 $0x1BFF;
	s21 =	sshll.u32 s5, $0x1;
	s2 =	sadd.s32 s19, s18  }
0x9c: {  	s6 =	simm.s32 $0x0;
	s20 =	sshll.u32 s4, $0x1;
	s4 =	sadd.s32 s21, s2  }
0x9d: {  	[timem:s6], [sflag:s22] =	dma.local [hbm:s4], s20  }
0x9e: {  	_ =	swait.ge [sflag:s22], s20  }
0x9f: {  	s3 =	ssub.s32 $0x0, s20;
	[sflag:s22] =	ssyncset.done $0x0  }
0xa0: {  	[sflag:s22] =	ssyncadd.s32 s3;
	_ =	sdelay $0x1  }
0xa1: {  	s23 =	simm.s32 $0x1B8B  }
0xa2: {  	_ =	swait.ge [sflag:s23], $0x1  }
0xa3: {  	[sflag:s23] =	ssyncset.done $0x0  }
0xa4: {  	s25 =	simm.s32 $0x1B8E;
	s24 =	sld [smem:$0x3FFE];
	[sflag:s23] =	ssyncadd.s32 $0xFFFFFFFF  }
0xa5: {  	s26 =	simm.s32 $execute0_lowered;
	[smem:$0x3FD2] =	sst s25  }
0xa6: {  	s4 =	sshll.u32 s26, $0x1;
	_ =	strace $0x80000049;
	[dreg:$0x1] =	wrdreg $0xFFFFFFFF  }
0xa7: {  	s28 =	simm.s32 $_size_execute0_lowered;
	s2 =	sadd.s32 s2, s4;
	[dreg:$0x0] =	wrdreg $0x0  }
0xa8: {  	s4 =	sshll.u32 s28, $0x1;
	[dreg:$0x2] =	wrdreg s2  }
0xa9: {  	[dreg:$0x3] =	wrdreg s4  }
0xaa: {  	[dreg:$0x4] =	wrdreg $0xC0  }
0xab: {  	_ =	task [dreg:s6], $0x5FFFF  }
0xac: {  	[dreg:$0x1] =	wrdreg $0xFFFFFFFF  }
0xad: {  	[dreg:$0x0] =	wrdreg $0x60  }
0xae: {  	[dreg:$0x2] =	wrdreg s24  }
0xaf: {  	[dreg:$0x3] =	wrdreg $0xA8000  }
0xb0: {  	[dreg:$0x4] =	wrdreg $0x9  }
0xb1: {  	_ =	task.clear_ibuf [dreg:s6], $0x5FFFF;
	_ =	strace $0x90000049  }
0xb2: {  	s29 =	simm.s32 $0x9;
	_ =	strace $0x8000004B  }
0xb3: {  	_ =	swait.ge [sflag:s29], $0x1  }
0xb4: {  	[sflag:s29] =	ssyncadd.s32 $0xFFFFFFFF  }
0xb5: {  	_ =	strace $0x9000004B  }
0xb6: {  	_ =	sfence  }
0xb7: {  	s30 =	sld [smem:$0x0];
	_ =	sdelay $0x2  }
0xb8: {  	s31 =	sshll.u32 s1, $0xD;
	s1 =	sshrl.u32 s1, $0x2  }
0xb9: {  	s3 =	sand.u32 $0x4000, s31;
	s1 =	sadd.s32 s1, s30  }
0xba: {  	s0 =	sor.u32 s3, s0;
	s1 =	sshll.u32 s1, $0x11  }
0xbb: {  	s0 =	sor.u32 s1, s0  }
0xbc: {  	s0 =	sadd.s32 $0x8F2B, s0  }
0xbd: {  	[sflag:s0] =	ssyncadd.remote.s32 $0x1  }
0xbe: {  	_ =	sfence.sel $0xFFFF  }
0xbf: {  	[dreg:$0x0] =	wrdreg $0xFFFFFFFF;
	(pc) =	sbr.abs _section_cstart, $3  }
0xc0: {  	[dreg:$0x1] =	wrdreg $0xFFFFFFFF  }
0xc1: {  	_ =	task.clear_ibuf [dreg:s6], $0x2FFFF;
	_ =	strace $0x9FFFFFFF  }
0xc2: {  	(tm) =	ssettm $0x7FFFFFFF  }
0xc3: {  	_ =	shalt  }
tec
execute0_lowered:
.L_overlay_start_1:
0x0: {  	(tag) =	ssettag $0x1  }
0x1: {  	s6 =	rddreg [dreg:$0x0]  }
0x2: {  	s0 =	srdreg.scid;
	s1 =	rddreg [dreg:$0x1];
	s2 =	simm.s32 $0x0  }
0x3: {  	s17 =	simm.s32 $0x80;
	s18 =	simm.s32 $0x2800;
	s19 =	simm.s32 $0x6800  }
0x4: {  	s20 =	simm.s32 $0x3;
	s21 =	simm.s32 $0x2;
	s22 =	simm.s32 $0x4  }
0x5: {  	s26 =	simm.s32 $0x0;
	s4 =	sand.u32 $0x1, s0;
	s0 =	rddreg [dreg:$0x2]  }
0x6: {  	[smem:$0x7FF] =	sst s2;
	s23 =	sadd.s32 $0x124800, s1;
	s3 =	smul.u32 $0x5000, s4  }
0x7: {  	s5 =	sadd.s32 $0x3F800, s6;
	_ =	strace $0x8000004A;
	s8 =	smul.u32 $0x27100, s4  }
0x8: {  	s9 =	ssub.s32 $0x2, s4;
	s7 =	sadd.s32 s3, s6;
	s3 =	stileid.u32  }
0x9: {  	s4 =	sadd.s32 $0x4600, s6;
	s10 =	sshrl.u32 s9, $0x1;
	s11 =	smul.u32 $0x50000, s3  }
0xa: {  	s8 =	sadd.s32 s8, s6;
	s9 =	ssub.s32 s9, s10;
	s30 =	smul.u32 $0x4E000, s3  }
0xb: {  	s29 =	sshll.u32 s3, $0x6;
	s31 =	sadd.s32 $0x2B800, s7;
	s13 =	smul.u32 $0x500, s3  }
0xc: {  	s14 =	sadd.s32 $0x35800, s7;
	s7 =	sadd.s32 $0x42000, s8;
	s24 =	smul.u32 $0x2700, s3  }
0xd: {  	s8 =	smax.u32 s9, $0x1;
	p0 =	seq.s32 s3, $0xF;
	s6 =	sor.u32 $0x1C01, s29  }
0xe: {  	s23 =	sshrl.u32 @p0 s23, $0x3;
	s28 =	sshrl.u32 s11, $0x2;
	s11 =	sshrl.u32 s30, $0x2  }
0xf: {  	s10 =	sadd.s32 s13, s31;
	s24 =	sadd.s32 @!p0 s24, s7;
	s12 =	sadd.s32 s28, s1  }
0x10: {  	s25 =	sadd.s32 s11, s1;
	s11 =	simm.s32 $0x5;
	s15 =	sadd.s32 $0x280, s10  }
0x11: {  	s9 =	sshrl.u32 s12, $0x3;
	s12 =	sadd.s32 s13, s14;
	s13 =	simm.s32 $0x1400  }
0x12: {  	s14 =	simm.s32 $0x1;
	s25 =	sshrl.u32 @!p0 s25, $0x3;
	s16 =	sadd.s32 $0x280, s12  }
.LBB2_1:
0x13: {  	[spmem:s9], [sflag:s6] =	dma.local [hbm:s5], $0x2800  }
0x14: {  	[tilespmem:s2], [sflag:$0x5] =	stream.linear.gather [hbm4b:s10+s2], $0x1400, $0x38;
	[tilespmem:$0x1E800] =	vst v63  }
0x15: {  	_ =	swait.ge [sflag:s11], $0x1400  }
0x16: {  	[sflag:s11] =	ssyncset.done $0x0  }
0x17: {  	[sflag:s11] =	ssyncadd.s32 $0xFFFFEC00  }
0x18: {  	[tilespmem:s13], [sflag:$0x5] =	stream.linear.gather [hbm4b:s12+s2], $0x1400, $0x38;
	[tilespmem:$0x1E800] =	vst v63  }
0x19: {  	_ =	swait.ge [sflag:s11], $0x1400  }
0x1a: {  	[sflag:s11] =	ssyncset.done $0x0  }
0x1b: {  	[sflag:s11] =	ssyncadd.s32 $0xFFFFEC00  }
0x1c: {  	_ =	swait.ge [sflag:s14], $0x2800  }
0x1d: {  	[sflag:s14] =	ssyncset.done $0x0  }
0x1e: {  	[sflag:s14] =	ssyncadd.s32 $0xFFFFD800  }
0x1f: {  	p2 =	por $0x1, $0x1;
	p3 =	por $0x0, $0x0;
	[bflag:$0x0] =	sbarrier.arrive $0xFFFF  }
.LBB2_2:
0x20: {  	s28 =	simm.s32 @p3 $0x0;
	s29 =	simm.s32 @p3 $0x5  }
0x21: {  	[tilespmem:s28], [sflag:$0x5] =	stream.linear.gather @p3 [hbm4b:s15+s28], $0x1400, $0x38;
	[tilespmem:$0x1E800] =	vst v63  }
0x22: {  	_ =	swait.ge @p3 [sflag:s29], $0x1400  }
0x23: {  	[sflag:s29] =	ssyncset.done @p3 $0x0  }
0x24: {  	s30 =	simm.s32 @p3 $0x1400;
	[sflag:s29] =	ssyncadd.s32 @p3 $0xFFFFEC00  }
0x25: {  	[tilespmem:s30], [sflag:$0x5] =	stream.linear.gather @p3 [hbm4b:s16+s28], $0x1400, $0x38;
	[tilespmem:$0x1E800] =	vst v63  }
0x26: {  	_ =	swait.ge @p3 [sflag:s29], $0x1400  }
0x27: {  	[sflag:s29] =	ssyncset.done @p3 $0x0  }
0x28: {  	s28 =	simm.s32 $0x0;
	[sflag:s29] =	ssyncadd.s32 @p3 $0xFFFFEC00  }
0x29: {  	[tilespmem:s18], [sflag:$0x1] =	stream.indirect.gather [hbm4b:s4+s17], $0x80, s28, s17, $0xb8;
	[tilespmem:$0x1E800] =	vst v63  }
0x2a: {  	s28 =	simm.s32 $0x80  }
0x2b: {  	[tilespmem:s19], [sflag:$0x2] =	stream.indirect.gather [hbm4b:s4+s17], $0x80, s28, s17, $0xb8;
	[tilespmem:$0x1E800] =	vst v63  }
0x2c: {  	_ =	swait.ge [sflag:s14], $0x4000  }
0x2d: {  	[sflag:s14] =	ssyncset.done $0x0  }
0x2e: {  	s28 =	simm.s32 $0x1400;
	[sflag:s14] =	ssyncadd.s32 $0xFFFFC000  }
0x2f: {  	[spmem:s1] =	stream.indirect.scatter.add.f32 [tilespmem:s18], [sflag:$0x3], $0x80, s28, s17, $0xb8;
	[tilespmem:$0x1E800] =	vst v63  }
0x30: {  	_ =	swait.ge [sflag:s20], $0x4000  }
0x31: {  	[sflag:s20] =	ssyncset.done $0x0  }
0x32: {  	s28 =	simm.s32 $0x100;
	[sflag:s20] =	ssyncadd.s32 $0xFFFFC000  }
0x33: {  	[tilespmem:s18], [sflag:$0x1] =	stream.indirect.gather [hbm4b:s4+s17], $0x80, s28, s17, $0xb8;
	[tilespmem:$0x1E800] =	vst v63  }
0x34: {  	_ =	swait.ge [sflag:s21], $0x4000  }
0x35: {  	[sflag:s21] =	ssyncset.done $0x0  }
0x36: {  	s28 =	simm.s32 $0x1480;
	[sflag:s21] =	ssyncadd.s32 $0xFFFFC000  }
0x37: {  	[spmem:s1] =	stream.indirect.scatter.add.f32 [tilespmem:s19], [sflag:$0x4], $0x80, s28, s17, $0xb8;
	[tilespmem:$0x1E800] =	vst v63  }
0x38: {  	_ =	swait.ge [sflag:s22], $0x4000  }
0x39: {  	[sflag:s22] =	ssyncset.done $0x0  }
0x3a: {  	s28 =	simm.s32 $0x180;
	[sflag:s22] =	ssyncadd.s32 $0xFFFFC000  }
0x3b: {  	[tilespmem:s19], [sflag:$0x2] =	stream.indirect.gather [hbm4b:s4+s17], $0x80, s28, s17, $0xb8;
	[tilespmem:$0x1E800] =	vst v63  }
0x3c: {  	_ =	swait.ge [sflag:s14], $0x4000  }
0x3d: {  	[sflag:s14] =	ssyncset.done $0x0  }
0x3e: {  	s28 =	simm.s32 $0x1500;
	[sflag:s14] =	ssyncadd.s32 $0xFFFFC000  }
0x3f: {  	[spmem:s1] =	stream.indirect.scatter.add.f32 [tilespmem:s18], [sflag:$0x3], $0x80, s28, s17, $0xb8;
	[tilespmem:$0x1E800] =	vst v63  }
0x40: {  	_ =	swait.ge [sflag:s20], $0x4000  }
0x41: {  	[sflag:s20] =	ssyncset.done $0x0  }
0x42: {  	s28 =	simm.s32 $0x200;
	[sflag:s20] =	ssyncadd.s32 $0xFFFFC000  }
0x43: {  	[tilespmem:s18], [sflag:$0x1] =	stream.indirect.gather [hbm4b:s4+s17], $0x80, s28, s17, $0xb8;
	[tilespmem:$0x1E800] =	vst v63  }
0x44: {  	_ =	swait.ge [sflag:s21], $0x4000  }
0x45: {  	[sflag:s21] =	ssyncset.done $0x0  }
0x46: {  	s28 =	simm.s32 $0x1580;
	[sflag:s21] =	ssyncadd.s32 $0xFFFFC000  }
0x47: {  	[spmem:s1] =	stream.indirect.scatter.add.f32 [tilespmem:s19], [sflag:$0x4], $0x80, s28, s17, $0xb8;
	[tilespmem:$0x1E800] =	vst v63  }
0x48: {  	_ =	swait.ge [sflag:s22], $0x4000  }
0x49: {  	[sflag:s22] =	ssyncset.done $0x0  }
0x4a: {  	s28 =	simm.s32 $0x280;
	[sflag:s22] =	ssyncadd.s32 $0xFFFFC000  }
0x4b: {  	[tilespmem:s19], [sflag:$0x2] =	stream.indirect.gather [hbm4b:s4+s17], $0x80, s28, s17, $0xb8;
	[tilespmem:$0x1E800] =	vst v63  }
0x4c: {  	_ =	swait.ge [sflag:s14], $0x4000  }
0x4d: {  	[sflag:s14] =	ssyncset.done $0x0  }
0x4e: {  	s28 =	simm.s32 $0x1600;
	[sflag:s14] =	ssyncadd.s32 $0xFFFFC000  }
0x4f: {  	[spmem:s1] =	stream.indirect.scatter.add.f32 [tilespmem:s18], [sflag:$0x3], $0x80, s28, s17, $0xb8;
	[tilespmem:$0x1E800] =	vst v63  }
0x50: {  	_ =	swait.ge [sflag:s20], $0x4000  }
0x51: {  	[sflag:s20] =	ssyncset.done $0x0  }
0x52: {  	s28 =	simm.s32 $0x300;
	[sflag:s20] =	ssyncadd.s32 $0xFFFFC000  }
0x53: {  	[tilespmem:s18], [sflag:$0x1] =	stream.indirect.gather [hbm4b:s4+s17], $0x80, s28, s17, $0xb8;
	[tilespmem:$0x1E800] =	vst v63  }
0x54: {  	_ =	swait.ge [sflag:s21], $0x4000  }
0x55: {  	[sflag:s21] =	ssyncset.done $0x0  }
0x56: {  	s28 =	simm.s32 $0x1680;
	[sflag:s21] =	ssyncadd.s32 $0xFFFFC000  }
0x57: {  	[spmem:s1] =	stream.indirect.scatter.add.f32 [tilespmem:s19], [sflag:$0x4], $0x80, s28, s17, $0xb8;
	[tilespmem:$0x1E800] =	vst v63  }
0x58: {  	_ =	swait.ge [sflag:s22], $0x4000  }
0x59: {  	[sflag:s22] =	ssyncset.done $0x0  }
0x5a: {  	s28 =	simm.s32 $0x380;
	[sflag:s22] =	ssyncadd.s32 $0xFFFFC000  }
0x5b: {  	[tilespmem:s19], [sflag:$0x2] =	stream.indirect.gather [hbm4b:s4+s17], $0x80, s28, s17, $0xb8;
	[tilespmem:$0x1E800] =	vst v63  }
0x5c: {  	_ =	swait.ge [sflag:s14], $0x4000  }
0x5d: {  	[sflag:s14] =	ssyncset.done $0x0  }
0x5e: {  	s28 =	simm.s32 $0x1700;
	[sflag:s14] =	ssyncadd.s32 $0xFFFFC000  }
0x5f: {  	[spmem:s1] =	stream.indirect.scatter.add.f32 [tilespmem:s18], [sflag:$0x3], $0x80, s28, s17, $0xb8;
	[tilespmem:$0x1E800] =	vst v63  }
0x60: {  	_ =	swait.ge [sflag:s20], $0x4000  }
0x61: {  	[sflag:s20] =	ssyncset.done $0x0  }
0x62: {  	[sflag:s20] =	ssyncadd.s32 $0xFFFFC000  }
0x63: {  	_ =	swait.ge [sflag:s21], $0x4000  }
0x64: {  	[sflag:s21] =	ssyncset.done $0x0  }
0x65: {  	s28 =	simm.s32 $0x1780;
	[sflag:s21] =	ssyncadd.s32 $0xFFFFC000  }
0x66: {  	[spmem:s1] =	stream.indirect.scatter.add.f32 [tilespmem:s19], [sflag:$0x4], $0x80, s28, s17, $0xb8;
	[tilespmem:$0x1E800] =	vst v63  }
0x67: {  	p1 =	por p2, p2;
	_ =	swait.ge [sflag:s22], $0x4000  }
0x68: {  	s31 =	simm.s32 $0x2000;
	s28 =	simm.s32 $0x1000;
	[sflag:s22] =	ssyncset.done $0x0  }
.LBB2_3:
0x69: {  	s30 =	sshra.s32 s28, $0x2  }
0x6a: {  	[sflag:s22] =	ssyncadd.s32 $0xFFFFC000;
	s28 =	smov.u32 s31;
	s29 =	sadd.s32 $0x1000, s31  }
0x6b: {  	[tilespmem:s18], [sflag:$0x1] =	stream.indirect.gather [hbm4b:s4+s17], $0x80, s30, s17, $0xb8;
	[tilespmem:$0x1E800] =	vst v63  }
0x6c: {  	p2 =	sne.s32 s31, $0x4000;
	s31 =	sadd.s32 $0x80, s30  }
0x6d: {  	[tilespmem:s19], [sflag:$0x2] =	stream.indirect.gather [hbm4b:s4+s17], $0x80, s31, s17, $0xb8;
	[tilespmem:$0x1E800] =	vst v63  }
0x6e: {  	_ =	swait.ge [sflag:s14], $0x4000  }
0x6f: {  	[sflag:s14] =	ssyncset.done $0x0  }
0x70: {  	s31 =	sadd.s32 $0x1400, s30;
	[sflag:s14] =	ssyncadd.s32 $0xFFFFC000  }
0x71: {  	[spmem:s1] =	stream.indirect.scatter.add.f32 [tilespmem:s18], [sflag:$0x3], $0x80, s31, s17, $0xb8;
	[tilespmem:$0x1E800] =	vst v63  }
0x72: {  	_ =	swait.ge [sflag:s20], $0x4000  }
0x73: {  	[sflag:s20] =	ssyncset.done $0x0  }
0x74: {  	s31 =	sadd.s32 $0x100, s30;
	[sflag:s20] =	ssyncadd.s32 $0xFFFFC000  }
0x75: {  	[tilespmem:s18], [sflag:$0x1] =	stream.indirect.gather [hbm4b:s4+s17], $0x80, s31, s17, $0xb8;
	[tilespmem:$0x1E800] =	vst v63  }
0x76: {  	_ =	swait.ge [sflag:s21], $0x4000  }
0x77: {  	[sflag:s21] =	ssyncset.done $0x0  }
0x78: {  	s31 =	sadd.s32 $0x1480, s30;
	[sflag:s21] =	ssyncadd.s32 $0xFFFFC000  }
0x79: {  	[spmem:s1] =	stream.indirect.scatter.add.f32 [tilespmem:s19], [sflag:$0x4], $0x80, s31, s17, $0xb8;
	[tilespmem:$0x1E800] =	vst v63  }
0x7a: {  	_ =	swait.ge [sflag:s22], $0x4000  }
0x7b: {  	[sflag:s22] =	ssyncset.done $0x0  }
0x7c: {  	s31 =	sadd.s32 $0x180, s30;
	[sflag:s22] =	ssyncadd.s32 $0xFFFFC000  }
0x7d: {  	[tilespmem:s19], [sflag:$0x2] =	stream.indirect.gather [hbm4b:s4+s17], $0x80, s31, s17, $0xb8;
	[tilespmem:$0x1E800] =	vst v63  }
0x7e: {  	_ =	swait.ge [sflag:s14], $0x4000  }
0x7f: {  	[sflag:s14] =	ssyncset.done $0x0  }
0x80: {  	s31 =	sadd.s32 $0x1500, s30;
	[sflag:s14] =	ssyncadd.s32 $0xFFFFC000  }
0x81: {  	[spmem:s1] =	stream.indirect.scatter.add.f32 [tilespmem:s18], [sflag:$0x3], $0x80, s31, s17, $0xb8;
	[tilespmem:$0x1E800] =	vst v63  }
0x82: {  	_ =	swait.ge [sflag:s20], $0x4000  }
0x83: {  	[sflag:s20] =	ssyncset.done $0x0  }
0x84: {  	s31 =	sadd.s32 $0x200, s30;
	[sflag:s20] =	ssyncadd.s32 $0xFFFFC000  }
0x85: {  	[tilespmem:s18], [sflag:$0x1] =	stream.indirect.gather [hbm4b:s4+s17], $0x80, s31, s17, $0xb8;
	[tilespmem:$0x1E800] =	vst v63  }
0x86: {  	_ =	swait.ge [sflag:s21], $0x4000  }
0x87: {  	[sflag:s21] =	ssyncset.done $0x0  }
0x88: {  	s31 =	sadd.s32 $0x1580, s30;
	[sflag:s21] =	ssyncadd.s32 $0xFFFFC000  }
0x89: {  	[spmem:s1] =	stream.indirect.scatter.add.f32 [tilespmem:s19], [sflag:$0x4], $0x80, s31, s17, $0xb8;
	[tilespmem:$0x1E800] =	vst v63  }
0x8a: {  	_ =	swait.ge [sflag:s22], $0x4000  }
0x8b: {  	[sflag:s22] =	ssyncset.done $0x0  }
0x8c: {  	s31 =	sadd.s32 $0x280, s30;
	[sflag:s22] =	ssyncadd.s32 $0xFFFFC000  }
0x8d: {  	[tilespmem:s19], [sflag:$0x2] =	stream.indirect.gather [hbm4b:s4+s17], $0x80, s31, s17, $0xb8;
	[tilespmem:$0x1E800] =	vst v63  }
0x8e: {  	_ =	swait.ge [sflag:s14], $0x4000  }
0x8f: {  	[sflag:s14] =	ssyncset.done $0x0  }
0x90: {  	s31 =	sadd.s32 $0x1600, s30;
	[sflag:s14] =	ssyncadd.s32 $0xFFFFC000  }
0x91: {  	[spmem:s1] =	stream.indirect.scatter.add.f32 [tilespmem:s18], [sflag:$0x3], $0x80, s31, s17, $0xb8;
	[tilespmem:$0x1E800] =	vst v63  }
0x92: {  	_ =	swait.ge [sflag:s20], $0x4000  }
0x93: {  	[sflag:s20] =	ssyncset.done $0x0  }
0x94: {  	s31 =	sadd.s32 $0x300, s30;
	[sflag:s20] =	ssyncadd.s32 $0xFFFFC000  }
0x95: {  	[tilespmem:s18], [sflag:$0x1] =	stream.indirect.gather [hbm4b:s4+s17], $0x80, s31, s17, $0xb8;
	[tilespmem:$0x1E800] =	vst v63  }
0x96: {  	_ =	swait.ge [sflag:s21], $0x4000  }
0x97: {  	[sflag:s21] =	ssyncset.done $0x0  }
0x98: {  	s31 =	sadd.s32 $0x1680, s30;
	[sflag:s21] =	ssyncadd.s32 $0xFFFFC000  }
0x99: {  	[spmem:s1] =	stream.indirect.scatter.add.f32 [tilespmem:s19], [sflag:$0x4], $0x80, s31, s17, $0xb8;
	[tilespmem:$0x1E800] =	vst v63  }
0x9a: {  	_ =	swait.ge [sflag:s22], $0x4000  }
0x9b: {  	[sflag:s22] =	ssyncset.done $0x0  }
0x9c: {  	s31 =	sadd.s32 $0x380, s30;
	[sflag:s22] =	ssyncadd.s32 $0xFFFFC000  }
0x9d: {  	[tilespmem:s19], [sflag:$0x2] =	stream.indirect.gather [hbm4b:s4+s17], $0x80, s31, s17, $0xb8;
	[tilespmem:$0x1E800] =	vst v63  }
0x9e: {  	_ =	swait.ge [sflag:s14], $0x4000  }
0x9f: {  	[sflag:s14] =	ssyncset.done $0x0  }
0xa0: {  	s31 =	sadd.s32 $0x1700, s30;
	[sflag:s14] =	ssyncadd.s32 $0xFFFFC000  }
0xa1: {  	[spmem:s1] =	stream.indirect.scatter.add.f32 [tilespmem:s18], [sflag:$0x3], $0x80, s31, s17, $0xb8;
	[tilespmem:$0x1E800] =	vst v63  }
0xa2: {  	_ =	swait.ge [sflag:s20], $0x4000  }
0xa3: {  	[sflag:s20] =	ssyncset.done $0x0  }
0xa4: {  	[sflag:s20] =	ssyncadd.s32 $0xFFFFC000  }
0xa5: {  	_ =	swait.ge [sflag:s21], $0x4000  }
.Ltmp0:
0xa6: {  	[sflag:s21] =	ssyncset.done $0x0;
	(pc) =	sbr.rel @p2 .LBB2_3-.Ltmp0, $4  }
0xa7: {  	s30 =	sadd.s32 $0x1780, s30;
	[sflag:s21] =	ssyncadd.s32 $0xFFFFC000  }
0xa8: {  	[spmem:s1] =	stream.indirect.scatter.add.f32 [tilespmem:s19], [sflag:$0x4], $0x80, s30, s17, $0xb8;
	[tilespmem:$0x1E800] =	vst v63  }
0xa9: {  	_ =	swait.ge [sflag:s22], $0x4000  }
0xaa: {  	s31 =	smov.u32 s29;
	[sflag:s22] =	ssyncset.done $0x0  }
0xab: {  	s28 =	sshra.s32 s28, $0x2;
	[sflag:s22] =	ssyncadd.s32 $0xFFFFC000  }
0xac: {  	[tilespmem:s18], [sflag:$0x1] =	stream.indirect.gather [hbm4b:s4+s17], $0x80, s28, s17, $0xb8;
	[tilespmem:$0x1E800] =	vst v63  }
0xad: {  	s29 =	sadd.s32 $0x80, s28  }
0xae: {  	[tilespmem:s19], [sflag:$0x2] =	stream.indirect.gather [hbm4b:s4+s17], $0x80, s29, s17, $0xb8;
	[tilespmem:$0x1E800] =	vst v63  }
0xaf: {  	_ =	swait.ge [sflag:s14], $0x4000  }
0xb0: {  	[sflag:s14] =	ssyncset.done $0x0  }
0xb1: {  	s31 =	sadd.s32 $0x1400, s28;
	[sflag:s14] =	ssyncadd.s32 $0xFFFFC000  }
0xb2: {  	[spmem:s1] =	stream.indirect.scatter.add.f32 [tilespmem:s18], [sflag:$0x3], $0x80, s31, s17, $0xb8;
	[tilespmem:$0x1E800] =	vst v63  }
0xb3: {  	_ =	swait.ge [sflag:s20], $0x4000  }
0xb4: {  	[sflag:s20] =	ssyncset.done $0x0  }
0xb5: {  	s30 =	sadd.s32 $0x100, s28;
	[sflag:s20] =	ssyncadd.s32 $0xFFFFC000  }
0xb6: {  	[tilespmem:s18], [sflag:$0x1] =	stream.indirect.gather [hbm4b:s4+s17], $0x80, s30, s17, $0xb8;
	[tilespmem:$0x1E800] =	vst v63  }
0xb7: {  	_ =	swait.ge [sflag:s21], $0x4000  }
0xb8: {  	[sflag:s21] =	ssyncset.done $0x0  }
0xb9: {  	s31 =	sadd.s32 $0x1480, s28;
	[sflag:s21] =	ssyncadd.s32 $0xFFFFC000  }
0xba: {  	[spmem:s1] =	stream.indirect.scatter.add.f32 [tilespmem:s19], [sflag:$0x4], $0x80, s31, s17, $0xb8;
	[tilespmem:$0x1E800] =	vst v63  }
0xbb: {  	_ =	swait.ge [sflag:s22], $0x4000  }
0xbc: {  	[sflag:s22] =	ssyncset.done $0x0  }
0xbd: {  	s30 =	sadd.s32 $0x180, s28;
	[sflag:s22] =	ssyncadd.s32 $0xFFFFC000  }
0xbe: {  	[tilespmem:s19], [sflag:$0x2] =	stream.indirect.gather [hbm4b:s4+s17], $0x80, s30, s17, $0xb8;
	[tilespmem:$0x1E800] =	vst v63  }
0xbf: {  	_ =	swait.ge [sflag:s14], $0x4000  }
0xc0: {  	[sflag:s14] =	ssyncset.done $0x0  }
0xc1: {  	s31 =	sadd.s32 $0x1500, s28;
	[sflag:s14] =	ssyncadd.s32 $0xFFFFC000  }
0xc2: {  	[spmem:s1] =	stream.indirect.scatter.add.f32 [tilespmem:s18], [sflag:$0x3], $0x80, s31, s17, $0xb8;
	[tilespmem:$0x1E800] =	vst v63  }
0xc3: {  	_ =	swait.ge [sflag:s20], $0x4000  }
0xc4: {  	[sflag:s20] =	ssyncset.done $0x0  }
0xc5: {  	s30 =	sadd.s32 $0x200, s28;
	[sflag:s20] =	ssyncadd.s32 $0xFFFFC000  }
0xc6: {  	[tilespmem:s18], [sflag:$0x1] =	stream.indirect.gather [hbm4b:s4+s17], $0x80, s30, s17, $0xb8;
	[tilespmem:$0x1E800] =	vst v63  }
0xc7: {  	_ =	swait.ge [sflag:s21], $0x4000  }
0xc8: {  	[sflag:s21] =	ssyncset.done $0x0  }
0xc9: {  	s31 =	sadd.s32 $0x1580, s28;
	[sflag:s21] =	ssyncadd.s32 $0xFFFFC000  }
0xca: {  	[spmem:s1] =	stream.indirect.scatter.add.f32 [tilespmem:s19], [sflag:$0x4], $0x80, s31, s17, $0xb8;
	[tilespmem:$0x1E800] =	vst v63  }
0xcb: {  	_ =	swait.ge [sflag:s22], $0x4000  }
0xcc: {  	[sflag:s22] =	ssyncset.done $0x0  }
0xcd: {  	s30 =	sadd.s32 $0x280, s28;
	[sflag:s22] =	ssyncadd.s32 $0xFFFFC000  }
0xce: {  	[tilespmem:s19], [sflag:$0x2] =	stream.indirect.gather [hbm4b:s4+s17], $0x80, s30, s17, $0xb8;
	[tilespmem:$0x1E800] =	vst v63  }
0xcf: {  	_ =	swait.ge [sflag:s14], $0x4000  }
0xd0: {  	[sflag:s14] =	ssyncset.done $0x0  }
0xd1: {  	s31 =	sadd.s32 $0x1600, s28;
	[sflag:s14] =	ssyncadd.s32 $0xFFFFC000  }
0xd2: {  	[spmem:s1] =	stream.indirect.scatter.add.f32 [tilespmem:s18], [sflag:$0x3], $0x80, s31, s17, $0xb8;
	[tilespmem:$0x1E800] =	vst v63  }
0xd3: {  	_ =	swait.ge [sflag:s20], $0x4000  }
0xd4: {  	[sflag:s20] =	ssyncset.done $0x0  }
0xd5: {  	s30 =	sadd.s32 $0x300, s28;
	[sflag:s20] =	ssyncadd.s32 $0xFFFFC000  }
0xd6: {  	[tilespmem:s18], [sflag:$0x1] =	stream.indirect.gather [hbm4b:s4+s17], $0x80, s30, s17, $0xb8;
	[tilespmem:$0x1E800] =	vst v63  }
0xd7: {  	_ =	swait.ge [sflag:s21], $0x4000  }
0xd8: {  	[sflag:s21] =	ssyncset.done $0x0  }
0xd9: {  	s31 =	sadd.s32 $0x1680, s28;
	[sflag:s21] =	ssyncadd.s32 $0xFFFFC000  }
0xda: {  	[spmem:s1] =	stream.indirect.scatter.add.f32 [tilespmem:s19], [sflag:$0x4], $0x80, s31, s17, $0xb8;
	[tilespmem:$0x1E800] =	vst v63  }
0xdb: {  	_ =	swait.ge [sflag:s22], $0x4000  }
0xdc: {  	[sflag:s22] =	ssyncset.done $0x0  }
0xdd: {  	s30 =	sadd.s32 $0x380, s28;
	[sflag:s22] =	ssyncadd.s32 $0xFFFFC000  }
0xde: {  	[tilespmem:s19], [sflag:$0x2] =	stream.indirect.gather [hbm4b:s4+s17], $0x80, s30, s17, $0xb8;
	[tilespmem:$0x1E800] =	vst v63  }
0xdf: {  	_ =	swait.ge [sflag:s14], $0x4000  }
0xe0: {  	[sflag:s14] =	ssyncset.done $0x0  }
0xe1: {  	s31 =	sadd.s32 $0x1700, s28;
	[sflag:s14] =	ssyncadd.s32 $0xFFFFC000  }
0xe2: {  	[spmem:s1] =	stream.indirect.scatter.add.f32 [tilespmem:s18], [sflag:$0x3], $0x80, s31, s17, $0xb8;
	[tilespmem:$0x1E800] =	vst v63  }
0xe3: {  	_ =	swait.ge [sflag:s20], $0x4000  }
0xe4: {  	[sflag:s20] =	ssyncset.done $0x0  }
0xe5: {  	[sflag:s20] =	ssyncadd.s32 $0xFFFFC000  }
0xe6: {  	_ =	swait.ge [sflag:s21], $0x4000  }
0xe7: {  	[sflag:s21] =	ssyncset.done $0x0  }
.Ltmp1:
0xe8: {  	s28 =	sadd.s32 $0x1780, s28;
	[sflag:s21] =	ssyncadd.s32 $0xFFFFC000;
	(pc) =	sbr.rel @p1 .LBB2_2-.Ltmp1, $4  }
0xe9: {  	[spmem:s1] =	stream.indirect.scatter.add.f32 [tilespmem:s19], [sflag:$0x4], $0x80, s28, s17, $0xb8;
	[tilespmem:$0x1E800] =	vst v63  }
0xea: {  	_ =	swait.ge [sflag:s22], $0x4000  }
0xeb: {  	[sflag:s22] =	ssyncset.done $0x0  }
0xec: {  	p2 =	por $0x0, $0x0;
	p3 =	por $0x1, $0x1;
	[sflag:s22] =	ssyncadd.s32 $0xFFFFC000  }
0xed: {  	[bflag:$0x0] =	sbarrier.arrive $0xFFFF;
	s28 =	sadd.s32 @p0 $0x24900, s7;
	s29 =	simm.s32 @p0 $0x1FC5  }
0xee: {  	[hbm:s28], [sflag:s29] =	dma.local @p0 [spmem:s23], $0x2800  }
0xef: {  	s28 =	simm.s32 @p0 $0x5  }
0xf0: {  	_ =	swait.ge @p0 [sflag:s28], $0x2800  }
0xf1: {  	s26 =	sadd.s32 $0x1, s26;
	s29 =	sshll.u32 @!p0 s3, $0x6;
	[sflag:s28] =	ssyncset.done @p0 $0x0  }
0xf2: {  	p1 =	sne.s32 s26, s8;
	[sflag:s28] =	ssyncadd.s32 @p0 $0xFFFFD800;
	s28 =	sor.u32 @!p0 $0x1C05, s29  }
0xf3: {  	[hbm:s24], [sflag:s28] =	dma.local @!p0 [spmem:s25], $0x2700  }
.Ltmp2:
0xf4: {  	_ = 	snop;
	(pc) =	sbr.rel @p1 .LBB2_1-.Ltmp2, $4  }
0xf5: {  	s28 =	simm.s32 @!p0 $0x5  }
0xf6: {  	_ =	swait.ge @!p0 [sflag:s28], $0x2700  }
0xf7: {  	[sflag:s28] =	ssyncset.done @!p0 $0x0  }
0xf8: {  	[sflag:s28] =	ssyncadd.s32 @!p0 $0xFFFFD900  }
0xf9: {  	_ =	sfence.sel $0x180000  }
0xfa: {  	[bflag:$0x0] =	sbarrier.arrive $0xFFFF  }
0xfb: {  	p0 =	sne.s32 s3, $0x0;
	_ =	strace $0x9000004A  }
0xfc: {  	s0 =	sadd.s32 @!p0 $0x100000, s0;
	[bflag:$0x2] =	sbarrier.arrive $0xFFFF  }
0xfd: {  	[sflag:s0] =	ssyncadd.tile.s32 @!p0 $0x1;
	_ =	shalt  }
.Lfunc_end2:
_tile_overlayer_lowered:
.L_overlay_start_2:
0xfe: {  	(tag) =	ssettag $0x2  }
0xff: {  	s0 =	rddreg [dreg:$0x0];
	s2 =	stileid.u32  }
0x100: {  	s1 =	rddreg [dreg:$0x1];
	p0 =	sne.s32 s2, $0x0  }
0x101: {  	s3 =	rddreg [dreg:$0x2];
	[bflag:$0x3] =	sbarrier.arrive $0xFFFF;
	s2 =	simm.s32 @!p0 $0x1C05  }
0x102: {  	[timem:s3], [sflag:s2] =	dma.local @!p0 [hbm:s0], s1  }
0x103: {  	s0 =	simm.s32 @!p0 $0x5  }
0x104: {  	_ =	swait.ge @!p0 [sflag:s0], s1  }
0x105: {  	s1 =	ssub.s32 @!p0 $0x0, s1;
	[sflag:s0] =	ssyncset.done @!p0 $0x0  }
0x106: {  	[sflag:s0] =	ssyncadd.s32 @!p0 s1  }
0x107: {  	[bflag:$0x3] =	sbarrier.arrive $0xFFFF  }
0x108: {  	_ =	shalt  }

// kernel: kernel.19.cloned.1.call-start
scs
__scs_entry_jumppad:
0x0: {  	(pc) =	sbr.rel $0x88, $3  }
0x1: {  	(tag) =	ssettag $0x0;
	lr =	simm.s32 $0x1  }
0x2: {  	[smem:$0x3F95] =	sst lr;
	_ =	strace $0xD0000000  }
0x3: {  	_ = 	snop  }
0x4: {  	_ = 	snop  }
0x5: {  	_ = 	snop  }
0x6: {  	_ = 	snop  }
0x7: {  	_ = 	snop  }
__scs_overlays_trampoline_lowered:
0x8: {  	[smem:$0x3FA4] =	sst s0  }
0x9: {  	[smem:$0x3FA5] =	sst s1  }
0xa: {  	[smem:$0x3FA6] =	sst s2  }
0xb: {  	[smem:$0x3FA7] =	sst s3  }
0xc: {  	[smem:$0x3FA8] =	sst s4  }
0xd: {  	[smem:$0x3FA9] =	sst s5  }
0xe: {  	[smem:$0x3FAA] =	sst s6  }
0xf: {  	[smem:$0x3FAB] =	sst s7  }
0x10: {  	[smem:$0x3FAC] =	sst s8  }
0x11: {  	[smem:$0x3FAD] =	sst s9;
	s0 =	simm.s32 @!p0 $0x0  }
0x12: {  	s1 =	sld [smem:$0x3F93];
	s0 =	simm.s32 @p0 $0x1  }
0x13: {  	[smem:$0x3FAE] =	sst s0;
	s0 =	simm.s32 @!p1 $0x0  }
0x14: {  	s2 =	sld [smem:$0x3F92];
	s0 =	simm.s32 @p1 $0x1  }
0x15: {  	[smem:$0x3FAF] =	sst s0;
	s0 =	simm.s32 @!p2 $0x0  }
0x16: {  	s3 =	sld [smem:$0x3FDB];
	s0 =	simm.s32 @p2 $0x1  }
0x17: {  	s4 =	simm.s32 $0x1BF5;
	[smem:$0x3FB1] =	sst s0  }
0x18: {  	s0 =	sld [smem:$0x3F94];
	_ =	swait.ge [sflag:s4], $0x0  }
0x19: {  	s7 =	sld [smem:$0x3F95]  }
0x1a: {  	s8 =	sadd.s32 $0xFFFFE003, lr  }
0x1b: {  	s9 =	sadd.s32 $0xFFFFFEF7, lr;
	s5 =	simm.s32 $0xFFFFFFFF;
	p2 =	slt.u32 s8, $0xFFFFF086  }
0x1c: {  	p1 =	slt.u32 s9, $0xF7A;
	s5 =	simm.s32 @!p2 $0x0  }
0x1d: {  	s5 =	simm.s32 @p1 $0x1;
	p0 =	seq.s32 s7, s2  }
0x1e: {  	s7 =	smul.u32 @!p0 $0xF7A, s2;
	p2 =	seq.s32 @!p0 s5, $0x0  }
0x1f: {  	s9 =	smul.u32 $0xF7A, s1;
	s8 =	simm.s32 @!p0 $0x1BF5;
	p2 =	por !p2, p0  }
0x20: {  	[sflag:s8] =	ssyncset.s32 @!p0 $0xFFFFF086;
	s6 =	sadd.s32 @!p0 s3, s7;
	s7 =	simm.s32 @!p0 $0x108  }
0x21: {  	s3 =	sadd.s32 s3, s9;
	s6 =	sadd.s32 @!p0 $0x88, s6;
	s7 =	simm.s32 @p2 $0x1082  }
0x22: {  	[simem:s7], [sflag:s8] =	dma.local @!p0 [hbm:s6], $0xF7A  }
0x23: {  	s9 =	sor.u32 $0xD0000000, s2;
	s6 =	simm.s32 $0x108;
	_ =	swait.ge @!p0 [sflag:s8], $0x0  }
0x24: {  	s3 =	sadd.s32 $0x88, s3;
	s6 =	simm.s32 @!p1 $0x1082;
	[sflag:s4] =	ssyncset.s32 $0xFFFFF086  }
0x25: {  	[simem:s6], [sflag:s4] =	dma.local [hbm:s3], $0xF7A  }
0x26: {  	[smem:$0x3F95] =	sst s1;
	(tag) =	ssettag s2;
	_ =	strace s9  }
0x27: {  	s1 =	sld [smem:$0x3FA5]  }
0x28: {  	s2 =	sld [smem:$0x3FA6]  }
0x29: {  	s4 =	sld [smem:$0x3FA8]  }
0x2a: {  	p0 =	seq.s32 s5, $0x0;
	s5 =	sld [smem:$0x3FA9]  }
0x2b: {  	s6 =	sld [smem:$0x3FAA]  }
0x2c: {  	s7 =	sld [smem:$0x3FAB]  }
0x2d: {  	s3 =	simm.s32 $0x108;
	s8 =	sld [smem:$0x3FAC]  }
0x2e: {  	s3 =	simm.s32 @!p0 $0x1082;
	s9 =	sld [smem:$0x3FAD]  }
0x2f: {  	lr =	sadd.s32 s0, s3;
	s0 =	sld [smem:$0x3FA4]  }
0x30: {  	s3 =	sld [smem:$0x3FA7]  }
0x31: {  	[smem:$0x3FB0] =	sst s10  }
0x32: {  	s10 =	sld [smem:$0x3FAE];
	_ =	sdelay $0x3  }
0x33: {  	p0 =	seq.s32 s10, $0x1;
	s10 =	sld [smem:$0x3FB0];
	_ =	sdelay $0x3  }
0x34: {  	[smem:$0x3FB0] =	sst s10  }
0x35: {  	s10 =	sld [smem:$0x3FAF];
	_ =	sdelay $0x3  }
0x36: {  	p1 =	seq.s32 s10, $0x1;
	s10 =	sld [smem:$0x3FB0];
	_ =	sdelay $0x3  }
0x37: {  	[smem:$0x3FB0] =	sst s10  }
0x38: {  	s10 =	sld [smem:$0x3FB1]  }
0x39: {  	_ = 	snop;
	(pc) =	sbr.ind lr, $3  }
0x3a: {  	_ = 	snop  }
0x3b: {  	_ = 	snop  }
0x3c: {  	p2 =	seq.s32 s10, $0x1;
	s10 =	sld [smem:$0x3FB0]  }
0x3d: {  	_ =	shalt  }
0x3e: {  	_ =	shalt  }
0x3f: {  	_ =	shalt  }
0x40: {  	_ =	shalt  }
0x41: {  	_ =	shalt  }
0x42: {  	_ =	shalt  }
0x43: {  	_ =	shalt  }
0x44: {  	_ =	shalt  }
0x45: {  	_ =	shalt  }
0x46: {  	_ =	shalt  }
0x47: {  	_ =	shalt  }
0x48: {  	_ =	shalt  }
0x49: {  	_ =	shalt  }
0x4a: {  	_ =	shalt  }
0x4b: {  	_ =	shalt  }
0x4c: {  	_ =	shalt  }
0x4d: {  	_ =	shalt  }
0x4e: {  	_ =	shalt  }
0x4f: {  	_ =	shalt  }
0x50: {  	_ =	shalt  }
0x51: {  	_ =	shalt  }
0x52: {  	_ =	shalt  }
0x53: {  	_ =	shalt  }
0x54: {  	_ =	shalt  }
0x55: {  	_ =	shalt  }
0x56: {  	_ =	shalt  }
0x57: {  	_ =	shalt  }
0x58: {  	_ =	shalt  }
0x59: {  	_ =	shalt  }
0x5a: {  	_ =	shalt  }
0x5b: {  	_ =	shalt  }
0x5c: {  	_ =	shalt  }
0x5d: {  	_ =	shalt  }
0x5e: {  	_ =	shalt  }
0x5f: {  	_ =	shalt  }
0x60: {  	_ =	shalt  }
0x61: {  	_ =	shalt  }
0x62: {  	_ =	shalt  }
0x63: {  	_ =	shalt  }
0x64: {  	_ =	shalt  }
0x65: {  	_ =	shalt  }
0x66: {  	_ =	shalt  }
0x67: {  	_ =	shalt  }
0x68: {  	_ =	shalt  }
0x69: {  	_ =	shalt  }
0x6a: {  	_ =	shalt  }
0x6b: {  	_ =	shalt  }
0x6c: {  	_ =	shalt  }
0x6d: {  	_ =	shalt  }
0x6e: {  	_ =	shalt  }
0x6f: {  	_ =	shalt  }
0x70: {  	_ =	shalt  }
0x71: {  	_ =	shalt  }
0x72: {  	_ =	shalt  }
0x73: {  	_ =	shalt  }
0x74: {  	_ =	shalt  }
0x75: {  	_ =	shalt  }
0x76: {  	_ =	shalt  }
0x77: {  	_ =	shalt  }
0x78: {  	_ =	shalt  }
0x79: {  	_ =	shalt  }
0x7a: {  	_ =	shalt  }
0x7b: {  	_ =	shalt  }
0x7c: {  	_ =	shalt  }
0x7d: {  	_ =	shalt  }
0x7e: {  	_ =	shalt  }
0x7f: {  	_ =	shalt  }
0x80: {  	_ =	shalt  }
0x81: {  	_ =	shalt  }
0x82: {  	_ =	shalt  }
0x83: {  	_ =	shalt  }
0x84: {  	_ =	shalt  }
0x85: {  	_ =	shalt  }
0x86: {  	_ =	shalt  }
0x87: {  	_ =	shalt  }
.Lfunc_end0:
.L_simem_size_0:
called_computation.2_lowered:
.L_overlay_start_0:
0x88: {  	s2 =	sld [smem:$0x3FD9]  }
0x89: {  	s3 =	sld [smem:$0x3FFE];
	_ =	sdelay $0x1  }
0x8a: {  	s1 =	srdreg.scid  }
0x8b: {  	s0 =	sand.u32 $0x1, s1  }
0x8c: {  	s16 =	sshll.u32 s0, $0xA;
	s2 =	sadd.s32 s3, s2  }
0x8d: {  	s2 =	sadd.s32 s2, s16  }
0x8e: {  	[smem:$0x3FBC] =	sst s2  }
0x8f: {  	_ = 	snop  }
0x90: {  	(tm) =	ssettm $0x1  }
0x91: {  	s17 =	sld [smem:$0x3FFB];
	_ =	sdelay $0x3  }
0x92: {  	_ =	strace s17  }
0x93: {  	s2 =	sld [smem:$0x3FFC];
	_ =	sdelay $0x3  }
0x94: {  	_ =	strace s2  }
0x95: {  	s2 =	sld [smem:$0x3FFD];
	_ =	sdelay $0x3  }
0x96: {  	_ =	strace s2  }
0x97: {  	_ =	strace $0x8FFFFFFF  }
0x98: {  	s18 =	sld [smem:$0x3FDB];
	_ =	sdelay $0x1  }
0x99: {  	s19 =	simm.s32 $_scs_section_size  }
0x9a: {  	s4 =	simm.s32 $_size__tile_overlayer_lowered;
	s5 =	simm.s32 $_tile_overlayer_lowered  }
0x9b: {  	s22 =	simm.s32 $0x1BFF;
	s21 =	sshll.u32 s5, $0x1;
	s2 =	sadd.s32 s19, s18  }
0x9c: {  	s6 =	simm.s32 $0x0;
	s20 =	sshll.u32 s4, $0x1;
	s4 =	sadd.s32 s21, s2  }
0x9d: {  	[timem:s6], [sflag:s22] =	dma.local [hbm:s4], s20  }
0x9e: {  	_ =	swait.ge [sflag:s22], s20  }
0x9f: {  	s3 =	ssub.s32 $0x0, s20;
	[sflag:s22] =	ssyncset.done $0x0  }
0xa0: {  	[sflag:s22] =	ssyncadd.s32 s3;
	_ =	sdelay $0x1  }
0xa1: {  	s23 =	simm.s32 $0x1B8B  }
0xa2: {  	_ =	swait.ge [sflag:s23], $0x1  }
0xa3: {  	[sflag:s23] =	ssyncset.done $0x0  }
0xa4: {  	s25 =	simm.s32 $0x1B8E;
	s24 =	sld [smem:$0x3FFE];
	[sflag:s23] =	ssyncadd.s32 $0xFFFFFFFF  }
0xa5: {  	s26 =	simm.s32 $execute0_lowered;
	[smem:$0x3FD2] =	sst s25  }
0xa6: {  	s4 =	sshll.u32 s26, $0x1;
	_ =	strace $0x8000004C;
	[dreg:$0x1] =	wrdreg $0xFFFFFFFF  }
0xa7: {  	s28 =	simm.s32 $_size_execute0_lowered;
	s2 =	sadd.s32 s2, s4;
	[dreg:$0x0] =	wrdreg $0x0  }
0xa8: {  	s4 =	sshll.u32 s28, $0x1;
	[dreg:$0x2] =	wrdreg s2  }
0xa9: {  	[dreg:$0x3] =	wrdreg s4  }
0xaa: {  	[dreg:$0x4] =	wrdreg $0xC0  }
0xab: {  	_ =	task [dreg:s6], $0x5FFFF  }
0xac: {  	[dreg:$0x1] =	wrdreg $0xFFFFFFFF  }
0xad: {  	[dreg:$0x0] =	wrdreg $0x60  }
0xae: {  	[dreg:$0x2] =	wrdreg s24  }
0xaf: {  	[dreg:$0x3] =	wrdreg $0xA8000  }
0xb0: {  	[dreg:$0x4] =	wrdreg $0x9  }
0xb1: {  	_ =	task.clear_ibuf [dreg:s6], $0x5FFFF;
	_ =	strace $0x9000004C  }
0xb2: {  	s29 =	simm.s32 $0x9;
	_ =	strace $0x8000004E  }
0xb3: {  	_ =	swait.ge [sflag:s29], $0x1  }
0xb4: {  	[sflag:s29] =	ssyncadd.s32 $0xFFFFFFFF  }
0xb5: {  	_ =	strace $0x9000004E  }
0xb6: {  	_ =	sfence  }
0xb7: {  	s30 =	sld [smem:$0x0];
	_ =	sdelay $0x2  }
0xb8: {  	s31 =	sshll.u32 s1, $0xD;
	s1 =	sshrl.u32 s1, $0x2  }
0xb9: {  	s3 =	sand.u32 $0x4000, s31;
	s1 =	sadd.s32 s1, s30  }
0xba: {  	s0 =	sor.u32 s3, s0;
	s1 =	sshll.u32 s1, $0x11  }
0xbb: {  	s0 =	sor.u32 s1, s0  }
0xbc: {  	s0 =	sadd.s32 $0x8F2B, s0  }
0xbd: {  	[sflag:s0] =	ssyncadd.remote.s32 $0x1  }
0xbe: {  	_ =	sfence.sel $0xFFFF  }
0xbf: {  	[dreg:$0x0] =	wrdreg $0xFFFFFFFF;
	(pc) =	sbr.abs _section_cstart, $3  }
0xc0: {  	[dreg:$0x1] =	wrdreg $0xFFFFFFFF  }
0xc1: {  	_ =	task.clear_ibuf [dreg:s6], $0x2FFFF;
	_ =	strace $0x9FFFFFFF  }
0xc2: {  	(tm) =	ssettm $0x7FFFFFFF  }
0xc3: {  	_ =	shalt  }
tec
execute0_lowered:
.L_overlay_start_1:
0x0: {  	(tag) =	ssettag $0x1  }
0x1: {  	s6 =	rddreg [dreg:$0x0]  }
0x2: {  	s0 =	srdreg.scid;
	s1 =	rddreg [dreg:$0x1];
	s2 =	simm.s32 $0x0  }
0x3: {  	s17 =	simm.s32 $0x80;
	s18 =	simm.s32 $0x2800;
	s19 =	simm.s32 $0x6800  }
0x4: {  	s20 =	simm.s32 $0x3;
	s21 =	simm.s32 $0x2;
	s22 =	simm.s32 $0x4  }
0x5: {  	s26 =	simm.s32 $0x0;
	s4 =	sand.u32 $0x1, s0;
	s0 =	rddreg [dreg:$0x2]  }
0x6: {  	[smem:$0x7FF] =	sst s2;
	s23 =	sadd.s32 $0x124800, s1;
	s3 =	smul.u32 $0x5000, s4  }
0x7: {  	s5 =	sadd.s32 $0x3F800, s6;
	_ =	strace $0x8000004D;
	s8 =	smul.u32 $0x27100, s4  }
0x8: {  	s9 =	ssub.s32 $0x2, s4;
	s7 =	sadd.s32 s3, s6;
	s3 =	stileid.u32  }
0x9: {  	s4 =	sadd.s32 $0x4600, s6;
	s10 =	sshrl.u32 s9, $0x1;
	s11 =	smul.u32 $0x50000, s3  }
0xa: {  	s8 =	sadd.s32 s8, s6;
	s9 =	ssub.s32 s9, s10;
	s30 =	smul.u32 $0x4E000, s3  }
0xb: {  	s29 =	sshll.u32 s3, $0x6;
	s31 =	sadd.s32 $0x2B800, s7;
	s13 =	smul.u32 $0x500, s3  }
0xc: {  	s14 =	sadd.s32 $0x35800, s7;
	s7 =	sadd.s32 $0x42000, s8;
	s24 =	smul.u32 $0x2700, s3  }
0xd: {  	s8 =	smax.u32 s9, $0x1;
	p0 =	seq.s32 s3, $0xF;
	s6 =	sor.u32 $0x1C01, s29  }
0xe: {  	s23 =	sshrl.u32 @p0 s23, $0x3;
	s28 =	sshrl.u32 s11, $0x2;
	s11 =	sshrl.u32 s30, $0x2  }
0xf: {  	s10 =	sadd.s32 s13, s31;
	s24 =	sadd.s32 @!p0 s24, s7;
	s12 =	sadd.s32 s28, s1  }
0x10: {  	s25 =	sadd.s32 s11, s1;
	s11 =	simm.s32 $0x5;
	s15 =	sadd.s32 $0x280, s10  }
0x11: {  	s9 =	sshrl.u32 s12, $0x3;
	s12 =	sadd.s32 s13, s14;
	s13 =	simm.s32 $0x1400  }
0x12: {  	s14 =	simm.s32 $0x1;
	s25 =	sshrl.u32 @!p0 s25, $0x3;
	s16 =	sadd.s32 $0x280, s12  }
.LBB2_1:
0x13: {  	[spmem:s9], [sflag:s6] =	dma.local [hbm:s5], $0x2800  }
0x14: {  	[tilespmem:s2], [sflag:$0x5] =	stream.linear.gather [hbm4b:s10+s2], $0x1400, $0x38;
	[tilespmem:$0x1E800] =	vst v63  }
0x15: {  	_ =	swait.ge [sflag:s11], $0x1400  }
0x16: {  	[sflag:s11] =	ssyncset.done $0x0  }
0x17: {  	[sflag:s11] =	ssyncadd.s32 $0xFFFFEC00  }
0x18: {  	[tilespmem:s13], [sflag:$0x5] =	stream.linear.gather [hbm4b:s12+s2], $0x1400, $0x38;
	[tilespmem:$0x1E800] =	vst v63  }
0x19: {  	_ =	swait.ge [sflag:s11], $0x1400  }
0x1a: {  	[sflag:s11] =	ssyncset.done $0x0  }
0x1b: {  	[sflag:s11] =	ssyncadd.s32 $0xFFFFEC00  }
0x1c: {  	_ =	swait.ge [sflag:s14], $0x2800  }
0x1d: {  	[sflag:s14] =	ssyncset.done $0x0  }
0x1e: {  	[sflag:s14] =	ssyncadd.s32 $0xFFFFD800  }
0x1f: {  	p2 =	por $0x1, $0x1;
	p3 =	por $0x0, $0x0;
	[bflag:$0x0] =	sbarrier.arrive $0xFFFF  }
.LBB2_2:
0x20: {  	s28 =	simm.s32 @p3 $0x0;
	s29 =	simm.s32 @p3 $0x5  }
0x21: {  	[tilespmem:s28], [sflag:$0x5] =	stream.linear.gather @p3 [hbm4b:s15+s28], $0x1400, $0x38;
	[tilespmem:$0x1E800] =	vst v63  }
0x22: {  	_ =	swait.ge @p3 [sflag:s29], $0x1400  }
0x23: {  	[sflag:s29] =	ssyncset.done @p3 $0x0  }
0x24: {  	s30 =	simm.s32 @p3 $0x1400;
	[sflag:s29] =	ssyncadd.s32 @p3 $0xFFFFEC00  }
0x25: {  	[tilespmem:s30], [sflag:$0x5] =	stream.linear.gather @p3 [hbm4b:s16+s28], $0x1400, $0x38;
	[tilespmem:$0x1E800] =	vst v63  }
0x26: {  	_ =	swait.ge @p3 [sflag:s29], $0x1400  }
0x27: {  	[sflag:s29] =	ssyncset.done @p3 $0x0  }
0x28: {  	s28 =	simm.s32 $0x0;
	[sflag:s29] =	ssyncadd.s32 @p3 $0xFFFFEC00  }
0x29: {  	[tilespmem:s18], [sflag:$0x1] =	stream.indirect.gather [hbm4b:s4+s17], $0x80, s28, s17, $0xb8;
	[tilespmem:$0x1E800] =	vst v63  }
0x2a: {  	s28 =	simm.s32 $0x80  }
0x2b: {  	[tilespmem:s19], [sflag:$0x2] =	stream.indirect.gather [hbm4b:s4+s17], $0x80, s28, s17, $0xb8;
	[tilespmem:$0x1E800] =	vst v63  }
0x2c: {  	_ =	swait.ge [sflag:s14], $0x4000  }
0x2d: {  	[sflag:s14] =	ssyncset.done $0x0  }
0x2e: {  	s28 =	simm.s32 $0x1400;
	[sflag:s14] =	ssyncadd.s32 $0xFFFFC000  }
0x2f: {  	[spmem:s1] =	stream.indirect.scatter.add.f32 [tilespmem:s18], [sflag:$0x3], $0x80, s28, s17, $0xb8;
	[tilespmem:$0x1E800] =	vst v63  }
0x30: {  	_ =	swait.ge [sflag:s20], $0x4000  }
0x31: {  	[sflag:s20] =	ssyncset.done $0x0  }
0x32: {  	s28 =	simm.s32 $0x100;
	[sflag:s20] =	ssyncadd.s32 $0xFFFFC000  }
0x33: {  	[tilespmem:s18], [sflag:$0x1] =	stream.indirect.gather [hbm4b:s4+s17], $0x80, s28, s17, $0xb8;
	[tilespmem:$0x1E800] =	vst v63  }
0x34: {  	_ =	swait.ge [sflag:s21], $0x4000  }
0x35: {  	[sflag:s21] =	ssyncset.done $0x0  }
0x36: {  	s28 =	simm.s32 $0x1480;
	[sflag:s21] =	ssyncadd.s32 $0xFFFFC000  }
0x37: {  	[spmem:s1] =	stream.indirect.scatter.add.f32 [tilespmem:s19], [sflag:$0x4], $0x80, s28, s17, $0xb8;
	[tilespmem:$0x1E800] =	vst v63  }
0x38: {  	_ =	swait.ge [sflag:s22], $0x4000  }
0x39: {  	[sflag:s22] =	ssyncset.done $0x0  }
0x3a: {  	s28 =	simm.s32 $0x180;
	[sflag:s22] =	ssyncadd.s32 $0xFFFFC000  }
0x3b: {  	[tilespmem:s19], [sflag:$0x2] =	stream.indirect.gather [hbm4b:s4+s17], $0x80, s28, s17, $0xb8;
	[tilespmem:$0x1E800] =	vst v63  }
0x3c: {  	_ =	swait.ge [sflag:s14], $0x4000  }
0x3d: {  	[sflag:s14] =	ssyncset.done $0x0  }
0x3e: {  	s28 =	simm.s32 $0x1500;
	[sflag:s14] =	ssyncadd.s32 $0xFFFFC000  }
0x3f: {  	[spmem:s1] =	stream.indirect.scatter.add.f32 [tilespmem:s18], [sflag:$0x3], $0x80, s28, s17, $0xb8;
	[tilespmem:$0x1E800] =	vst v63  }
0x40: {  	_ =	swait.ge [sflag:s20], $0x4000  }
0x41: {  	[sflag:s20] =	ssyncset.done $0x0  }
0x42: {  	s28 =	simm.s32 $0x200;
	[sflag:s20] =	ssyncadd.s32 $0xFFFFC000  }
0x43: {  	[tilespmem:s18], [sflag:$0x1] =	stream.indirect.gather [hbm4b:s4+s17], $0x80, s28, s17, $0xb8;
	[tilespmem:$0x1E800] =	vst v63  }
0x44: {  	_ =	swait.ge [sflag:s21], $0x4000  }
0x45: {  	[sflag:s21] =	ssyncset.done $0x0  }
0x46: {  	s28 =	simm.s32 $0x1580;
	[sflag:s21] =	ssyncadd.s32 $0xFFFFC000  }
0x47: {  	[spmem:s1] =	stream.indirect.scatter.add.f32 [tilespmem:s19], [sflag:$0x4], $0x80, s28, s17, $0xb8;
	[tilespmem:$0x1E800] =	vst v63  }
0x48: {  	_ =	swait.ge [sflag:s22], $0x4000  }
0x49: {  	[sflag:s22] =	ssyncset.done $0x0  }
0x4a: {  	s28 =	simm.s32 $0x280;
	[sflag:s22] =	ssyncadd.s32 $0xFFFFC000  }
0x4b: {  	[tilespmem:s19], [sflag:$0x2] =	stream.indirect.gather [hbm4b:s4+s17], $0x80, s28, s17, $0xb8;
	[tilespmem:$0x1E800] =	vst v63  }
0x4c: {  	_ =	swait.ge [sflag:s14], $0x4000  }
0x4d: {  	[sflag:s14] =	ssyncset.done $0x0  }
0x4e: {  	s28 =	simm.s32 $0x1600;
	[sflag:s14] =	ssyncadd.s32 $0xFFFFC000  }
0x4f: {  	[spmem:s1] =	stream.indirect.scatter.add.f32 [tilespmem:s18], [sflag:$0x3], $0x80, s28, s17, $0xb8;
	[tilespmem:$0x1E800] =	vst v63  }
0x50: {  	_ =	swait.ge [sflag:s20], $0x4000  }
0x51: {  	[sflag:s20] =	ssyncset.done $0x0  }
0x52: {  	s28 =	simm.s32 $0x300;
	[sflag:s20] =	ssyncadd.s32 $0xFFFFC000  }
0x53: {  	[tilespmem:s18], [sflag:$0x1] =	stream.indirect.gather [hbm4b:s4+s17], $0x80, s28, s17, $0xb8;
	[tilespmem:$0x1E800] =	vst v63  }
0x54: {  	_ =	swait.ge [sflag:s21], $0x4000  }
0x55: {  	[sflag:s21] =	ssyncset.done $0x0  }
0x56: {  	s28 =	simm.s32 $0x1680;
	[sflag:s21] =	ssyncadd.s32 $0xFFFFC000  }
0x57: {  	[spmem:s1] =	stream.indirect.scatter.add.f32 [tilespmem:s19], [sflag:$0x4], $0x80, s28, s17, $0xb8;
	[tilespmem:$0x1E800] =	vst v63  }
0x58: {  	_ =	swait.ge [sflag:s22], $0x4000  }
0x59: {  	[sflag:s22] =	ssyncset.done $0x0  }
0x5a: {  	s28 =	simm.s32 $0x380;
	[sflag:s22] =	ssyncadd.s32 $0xFFFFC000  }
0x5b: {  	[tilespmem:s19], [sflag:$0x2] =	stream.indirect.gather [hbm4b:s4+s17], $0x80, s28, s17, $0xb8;
	[tilespmem:$0x1E800] =	vst v63  }
0x5c: {  	_ =	swait.ge [sflag:s14], $0x4000  }
0x5d: {  	[sflag:s14] =	ssyncset.done $0x0  }
0x5e: {  	s28 =	simm.s32 $0x1700;
	[sflag:s14] =	ssyncadd.s32 $0xFFFFC000  }
0x5f: {  	[spmem:s1] =	stream.indirect.scatter.add.f32 [tilespmem:s18], [sflag:$0x3], $0x80, s28, s17, $0xb8;
	[tilespmem:$0x1E800] =	vst v63  }
0x60: {  	_ =	swait.ge [sflag:s20], $0x4000  }
0x61: {  	[sflag:s20] =	ssyncset.done $0x0  }
0x62: {  	[sflag:s20] =	ssyncadd.s32 $0xFFFFC000  }
0x63: {  	_ =	swait.ge [sflag:s21], $0x4000  }
0x64: {  	[sflag:s21] =	ssyncset.done $0x0  }
0x65: {  	s28 =	simm.s32 $0x1780;
	[sflag:s21] =	ssyncadd.s32 $0xFFFFC000  }
0x66: {  	[spmem:s1] =	stream.indirect.scatter.add.f32 [tilespmem:s19], [sflag:$0x4], $0x80, s28, s17, $0xb8;
	[tilespmem:$0x1E800] =	vst v63  }
0x67: {  	p1 =	por p2, p2;
	_ =	swait.ge [sflag:s22], $0x4000  }
0x68: {  	s31 =	simm.s32 $0x2000;
	s28 =	simm.s32 $0x1000;
	[sflag:s22] =	ssyncset.done $0x0  }
.LBB2_3:
0x69: {  	s30 =	sshra.s32 s28, $0x2  }
0x6a: {  	[sflag:s22] =	ssyncadd.s32 $0xFFFFC000;
	s28 =	smov.u32 s31;
	s29 =	sadd.s32 $0x1000, s31  }
0x6b: {  	[tilespmem:s18], [sflag:$0x1] =	stream.indirect.gather [hbm4b:s4+s17], $0x80, s30, s17, $0xb8;
	[tilespmem:$0x1E800] =	vst v63  }
0x6c: {  	p2 =	sne.s32 s31, $0x4000;
	s31 =	sadd.s32 $0x80, s30  }
0x6d: {  	[tilespmem:s19], [sflag:$0x2] =	stream.indirect.gather [hbm4b:s4+s17], $0x80, s31, s17, $0xb8;
	[tilespmem:$0x1E800] =	vst v63  }
0x6e: {  	_ =	swait.ge [sflag:s14], $0x4000  }
0x6f: {  	[sflag:s14] =	ssyncset.done $0x0  }
0x70: {  	s31 =	sadd.s32 $0x1400, s30;
	[sflag:s14] =	ssyncadd.s32 $0xFFFFC000  }
0x71: {  	[spmem:s1] =	stream.indirect.scatter.add.f32 [tilespmem:s18], [sflag:$0x3], $0x80, s31, s17, $0xb8;
	[tilespmem:$0x1E800] =	vst v63  }
0x72: {  	_ =	swait.ge [sflag:s20], $0x4000  }
0x73: {  	[sflag:s20] =	ssyncset.done $0x0  }
0x74: {  	s31 =	sadd.s32 $0x100, s30;
	[sflag:s20] =	ssyncadd.s32 $0xFFFFC000  }
0x75: {  	[tilespmem:s18], [sflag:$0x1] =	stream.indirect.gather [hbm4b:s4+s17], $0x80, s31, s17, $0xb8;
	[tilespmem:$0x1E800] =	vst v63  }
0x76: {  	_ =	swait.ge [sflag:s21], $0x4000  }
0x77: {  	[sflag:s21] =	ssyncset.done $0x0  }
0x78: {  	s31 =	sadd.s32 $0x1480, s30;
	[sflag:s21] =	ssyncadd.s32 $0xFFFFC000  }
0x79: {  	[spmem:s1] =	stream.indirect.scatter.add.f32 [tilespmem:s19], [sflag:$0x4], $0x80, s31, s17, $0xb8;
	[tilespmem:$0x1E800] =	vst v63  }
0x7a: {  	_ =	swait.ge [sflag:s22], $0x4000  }
0x7b: {  	[sflag:s22] =	ssyncset.done $0x0  }
0x7c: {  	s31 =	sadd.s32 $0x180, s30;
	[sflag:s22] =	ssyncadd.s32 $0xFFFFC000  }
0x7d: {  	[tilespmem:s19], [sflag:$0x2] =	stream.indirect.gather [hbm4b:s4+s17], $0x80, s31, s17, $0xb8;
	[tilespmem:$0x1E800] =	vst v63  }
0x7e: {  	_ =	swait.ge [sflag:s14], $0x4000  }
0x7f: {  	[sflag:s14] =	ssyncset.done $0x0  }
0x80: {  	s31 =	sadd.s32 $0x1500, s30;
	[sflag:s14] =	ssyncadd.s32 $0xFFFFC000  }
0x81: {  	[spmem:s1] =	stream.indirect.scatter.add.f32 [tilespmem:s18], [sflag:$0x3], $0x80, s31, s17, $0xb8;
	[tilespmem:$0x1E800] =	vst v63  }
0x82: {  	_ =	swait.ge [sflag:s20], $0x4000  }
0x83: {  	[sflag:s20] =	ssyncset.done $0x0  }
0x84: {  	s31 =	sadd.s32 $0x200, s30;
	[sflag:s20] =	ssyncadd.s32 $0xFFFFC000  }
0x85: {  	[tilespmem:s18], [sflag:$0x1] =	stream.indirect.gather [hbm4b:s4+s17], $0x80, s31, s17, $0xb8;
	[tilespmem:$0x1E800] =	vst v63  }
0x86: {  	_ =	swait.ge [sflag:s21], $0x4000  }
0x87: {  	[sflag:s21] =	ssyncset.done $0x0  }
0x88: {  	s31 =	sadd.s32 $0x1580, s30;
	[sflag:s21] =	ssyncadd.s32 $0xFFFFC000  }
0x89: {  	[spmem:s1] =	stream.indirect.scatter.add.f32 [tilespmem:s19], [sflag:$0x4], $0x80, s31, s17, $0xb8;
	[tilespmem:$0x1E800] =	vst v63  }
0x8a: {  	_ =	swait.ge [sflag:s22], $0x4000  }
0x8b: {  	[sflag:s22] =	ssyncset.done $0x0  }
0x8c: {  	s31 =	sadd.s32 $0x280, s30;
	[sflag:s22] =	ssyncadd.s32 $0xFFFFC000  }
0x8d: {  	[tilespmem:s19], [sflag:$0x2] =	stream.indirect.gather [hbm4b:s4+s17], $0x80, s31, s17, $0xb8;
	[tilespmem:$0x1E800] =	vst v63  }
0x8e: {  	_ =	swait.ge [sflag:s14], $0x4000  }
0x8f: {  	[sflag:s14] =	ssyncset.done $0x0  }
0x90: {  	s31 =	sadd.s32 $0x1600, s30;
	[sflag:s14] =	ssyncadd.s32 $0xFFFFC000  }
0x91: {  	[spmem:s1] =	stream.indirect.scatter.add.f32 [tilespmem:s18], [sflag:$0x3], $0x80, s31, s17, $0xb8;
	[tilespmem:$0x1E800] =	vst v63  }
0x92: {  	_ =	swait.ge [sflag:s20], $0x4000  }
0x93: {  	[sflag:s20] =	ssyncset.done $0x0  }
0x94: {  	s31 =	sadd.s32 $0x300, s30;
	[sflag:s20] =	ssyncadd.s32 $0xFFFFC000  }
0x95: {  	[tilespmem:s18], [sflag:$0x1] =	stream.indirect.gather [hbm4b:s4+s17], $0x80, s31, s17, $0xb8;
	[tilespmem:$0x1E800] =	vst v63  }
0x96: {  	_ =	swait.ge [sflag:s21], $0x4000  }
0x97: {  	[sflag:s21] =	ssyncset.done $0x0  }
0x98: {  	s31 =	sadd.s32 $0x1680, s30;
	[sflag:s21] =	ssyncadd.s32 $0xFFFFC000  }
0x99: {  	[spmem:s1] =	stream.indirect.scatter.add.f32 [tilespmem:s19], [sflag:$0x4], $0x80, s31, s17, $0xb8;
	[tilespmem:$0x1E800] =	vst v63  }
0x9a: {  	_ =	swait.ge [sflag:s22], $0x4000  }
0x9b: {  	[sflag:s22] =	ssyncset.done $0x0  }
0x9c: {  	s31 =	sadd.s32 $0x380, s30;
	[sflag:s22] =	ssyncadd.s32 $0xFFFFC000  }
0x9d: {  	[tilespmem:s19], [sflag:$0x2] =	stream.indirect.gather [hbm4b:s4+s17], $0x80, s31, s17, $0xb8;
	[tilespmem:$0x1E800] =	vst v63  }
0x9e: {  	_ =	swait.ge [sflag:s14], $0x4000  }
0x9f: {  	[sflag:s14] =	ssyncset.done $0x0  }
0xa0: {  	s31 =	sadd.s32 $0x1700, s30;
	[sflag:s14] =	ssyncadd.s32 $0xFFFFC000  }
0xa1: {  	[spmem:s1] =	stream.indirect.scatter.add.f32 [tilespmem:s18], [sflag:$0x3], $0x80, s31, s17, $0xb8;
	[tilespmem:$0x1E800] =	vst v63  }
0xa2: {  	_ =	swait.ge [sflag:s20], $0x4000  }
0xa3: {  	[sflag:s20] =	ssyncset.done $0x0  }
0xa4: {  	[sflag:s20] =	ssyncadd.s32 $0xFFFFC000  }
0xa5: {  	_ =	swait.ge [sflag:s21], $0x4000  }
.Ltmp0:
0xa6: {  	[sflag:s21] =	ssyncset.done $0x0;
	(pc) =	sbr.rel @p2 .LBB2_3-.Ltmp0, $4  }
0xa7: {  	s30 =	sadd.s32 $0x1780, s30;
	[sflag:s21] =	ssyncadd.s32 $0xFFFFC000  }
0xa8: {  	[spmem:s1] =	stream.indirect.scatter.add.f32 [tilespmem:s19], [sflag:$0x4], $0x80, s30, s17, $0xb8;
	[tilespmem:$0x1E800] =	vst v63  }
0xa9: {  	_ =	swait.ge [sflag:s22], $0x4000  }
0xaa: {  	s31 =	smov.u32 s29;
	[sflag:s22] =	ssyncset.done $0x0  }
0xab: {  	s28 =	sshra.s32 s28, $0x2;
	[sflag:s22] =	ssyncadd.s32 $0xFFFFC000  }
0xac: {  	[tilespmem:s18], [sflag:$0x1] =	stream.indirect.gather [hbm4b:s4+s17], $0x80, s28, s17, $0xb8;
	[tilespmem:$0x1E800] =	vst v63  }
0xad: {  	s29 =	sadd.s32 $0x80, s28  }
0xae: {  	[tilespmem:s19], [sflag:$0x2] =	stream.indirect.gather [hbm4b:s4+s17], $0x80, s29, s17, $0xb8;
	[tilespmem:$0x1E800] =	vst v63  }
0xaf: {  	_ =	swait.ge [sflag:s14], $0x4000  }
0xb0: {  	[sflag:s14] =	ssyncset.done $0x0  }
0xb1: {  	s31 =	sadd.s32 $0x1400, s28;
	[sflag:s14] =	ssyncadd.s32 $0xFFFFC000  }
0xb2: {  	[spmem:s1] =	stream.indirect.scatter.add.f32 [tilespmem:s18], [sflag:$0x3], $0x80, s31, s17, $0xb8;
	[tilespmem:$0x1E800] =	vst v63  }
0xb3: {  	_ =	swait.ge [sflag:s20], $0x4000  }
0xb4: {  	[sflag:s20] =	ssyncset.done $0x0  }
0xb5: {  	s30 =	sadd.s32 $0x100, s28;
	[sflag:s20] =	ssyncadd.s32 $0xFFFFC000  }
0xb6: {  	[tilespmem:s18], [sflag:$0x1] =	stream.indirect.gather [hbm4b:s4+s17], $0x80, s30, s17, $0xb8;
	[tilespmem:$0x1E800] =	vst v63  }
0xb7: {  	_ =	swait.ge [sflag:s21], $0x4000  }
0xb8: {  	[sflag:s21] =	ssyncset.done $0x0  }
0xb9: {  	s31 =	sadd.s32 $0x1480, s28;
	[sflag:s21] =	ssyncadd.s32 $0xFFFFC000  }
0xba: {  	[spmem:s1] =	stream.indirect.scatter.add.f32 [tilespmem:s19], [sflag:$0x4], $0x80, s31, s17, $0xb8;
	[tilespmem:$0x1E800] =	vst v63  }
0xbb: {  	_ =	swait.ge [sflag:s22], $0x4000  }
0xbc: {  	[sflag:s22] =	ssyncset.done $0x0  }
0xbd: {  	s30 =	sadd.s32 $0x180, s28;
	[sflag:s22] =	ssyncadd.s32 $0xFFFFC000  }
0xbe: {  	[tilespmem:s19], [sflag:$0x2] =	stream.indirect.gather [hbm4b:s4+s17], $0x80, s30, s17, $0xb8;
	[tilespmem:$0x1E800] =	vst v63  }
0xbf: {  	_ =	swait.ge [sflag:s14], $0x4000  }
0xc0: {  	[sflag:s14] =	ssyncset.done $0x0  }
0xc1: {  	s31 =	sadd.s32 $0x1500, s28;
	[sflag:s14] =	ssyncadd.s32 $0xFFFFC000  }
0xc2: {  	[spmem:s1] =	stream.indirect.scatter.add.f32 [tilespmem:s18], [sflag:$0x3], $0x80, s31, s17, $0xb8;
	[tilespmem:$0x1E800] =	vst v63  }
0xc3: {  	_ =	swait.ge [sflag:s20], $0x4000  }
0xc4: {  	[sflag:s20] =	ssyncset.done $0x0  }
0xc5: {  	s30 =	sadd.s32 $0x200, s28;
	[sflag:s20] =	ssyncadd.s32 $0xFFFFC000  }
0xc6: {  	[tilespmem:s18], [sflag:$0x1] =	stream.indirect.gather [hbm4b:s4+s17], $0x80, s30, s17, $0xb8;
	[tilespmem:$0x1E800] =	vst v63  }
0xc7: {  	_ =	swait.ge [sflag:s21], $0x4000  }
0xc8: {  	[sflag:s21] =	ssyncset.done $0x0  }
0xc9: {  	s31 =	sadd.s32 $0x1580, s28;
	[sflag:s21] =	ssyncadd.s32 $0xFFFFC000  }
0xca: {  	[spmem:s1] =	stream.indirect.scatter.add.f32 [tilespmem:s19], [sflag:$0x4], $0x80, s31, s17, $0xb8;
	[tilespmem:$0x1E800] =	vst v63  }
0xcb: {  	_ =	swait.ge [sflag:s22], $0x4000  }
0xcc: {  	[sflag:s22] =	ssyncset.done $0x0  }
0xcd: {  	s30 =	sadd.s32 $0x280, s28;
	[sflag:s22] =	ssyncadd.s32 $0xFFFFC000  }
0xce: {  	[tilespmem:s19], [sflag:$0x2] =	stream.indirect.gather [hbm4b:s4+s17], $0x80, s30, s17, $0xb8;
	[tilespmem:$0x1E800] =	vst v63  }
0xcf: {  	_ =	swait.ge [sflag:s14], $0x4000  }
0xd0: {  	[sflag:s14] =	ssyncset.done $0x0  }
0xd1: {  	s31 =	sadd.s32 $0x1600, s28;
	[sflag:s14] =	ssyncadd.s32 $0xFFFFC000  }
0xd2: {  	[spmem:s1] =	stream.indirect.scatter.add.f32 [tilespmem:s18], [sflag:$0x3], $0x80, s31, s17, $0xb8;
	[tilespmem:$0x1E800] =	vst v63  }
0xd3: {  	_ =	swait.ge [sflag:s20], $0x4000  }
0xd4: {  	[sflag:s20] =	ssyncset.done $0x0  }
0xd5: {  	s30 =	sadd.s32 $0x300, s28;
	[sflag:s20] =	ssyncadd.s32 $0xFFFFC000  }
0xd6: {  	[tilespmem:s18], [sflag:$0x1] =	stream.indirect.gather [hbm4b:s4+s17], $0x80, s30, s17, $0xb8;
	[tilespmem:$0x1E800] =	vst v63  }
0xd7: {  	_ =	swait.ge [sflag:s21], $0x4000  }
0xd8: {  	[sflag:s21] =	ssyncset.done $0x0  }
0xd9: {  	s31 =	sadd.s32 $0x1680, s28;
	[sflag:s21] =	ssyncadd.s32 $0xFFFFC000  }
0xda: {  	[spmem:s1] =	stream.indirect.scatter.add.f32 [tilespmem:s19], [sflag:$0x4], $0x80, s31, s17, $0xb8;
	[tilespmem:$0x1E800] =	vst v63  }
0xdb: {  	_ =	swait.ge [sflag:s22], $0x4000  }
0xdc: {  	[sflag:s22] =	ssyncset.done $0x0  }
0xdd: {  	s30 =	sadd.s32 $0x380, s28;
	[sflag:s22] =	ssyncadd.s32 $0xFFFFC000  }
0xde: {  	[tilespmem:s19], [sflag:$0x2] =	stream.indirect.gather [hbm4b:s4+s17], $0x80, s30, s17, $0xb8;
	[tilespmem:$0x1E800] =	vst v63  }
0xdf: {  	_ =	swait.ge [sflag:s14], $0x4000  }
0xe0: {  	[sflag:s14] =	ssyncset.done $0x0  }
0xe1: {  	s31 =	sadd.s32 $0x1700, s28;
	[sflag:s14] =	ssyncadd.s32 $0xFFFFC000  }
0xe2: {  	[spmem:s1] =	stream.indirect.scatter.add.f32 [tilespmem:s18], [sflag:$0x3], $0x80, s31, s17, $0xb8;
	[tilespmem:$0x1E800] =	vst v63  }
0xe3: {  	_ =	swait.ge [sflag:s20], $0x4000  }
0xe4: {  	[sflag:s20] =	ssyncset.done $0x0  }
0xe5: {  	[sflag:s20] =	ssyncadd.s32 $0xFFFFC000  }
0xe6: {  	_ =	swait.ge [sflag:s21], $0x4000  }
0xe7: {  	[sflag:s21] =	ssyncset.done $0x0  }
.Ltmp1:
0xe8: {  	s28 =	sadd.s32 $0x1780, s28;
	[sflag:s21] =	ssyncadd.s32 $0xFFFFC000;
	(pc) =	sbr.rel @p1 .LBB2_2-.Ltmp1, $4  }
0xe9: {  	[spmem:s1] =	stream.indirect.scatter.add.f32 [tilespmem:s19], [sflag:$0x4], $0x80, s28, s17, $0xb8;
	[tilespmem:$0x1E800] =	vst v63  }
0xea: {  	_ =	swait.ge [sflag:s22], $0x4000  }
0xeb: {  	[sflag:s22] =	ssyncset.done $0x0  }
0xec: {  	p2 =	por $0x0, $0x0;
	p3 =	por $0x1, $0x1;
	[sflag:s22] =	ssyncadd.s32 $0xFFFFC000  }
0xed: {  	[bflag:$0x0] =	sbarrier.arrive $0xFFFF;
	s28 =	sadd.s32 @p0 $0x24900, s7;
	s29 =	simm.s32 @p0 $0x1FC5  }
0xee: {  	[hbm:s28], [sflag:s29] =	dma.local @p0 [spmem:s23], $0x2800  }
0xef: {  	s28 =	simm.s32 @p0 $0x5  }
0xf0: {  	_ =	swait.ge @p0 [sflag:s28], $0x2800  }
0xf1: {  	s26 =	sadd.s32 $0x1, s26;
	s29 =	sshll.u32 @!p0 s3, $0x6;
	[sflag:s28] =	ssyncset.done @p0 $0x0  }
0xf2: {  	p1 =	sne.s32 s26, s8;
	[sflag:s28] =	ssyncadd.s32 @p0 $0xFFFFD800;
	s28 =	sor.u32 @!p0 $0x1C05, s29  }
0xf3: {  	[hbm:s24], [sflag:s28] =	dma.local @!p0 [spmem:s25], $0x2700  }
.Ltmp2:
0xf4: {  	_ = 	snop;
	(pc) =	sbr.rel @p1 .LBB2_1-.Ltmp2, $4  }
0xf5: {  	s28 =	simm.s32 @!p0 $0x5  }
0xf6: {  	_ =	swait.ge @!p0 [sflag:s28], $0x2700  }
0xf7: {  	[sflag:s28] =	ssyncset.done @!p0 $0x0  }
0xf8: {  	[sflag:s28] =	ssyncadd.s32 @!p0 $0xFFFFD900  }
0xf9: {  	_ =	sfence.sel $0x180000  }
0xfa: {  	[bflag:$0x0] =	sbarrier.arrive $0xFFFF  }
0xfb: {  	p0 =	sne.s32 s3, $0x0;
	_ =	strace $0x9000004D  }
0xfc: {  	s0 =	sadd.s32 @!p0 $0x100000, s0;
	[bflag:$0x2] =	sbarrier.arrive $0xFFFF  }
0xfd: {  	[sflag:s0] =	ssyncadd.tile.s32 @!p0 $0x1;
	_ =	shalt  }
.Lfunc_end2:
_tile_overlayer_lowered:
.L_overlay_start_2:
0xfe: {  	(tag) =	ssettag $0x2  }
0xff: {  	s0 =	rddreg [dreg:$0x0];
	s2 =	stileid.u32  }
0x100: {  	s1 =	rddreg [dreg:$0x1];
	p0 =	sne.s32 s2, $0x0  }
0x101: {  	s3 =	rddreg [dreg:$0x2];
	[bflag:$0x3] =	sbarrier.arrive $0xFFFF;
	s2 =	simm.s32 @!p0 $0x1C05  }
0x102: {  	[timem:s3], [sflag:s2] =	dma.local @!p0 [hbm:s0], s1  }
0x103: {  	s0 =	simm.s32 @!p0 $0x5  }
0x104: {  	_ =	swait.ge @!p0 [sflag:s0], s1  }
0x105: {  	s1 =	ssub.s32 @!p0 $0x0, s1;
	[sflag:s0] =	ssyncset.done @!p0 $0x0  }
0x106: {  	[sflag:s0] =	ssyncadd.s32 @!p0 s1  }
0x107: {  	[bflag:$0x3] =	sbarrier.arrive $0xFFFF  }
0x108: {  	_ =	shalt  }

// kernel: kernel.22.cloned.1.call-start
scs
__scs_entry_jumppad:
0x0: {  	(pc) =	sbr.rel $0x88, $3  }
0x1: {  	(tag) =	ssettag $0x0;
	lr =	simm.s32 $0x1  }
0x2: {  	[smem:$0x3F95] =	sst lr;
	_ =	strace $0xD0000000  }
0x3: {  	_ = 	snop  }
0x4: {  	_ = 	snop  }
0x5: {  	_ = 	snop  }
0x6: {  	_ = 	snop  }
0x7: {  	_ = 	snop  }
__scs_overlays_trampoline_lowered:
0x8: {  	[smem:$0x3FA4] =	sst s0  }
0x9: {  	[smem:$0x3FA5] =	sst s1  }
0xa: {  	[smem:$0x3FA6] =	sst s2  }
0xb: {  	[smem:$0x3FA7] =	sst s3  }
0xc: {  	[smem:$0x3FA8] =	sst s4  }
0xd: {  	[smem:$0x3FA9] =	sst s5  }
0xe: {  	[smem:$0x3FAA] =	sst s6  }
0xf: {  	[smem:$0x3FAB] =	sst s7  }
0x10: {  	[smem:$0x3FAC] =	sst s8  }
0x11: {  	[smem:$0x3FAD] =	sst s9;
	s0 =	simm.s32 @!p0 $0x0  }
0x12: {  	s1 =	sld [smem:$0x3F93];
	s0 =	simm.s32 @p0 $0x1  }
0x13: {  	[smem:$0x3FAE] =	sst s0;
	s0 =	simm.s32 @!p1 $0x0  }
0x14: {  	s2 =	sld [smem:$0x3F92];
	s0 =	simm.s32 @p1 $0x1  }
0x15: {  	[smem:$0x3FAF] =	sst s0;
	s0 =	simm.s32 @!p2 $0x0  }
0x16: {  	s3 =	sld [smem:$0x3FDB];
	s0 =	simm.s32 @p2 $0x1  }
0x17: {  	s4 =	simm.s32 $0x1BF5;
	[smem:$0x3FB1] =	sst s0  }
0x18: {  	s0 =	sld [smem:$0x3F94];
	_ =	swait.ge [sflag:s4], $0x0  }
0x19: {  	s7 =	sld [smem:$0x3F95]  }
0x1a: {  	s8 =	sadd.s32 $0xFFFFE003, lr  }
0x1b: {  	s9 =	sadd.s32 $0xFFFFFEF7, lr;
	s5 =	simm.s32 $0xFFFFFFFF;
	p2 =	slt.u32 s8, $0xFFFFF086  }
0x1c: {  	p1 =	slt.u32 s9, $0xF7A;
	s5 =	simm.s32 @!p2 $0x0  }
0x1d: {  	s5 =	simm.s32 @p1 $0x1;
	p0 =	seq.s32 s7, s2  }
0x1e: {  	s7 =	smul.u32 @!p0 $0xF7A, s2;
	p2 =	seq.s32 @!p0 s5, $0x0  }
0x1f: {  	s9 =	smul.u32 $0xF7A, s1;
	s8 =	simm.s32 @!p0 $0x1BF5;
	p2 =	por !p2, p0  }
0x20: {  	[sflag:s8] =	ssyncset.s32 @!p0 $0xFFFFF086;
	s6 =	sadd.s32 @!p0 s3, s7;
	s7 =	simm.s32 @!p0 $0x108  }
0x21: {  	s3 =	sadd.s32 s3, s9;
	s6 =	sadd.s32 @!p0 $0x88, s6;
	s7 =	simm.s32 @p2 $0x1082  }
0x22: {  	[simem:s7], [sflag:s8] =	dma.local @!p0 [hbm:s6], $0xF7A  }
0x23: {  	s9 =	sor.u32 $0xD0000000, s2;
	s6 =	simm.s32 $0x108;
	_ =	swait.ge @!p0 [sflag:s8], $0x0  }
0x24: {  	s3 =	sadd.s32 $0x88, s3;
	s6 =	simm.s32 @!p1 $0x1082;
	[sflag:s4] =	ssyncset.s32 $0xFFFFF086  }
0x25: {  	[simem:s6], [sflag:s4] =	dma.local [hbm:s3], $0xF7A  }
0x26: {  	[smem:$0x3F95] =	sst s1;
	(tag) =	ssettag s2;
	_ =	strace s9  }
0x27: {  	s1 =	sld [smem:$0x3FA5]  }
0x28: {  	s2 =	sld [smem:$0x3FA6]  }
0x29: {  	s4 =	sld [smem:$0x3FA8]  }
0x2a: {  	p0 =	seq.s32 s5, $0x0;
	s5 =	sld [smem:$0x3FA9]  }
0x2b: {  	s6 =	sld [smem:$0x3FAA]  }
0x2c: {  	s7 =	sld [smem:$0x3FAB]  }
0x2d: {  	s3 =	simm.s32 $0x108;
	s8 =	sld [smem:$0x3FAC]  }
0x2e: {  	s3 =	simm.s32 @!p0 $0x1082;
	s9 =	sld [smem:$0x3FAD]  }
0x2f: {  	lr =	sadd.s32 s0, s3;
	s0 =	sld [smem:$0x3FA4]  }
0x30: {  	s3 =	sld [smem:$0x3FA7]  }
0x31: {  	[smem:$0x3FB0] =	sst s10  }
0x32: {  	s10 =	sld [smem:$0x3FAE];
	_ =	sdelay $0x3  }
0x33: {  	p0 =	seq.s32 s10, $0x1;
	s10 =	sld [smem:$0x3FB0];
	_ =	sdelay $0x3  }
0x34: {  	[smem:$0x3FB0] =	sst s10  }
0x35: {  	s10 =	sld [smem:$0x3FAF];
	_ =	sdelay $0x3  }
0x36: {  	p1 =	seq.s32 s10, $0x1;
	s10 =	sld [smem:$0x3FB0];
	_ =	sdelay $0x3  }
0x37: {  	[smem:$0x3FB0] =	sst s10  }
0x38: {  	s10 =	sld [smem:$0x3FB1]  }
0x39: {  	_ = 	snop;
	(pc) =	sbr.ind lr, $3  }
0x3a: {  	_ = 	snop  }
0x3b: {  	_ = 	snop  }
0x3c: {  	p2 =	seq.s32 s10, $0x1;
	s10 =	sld [smem:$0x3FB0]  }
0x3d: {  	_ =	shalt  }
0x3e: {  	_ =	shalt  }
0x3f: {  	_ =	shalt  }
0x40: {  	_ =	shalt  }
0x41: {  	_ =	shalt  }
0x42: {  	_ =	shalt  }
0x43: {  	_ =	shalt  }
0x44: {  	_ =	shalt  }
0x45: {  	_ =	shalt  }
0x46: {  	_ =	shalt  }
0x47: {  	_ =	shalt  }
0x48: {  	_ =	shalt  }
0x49: {  	_ =	shalt  }
0x4a: {  	_ =	shalt  }
0x4b: {  	_ =	shalt  }
0x4c: {  	_ =	shalt  }
0x4d: {  	_ =	shalt  }
0x4e: {  	_ =	shalt  }
0x4f: {  	_ =	shalt  }
0x50: {  	_ =	shalt  }
0x51: {  	_ =	shalt  }
0x52: {  	_ =	shalt  }
0x53: {  	_ =	shalt  }
0x54: {  	_ =	shalt  }
0x55: {  	_ =	shalt  }
0x56: {  	_ =	shalt  }
0x57: {  	_ =	shalt  }
0x58: {  	_ =	shalt  }
0x59: {  	_ =	shalt  }
0x5a: {  	_ =	shalt  }
0x5b: {  	_ =	shalt  }
0x5c: {  	_ =	shalt  }
0x5d: {  	_ =	shalt  }
0x5e: {  	_ =	shalt  }
0x5f: {  	_ =	shalt  }
0x60: {  	_ =	shalt  }
0x61: {  	_ =	shalt  }
0x62: {  	_ =	shalt  }
0x63: {  	_ =	shalt  }
0x64: {  	_ =	shalt  }
0x65: {  	_ =	shalt  }
0x66: {  	_ =	shalt  }
0x67: {  	_ =	shalt  }
0x68: {  	_ =	shalt  }
0x69: {  	_ =	shalt  }
0x6a: {  	_ =	shalt  }
0x6b: {  	_ =	shalt  }
0x6c: {  	_ =	shalt  }
0x6d: {  	_ =	shalt  }
0x6e: {  	_ =	shalt  }
0x6f: {  	_ =	shalt  }
0x70: {  	_ =	shalt  }
0x71: {  	_ =	shalt  }
0x72: {  	_ =	shalt  }
0x73: {  	_ =	shalt  }
0x74: {  	_ =	shalt  }
0x75: {  	_ =	shalt  }
0x76: {  	_ =	shalt  }
0x77: {  	_ =	shalt  }
0x78: {  	_ =	shalt  }
0x79: {  	_ =	shalt  }
0x7a: {  	_ =	shalt  }
0x7b: {  	_ =	shalt  }
0x7c: {  	_ =	shalt  }
0x7d: {  	_ =	shalt  }
0x7e: {  	_ =	shalt  }
0x7f: {  	_ =	shalt  }
0x80: {  	_ =	shalt  }
0x81: {  	_ =	shalt  }
0x82: {  	_ =	shalt  }
0x83: {  	_ =	shalt  }
0x84: {  	_ =	shalt  }
0x85: {  	_ =	shalt  }
0x86: {  	_ =	shalt  }
0x87: {  	_ =	shalt  }
.Lfunc_end0:
.L_simem_size_0:
called_computation.3_lowered:
.L_overlay_start_0:
0x88: {  	s2 =	sld [smem:$0x3FD9]  }
0x89: {  	s3 =	sld [smem:$0x3FFE];
	_ =	sdelay $0x1  }
0x8a: {  	s1 =	srdreg.scid  }
0x8b: {  	s0 =	sand.u32 $0x1, s1  }
0x8c: {  	s16 =	sshll.u32 s0, $0xA;
	s2 =	sadd.s32 s3, s2  }
0x8d: {  	s2 =	sadd.s32 s2, s16  }
0x8e: {  	[smem:$0x3FBC] =	sst s2  }
0x8f: {  	_ = 	snop  }
0x90: {  	(tm) =	ssettm $0x1  }
0x91: {  	s17 =	sld [smem:$0x3FFB];
	_ =	sdelay $0x3  }
0x92: {  	_ =	strace s17  }
0x93: {  	s2 =	sld [smem:$0x3FFC];
	_ =	sdelay $0x3  }
0x94: {  	_ =	strace s2  }
0x95: {  	s2 =	sld [smem:$0x3FFD];
	_ =	sdelay $0x3  }
0x96: {  	_ =	strace s2  }
0x97: {  	_ =	strace $0x8FFFFFFF  }
0x98: {  	s18 =	sld [smem:$0x3FDB];
	_ =	sdelay $0x1  }
0x99: {  	s19 =	simm.s32 $_scs_section_size  }
0x9a: {  	s4 =	simm.s32 $_size__tile_overlayer_lowered;
	s5 =	simm.s32 $_tile_overlayer_lowered  }
0x9b: {  	s22 =	simm.s32 $0x1BFF;
	s21 =	sshll.u32 s5, $0x1;
	s2 =	sadd.s32 s19, s18  }
0x9c: {  	s6 =	simm.s32 $0x0;
	s20 =	sshll.u32 s4, $0x1;
	s4 =	sadd.s32 s21, s2  }
0x9d: {  	[timem:s6], [sflag:s22] =	dma.local [hbm:s4], s20  }
0x9e: {  	_ =	swait.ge [sflag:s22], s20  }
0x9f: {  	s3 =	ssub.s32 $0x0, s20;
	[sflag:s22] =	ssyncset.done $0x0  }
0xa0: {  	[sflag:s22] =	ssyncadd.s32 s3;
	_ =	sdelay $0x1  }
0xa1: {  	s23 =	simm.s32 $0x1B8B  }
0xa2: {  	_ =	swait.ge [sflag:s23], $0x1  }
0xa3: {  	[sflag:s23] =	ssyncset.done $0x0  }
0xa4: {  	s25 =	simm.s32 $0x1B8E;
	s24 =	sld [smem:$0x3FFE];
	[sflag:s23] =	ssyncadd.s32 $0xFFFFFFFF  }
0xa5: {  	s26 =	simm.s32 $execute0_lowered;
	[smem:$0x3FD2] =	sst s25  }
0xa6: {  	s4 =	sshll.u32 s26, $0x1;
	_ =	strace $0x8000004F;
	[dreg:$0x1] =	wrdreg $0xFFFFFFFF  }
0xa7: {  	s28 =	simm.s32 $_size_execute0_lowered;
	s2 =	sadd.s32 s2, s4;
	[dreg:$0x0] =	wrdreg $0x0  }
0xa8: {  	s4 =	sshll.u32 s28, $0x1;
	[dreg:$0x2] =	wrdreg s2  }
0xa9: {  	[dreg:$0x3] =	wrdreg s4  }
0xaa: {  	[dreg:$0x4] =	wrdreg $0xC0  }
0xab: {  	_ =	task [dreg:s6], $0x5FFFF  }
0xac: {  	[dreg:$0x1] =	wrdreg $0xFFFFFFFF  }
0xad: {  	[dreg:$0x0] =	wrdreg $0x60  }
0xae: {  	[dreg:$0x2] =	wrdreg s24  }
0xaf: {  	[dreg:$0x3] =	wrdreg $0xA8000  }
0xb0: {  	[dreg:$0x4] =	wrdreg $0x9  }
0xb1: {  	_ =	task.clear_ibuf [dreg:s6], $0x5FFFF;
	_ =	strace $0x9000004F  }
0xb2: {  	s29 =	simm.s32 $0x9;
	_ =	strace $0x80000051  }
0xb3: {  	_ =	swait.ge [sflag:s29], $0x1  }
0xb4: {  	[sflag:s29] =	ssyncadd.s32 $0xFFFFFFFF  }
0xb5: {  	_ =	strace $0x90000051  }
0xb6: {  	_ =	sfence  }
0xb7: {  	s30 =	sld [smem:$0x0];
	_ =	sdelay $0x2  }
0xb8: {  	s31 =	sshll.u32 s1, $0xD;
	s1 =	sshrl.u32 s1, $0x2  }
0xb9: {  	s3 =	sand.u32 $0x4000, s31;
	s1 =	sadd.s32 s1, s30  }
0xba: {  	s0 =	sor.u32 s3, s0;
	s1 =	sshll.u32 s1, $0x11  }
0xbb: {  	s0 =	sor.u32 s1, s0  }
0xbc: {  	s0 =	sadd.s32 $0x8F2B, s0  }
0xbd: {  	[sflag:s0] =	ssyncadd.remote.s32 $0x1  }
0xbe: {  	_ =	sfence.sel $0xFFFF  }
0xbf: {  	[dreg:$0x0] =	wrdreg $0xFFFFFFFF;
	(pc) =	sbr.abs _section_cstart, $3  }
0xc0: {  	[dreg:$0x1] =	wrdreg $0xFFFFFFFF  }
0xc1: {  	_ =	task.clear_ibuf [dreg:s6], $0x2FFFF;
	_ =	strace $0x9FFFFFFF  }
0xc2: {  	(tm) =	ssettm $0x7FFFFFFF  }
0xc3: {  	_ =	shalt  }
tec
execute0_lowered:
.L_overlay_start_1:
0x0: {  	(tag) =	ssettag $0x1  }
0x1: {  	s6 =	rddreg [dreg:$0x0]  }
0x2: {  	s0 =	srdreg.scid;
	s1 =	rddreg [dreg:$0x1];
	s2 =	simm.s32 $0x0  }
0x3: {  	s17 =	simm.s32 $0x80;
	s18 =	simm.s32 $0x2800;
	s19 =	simm.s32 $0x6800  }
0x4: {  	s20 =	simm.s32 $0x3;
	s21 =	simm.s32 $0x2;
	s22 =	simm.s32 $0x4  }
0x5: {  	s26 =	simm.s32 $0x0;
	s4 =	sand.u32 $0x1, s0;
	s0 =	rddreg [dreg:$0x2]  }
0x6: {  	[smem:$0x7FF] =	sst s2;
	s23 =	sadd.s32 $0x124800, s1;
	s3 =	smul.u32 $0x5000, s4  }
0x7: {  	s5 =	sadd.s32 $0x3F800, s6;
	_ =	strace $0x80000050;
	s8 =	smul.u32 $0x27100, s4  }
0x8: {  	s9 =	ssub.s32 $0x2, s4;
	s7 =	sadd.s32 s3, s6;
	s3 =	stileid.u32  }
0x9: {  	s4 =	sadd.s32 $0x4600, s6;
	s10 =	sshrl.u32 s9, $0x1;
	s11 =	smul.u32 $0x50000, s3  }
0xa: {  	s8 =	sadd.s32 s8, s6;
	s9 =	ssub.s32 s9, s10;
	s30 =	smul.u32 $0x4E000, s3  }
0xb: {  	s29 =	sshll.u32 s3, $0x6;
	s31 =	sadd.s32 $0x2B800, s7;
	s13 =	smul.u32 $0x500, s3  }
0xc: {  	s14 =	sadd.s32 $0x35800, s7;
	s7 =	sadd.s32 $0x42000, s8;
	s24 =	smul.u32 $0x2700, s3  }
0xd: {  	s8 =	smax.u32 s9, $0x1;
	p0 =	seq.s32 s3, $0xF;
	s6 =	sor.u32 $0x1C01, s29  }
0xe: {  	s23 =	sshrl.u32 @p0 s23, $0x3;
	s28 =	sshrl.u32 s11, $0x2;
	s11 =	sshrl.u32 s30, $0x2  }
0xf: {  	s10 =	sadd.s32 s13, s31;
	s24 =	sadd.s32 @!p0 s24, s7;
	s12 =	sadd.s32 s28, s1  }
0x10: {  	s25 =	sadd.s32 s11, s1;
	s11 =	simm.s32 $0x5;
	s15 =	sadd.s32 $0x280, s10  }
0x11: {  	s9 =	sshrl.u32 s12, $0x3;
	s12 =	sadd.s32 s13, s14;
	s13 =	simm.s32 $0x1400  }
0x12: {  	s14 =	simm.s32 $0x1;
	s25 =	sshrl.u32 @!p0 s25, $0x3;
	s16 =	sadd.s32 $0x280, s12  }
.LBB2_1:
0x13: {  	[spmem:s9], [sflag:s6] =	dma.local [hbm:s5], $0x2800  }
0x14: {  	[tilespmem:s2], [sflag:$0x5] =	stream.linear.gather [hbm4b:s10+s2], $0x1400, $0x38;
	[tilespmem:$0x1E800] =	vst v63  }
0x15: {  	_ =	swait.ge [sflag:s11], $0x1400  }
0x16: {  	[sflag:s11] =	ssyncset.done $0x0  }
0x17: {  	[sflag:s11] =	ssyncadd.s32 $0xFFFFEC00  }
0x18: {  	[tilespmem:s13], [sflag:$0x5] =	stream.linear.gather [hbm4b:s12+s2], $0x1400, $0x38;
	[tilespmem:$0x1E800] =	vst v63  }
0x19: {  	_ =	swait.ge [sflag:s11], $0x1400  }
0x1a: {  	[sflag:s11] =	ssyncset.done $0x0  }
0x1b: {  	[sflag:s11] =	ssyncadd.s32 $0xFFFFEC00  }
0x1c: {  	_ =	swait.ge [sflag:s14], $0x2800  }
0x1d: {  	[sflag:s14] =	ssyncset.done $0x0  }
0x1e: {  	[sflag:s14] =	ssyncadd.s32 $0xFFFFD800  }
0x1f: {  	p2 =	por $0x1, $0x1;
	p3 =	por $0x0, $0x0;
	[bflag:$0x0] =	sbarrier.arrive $0xFFFF  }
.LBB2_2:
0x20: {  	s28 =	simm.s32 @p3 $0x0;
	s29 =	simm.s32 @p3 $0x5  }
0x21: {  	[tilespmem:s28], [sflag:$0x5] =	stream.linear.gather @p3 [hbm4b:s15+s28], $0x1400, $0x38;
	[tilespmem:$0x1E800] =	vst v63  }
0x22: {  	_ =	swait.ge @p3 [sflag:s29], $0x1400  }
0x23: {  	[sflag:s29] =	ssyncset.done @p3 $0x0  }
0x24: {  	s30 =	simm.s32 @p3 $0x1400;
	[sflag:s29] =	ssyncadd.s32 @p3 $0xFFFFEC00  }
0x25: {  	[tilespmem:s30], [sflag:$0x5] =	stream.linear.gather @p3 [hbm4b:s16+s28], $0x1400, $0x38;
	[tilespmem:$0x1E800] =	vst v63  }
0x26: {  	_ =	swait.ge @p3 [sflag:s29], $0x1400  }
0x27: {  	[sflag:s29] =	ssyncset.done @p3 $0x0  }
0x28: {  	s28 =	simm.s32 $0x0;
	[sflag:s29] =	ssyncadd.s32 @p3 $0xFFFFEC00  }
0x29: {  	[tilespmem:s18], [sflag:$0x1] =	stream.indirect.gather [hbm4b:s4+s17], $0x80, s28, s17, $0xb8;
	[tilespmem:$0x1E800] =	vst v63  }
0x2a: {  	s28 =	simm.s32 $0x80  }
0x2b: {  	[tilespmem:s19], [sflag:$0x2] =	stream.indirect.gather [hbm4b:s4+s17], $0x80, s28, s17, $0xb8;
	[tilespmem:$0x1E800] =	vst v63  }
0x2c: {  	_ =	swait.ge [sflag:s14], $0x4000  }
0x2d: {  	[sflag:s14] =	ssyncset.done $0x0  }
0x2e: {  	s28 =	simm.s32 $0x1400;
	[sflag:s14] =	ssyncadd.s32 $0xFFFFC000  }
0x2f: {  	[spmem:s1] =	stream.indirect.scatter.add.f32 [tilespmem:s18], [sflag:$0x3], $0x80, s28, s17, $0xb8;
	[tilespmem:$0x1E800] =	vst v63  }
0x30: {  	_ =	swait.ge [sflag:s20], $0x4000  }
0x31: {  	[sflag:s20] =	ssyncset.done $0x0  }
0x32: {  	s28 =	simm.s32 $0x100;
	[sflag:s20] =	ssyncadd.s32 $0xFFFFC000  }
0x33: {  	[tilespmem:s18], [sflag:$0x1] =	stream.indirect.gather [hbm4b:s4+s17], $0x80, s28, s17, $0xb8;
	[tilespmem:$0x1E800] =	vst v63  }
0x34: {  	_ =	swait.ge [sflag:s21], $0x4000  }
0x35: {  	[sflag:s21] =	ssyncset.done $0x0  }
0x36: {  	s28 =	simm.s32 $0x1480;
	[sflag:s21] =	ssyncadd.s32 $0xFFFFC000  }
0x37: {  	[spmem:s1] =	stream.indirect.scatter.add.f32 [tilespmem:s19], [sflag:$0x4], $0x80, s28, s17, $0xb8;
	[tilespmem:$0x1E800] =	vst v63  }
0x38: {  	_ =	swait.ge [sflag:s22], $0x4000  }
0x39: {  	[sflag:s22] =	ssyncset.done $0x0  }
0x3a: {  	s28 =	simm.s32 $0x180;
	[sflag:s22] =	ssyncadd.s32 $0xFFFFC000  }
0x3b: {  	[tilespmem:s19], [sflag:$0x2] =	stream.indirect.gather [hbm4b:s4+s17], $0x80, s28, s17, $0xb8;
	[tilespmem:$0x1E800] =	vst v63  }
0x3c: {  	_ =	swait.ge [sflag:s14], $0x4000  }
0x3d: {  	[sflag:s14] =	ssyncset.done $0x0  }
0x3e: {  	s28 =	simm.s32 $0x1500;
	[sflag:s14] =	ssyncadd.s32 $0xFFFFC000  }
0x3f: {  	[spmem:s1] =	stream.indirect.scatter.add.f32 [tilespmem:s18], [sflag:$0x3], $0x80, s28, s17, $0xb8;
	[tilespmem:$0x1E800] =	vst v63  }
0x40: {  	_ =	swait.ge [sflag:s20], $0x4000  }
0x41: {  	[sflag:s20] =	ssyncset.done $0x0  }
0x42: {  	s28 =	simm.s32 $0x200;
	[sflag:s20] =	ssyncadd.s32 $0xFFFFC000  }
0x43: {  	[tilespmem:s18], [sflag:$0x1] =	stream.indirect.gather [hbm4b:s4+s17], $0x80, s28, s17, $0xb8;
	[tilespmem:$0x1E800] =	vst v63  }
0x44: {  	_ =	swait.ge [sflag:s21], $0x4000  }
0x45: {  	[sflag:s21] =	ssyncset.done $0x0  }
0x46: {  	s28 =	simm.s32 $0x1580;
	[sflag:s21] =	ssyncadd.s32 $0xFFFFC000  }
0x47: {  	[spmem:s1] =	stream.indirect.scatter.add.f32 [tilespmem:s19], [sflag:$0x4], $0x80, s28, s17, $0xb8;
	[tilespmem:$0x1E800] =	vst v63  }
0x48: {  	_ =	swait.ge [sflag:s22], $0x4000  }
0x49: {  	[sflag:s22] =	ssyncset.done $0x0  }
0x4a: {  	s28 =	simm.s32 $0x280;
	[sflag:s22] =	ssyncadd.s32 $0xFFFFC000  }
0x4b: {  	[tilespmem:s19], [sflag:$0x2] =	stream.indirect.gather [hbm4b:s4+s17], $0x80, s28, s17, $0xb8;
	[tilespmem:$0x1E800] =	vst v63  }
0x4c: {  	_ =	swait.ge [sflag:s14], $0x4000  }
0x4d: {  	[sflag:s14] =	ssyncset.done $0x0  }
0x4e: {  	s28 =	simm.s32 $0x1600;
	[sflag:s14] =	ssyncadd.s32 $0xFFFFC000  }
0x4f: {  	[spmem:s1] =	stream.indirect.scatter.add.f32 [tilespmem:s18], [sflag:$0x3], $0x80, s28, s17, $0xb8;
	[tilespmem:$0x1E800] =	vst v63  }
0x50: {  	_ =	swait.ge [sflag:s20], $0x4000  }
0x51: {  	[sflag:s20] =	ssyncset.done $0x0  }
0x52: {  	s28 =	simm.s32 $0x300;
	[sflag:s20] =	ssyncadd.s32 $0xFFFFC000  }
0x53: {  	[tilespmem:s18], [sflag:$0x1] =	stream.indirect.gather [hbm4b:s4+s17], $0x80, s28, s17, $0xb8;
	[tilespmem:$0x1E800] =	vst v63  }
0x54: {  	_ =	swait.ge [sflag:s21], $0x4000  }
0x55: {  	[sflag:s21] =	ssyncset.done $0x0  }
0x56: {  	s28 =	simm.s32 $0x1680;
	[sflag:s21] =	ssyncadd.s32 $0xFFFFC000  }
0x57: {  	[spmem:s1] =	stream.indirect.scatter.add.f32 [tilespmem:s19], [sflag:$0x4], $0x80, s28, s17, $0xb8;
	[tilespmem:$0x1E800] =	vst v63  }
0x58: {  	_ =	swait.ge [sflag:s22], $0x4000  }
0x59: {  	[sflag:s22] =	ssyncset.done $0x0  }
0x5a: {  	s28 =	simm.s32 $0x380;
	[sflag:s22] =	ssyncadd.s32 $0xFFFFC000  }
0x5b: {  	[tilespmem:s19], [sflag:$0x2] =	stream.indirect.gather [hbm4b:s4+s17], $0x80, s28, s17, $0xb8;
	[tilespmem:$0x1E800] =	vst v63  }
0x5c: {  	_ =	swait.ge [sflag:s14], $0x4000  }
0x5d: {  	[sflag:s14] =	ssyncset.done $0x0  }
0x5e: {  	s28 =	simm.s32 $0x1700;
	[sflag:s14] =	ssyncadd.s32 $0xFFFFC000  }
0x5f: {  	[spmem:s1] =	stream.indirect.scatter.add.f32 [tilespmem:s18], [sflag:$0x3], $0x80, s28, s17, $0xb8;
	[tilespmem:$0x1E800] =	vst v63  }
0x60: {  	_ =	swait.ge [sflag:s20], $0x4000  }
0x61: {  	[sflag:s20] =	ssyncset.done $0x0  }
0x62: {  	[sflag:s20] =	ssyncadd.s32 $0xFFFFC000  }
0x63: {  	_ =	swait.ge [sflag:s21], $0x4000  }
0x64: {  	[sflag:s21] =	ssyncset.done $0x0  }
0x65: {  	s28 =	simm.s32 $0x1780;
	[sflag:s21] =	ssyncadd.s32 $0xFFFFC000  }
0x66: {  	[spmem:s1] =	stream.indirect.scatter.add.f32 [tilespmem:s19], [sflag:$0x4], $0x80, s28, s17, $0xb8;
	[tilespmem:$0x1E800] =	vst v63  }
0x67: {  	p1 =	por p2, p2;
	_ =	swait.ge [sflag:s22], $0x4000  }
0x68: {  	s31 =	simm.s32 $0x2000;
	s28 =	simm.s32 $0x1000;
	[sflag:s22] =	ssyncset.done $0x0  }
.LBB2_3:
0x69: {  	s30 =	sshra.s32 s28, $0x2  }
0x6a: {  	[sflag:s22] =	ssyncadd.s32 $0xFFFFC000;
	s28 =	smov.u32 s31;
	s29 =	sadd.s32 $0x1000, s31  }
0x6b: {  	[tilespmem:s18], [sflag:$0x1] =	stream.indirect.gather [hbm4b:s4+s17], $0x80, s30, s17, $0xb8;
	[tilespmem:$0x1E800] =	vst v63  }
0x6c: {  	p2 =	sne.s32 s31, $0x4000;
	s31 =	sadd.s32 $0x80, s30  }
0x6d: {  	[tilespmem:s19], [sflag:$0x2] =	stream.indirect.gather [hbm4b:s4+s17], $0x80, s31, s17, $0xb8;
	[tilespmem:$0x1E800] =	vst v63  }
0x6e: {  	_ =	swait.ge [sflag:s14], $0x4000  }
0x6f: {  	[sflag:s14] =	ssyncset.done $0x0  }
0x70: {  	s31 =	sadd.s32 $0x1400, s30;
	[sflag:s14] =	ssyncadd.s32 $0xFFFFC000  }
0x71: {  	[spmem:s1] =	stream.indirect.scatter.add.f32 [tilespmem:s18], [sflag:$0x3], $0x80, s31, s17, $0xb8;
	[tilespmem:$0x1E800] =	vst v63  }
0x72: {  	_ =	swait.ge [sflag:s20], $0x4000  }
0x73: {  	[sflag:s20] =	ssyncset.done $0x0  }
0x74: {  	s31 =	sadd.s32 $0x100, s30;
	[sflag:s20] =	ssyncadd.s32 $0xFFFFC000  }
0x75: {  	[tilespmem:s18], [sflag:$0x1] =	stream.indirect.gather [hbm4b:s4+s17], $0x80, s31, s17, $0xb8;
	[tilespmem:$0x1E800] =	vst v63  }
0x76: {  	_ =	swait.ge [sflag:s21], $0x4000  }
0x77: {  	[sflag:s21] =	ssyncset.done $0x0  }
0x78: {  	s31 =	sadd.s32 $0x1480, s30;
	[sflag:s21] =	ssyncadd.s32 $0xFFFFC000  }
0x79: {  	[spmem:s1] =	stream.indirect.scatter.add.f32 [tilespmem:s19], [sflag:$0x4], $0x80, s31, s17, $0xb8;
	[tilespmem:$0x1E800] =	vst v63  }
0x7a: {  	_ =	swait.ge [sflag:s22], $0x4000  }
0x7b: {  	[sflag:s22] =	ssyncset.done $0x0  }
0x7c: {  	s31 =	sadd.s32 $0x180, s30;
	[sflag:s22] =	ssyncadd.s32 $0xFFFFC000  }
0x7d: {  	[tilespmem:s19], [sflag:$0x2] =	stream.indirect.gather [hbm4b:s4+s17], $0x80, s31, s17, $0xb8;
	[tilespmem:$0x1E800] =	vst v63  }
0x7e: {  	_ =	swait.ge [sflag:s14], $0x4000  }
0x7f: {  	[sflag:s14] =	ssyncset.done $0x0  }
0x80: {  	s31 =	sadd.s32 $0x1500, s30;
	[sflag:s14] =	ssyncadd.s32 $0xFFFFC000  }
0x81: {  	[spmem:s1] =	stream.indirect.scatter.add.f32 [tilespmem:s18], [sflag:$0x3], $0x80, s31, s17, $0xb8;
	[tilespmem:$0x1E800] =	vst v63  }
0x82: {  	_ =	swait.ge [sflag:s20], $0x4000  }
0x83: {  	[sflag:s20] =	ssyncset.done $0x0  }
0x84: {  	s31 =	sadd.s32 $0x200, s30;
	[sflag:s20] =	ssyncadd.s32 $0xFFFFC000  }
0x85: {  	[tilespmem:s18], [sflag:$0x1] =	stream.indirect.gather [hbm4b:s4+s17], $0x80, s31, s17, $0xb8;
	[tilespmem:$0x1E800] =	vst v63  }
0x86: {  	_ =	swait.ge [sflag:s21], $0x4000  }
0x87: {  	[sflag:s21] =	ssyncset.done $0x0  }
0x88: {  	s31 =	sadd.s32 $0x1580, s30;
	[sflag:s21] =	ssyncadd.s32 $0xFFFFC000  }
0x89: {  	[spmem:s1] =	stream.indirect.scatter.add.f32 [tilespmem:s19], [sflag:$0x4], $0x80, s31, s17, $0xb8;
	[tilespmem:$0x1E800] =	vst v63  }
0x8a: {  	_ =	swait.ge [sflag:s22], $0x4000  }
0x8b: {  	[sflag:s22] =	ssyncset.done $0x0  }
0x8c: {  	s31 =	sadd.s32 $0x280, s30;
	[sflag:s22] =	ssyncadd.s32 $0xFFFFC000  }
0x8d: {  	[tilespmem:s19], [sflag:$0x2] =	stream.indirect.gather [hbm4b:s4+s17], $0x80, s31, s17, $0xb8;
	[tilespmem:$0x1E800] =	vst v63  }
0x8e: {  	_ =	swait.ge [sflag:s14], $0x4000  }
0x8f: {  	[sflag:s14] =	ssyncset.done $0x0  }
0x90: {  	s31 =	sadd.s32 $0x1600, s30;
	[sflag:s14] =	ssyncadd.s32 $0xFFFFC000  }
0x91: {  	[spmem:s1] =	stream.indirect.scatter.add.f32 [tilespmem:s18], [sflag:$0x3], $0x80, s31, s17, $0xb8;
	[tilespmem:$0x1E800] =	vst v63  }
0x92: {  	_ =	swait.ge [sflag:s20], $0x4000  }
0x93: {  	[sflag:s20] =	ssyncset.done $0x0  }
0x94: {  	s31 =	sadd.s32 $0x300, s30;
	[sflag:s20] =	ssyncadd.s32 $0xFFFFC000  }
0x95: {  	[tilespmem:s18], [sflag:$0x1] =	stream.indirect.gather [hbm4b:s4+s17], $0x80, s31, s17, $0xb8;
	[tilespmem:$0x1E800] =	vst v63  }
0x96: {  	_ =	swait.ge [sflag:s21], $0x4000  }
0x97: {  	[sflag:s21] =	ssyncset.done $0x0  }
0x98: {  	s31 =	sadd.s32 $0x1680, s30;
	[sflag:s21] =	ssyncadd.s32 $0xFFFFC000  }
0x99: {  	[spmem:s1] =	stream.indirect.scatter.add.f32 [tilespmem:s19], [sflag:$0x4], $0x80, s31, s17, $0xb8;
	[tilespmem:$0x1E800] =	vst v63  }
0x9a: {  	_ =	swait.ge [sflag:s22], $0x4000  }
0x9b: {  	[sflag:s22] =	ssyncset.done $0x0  }
0x9c: {  	s31 =	sadd.s32 $0x380, s30;
	[sflag:s22] =	ssyncadd.s32 $0xFFFFC000  }
0x9d: {  	[tilespmem:s19], [sflag:$0x2] =	stream.indirect.gather [hbm4b:s4+s17], $0x80, s31, s17, $0xb8;
	[tilespmem:$0x1E800] =	vst v63  }
0x9e: {  	_ =	swait.ge [sflag:s14], $0x4000  }
0x9f: {  	[sflag:s14] =	ssyncset.done $0x0  }
0xa0: {  	s31 =	sadd.s32 $0x1700, s30;
	[sflag:s14] =	ssyncadd.s32 $0xFFFFC000  }
0xa1: {  	[spmem:s1] =	stream.indirect.scatter.add.f32 [tilespmem:s18], [sflag:$0x3], $0x80, s31, s17, $0xb8;
	[tilespmem:$0x1E800] =	vst v63  }
0xa2: {  	_ =	swait.ge [sflag:s20], $0x4000  }
0xa3: {  	[sflag:s20] =	ssyncset.done $0x0  }
0xa4: {  	[sflag:s20] =	ssyncadd.s32 $0xFFFFC000  }
0xa5: {  	_ =	swait.ge [sflag:s21], $0x4000  }
.Ltmp0:
0xa6: {  	[sflag:s21] =	ssyncset.done $0x0;
	(pc) =	sbr.rel @p2 .LBB2_3-.Ltmp0, $4  }
0xa7: {  	s30 =	sadd.s32 $0x1780, s30;
	[sflag:s21] =	ssyncadd.s32 $0xFFFFC000  }
0xa8: {  	[spmem:s1] =	stream.indirect.scatter.add.f32 [tilespmem:s19], [sflag:$0x4], $0x80, s30, s17, $0xb8;
	[tilespmem:$0x1E800] =	vst v63  }
0xa9: {  	_ =	swait.ge [sflag:s22], $0x4000  }
0xaa: {  	s31 =	smov.u32 s29;
	[sflag:s22] =	ssyncset.done $0x0  }
0xab: {  	s28 =	sshra.s32 s28, $0x2;
	[sflag:s22] =	ssyncadd.s32 $0xFFFFC000  }
0xac: {  	[tilespmem:s18], [sflag:$0x1] =	stream.indirect.gather [hbm4b:s4+s17], $0x80, s28, s17, $0xb8;
	[tilespmem:$0x1E800] =	vst v63  }
0xad: {  	s29 =	sadd.s32 $0x80, s28  }
0xae: {  	[tilespmem:s19], [sflag:$0x2] =	stream.indirect.gather [hbm4b:s4+s17], $0x80, s29, s17, $0xb8;
	[tilespmem:$0x1E800] =	vst v63  }
0xaf: {  	_ =	swait.ge [sflag:s14], $0x4000  }
0xb0: {  	[sflag:s14] =	ssyncset.done $0x0  }
0xb1: {  	s31 =	sadd.s32 $0x1400, s28;
	[sflag:s14] =	ssyncadd.s32 $0xFFFFC000  }
0xb2: {  	[spmem:s1] =	stream.indirect.scatter.add.f32 [tilespmem:s18], [sflag:$0x3], $0x80, s31, s17, $0xb8;
	[tilespmem:$0x1E800] =	vst v63  }
0xb3: {  	_ =	swait.ge [sflag:s20], $0x4000  }
0xb4: {  	[sflag:s20] =	ssyncset.done $0x0  }
0xb5: {  	s30 =	sadd.s32 $0x100, s28;
	[sflag:s20] =	ssyncadd.s32 $0xFFFFC000  }
0xb6: {  	[tilespmem:s18], [sflag:$0x1] =	stream.indirect.gather [hbm4b:s4+s17], $0x80, s30, s17, $0xb8;
	[tilespmem:$0x1E800] =	vst v63  }
0xb7: {  	_ =	swait.ge [sflag:s21], $0x4000  }
0xb8: {  	[sflag:s21] =	ssyncset.done $0x0  }
0xb9: {  	s31 =	sadd.s32 $0x1480, s28;
	[sflag:s21] =	ssyncadd.s32 $0xFFFFC000  }
0xba: {  	[spmem:s1] =	stream.indirect.scatter.add.f32 [tilespmem:s19], [sflag:$0x4], $0x80, s31, s17, $0xb8;
	[tilespmem:$0x1E800] =	vst v63  }
0xbb: {  	_ =	swait.ge [sflag:s22], $0x4000  }
0xbc: {  	[sflag:s22] =	ssyncset.done $0x0  }
0xbd: {  	s30 =	sadd.s32 $0x180, s28;
	[sflag:s22] =	ssyncadd.s32 $0xFFFFC000  }
0xbe: {  	[tilespmem:s19], [sflag:$0x2] =	stream.indirect.gather [hbm4b:s4+s17], $0x80, s30, s17, $0xb8;
	[tilespmem:$0x1E800] =	vst v63  }
0xbf: {  	_ =	swait.ge [sflag:s14], $0x4000  }
0xc0: {  	[sflag:s14] =	ssyncset.done $0x0  }
0xc1: {  	s31 =	sadd.s32 $0x1500, s28;
	[sflag:s14] =	ssyncadd.s32 $0xFFFFC000  }
0xc2: {  	[spmem:s1] =	stream.indirect.scatter.add.f32 [tilespmem:s18], [sflag:$0x3], $0x80, s31, s17, $0xb8;
	[tilespmem:$0x1E800] =	vst v63  }
0xc3: {  	_ =	swait.ge [sflag:s20], $0x4000  }
0xc4: {  	[sflag:s20] =	ssyncset.done $0x0  }
0xc5: {  	s30 =	sadd.s32 $0x200, s28;
	[sflag:s20] =	ssyncadd.s32 $0xFFFFC000  }
0xc6: {  	[tilespmem:s18], [sflag:$0x1] =	stream.indirect.gather [hbm4b:s4+s17], $0x80, s30, s17, $0xb8;
	[tilespmem:$0x1E800] =	vst v63  }
0xc7: {  	_ =	swait.ge [sflag:s21], $0x4000  }
0xc8: {  	[sflag:s21] =	ssyncset.done $0x0  }
0xc9: {  	s31 =	sadd.s32 $0x1580, s28;
	[sflag:s21] =	ssyncadd.s32 $0xFFFFC000  }
0xca: {  	[spmem:s1] =	stream.indirect.scatter.add.f32 [tilespmem:s19], [sflag:$0x4], $0x80, s31, s17, $0xb8;
	[tilespmem:$0x1E800] =	vst v63  }
0xcb: {  	_ =	swait.ge [sflag:s22], $0x4000  }
0xcc: {  	[sflag:s22] =	ssyncset.done $0x0  }
0xcd: {  	s30 =	sadd.s32 $0x280, s28;
	[sflag:s22] =	ssyncadd.s32 $0xFFFFC000  }
0xce: {  	[tilespmem:s19], [sflag:$0x2] =	stream.indirect.gather [hbm4b:s4+s17], $0x80, s30, s17, $0xb8;
	[tilespmem:$0x1E800] =	vst v63  }
0xcf: {  	_ =	swait.ge [sflag:s14], $0x4000  }
0xd0: {  	[sflag:s14] =	ssyncset.done $0x0  }
0xd1: {  	s31 =	sadd.s32 $0x1600, s28;
	[sflag:s14] =	ssyncadd.s32 $0xFFFFC000  }
0xd2: {  	[spmem:s1] =	stream.indirect.scatter.add.f32 [tilespmem:s18], [sflag:$0x3], $0x80, s31, s17, $0xb8;
	[tilespmem:$0x1E800] =	vst v63  }
0xd3: {  	_ =	swait.ge [sflag:s20], $0x4000  }
0xd4: {  	[sflag:s20] =	ssyncset.done $0x0  }
0xd5: {  	s30 =	sadd.s32 $0x300, s28;
	[sflag:s20] =	ssyncadd.s32 $0xFFFFC000  }
0xd6: {  	[tilespmem:s18], [sflag:$0x1] =	stream.indirect.gather [hbm4b:s4+s17], $0x80, s30, s17, $0xb8;
	[tilespmem:$0x1E800] =	vst v63  }
0xd7: {  	_ =	swait.ge [sflag:s21], $0x4000  }
0xd8: {  	[sflag:s21] =	ssyncset.done $0x0  }
0xd9: {  	s31 =	sadd.s32 $0x1680, s28;
	[sflag:s21] =	ssyncadd.s32 $0xFFFFC000  }
0xda: {  	[spmem:s1] =	stream.indirect.scatter.add.f32 [tilespmem:s19], [sflag:$0x4], $0x80, s31, s17, $0xb8;
	[tilespmem:$0x1E800] =	vst v63  }
0xdb: {  	_ =	swait.ge [sflag:s22], $0x4000  }
0xdc: {  	[sflag:s22] =	ssyncset.done $0x0  }
0xdd: {  	s30 =	sadd.s32 $0x380, s28;
	[sflag:s22] =	ssyncadd.s32 $0xFFFFC000  }
0xde: {  	[tilespmem:s19], [sflag:$0x2] =	stream.indirect.gather [hbm4b:s4+s17], $0x80, s30, s17, $0xb8;
	[tilespmem:$0x1E800] =	vst v63  }
0xdf: {  	_ =	swait.ge [sflag:s14], $0x4000  }
0xe0: {  	[sflag:s14] =	ssyncset.done $0x0  }
0xe1: {  	s31 =	sadd.s32 $0x1700, s28;
	[sflag:s14] =	ssyncadd.s32 $0xFFFFC000  }
0xe2: {  	[spmem:s1] =	stream.indirect.scatter.add.f32 [tilespmem:s18], [sflag:$0x3], $0x80, s31, s17, $0xb8;
	[tilespmem:$0x1E800] =	vst v63  }
0xe3: {  	_ =	swait.ge [sflag:s20], $0x4000  }
0xe4: {  	[sflag:s20] =	ssyncset.done $0x0  }
0xe5: {  	[sflag:s20] =	ssyncadd.s32 $0xFFFFC000  }
0xe6: {  	_ =	swait.ge [sflag:s21], $0x4000  }
0xe7: {  	[sflag:s21] =	ssyncset.done $0x0  }
.Ltmp1:
0xe8: {  	s28 =	sadd.s32 $0x1780, s28;
	[sflag:s21] =	ssyncadd.s32 $0xFFFFC000;
	(pc) =	sbr.rel @p1 .LBB2_2-.Ltmp1, $4  }
0xe9: {  	[spmem:s1] =	stream.indirect.scatter.add.f32 [tilespmem:s19], [sflag:$0x4], $0x80, s28, s17, $0xb8;
	[tilespmem:$0x1E800] =	vst v63  }
0xea: {  	_ =	swait.ge [sflag:s22], $0x4000  }
0xeb: {  	[sflag:s22] =	ssyncset.done $0x0  }
0xec: {  	p2 =	por $0x0, $0x0;
	p3 =	por $0x1, $0x1;
	[sflag:s22] =	ssyncadd.s32 $0xFFFFC000  }
0xed: {  	[bflag:$0x0] =	sbarrier.arrive $0xFFFF;
	s28 =	sadd.s32 @p0 $0x24900, s7;
	s29 =	simm.s32 @p0 $0x1FC5  }
0xee: {  	[hbm:s28], [sflag:s29] =	dma.local @p0 [spmem:s23], $0x2800  }
0xef: {  	s28 =	simm.s32 @p0 $0x5  }
0xf0: {  	_ =	swait.ge @p0 [sflag:s28], $0x2800  }
0xf1: {  	s26 =	sadd.s32 $0x1, s26;
	s29 =	sshll.u32 @!p0 s3, $0x6;
	[sflag:s28] =	ssyncset.done @p0 $0x0  }
0xf2: {  	p1 =	sne.s32 s26, s8;
	[sflag:s28] =	ssyncadd.s32 @p0 $0xFFFFD800;
	s28 =	sor.u32 @!p0 $0x1C05, s29  }
0xf3: {  	[hbm:s24], [sflag:s28] =	dma.local @!p0 [spmem:s25], $0x2700  }
.Ltmp2:
0xf4: {  	_ = 	snop;
	(pc) =	sbr.rel @p1 .LBB2_1-.Ltmp2, $4  }
0xf5: {  	s28 =	simm.s32 @!p0 $0x5  }
0xf6: {  	_ =	swait.ge @!p0 [sflag:s28], $0x2700  }
0xf7: {  	[sflag:s28] =	ssyncset.done @!p0 $0x0  }
0xf8: {  	[sflag:s28] =	ssyncadd.s32 @!p0 $0xFFFFD900  }
0xf9: {  	_ =	sfence.sel $0x180000  }
0xfa: {  	[bflag:$0x0] =	sbarrier.arrive $0xFFFF  }
0xfb: {  	p0 =	sne.s32 s3, $0x0;
	_ =	strace $0x90000050  }
0xfc: {  	s0 =	sadd.s32 @!p0 $0x100000, s0;
	[bflag:$0x2] =	sbarrier.arrive $0xFFFF  }
0xfd: {  	[sflag:s0] =	ssyncadd.tile.s32 @!p0 $0x1;
	_ =	shalt  }
.Lfunc_end2:
_tile_overlayer_lowered:
.L_overlay_start_2:
0xfe: {  	(tag) =	ssettag $0x2  }
0xff: {  	s0 =	rddreg [dreg:$0x0];
	s2 =	stileid.u32  }
0x100: {  	s1 =	rddreg [dreg:$0x1];
	p0 =	sne.s32 s2, $0x0  }
0x101: {  	s3 =	rddreg [dreg:$0x2];
	[bflag:$0x3] =	sbarrier.arrive $0xFFFF;
	s2 =	simm.s32 @!p0 $0x1C05  }
0x102: {  	[timem:s3], [sflag:s2] =	dma.local @!p0 [hbm:s0], s1  }
0x103: {  	s0 =	simm.s32 @!p0 $0x5  }
0x104: {  	_ =	swait.ge @!p0 [sflag:s0], s1  }
0x105: {  	s1 =	ssub.s32 @!p0 $0x0, s1;
	[sflag:s0] =	ssyncset.done @!p0 $0x0  }
0x106: {  	[sflag:s0] =	ssyncadd.s32 @!p0 s1  }
0x107: {  	[bflag:$0x3] =	sbarrier.arrive $0xFFFF  }
0x108: {  	_ =	shalt  }

// kernel: kernel.25.cloned.1.call-start
scs
__scs_entry_jumppad:
0x0: {  	(pc) =	sbr.rel $0x88, $3  }
0x1: {  	(tag) =	ssettag $0x0;
	lr =	simm.s32 $0x1  }
0x2: {  	[smem:$0x3F95] =	sst lr;
	_ =	strace $0xD0000000  }
0x3: {  	_ = 	snop  }
0x4: {  	_ = 	snop  }
0x5: {  	_ = 	snop  }
0x6: {  	_ = 	snop  }
0x7: {  	_ = 	snop  }
__scs_overlays_trampoline_lowered:
0x8: {  	[smem:$0x3FA4] =	sst s0  }
0x9: {  	[smem:$0x3FA5] =	sst s1  }
0xa: {  	[smem:$0x3FA6] =	sst s2  }
0xb: {  	[smem:$0x3FA7] =	sst s3  }
0xc: {  	[smem:$0x3FA8] =	sst s4  }
0xd: {  	[smem:$0x3FA9] =	sst s5  }
0xe: {  	[smem:$0x3FAA] =	sst s6  }
0xf: {  	[smem:$0x3FAB] =	sst s7  }
0x10: {  	[smem:$0x3FAC] =	sst s8  }
0x11: {  	[smem:$0x3FAD] =	sst s9;
	s0 =	simm.s32 @!p0 $0x0  }
0x12: {  	s1 =	sld [smem:$0x3F93];
	s0 =	simm.s32 @p0 $0x1  }
0x13: {  	[smem:$0x3FAE] =	sst s0;
	s0 =	simm.s32 @!p1 $0x0  }
0x14: {  	s2 =	sld [smem:$0x3F92];
	s0 =	simm.s32 @p1 $0x1  }
0x15: {  	[smem:$0x3FAF] =	sst s0;
	s0 =	simm.s32 @!p2 $0x0  }
0x16: {  	s3 =	sld [smem:$0x3FDB];
	s0 =	simm.s32 @p2 $0x1  }
0x17: {  	s4 =	simm.s32 $0x1BF5;
	[smem:$0x3FB1] =	sst s0  }
0x18: {  	s0 =	sld [smem:$0x3F94];
	_ =	swait.ge [sflag:s4], $0x0  }
0x19: {  	s7 =	sld [smem:$0x3F95]  }
0x1a: {  	s8 =	sadd.s32 $0xFFFFE003, lr  }
0x1b: {  	s9 =	sadd.s32 $0xFFFFFEF7, lr;
	s5 =	simm.s32 $0xFFFFFFFF;
	p2 =	slt.u32 s8, $0xFFFFF086  }
0x1c: {  	p1 =	slt.u32 s9, $0xF7A;
	s5 =	simm.s32 @!p2 $0x0  }
0x1d: {  	s5 =	simm.s32 @p1 $0x1;
	p0 =	seq.s32 s7, s2  }
0x1e: {  	s7 =	smul.u32 @!p0 $0xF7A, s2;
	p2 =	seq.s32 @!p0 s5, $0x0  }
0x1f: {  	s9 =	smul.u32 $0xF7A, s1;
	s8 =	simm.s32 @!p0 $0x1BF5;
	p2 =	por !p2, p0  }
0x20: {  	[sflag:s8] =	ssyncset.s32 @!p0 $0xFFFFF086;
	s6 =	sadd.s32 @!p0 s3, s7;
	s7 =	simm.s32 @!p0 $0x108  }
0x21: {  	s3 =	sadd.s32 s3, s9;
	s6 =	sadd.s32 @!p0 $0x88, s6;
	s7 =	simm.s32 @p2 $0x1082  }
0x22: {  	[simem:s7], [sflag:s8] =	dma.local @!p0 [hbm:s6], $0xF7A  }
0x23: {  	s9 =	sor.u32 $0xD0000000, s2;
	s6 =	simm.s32 $0x108;
	_ =	swait.ge @!p0 [sflag:s8], $0x0  }
0x24: {  	s3 =	sadd.s32 $0x88, s3;
	s6 =	simm.s32 @!p1 $0x1082;
	[sflag:s4] =	ssyncset.s32 $0xFFFFF086  }
0x25: {  	[simem:s6], [sflag:s4] =	dma.local [hbm:s3], $0xF7A  }
0x26: {  	[smem:$0x3F95] =	sst s1;
	(tag) =	ssettag s2;
	_ =	strace s9  }
0x27: {  	s1 =	sld [smem:$0x3FA5]  }
0x28: {  	s2 =	sld [smem:$0x3FA6]  }
0x29: {  	s4 =	sld [smem:$0x3FA8]  }
0x2a: {  	p0 =	seq.s32 s5, $0x0;
	s5 =	sld [smem:$0x3FA9]  }
0x2b: {  	s6 =	sld [smem:$0x3FAA]  }
0x2c: {  	s7 =	sld [smem:$0x3FAB]  }
0x2d: {  	s3 =	simm.s32 $0x108;
	s8 =	sld [smem:$0x3FAC]  }
0x2e: {  	s3 =	simm.s32 @!p0 $0x1082;
	s9 =	sld [smem:$0x3FAD]  }
0x2f: {  	lr =	sadd.s32 s0, s3;
	s0 =	sld [smem:$0x3FA4]  }
0x30: {  	s3 =	sld [smem:$0x3FA7]  }
0x31: {  	[smem:$0x3FB0] =	sst s10  }
0x32: {  	s10 =	sld [smem:$0x3FAE];
	_ =	sdelay $0x3  }
0x33: {  	p0 =	seq.s32 s10, $0x1;
	s10 =	sld [smem:$0x3FB0];
	_ =	sdelay $0x3  }
0x34: {  	[smem:$0x3FB0] =	sst s10  }
0x35: {  	s10 =	sld [smem:$0x3FAF];
	_ =	sdelay $0x3  }
0x36: {  	p1 =	seq.s32 s10, $0x1;
	s10 =	sld [smem:$0x3FB0];
	_ =	sdelay $0x3  }
0x37: {  	[smem:$0x3FB0] =	sst s10  }
0x38: {  	s10 =	sld [smem:$0x3FB1]  }
0x39: {  	_ = 	snop;
	(pc) =	sbr.ind lr, $3  }
0x3a: {  	_ = 	snop  }
0x3b: {  	_ = 	snop  }
0x3c: {  	p2 =	seq.s32 s10, $0x1;
	s10 =	sld [smem:$0x3FB0]  }
0x3d: {  	_ =	shalt  }
0x3e: {  	_ =	shalt  }
0x3f: {  	_ =	shalt  }
0x40: {  	_ =	shalt  }
0x41: {  	_ =	shalt  }
0x42: {  	_ =	shalt  }
0x43: {  	_ =	shalt  }
0x44: {  	_ =	shalt  }
0x45: {  	_ =	shalt  }
0x46: {  	_ =	shalt  }
0x47: {  	_ =	shalt  }
0x48: {  	_ =	shalt  }
0x49: {  	_ =	shalt  }
0x4a: {  	_ =	shalt  }
0x4b: {  	_ =	shalt  }
0x4c: {  	_ =	shalt  }
0x4d: {  	_ =	shalt  }
0x4e: {  	_ =	shalt  }
0x4f: {  	_ =	shalt  }
0x50: {  	_ =	shalt  }
0x51: {  	_ =	shalt  }
0x52: {  	_ =	shalt  }
0x53: {  	_ =	shalt  }
0x54: {  	_ =	shalt  }
0x55: {  	_ =	shalt  }
0x56: {  	_ =	shalt  }
0x57: {  	_ =	shalt  }
0x58: {  	_ =	shalt  }
0x59: {  	_ =	shalt  }
0x5a: {  	_ =	shalt  }
0x5b: {  	_ =	shalt  }
0x5c: {  	_ =	shalt  }
0x5d: {  	_ =	shalt  }
0x5e: {  	_ =	shalt  }
0x5f: {  	_ =	shalt  }
0x60: {  	_ =	shalt  }
0x61: {  	_ =	shalt  }
0x62: {  	_ =	shalt  }
0x63: {  	_ =	shalt  }
0x64: {  	_ =	shalt  }
0x65: {  	_ =	shalt  }
0x66: {  	_ =	shalt  }
0x67: {  	_ =	shalt  }
0x68: {  	_ =	shalt  }
0x69: {  	_ =	shalt  }
0x6a: {  	_ =	shalt  }
0x6b: {  	_ =	shalt  }
0x6c: {  	_ =	shalt  }
0x6d: {  	_ =	shalt  }
0x6e: {  	_ =	shalt  }
0x6f: {  	_ =	shalt  }
0x70: {  	_ =	shalt  }
0x71: {  	_ =	shalt  }
0x72: {  	_ =	shalt  }
0x73: {  	_ =	shalt  }
0x74: {  	_ =	shalt  }
0x75: {  	_ =	shalt  }
0x76: {  	_ =	shalt  }
0x77: {  	_ =	shalt  }
0x78: {  	_ =	shalt  }
0x79: {  	_ =	shalt  }
0x7a: {  	_ =	shalt  }
0x7b: {  	_ =	shalt  }
0x7c: {  	_ =	shalt  }
0x7d: {  	_ =	shalt  }
0x7e: {  	_ =	shalt  }
0x7f: {  	_ =	shalt  }
0x80: {  	_ =	shalt  }
0x81: {  	_ =	shalt  }
0x82: {  	_ =	shalt  }
0x83: {  	_ =	shalt  }
0x84: {  	_ =	shalt  }
0x85: {  	_ =	shalt  }
0x86: {  	_ =	shalt  }
0x87: {  	_ =	shalt  }
.Lfunc_end0:
.L_simem_size_0:
called_computation.4_lowered:
.L_overlay_start_0:
0x88: {  	s2 =	sld [smem:$0x3FD9]  }
0x89: {  	s3 =	sld [smem:$0x3FFE];
	_ =	sdelay $0x1  }
0x8a: {  	s1 =	srdreg.scid  }
0x8b: {  	s0 =	sand.u32 $0x1, s1  }
0x8c: {  	s16 =	sshll.u32 s0, $0xA;
	s2 =	sadd.s32 s3, s2  }
0x8d: {  	s2 =	sadd.s32 s2, s16  }
0x8e: {  	[smem:$0x3FBC] =	sst s2  }
0x8f: {  	_ = 	snop  }
0x90: {  	(tm) =	ssettm $0x1  }
0x91: {  	s17 =	sld [smem:$0x3FFB];
	_ =	sdelay $0x3  }
0x92: {  	_ =	strace s17  }
0x93: {  	s2 =	sld [smem:$0x3FFC];
	_ =	sdelay $0x3  }
0x94: {  	_ =	strace s2  }
0x95: {  	s2 =	sld [smem:$0x3FFD];
	_ =	sdelay $0x3  }
0x96: {  	_ =	strace s2  }
0x97: {  	_ =	strace $0x8FFFFFFF  }
0x98: {  	s18 =	sld [smem:$0x3FDB];
	_ =	sdelay $0x1  }
0x99: {  	s19 =	simm.s32 $_scs_section_size  }
0x9a: {  	s4 =	simm.s32 $_size__tile_overlayer_lowered;
	s5 =	simm.s32 $_tile_overlayer_lowered  }
0x9b: {  	s22 =	simm.s32 $0x1BFF;
	s21 =	sshll.u32 s5, $0x1;
	s2 =	sadd.s32 s19, s18  }
0x9c: {  	s6 =	simm.s32 $0x0;
	s20 =	sshll.u32 s4, $0x1;
	s4 =	sadd.s32 s21, s2  }
0x9d: {  	[timem:s6], [sflag:s22] =	dma.local [hbm:s4], s20  }
0x9e: {  	_ =	swait.ge [sflag:s22], s20  }
0x9f: {  	s3 =	ssub.s32 $0x0, s20;
	[sflag:s22] =	ssyncset.done $0x0  }
0xa0: {  	[sflag:s22] =	ssyncadd.s32 s3;
	_ =	sdelay $0x1  }
0xa1: {  	s23 =	simm.s32 $0x1B8B  }
0xa2: {  	_ =	swait.ge [sflag:s23], $0x1  }
0xa3: {  	[sflag:s23] =	ssyncset.done $0x0  }
0xa4: {  	s25 =	simm.s32 $0x1B8E;
	s24 =	sld [smem:$0x3FFE];
	[sflag:s23] =	ssyncadd.s32 $0xFFFFFFFF  }
0xa5: {  	s26 =	simm.s32 $execute0_lowered;
	[smem:$0x3FD2] =	sst s25  }
0xa6: {  	s4 =	sshll.u32 s26, $0x1;
	_ =	strace $0x80000052;
	[dreg:$0x1] =	wrdreg $0xFFFFFFFF  }
0xa7: {  	s28 =	simm.s32 $_size_execute0_lowered;
	s2 =	sadd.s32 s2, s4;
	[dreg:$0x0] =	wrdreg $0x0  }
0xa8: {  	s4 =	sshll.u32 s28, $0x1;
	[dreg:$0x2] =	wrdreg s2  }
0xa9: {  	[dreg:$0x3] =	wrdreg s4  }
0xaa: {  	[dreg:$0x4] =	wrdreg $0xC0  }
0xab: {  	_ =	task [dreg:s6], $0x5FFFF  }
0xac: {  	[dreg:$0x1] =	wrdreg $0xFFFFFFFF  }
0xad: {  	[dreg:$0x0] =	wrdreg $0x60  }
0xae: {  	[dreg:$0x2] =	wrdreg s24  }
0xaf: {  	[dreg:$0x3] =	wrdreg $0xA8000  }
0xb0: {  	[dreg:$0x4] =	wrdreg $0x9  }
0xb1: {  	_ =	task.clear_ibuf [dreg:s6], $0x5FFFF;
	_ =	strace $0x90000052  }
0xb2: {  	s29 =	simm.s32 $0x9;
	_ =	strace $0x80000054  }
0xb3: {  	_ =	swait.ge [sflag:s29], $0x1  }
0xb4: {  	[sflag:s29] =	ssyncadd.s32 $0xFFFFFFFF  }
0xb5: {  	_ =	strace $0x90000054  }
0xb6: {  	_ =	sfence  }
0xb7: {  	s30 =	sld [smem:$0x0];
	_ =	sdelay $0x2  }
0xb8: {  	s31 =	sshll.u32 s1, $0xD;
	s1 =	sshrl.u32 s1, $0x2  }
0xb9: {  	s3 =	sand.u32 $0x4000, s31;
	s1 =	sadd.s32 s1, s30  }
0xba: {  	s0 =	sor.u32 s3, s0;
	s1 =	sshll.u32 s1, $0x11  }
0xbb: {  	s0 =	sor.u32 s1, s0  }
0xbc: {  	s0 =	sadd.s32 $0x8F2B, s0  }
0xbd: {  	[sflag:s0] =	ssyncadd.remote.s32 $0x1  }
0xbe: {  	_ =	sfence.sel $0xFFFF  }
0xbf: {  	[dreg:$0x0] =	wrdreg $0xFFFFFFFF;
	(pc) =	sbr.abs _section_cstart, $3  }
0xc0: {  	[dreg:$0x1] =	wrdreg $0xFFFFFFFF  }
0xc1: {  	_ =	task.clear_ibuf [dreg:s6], $0x2FFFF;
	_ =	strace $0x9FFFFFFF  }
0xc2: {  	(tm) =	ssettm $0x7FFFFFFF  }
0xc3: {  	_ =	shalt  }
tec
execute0_lowered:
.L_overlay_start_1:
0x0: {  	(tag) =	ssettag $0x1  }
0x1: {  	s6 =	rddreg [dreg:$0x0]  }
0x2: {  	s0 =	srdreg.scid;
	s1 =	rddreg [dreg:$0x1];
	s2 =	simm.s32 $0x0  }
0x3: {  	s17 =	simm.s32 $0x80;
	s18 =	simm.s32 $0x2800;
	s19 =	simm.s32 $0x6800  }
0x4: {  	s20 =	simm.s32 $0x3;
	s21 =	simm.s32 $0x2;
	s22 =	simm.s32 $0x4  }
0x5: {  	s26 =	simm.s32 $0x0;
	s4 =	sand.u32 $0x1, s0;
	s0 =	rddreg [dreg:$0x2]  }
0x6: {  	[smem:$0x7FF] =	sst s2;
	s23 =	sadd.s32 $0x124800, s1;
	s3 =	smul.u32 $0x5000, s4  }
0x7: {  	s5 =	sadd.s32 $0x3F800, s6;
	_ =	strace $0x80000053;
	s8 =	smul.u32 $0x27100, s4  }
0x8: {  	s9 =	ssub.s32 $0x2, s4;
	s7 =	sadd.s32 s3, s6;
	s3 =	stileid.u32  }
0x9: {  	s4 =	sadd.s32 $0x4600, s6;
	s10 =	sshrl.u32 s9, $0x1;
	s11 =	smul.u32 $0x50000, s3  }
0xa: {  	s8 =	sadd.s32 s8, s6;
	s9 =	ssub.s32 s9, s10;
	s30 =	smul.u32 $0x4E000, s3  }
0xb: {  	s29 =	sshll.u32 s3, $0x6;
	s31 =	sadd.s32 $0x2B800, s7;
	s13 =	smul.u32 $0x500, s3  }
0xc: {  	s14 =	sadd.s32 $0x35800, s7;
	s7 =	sadd.s32 $0x42000, s8;
	s24 =	smul.u32 $0x2700, s3  }
0xd: {  	s8 =	smax.u32 s9, $0x1;
	p0 =	seq.s32 s3, $0xF;
	s6 =	sor.u32 $0x1C01, s29  }
0xe: {  	s23 =	sshrl.u32 @p0 s23, $0x3;
	s28 =	sshrl.u32 s11, $0x2;
	s11 =	sshrl.u32 s30, $0x2  }
0xf: {  	s10 =	sadd.s32 s13, s31;
	s24 =	sadd.s32 @!p0 s24, s7;
	s12 =	sadd.s32 s28, s1  }
0x10: {  	s25 =	sadd.s32 s11, s1;
	s11 =	simm.s32 $0x5;
	s15 =	sadd.s32 $0x280, s10  }
0x11: {  	s9 =	sshrl.u32 s12, $0x3;
	s12 =	sadd.s32 s13, s14;
	s13 =	simm.s32 $0x1400  }
0x12: {  	s14 =	simm.s32 $0x1;
	s25 =	sshrl.u32 @!p0 s25, $0x3;
	s16 =	sadd.s32 $0x280, s12  }
.LBB2_1:
0x13: {  	[spmem:s9], [sflag:s6] =	dma.local [hbm:s5], $0x2800  }
0x14: {  	[tilespmem:s2], [sflag:$0x5] =	stream.linear.gather [hbm4b:s10+s2], $0x1400, $0x38;
	[tilespmem:$0x1E800] =	vst v63  }
0x15: {  	_ =	swait.ge [sflag:s11], $0x1400  }
0x16: {  	[sflag:s11] =	ssyncset.done $0x0  }
0x17: {  	[sflag:s11] =	ssyncadd.s32 $0xFFFFEC00  }
0x18: {  	[tilespmem:s13], [sflag:$0x5] =	stream.linear.gather [hbm4b:s12+s2], $0x1400, $0x38;
	[tilespmem:$0x1E800] =	vst v63  }
0x19: {  	_ =	swait.ge [sflag:s11], $0x1400  }
0x1a: {  	[sflag:s11] =	ssyncset.done $0x0  }
0x1b: {  	[sflag:s11] =	ssyncadd.s32 $0xFFFFEC00  }
0x1c: {  	_ =	swait.ge [sflag:s14], $0x2800  }
0x1d: {  	[sflag:s14] =	ssyncset.done $0x0  }
0x1e: {  	[sflag:s14] =	ssyncadd.s32 $0xFFFFD800  }
0x1f: {  	p2 =	por $0x1, $0x1;
	p3 =	por $0x0, $0x0;
	[bflag:$0x0] =	sbarrier.arrive $0xFFFF  }
.LBB2_2:
0x20: {  	s28 =	simm.s32 @p3 $0x0;
	s29 =	simm.s32 @p3 $0x5  }
0x21: {  	[tilespmem:s28], [sflag:$0x5] =	stream.linear.gather @p3 [hbm4b:s15+s28], $0x1400, $0x38;
	[tilespmem:$0x1E800] =	vst v63  }
0x22: {  	_ =	swait.ge @p3 [sflag:s29], $0x1400  }
0x23: {  	[sflag:s29] =	ssyncset.done @p3 $0x0  }
0x24: {  	s30 =	simm.s32 @p3 $0x1400;
	[sflag:s29] =	ssyncadd.s32 @p3 $0xFFFFEC00  }
0x25: {  	[tilespmem:s30], [sflag:$0x5] =	stream.linear.gather @p3 [hbm4b:s16+s28], $0x1400, $0x38;
	[tilespmem:$0x1E800] =	vst v63  }
0x26: {  	_ =	swait.ge @p3 [sflag:s29], $0x1400  }
0x27: {  	[sflag:s29] =	ssyncset.done @p3 $0x0  }
0x28: {  	s28 =	simm.s32 $0x0;
	[sflag:s29] =	ssyncadd.s32 @p3 $0xFFFFEC00  }
0x29: {  	[tilespmem:s18], [sflag:$0x1] =	stream.indirect.gather [hbm4b:s4+s17], $0x80, s28, s17, $0xb8;
	[tilespmem:$0x1E800] =	vst v63  }
0x2a: {  	s28 =	simm.s32 $0x80  }
0x2b: {  	[tilespmem:s19], [sflag:$0x2] =	stream.indirect.gather [hbm4b:s4+s17], $0x80, s28, s17, $0xb8;
	[tilespmem:$0x1E800] =	vst v63  }
0x2c: {  	_ =	swait.ge [sflag:s14], $0x4000  }
0x2d: {  	[sflag:s14] =	ssyncset.done $0x0  }
0x2e: {  	s28 =	simm.s32 $0x1400;
	[sflag:s14] =	ssyncadd.s32 $0xFFFFC000  }
0x2f: {  	[spmem:s1] =	stream.indirect.scatter.add.f32 [tilespmem:s18], [sflag:$0x3], $0x80, s28, s17, $0xb8;
	[tilespmem:$0x1E800] =	vst v63  }
0x30: {  	_ =	swait.ge [sflag:s20], $0x4000  }
0x31: {  	[sflag:s20] =	ssyncset.done $0x0  }
0x32: {  	s28 =	simm.s32 $0x100;
	[sflag:s20] =	ssyncadd.s32 $0xFFFFC000  }
0x33: {  	[tilespmem:s18], [sflag:$0x1] =	stream.indirect.gather [hbm4b:s4+s17], $0x80, s28, s17, $0xb8;
	[tilespmem:$0x1E800] =	vst v63  }
0x34: {  	_ =	swait.ge [sflag:s21], $0x4000  }
0x35: {  	[sflag:s21] =	ssyncset.done $0x0  }
0x36: {  	s28 =	simm.s32 $0x1480;
	[sflag:s21] =	ssyncadd.s32 $0xFFFFC000  }
0x37: {  	[spmem:s1] =	stream.indirect.scatter.add.f32 [tilespmem:s19], [sflag:$0x4], $0x80, s28, s17, $0xb8;
	[tilespmem:$0x1E800] =	vst v63  }
0x38: {  	_ =	swait.ge [sflag:s22], $0x4000  }
0x39: {  	[sflag:s22] =	ssyncset.done $0x0  }
0x3a: {  	s28 =	simm.s32 $0x180;
	[sflag:s22] =	ssyncadd.s32 $0xFFFFC000  }
0x3b: {  	[tilespmem:s19], [sflag:$0x2] =	stream.indirect.gather [hbm4b:s4+s17], $0x80, s28, s17, $0xb8;
	[tilespmem:$0x1E800] =	vst v63  }
0x3c: {  	_ =	swait.ge [sflag:s14], $0x4000  }
0x3d: {  	[sflag:s14] =	ssyncset.done $0x0  }
0x3e: {  	s28 =	simm.s32 $0x1500;
	[sflag:s14] =	ssyncadd.s32 $0xFFFFC000  }
0x3f: {  	[spmem:s1] =	stream.indirect.scatter.add.f32 [tilespmem:s18], [sflag:$0x3], $0x80, s28, s17, $0xb8;
	[tilespmem:$0x1E800] =	vst v63  }
0x40: {  	_ =	swait.ge [sflag:s20], $0x4000  }
0x41: {  	[sflag:s20] =	ssyncset.done $0x0  }
0x42: {  	s28 =	simm.s32 $0x200;
	[sflag:s20] =	ssyncadd.s32 $0xFFFFC000  }
0x43: {  	[tilespmem:s18], [sflag:$0x1] =	stream.indirect.gather [hbm4b:s4+s17], $0x80, s28, s17, $0xb8;
	[tilespmem:$0x1E800] =	vst v63  }
0x44: {  	_ =	swait.ge [sflag:s21], $0x4000  }
0x45: {  	[sflag:s21] =	ssyncset.done $0x0  }
0x46: {  	s28 =	simm.s32 $0x1580;
	[sflag:s21] =	ssyncadd.s32 $0xFFFFC000  }
0x47: {  	[spmem:s1] =	stream.indirect.scatter.add.f32 [tilespmem:s19], [sflag:$0x4], $0x80, s28, s17, $0xb8;
	[tilespmem:$0x1E800] =	vst v63  }
0x48: {  	_ =	swait.ge [sflag:s22], $0x4000  }
0x49: {  	[sflag:s22] =	ssyncset.done $0x0  }
0x4a: {  	s28 =	simm.s32 $0x280;
	[sflag:s22] =	ssyncadd.s32 $0xFFFFC000  }
0x4b: {  	[tilespmem:s19], [sflag:$0x2] =	stream.indirect.gather [hbm4b:s4+s17], $0x80, s28, s17, $0xb8;
	[tilespmem:$0x1E800] =	vst v63  }
0x4c: {  	_ =	swait.ge [sflag:s14], $0x4000  }
0x4d: {  	[sflag:s14] =	ssyncset.done $0x0  }
0x4e: {  	s28 =	simm.s32 $0x1600;
	[sflag:s14] =	ssyncadd.s32 $0xFFFFC000  }
0x4f: {  	[spmem:s1] =	stream.indirect.scatter.add.f32 [tilespmem:s18], [sflag:$0x3], $0x80, s28, s17, $0xb8;
	[tilespmem:$0x1E800] =	vst v63  }
0x50: {  	_ =	swait.ge [sflag:s20], $0x4000  }
0x51: {  	[sflag:s20] =	ssyncset.done $0x0  }
0x52: {  	s28 =	simm.s32 $0x300;
	[sflag:s20] =	ssyncadd.s32 $0xFFFFC000  }
0x53: {  	[tilespmem:s18], [sflag:$0x1] =	stream.indirect.gather [hbm4b:s4+s17], $0x80, s28, s17, $0xb8;
	[tilespmem:$0x1E800] =	vst v63  }
0x54: {  	_ =	swait.ge [sflag:s21], $0x4000  }
0x55: {  	[sflag:s21] =	ssyncset.done $0x0  }
0x56: {  	s28 =	simm.s32 $0x1680;
	[sflag:s21] =	ssyncadd.s32 $0xFFFFC000  }
0x57: {  	[spmem:s1] =	stream.indirect.scatter.add.f32 [tilespmem:s19], [sflag:$0x4], $0x80, s28, s17, $0xb8;
	[tilespmem:$0x1E800] =	vst v63  }
0x58: {  	_ =	swait.ge [sflag:s22], $0x4000  }
0x59: {  	[sflag:s22] =	ssyncset.done $0x0  }
0x5a: {  	s28 =	simm.s32 $0x380;
	[sflag:s22] =	ssyncadd.s32 $0xFFFFC000  }
0x5b: {  	[tilespmem:s19], [sflag:$0x2] =	stream.indirect.gather [hbm4b:s4+s17], $0x80, s28, s17, $0xb8;
	[tilespmem:$0x1E800] =	vst v63  }
0x5c: {  	_ =	swait.ge [sflag:s14], $0x4000  }
0x5d: {  	[sflag:s14] =	ssyncset.done $0x0  }
0x5e: {  	s28 =	simm.s32 $0x1700;
	[sflag:s14] =	ssyncadd.s32 $0xFFFFC000  }
0x5f: {  	[spmem:s1] =	stream.indirect.scatter.add.f32 [tilespmem:s18], [sflag:$0x3], $0x80, s28, s17, $0xb8;
	[tilespmem:$0x1E800] =	vst v63  }
0x60: {  	_ =	swait.ge [sflag:s20], $0x4000  }
0x61: {  	[sflag:s20] =	ssyncset.done $0x0  }
0x62: {  	[sflag:s20] =	ssyncadd.s32 $0xFFFFC000  }
0x63: {  	_ =	swait.ge [sflag:s21], $0x4000  }
0x64: {  	[sflag:s21] =	ssyncset.done $0x0  }
0x65: {  	s28 =	simm.s32 $0x1780;
	[sflag:s21] =	ssyncadd.s32 $0xFFFFC000  }
0x66: {  	[spmem:s1] =	stream.indirect.scatter.add.f32 [tilespmem:s19], [sflag:$0x4], $0x80, s28, s17, $0xb8;
	[tilespmem:$0x1E800] =	vst v63  }
0x67: {  	p1 =	por p2, p2;
	_ =	swait.ge [sflag:s22], $0x4000  }
0x68: {  	s31 =	simm.s32 $0x2000;
	s28 =	simm.s32 $0x1000;
	[sflag:s22] =	ssyncset.done $0x0  }
.LBB2_3:
0x69: {  	s30 =	sshra.s32 s28, $0x2  }
0x6a: {  	[sflag:s22] =	ssyncadd.s32 $0xFFFFC000;
	s28 =	smov.u32 s31;
	s29 =	sadd.s32 $0x1000, s31  }
0x6b: {  	[tilespmem:s18], [sflag:$0x1] =	stream.indirect.gather [hbm4b:s4+s17], $0x80, s30, s17, $0xb8;
	[tilespmem:$0x1E800] =	vst v63  }
0x6c: {  	p2 =	sne.s32 s31, $0x4000;
	s31 =	sadd.s32 $0x80, s30  }
0x6d: {  	[tilespmem:s19], [sflag:$0x2] =	stream.indirect.gather [hbm4b:s4+s17], $0x80, s31, s17, $0xb8;
	[tilespmem:$0x1E800] =	vst v63  }
0x6e: {  	_ =	swait.ge [sflag:s14], $0x4000  }
0x6f: {  	[sflag:s14] =	ssyncset.done $0x0  }
0x70: {  	s31 =	sadd.s32 $0x1400, s30;
	[sflag:s14] =	ssyncadd.s32 $0xFFFFC000  }
0x71: {  	[spmem:s1] =	stream.indirect.scatter.add.f32 [tilespmem:s18], [sflag:$0x3], $0x80, s31, s17, $0xb8;
	[tilespmem:$0x1E800] =	vst v63  }
0x72: {  	_ =	swait.ge [sflag:s20], $0x4000  }
0x73: {  	[sflag:s20] =	ssyncset.done $0x0  }
0x74: {  	s31 =	sadd.s32 $0x100, s30;
	[sflag:s20] =	ssyncadd.s32 $0xFFFFC000  }
0x75: {  	[tilespmem:s18], [sflag:$0x1] =	stream.indirect.gather [hbm4b:s4+s17], $0x80, s31, s17, $0xb8;
	[tilespmem:$0x1E800] =	vst v63  }
0x76: {  	_ =	swait.ge [sflag:s21], $0x4000  }
0x77: {  	[sflag:s21] =	ssyncset.done $0x0  }
0x78: {  	s31 =	sadd.s32 $0x1480, s30;
	[sflag:s21] =	ssyncadd.s32 $0xFFFFC000  }
0x79: {  	[spmem:s1] =	stream.indirect.scatter.add.f32 [tilespmem:s19], [sflag:$0x4], $0x80, s31, s17, $0xb8;
	[tilespmem:$0x1E800] =	vst v63  }
0x7a: {  	_ =	swait.ge [sflag:s22], $0x4000  }
0x7b: {  	[sflag:s22] =	ssyncset.done $0x0  }
0x7c: {  	s31 =	sadd.s32 $0x180, s30;
	[sflag:s22] =	ssyncadd.s32 $0xFFFFC000  }
0x7d: {  	[tilespmem:s19], [sflag:$0x2] =	stream.indirect.gather [hbm4b:s4+s17], $0x80, s31, s17, $0xb8;
	[tilespmem:$0x1E800] =	vst v63  }
0x7e: {  	_ =	swait.ge [sflag:s14], $0x4000  }
0x7f: {  	[sflag:s14] =	ssyncset.done $0x0  }
0x80: {  	s31 =	sadd.s32 $0x1500, s30;
	[sflag:s14] =	ssyncadd.s32 $0xFFFFC000  }
0x81: {  	[spmem:s1] =	stream.indirect.scatter.add.f32 [tilespmem:s18], [sflag:$0x3], $0x80, s31, s17, $0xb8;
	[tilespmem:$0x1E800] =	vst v63  }
0x82: {  	_ =	swait.ge [sflag:s20], $0x4000  }
0x83: {  	[sflag:s20] =	ssyncset.done $0x0  }
0x84: {  	s31 =	sadd.s32 $0x200, s30;
	[sflag:s20] =	ssyncadd.s32 $0xFFFFC000  }
0x85: {  	[tilespmem:s18], [sflag:$0x1] =	stream.indirect.gather [hbm4b:s4+s17], $0x80, s31, s17, $0xb8;
	[tilespmem:$0x1E800] =	vst v63  }
0x86: {  	_ =	swait.ge [sflag:s21], $0x4000  }
0x87: {  	[sflag:s21] =	ssyncset.done $0x0  }
0x88: {  	s31 =	sadd.s32 $0x1580, s30;
	[sflag:s21] =	ssyncadd.s32 $0xFFFFC000  }
0x89: {  	[spmem:s1] =	stream.indirect.scatter.add.f32 [tilespmem:s19], [sflag:$0x4], $0x80, s31, s17, $0xb8;
	[tilespmem:$0x1E800] =	vst v63  }
0x8a: {  	_ =	swait.ge [sflag:s22], $0x4000  }
0x8b: {  	[sflag:s22] =	ssyncset.done $0x0  }
0x8c: {  	s31 =	sadd.s32 $0x280, s30;
	[sflag:s22] =	ssyncadd.s32 $0xFFFFC000  }
0x8d: {  	[tilespmem:s19], [sflag:$0x2] =	stream.indirect.gather [hbm4b:s4+s17], $0x80, s31, s17, $0xb8;
	[tilespmem:$0x1E800] =	vst v63  }
0x8e: {  	_ =	swait.ge [sflag:s14], $0x4000  }
0x8f: {  	[sflag:s14] =	ssyncset.done $0x0  }
0x90: {  	s31 =	sadd.s32 $0x1600, s30;
	[sflag:s14] =	ssyncadd.s32 $0xFFFFC000  }
0x91: {  	[spmem:s1] =	stream.indirect.scatter.add.f32 [tilespmem:s18], [sflag:$0x3], $0x80, s31, s17, $0xb8;
	[tilespmem:$0x1E800] =	vst v63  }
0x92: {  	_ =	swait.ge [sflag:s20], $0x4000  }
0x93: {  	[sflag:s20] =	ssyncset.done $0x0  }
0x94: {  	s31 =	sadd.s32 $0x300, s30;
	[sflag:s20] =	ssyncadd.s32 $0xFFFFC000  }
0x95: {  	[tilespmem:s18], [sflag:$0x1] =	stream.indirect.gather [hbm4b:s4+s17], $0x80, s31, s17, $0xb8;
	[tilespmem:$0x1E800] =	vst v63  }
0x96: {  	_ =	swait.ge [sflag:s21], $0x4000  }
0x97: {  	[sflag:s21] =	ssyncset.done $0x0  }
0x98: {  	s31 =	sadd.s32 $0x1680, s30;
	[sflag:s21] =	ssyncadd.s32 $0xFFFFC000  }
0x99: {  	[spmem:s1] =	stream.indirect.scatter.add.f32 [tilespmem:s19], [sflag:$0x4], $0x80, s31, s17, $0xb8;
	[tilespmem:$0x1E800] =	vst v63  }
0x9a: {  	_ =	swait.ge [sflag:s22], $0x4000  }
0x9b: {  	[sflag:s22] =	ssyncset.done $0x0  }
0x9c: {  	s31 =	sadd.s32 $0x380, s30;
	[sflag:s22] =	ssyncadd.s32 $0xFFFFC000  }
0x9d: {  	[tilespmem:s19], [sflag:$0x2] =	stream.indirect.gather [hbm4b:s4+s17], $0x80, s31, s17, $0xb8;
	[tilespmem:$0x1E800] =	vst v63  }
0x9e: {  	_ =	swait.ge [sflag:s14], $0x4000  }
0x9f: {  	[sflag:s14] =	ssyncset.done $0x0  }
0xa0: {  	s31 =	sadd.s32 $0x1700, s30;
	[sflag:s14] =	ssyncadd.s32 $0xFFFFC000  }
0xa1: {  	[spmem:s1] =	stream.indirect.scatter.add.f32 [tilespmem:s18], [sflag:$0x3], $0x80, s31, s17, $0xb8;
	[tilespmem:$0x1E800] =	vst v63  }
0xa2: {  	_ =	swait.ge [sflag:s20], $0x4000  }
0xa3: {  	[sflag:s20] =	ssyncset.done $0x0  }
0xa4: {  	[sflag:s20] =	ssyncadd.s32 $0xFFFFC000  }
0xa5: {  	_ =	swait.ge [sflag:s21], $0x4000  }
.Ltmp0:
0xa6: {  	[sflag:s21] =	ssyncset.done $0x0;
	(pc) =	sbr.rel @p2 .LBB2_3-.Ltmp0, $4  }
0xa7: {  	s30 =	sadd.s32 $0x1780, s30;
	[sflag:s21] =	ssyncadd.s32 $0xFFFFC000  }
0xa8: {  	[spmem:s1] =	stream.indirect.scatter.add.f32 [tilespmem:s19], [sflag:$0x4], $0x80, s30, s17, $0xb8;
	[tilespmem:$0x1E800] =	vst v63  }
0xa9: {  	_ =	swait.ge [sflag:s22], $0x4000  }
0xaa: {  	s31 =	smov.u32 s29;
	[sflag:s22] =	ssyncset.done $0x0  }
0xab: {  	s28 =	sshra.s32 s28, $0x2;
	[sflag:s22] =	ssyncadd.s32 $0xFFFFC000  }
0xac: {  	[tilespmem:s18], [sflag:$0x1] =	stream.indirect.gather [hbm4b:s4+s17], $0x80, s28, s17, $0xb8;
	[tilespmem:$0x1E800] =	vst v63  }
0xad: {  	s29 =	sadd.s32 $0x80, s28  }
0xae: {  	[tilespmem:s19], [sflag:$0x2] =	stream.indirect.gather [hbm4b:s4+s17], $0x80, s29, s17, $0xb8;
	[tilespmem:$0x1E800] =	vst v63  }
0xaf: {  	_ =	swait.ge [sflag:s14], $0x4000  }
0xb0: {  	[sflag:s14] =	ssyncset.done $0x0  }
0xb1: {  	s31 =	sadd.s32 $0x1400, s28;
	[sflag:s14] =	ssyncadd.s32 $0xFFFFC000  }
0xb2: {  	[spmem:s1] =	stream.indirect.scatter.add.f32 [tilespmem:s18], [sflag:$0x3], $0x80, s31, s17, $0xb8;
	[tilespmem:$0x1E800] =	vst v63  }
0xb3: {  	_ =	swait.ge [sflag:s20], $0x4000  }
0xb4: {  	[sflag:s20] =	ssyncset.done $0x0  }
0xb5: {  	s30 =	sadd.s32 $0x100, s28;
	[sflag:s20] =	ssyncadd.s32 $0xFFFFC000  }
0xb6: {  	[tilespmem:s18], [sflag:$0x1] =	stream.indirect.gather [hbm4b:s4+s17], $0x80, s30, s17, $0xb8;
	[tilespmem:$0x1E800] =	vst v63  }
0xb7: {  	_ =	swait.ge [sflag:s21], $0x4000  }
0xb8: {  	[sflag:s21] =	ssyncset.done $0x0  }
0xb9: {  	s31 =	sadd.s32 $0x1480, s28;
	[sflag:s21] =	ssyncadd.s32 $0xFFFFC000  }
0xba: {  	[spmem:s1] =	stream.indirect.scatter.add.f32 [tilespmem:s19], [sflag:$0x4], $0x80, s31, s17, $0xb8;
	[tilespmem:$0x1E800] =	vst v63  }
0xbb: {  	_ =	swait.ge [sflag:s22], $0x4000  }
0xbc: {  	[sflag:s22] =	ssyncset.done $0x0  }
0xbd: {  	s30 =	sadd.s32 $0x180, s28;
	[sflag:s22] =	ssyncadd.s32 $0xFFFFC000  }
0xbe: {  	[tilespmem:s19], [sflag:$0x2] =	stream.indirect.gather [hbm4b:s4+s17], $0x80, s30, s17, $0xb8;
	[tilespmem:$0x1E800] =	vst v63  }
0xbf: {  	_ =	swait.ge [sflag:s14], $0x4000  }
0xc0: {  	[sflag:s14] =	ssyncset.done $0x0  }
0xc1: {  	s31 =	sadd.s32 $0x1500, s28;
	[sflag:s14] =	ssyncadd.s32 $0xFFFFC000  }
0xc2: {  	[spmem:s1] =	stream.indirect.scatter.add.f32 [tilespmem:s18], [sflag:$0x3], $0x80, s31, s17, $0xb8;
	[tilespmem:$0x1E800] =	vst v63  }
0xc3: {  	_ =	swait.ge [sflag:s20], $0x4000  }
0xc4: {  	[sflag:s20] =	ssyncset.done $0x0  }
0xc5: {  	s30 =	sadd.s32 $0x200, s28;
	[sflag:s20] =	ssyncadd.s32 $0xFFFFC000  }
0xc6: {  	[tilespmem:s18], [sflag:$0x1] =	stream.indirect.gather [hbm4b:s4+s17], $0x80, s30, s17, $0xb8;
	[tilespmem:$0x1E800] =	vst v63  }
0xc7: {  	_ =	swait.ge [sflag:s21], $0x4000  }
0xc8: {  	[sflag:s21] =	ssyncset.done $0x0  }
0xc9: {  	s31 =	sadd.s32 $0x1580, s28;
	[sflag:s21] =	ssyncadd.s32 $0xFFFFC000  }
0xca: {  	[spmem:s1] =	stream.indirect.scatter.add.f32 [tilespmem:s19], [sflag:$0x4], $0x80, s31, s17, $0xb8;
	[tilespmem:$0x1E800] =	vst v63  }
0xcb: {  	_ =	swait.ge [sflag:s22], $0x4000  }
0xcc: {  	[sflag:s22] =	ssyncset.done $0x0  }
0xcd: {  	s30 =	sadd.s32 $0x280, s28;
	[sflag:s22] =	ssyncadd.s32 $0xFFFFC000  }
0xce: {  	[tilespmem:s19], [sflag:$0x2] =	stream.indirect.gather [hbm4b:s4+s17], $0x80, s30, s17, $0xb8;
	[tilespmem:$0x1E800] =	vst v63  }
0xcf: {  	_ =	swait.ge [sflag:s14], $0x4000  }
0xd0: {  	[sflag:s14] =	ssyncset.done $0x0  }
0xd1: {  	s31 =	sadd.s32 $0x1600, s28;
	[sflag:s14] =	ssyncadd.s32 $0xFFFFC000  }
0xd2: {  	[spmem:s1] =	stream.indirect.scatter.add.f32 [tilespmem:s18], [sflag:$0x3], $0x80, s31, s17, $0xb8;
	[tilespmem:$0x1E800] =	vst v63  }
0xd3: {  	_ =	swait.ge [sflag:s20], $0x4000  }
0xd4: {  	[sflag:s20] =	ssyncset.done $0x0  }
0xd5: {  	s30 =	sadd.s32 $0x300, s28;
	[sflag:s20] =	ssyncadd.s32 $0xFFFFC000  }
0xd6: {  	[tilespmem:s18], [sflag:$0x1] =	stream.indirect.gather [hbm4b:s4+s17], $0x80, s30, s17, $0xb8;
	[tilespmem:$0x1E800] =	vst v63  }
0xd7: {  	_ =	swait.ge [sflag:s21], $0x4000  }
0xd8: {  	[sflag:s21] =	ssyncset.done $0x0  }
0xd9: {  	s31 =	sadd.s32 $0x1680, s28;
	[sflag:s21] =	ssyncadd.s32 $0xFFFFC000  }
0xda: {  	[spmem:s1] =	stream.indirect.scatter.add.f32 [tilespmem:s19], [sflag:$0x4], $0x80, s31, s17, $0xb8;
	[tilespmem:$0x1E800] =	vst v63  }
0xdb: {  	_ =	swait.ge [sflag:s22], $0x4000  }
0xdc: {  	[sflag:s22] =	ssyncset.done $0x0  }
0xdd: {  	s30 =	sadd.s32 $0x380, s28;
	[sflag:s22] =	ssyncadd.s32 $0xFFFFC000  }
0xde: {  	[tilespmem:s19], [sflag:$0x2] =	stream.indirect.gather [hbm4b:s4+s17], $0x80, s30, s17, $0xb8;
	[tilespmem:$0x1E800] =	vst v63  }
0xdf: {  	_ =	swait.ge [sflag:s14], $0x4000  }
0xe0: {  	[sflag:s14] =	ssyncset.done $0x0  }
0xe1: {  	s31 =	sadd.s32 $0x1700, s28;
	[sflag:s14] =	ssyncadd.s32 $0xFFFFC000  }
0xe2: {  	[spmem:s1] =	stream.indirect.scatter.add.f32 [tilespmem:s18], [sflag:$0x3], $0x80, s31, s17, $0xb8;
	[tilespmem:$0x1E800] =	vst v63  }
0xe3: {  	_ =	swait.ge [sflag:s20], $0x4000  }
0xe4: {  	[sflag:s20] =	ssyncset.done $0x0  }
0xe5: {  	[sflag:s20] =	ssyncadd.s32 $0xFFFFC000  }
0xe6: {  	_ =	swait.ge [sflag:s21], $0x4000  }
0xe7: {  	[sflag:s21] =	ssyncset.done $0x0  }
.Ltmp1:
0xe8: {  	s28 =	sadd.s32 $0x1780, s28;
	[sflag:s21] =	ssyncadd.s32 $0xFFFFC000;
	(pc) =	sbr.rel @p1 .LBB2_2-.Ltmp1, $4  }
0xe9: {  	[spmem:s1] =	stream.indirect.scatter.add.f32 [tilespmem:s19], [sflag:$0x4], $0x80, s28, s17, $0xb8;
	[tilespmem:$0x1E800] =	vst v63  }
0xea: {  	_ =	swait.ge [sflag:s22], $0x4000  }
0xeb: {  	[sflag:s22] =	ssyncset.done $0x0  }
0xec: {  	p2 =	por $0x0, $0x0;
	p3 =	por $0x1, $0x1;
	[sflag:s22] =	ssyncadd.s32 $0xFFFFC000  }
0xed: {  	[bflag:$0x0] =	sbarrier.arrive $0xFFFF;
	s28 =	sadd.s32 @p0 $0x24900, s7;
	s29 =	simm.s32 @p0 $0x1FC5  }
0xee: {  	[hbm:s28], [sflag:s29] =	dma.local @p0 [spmem:s23], $0x2800  }
0xef: {  	s28 =	simm.s32 @p0 $0x5  }
0xf0: {  	_ =	swait.ge @p0 [sflag:s28], $0x2800  }
0xf1: {  	s26 =	sadd.s32 $0x1, s26;
	s29 =	sshll.u32 @!p0 s3, $0x6;
	[sflag:s28] =	ssyncset.done @p0 $0x0  }
0xf2: {  	p1 =	sne.s32 s26, s8;
	[sflag:s28] =	ssyncadd.s32 @p0 $0xFFFFD800;
	s28 =	sor.u32 @!p0 $0x1C05, s29  }
0xf3: {  	[hbm:s24], [sflag:s28] =	dma.local @!p0 [spmem:s25], $0x2700  }
.Ltmp2:
0xf4: {  	_ = 	snop;
	(pc) =	sbr.rel @p1 .LBB2_1-.Ltmp2, $4  }
0xf5: {  	s28 =	simm.s32 @!p0 $0x5  }
0xf6: {  	_ =	swait.ge @!p0 [sflag:s28], $0x2700  }
0xf7: {  	[sflag:s28] =	ssyncset.done @!p0 $0x0  }
0xf8: {  	[sflag:s28] =	ssyncadd.s32 @!p0 $0xFFFFD900  }
0xf9: {  	_ =	sfence.sel $0x180000  }
0xfa: {  	[bflag:$0x0] =	sbarrier.arrive $0xFFFF  }
0xfb: {  	p0 =	sne.s32 s3, $0x0;
	_ =	strace $0x90000053  }
0xfc: {  	s0 =	sadd.s32 @!p0 $0x100000, s0;
	[bflag:$0x2] =	sbarrier.arrive $0xFFFF  }
0xfd: {  	[sflag:s0] =	ssyncadd.tile.s32 @!p0 $0x1;
	_ =	shalt  }
.Lfunc_end2:
_tile_overlayer_lowered:
.L_overlay_start_2:
0xfe: {  	(tag) =	ssettag $0x2  }
0xff: {  	s0 =	rddreg [dreg:$0x0];
	s2 =	stileid.u32  }
0x100: {  	s1 =	rddreg [dreg:$0x1];
	p0 =	sne.s32 s2, $0x0  }
0x101: {  	s3 =	rddreg [dreg:$0x2];
	[bflag:$0x3] =	sbarrier.arrive $0xFFFF;
	s2 =	simm.s32 @!p0 $0x1C05  }
0x102: {  	[timem:s3], [sflag:s2] =	dma.local @!p0 [hbm:s0], s1  }
0x103: {  	s0 =	simm.s32 @!p0 $0x5  }
0x104: {  	_ =	swait.ge @!p0 [sflag:s0], s1  }
0x105: {  	s1 =	ssub.s32 @!p0 $0x0, s1;
	[sflag:s0] =	ssyncset.done @!p0 $0x0  }
0x106: {  	[sflag:s0] =	ssyncadd.s32 @!p0 s1  }
0x107: {  	[bflag:$0x3] =	sbarrier.arrive $0xFFFF  }
0x108: {  	_ =	shalt  }

</sc_bundles>
